<compile_context>
chip_gen: v7x
topology: tpu7x:2x2x1
jax: 0.10.2.dev20260603
libtpu: 0.0.44.dev20260713+nightly
codegen_flags: <defaults>
</compile_context>

<pallas_src>
import functools

import jax
import jax.numpy as jnp
from jax import lax
from jax.experimental import pallas as pl
from jax.experimental.pallas import tpu as pltpu
from jax.experimental.pallas import tpu_sc as plsc

_K = 8
_NW = 32
_IDX_CHUNK = 128
_BLOCK_B = 1024


def _sc_gather(table, idx, rows_per_w):
    D = table.shape[1]
    R = idx.shape[0]
    n_chunks = rows_per_w // _IDX_CHUNK
    assert n_chunks % 2 == 0
    mesh = plsc.VectorSubcoreMesh(core_axis_name="c", subcore_axis_name="s")

    @functools.partial(
        pl.kernel,
        out_type=jax.ShapeDtypeStruct((R, D), table.dtype),
        mesh=mesh,
        scratch_types=[
            pltpu.VMEM((_IDX_CHUNK,), jnp.int32),
            pltpu.VMEM((_IDX_CHUNK,), jnp.int32),
            pltpu.VMEM((_IDX_CHUNK, D), table.dtype),
            pltpu.VMEM((_IDX_CHUNK, D), table.dtype),
            pltpu.SemaphoreType.DMA,
            pltpu.SemaphoreType.DMA,
        ],
    )
    def gk(table_hbm, idx_hbm, out_hbm, idx0, idx1, rows0, rows1, sem0, sem1):
        wid = lax.axis_index("s") * 2 + lax.axis_index("c")
        base = wid * rows_per_w

        pltpu.sync_copy(idx_hbm.at[pl.ds(base, _IDX_CHUNK)], idx0)
        pltpu.async_copy(table_hbm.at[idx0], rows0, sem0)

        def body(j, carry):
            o0 = base + (2 * j) * _IDX_CHUNK
            o1 = o0 + _IDX_CHUNK
            pltpu.sync_copy(idx_hbm.at[pl.ds(o1, _IDX_CHUNK)], idx1)
            pltpu.async_copy(table_hbm.at[idx1], rows1, sem1)
            pltpu.make_async_copy(table_hbm.at[idx0], rows0, sem0).wait()
            pltpu.sync_copy(rows0, out_hbm.at[pl.ds(o0, _IDX_CHUNK)])

            @pl.when(2 * j + 2 < n_chunks)
            def _():
                o2 = o1 + _IDX_CHUNK
                pltpu.sync_copy(idx_hbm.at[pl.ds(o2, _IDX_CHUNK)], idx0)
                pltpu.async_copy(table_hbm.at[idx0], rows0, sem0)

            pltpu.make_async_copy(table_hbm.at[idx1], rows1, sem1).wait()
            pltpu.sync_copy(rows1, out_hbm.at[pl.ds(o1, _IDX_CHUNK)])
            return carry

        lax.fori_loop(0, n_chunks // 2, body, 0)

    return gk(table, idx)


def _lstm_chunk(X, h, c, counts_col, wih_t, whh_t, bias, t0, nv):
    K, N_pad, D = X.shape
    H = h.shape[1]

    def body(s_ref, x_ref, h_ref, c_ref, cnt_ref, wih_ref, whh_ref, b_ref,
             ho_ref, co_ref):
        t0v = s_ref[0]
        nvv = s_ref[1]
        hh = h_ref[...]
        cc = c_ref[...]
        cnt = cnt_ref[...]
        whh = whh_ref[...]
        b = b_ref[...]
        xw = jnp.dot(x_ref[...].reshape(K * _BLOCK_B, D).astype(jnp.bfloat16),
                     wih_ref[...], preferred_element_type=jnp.float32)
        for k in range(K):
            xwk = xw[k * _BLOCK_B:(k + 1) * _BLOCK_B]
            g = jnp.where(t0v + k < cnt, xwk, 0.0)
            g = g + jnp.dot(hh.astype(whh.dtype), whh,
                            preferred_element_type=jnp.float32)
            g = g + b
            s1 = 0.5 * jnp.tanh(0.5 * g[:, :2 * H]) + 0.5
            gi = s1[:, :H]
            gf = s1[:, H:]
            gg = jnp.tanh(g[:, 2 * H:3 * H])
            go = 0.5 * jnp.tanh(0.5 * g[:, 3 * H:]) + 0.5
            c2 = gf * cc + gi * gg
            h2 = go * jnp.tanh(c2)
            keep = k < nvv
            hh = jnp.where(keep, h2, hh)
            cc = jnp.where(keep, c2, cc)
        ho_ref[...] = hh
        co_ref[...] = cc

    s_arr = jnp.stack([t0, nv]).astype(jnp.int32)
    return pl.pallas_call(
        body,
        grid=(N_pad // _BLOCK_B,),
        in_specs=[
            pl.BlockSpec(memory_space=pltpu.SMEM),
            pl.BlockSpec((K, _BLOCK_B, D), lambda i: (0, i, 0)),
            pl.BlockSpec((_BLOCK_B, H), lambda i: (i, 0)),
            pl.BlockSpec((_BLOCK_B, H), lambda i: (i, 0)),
            pl.BlockSpec((_BLOCK_B, 1), lambda i: (i, 0)),
            pl.BlockSpec((D, 4 * H), lambda i: (0, 0)),
            pl.BlockSpec((H, 4 * H), lambda i: (0, 0)),
            pl.BlockSpec((1, 4 * H), lambda i: (0, 0)),
        ],
        out_specs=[
            pl.BlockSpec((_BLOCK_B, H), lambda i: (i, 0)),
            pl.BlockSpec((_BLOCK_B, H), lambda i: (i, 0)),
        ],
        out_shape=[
            jax.ShapeDtypeStruct((N_pad, H), jnp.float32),
            jax.ShapeDtypeStruct((N_pad, H), jnp.float32),
        ],
    )(s_arr, X, h, c, counts_col, wih_t, whh_t, bias)


def _final_linear(h, x, wl_t, wr_t, b):
    N_pad, H = h.shape
    D = x.shape[1]

    def body(h_ref, x_ref, wl_ref, wr_ref, b_ref, o_ref):
        o = jnp.dot(h_ref[...], wl_ref[...], preferred_element_type=jnp.float32)
        o = o + jnp.dot(x_ref[...], wr_ref[...], preferred_element_type=jnp.float32)
        o = o + b_ref[...]
        o_ref[...] = jnp.maximum(o, 0.0)

    return pl.pallas_call(
        body,
        grid=(N_pad // _BLOCK_B,),
        in_specs=[
            pl.BlockSpec((_BLOCK_B, H), lambda i: (i, 0)),
            pl.BlockSpec((_BLOCK_B, D), lambda i: (i, 0)),
            pl.BlockSpec((H, H), lambda i: (0, 0)),
            pl.BlockSpec((D, H), lambda i: (0, 0)),
            pl.BlockSpec((1, H), lambda i: (0, 0)),
        ],
        out_specs=pl.BlockSpec((_BLOCK_B, H), lambda i: (i, 0)),
        out_shape=jax.ShapeDtypeStruct((N_pad, H), jnp.float32),
    )(h, x, wl_t, wr_t, b)


def kernel(node_feats, edge_index, W_ih, W_hh, b_ih, b_hh, W_l, b_l, W_r):
    N, D = node_feats.shape
    H = W_hh.shape[1]
    E = edge_index.shape[1]

    src = edge_index[0]
    dst = edge_index[1]
    order = jnp.argsort(dst)
    src_s = src[order].astype(jnp.int32)
    counts = jnp.bincount(dst, length=N).astype(jnp.int32)
    ptr = (jnp.cumsum(counts) - counts).astype(jnp.int32)
    max_deg = jnp.max(counts)

    N_pad = ((N + _BLOCK_B - 1) // _BLOCK_B) * _BLOCK_B
    rows_per_w = _K * N_pad // _NW

    counts_p = jnp.pad(counts, (0, N_pad - N))
    counts_col = counts_p[:, None]
    ptr_p = jnp.pad(ptr, (0, N_pad - N))

    wih_t = W_ih.T.astype(jnp.bfloat16)
    whh_t = W_hh.T.astype(jnp.bfloat16)
    bias = (b_ih + b_hh)[None, :]

    ts_base = jnp.arange(_K, dtype=jnp.int32)

    def gather_chunk(m):
        pos = ptr_p[None, :] + (m * _K + ts_base)[:, None]
        sidx = jnp.take(src_s, pos, mode="clip")
        return _sc_gather(node_feats, sidx.reshape(-1), rows_per_w)

    def lstm_step(h, c, X, m):
        t0 = m * _K
        nv = jnp.minimum(_K, max_deg - t0)
        return _lstm_chunk(X.reshape(_K, N_pad, D), h, c, counts_col,
                           wih_t, whh_t, bias, t0, nv)

    def chunk_body(j, carry):
        h, c, XA, XB = carry
        m = 2 * j
        h, c = lstm_step(h, c, XA, m)
        XA2 = gather_chunk(m + 2)
        h, c = lstm_step(h, c, XB, m + 1)
        XB2 = gather_chunk(m + 3)
        return (h, c, XA2, XB2)

    nc2 = (max_deg + 2 * _K - 1) // (2 * _K)
    h0 = jnp.zeros((N_pad, H), jnp.float32)
    c0 = jnp.zeros((N_pad, H), jnp.float32)
    h, c, XA, XB = lax.fori_loop(
        0, nc2 - 1, chunk_body, (h0, c0, gather_chunk(0), gather_chunk(1)))
    m_last = 2 * (nc2 - 1)
    h, c = lstm_step(h, c, XA, m_last)
    h, _ = lstm_step(h, c, XB, m_last + 1)

    x_p = jnp.concatenate(
        [node_feats, jnp.zeros((N_pad - N, D), node_feats.dtype)], axis=0)
    out = _final_linear(h, x_p, W_l.T, W_r.T, b_l[None, :])
    return out[:N]

# --- scband reference (transcript-rebuilt; emitter-appended) ---
"""Pipeline reference for scband-gnnlayer-41300405518568 (READ-ONLY COPY).

The authoritative reference and input builder live on the scoring server;
editing this copy changes nothing except your own understanding.
"""

import jax, jax.numpy as jnp
import numpy as np

N = 10000
E = 320000
D = 128
H = 128

def setup_inputs(seed: int = 0) -> dict:
    key = jax.random.key(seed)
    ks = jax.random.split(key, 10)
    node_feats = jax.random.normal(ks[0], (N, D), dtype=jnp.float32)
    edge_index = jax.random.randint(ks[1], (2, E), 0, N)
    scale = 1.0 / np.sqrt(H)
    W_ih = jax.random.uniform(ks[2], (4 * H, D), minval=-scale, maxval=scale, dtype=jnp.float32)
    W_hh = jax.random.uniform(ks[3], (4 * H, H), minval=-scale, maxval=scale, dtype=jnp.float32)
    b_ih = jax.random.uniform(ks[4], (4 * H,), minval=-scale, maxval=scale, dtype=jnp.float32)
    b_hh = jax.random.uniform(ks[5], (4 * H,), minval=-scale, maxval=scale, dtype=jnp.float32)
    W_l = jax.random.uniform(ks[6], (H, H), minval=-scale, maxval=scale, dtype=jnp.float32)
    b_l = jax.random.uniform(ks[7], (H,), minval=-scale, maxval=scale, dtype=jnp.float32)
    W_r = jax.random.uniform(ks[8], (H, D), minval=-scale, maxval=scale, dtype=jnp.float32)
    return {"node_feats": node_feats, "edge_index": edge_index, "W_ih": W_ih, "W_hh": W_hh, "b_ih": b_ih, "b_hh": b_hh, "W_l": W_l, "b_l": b_l, "W_r": W_r}

def reference(node_feats, edge_index, W_ih, W_hh, b_ih, b_hh, W_l, b_l, W_r):
    # SAGEConv(aggr='lstm'): dense-batch neighbors per dst node (sorted by dst),
    # run LSTM over the padded neighbor sequence, take output at last timestep
    # (PyG LSTMAggregation semantics: padding zeros ARE processed),
    # then out = lin_l(aggr) + lin_r(x); ReLU; dropout is identity in eval mode.
    src = edge_index[0]
    dst = edge_index[1]
    order = jnp.argsort(dst)
    dst_s = dst[order]
    src_s = src[order]
    counts = jnp.bincount(dst_s, length=N)
    ptr = jnp.cumsum(counts) - counts
    max_deg = jnp.max(counts)

    def body(t, carry):
        h, c = carry
        idx = jnp.clip(ptr + t, 0, E - 1)
        valid = (t < counts)[:, None]
        x_t = jnp.where(valid, node_feats[src_s[idx]], jnp.zeros((), dtype=node_feats.dtype))
        gates = x_t @ W_ih.T + b_ih + h @ W_hh.T + b_hh
        i, f, g, o = jnp.split(gates, 4, axis=-1)
        i = jax.nn.sigmoid(i)
        f = jax.nn.sigmoid(f)
        g = jnp.tanh(g)
        o = jax.nn.sigmoid(o)
        c = f * c + i * g
        h = o * jnp.tanh(c)
        return (h, c)

    h0 = jnp.zeros((N, H), dtype=node_feats.dtype)
    c0 = jnp.zeros((N, H), dtype=node_feats.dtype)
    h_fin, _ = jax.lax.fori_loop(0, max_deg, body, (h0, c0))
    out = h_fin @ W_l.T + b_l + node_feats @ W_r.T
    out = jax.nn.relu(out)
    return out

if __name__ == "__main__":
    import jax
    _d = setup_inputs()
    print(jax.jit(kernel)(*tuple(_d.values())))

</pallas_src>

<mosaic_0001>
#map = affine_map<(d0, d1) -> (0, 0)>
#map1 = affine_map<(d0, d1) -> (0)>
module attributes {stable_mosaic.version = 14 : i64} {
  func.func @gk(%arg0: i32, %arg1: i32, %arg2: memref<10000x128xf32, #tpu.memory_space<hbm>>, %arg3: memref<81920xi32, #tpu.memory_space<hbm>>, %arg4: memref<81920x128xf32, #tpu.memory_space<hbm>>, %arg5: memref<128xi32, #tpu.memory_space<vmem>>, %arg6: memref<128xi32, #tpu.memory_space<vmem>>, %arg7: memref<128x128xf32, #tpu.memory_space<vmem>>, %arg8: memref<128x128xf32, #tpu.memory_space<vmem>>, %arg9: memref<!tpu.dma_semaphore, #tpu.memory_space<semaphore_mem>>, %arg10: memref<!tpu.dma_semaphore, #tpu.memory_space<semaphore_mem>>) attributes {dimension_semantics = [#tpu.dimension_semantics<core_parallel>, #tpu.dimension_semantics<subcore_parallel>], iteration_bounds = array<i64: 2, 16>, scalar_prefetch = 0 : i64, scratch_operands = 6 : i64, tpu.core_type = #tpu.core_type<sc_vector_subcore>, window_params = [{transform_indices = #map}, {transform_indices = #map1}, {transform_indices = #map}]} {
    %mul3A = arith.constant 2 : i32
    %mul3A_0 = arith.muli %arg1, %mul3A : i32
    %add3A = arith.addi %mul3A_0, %arg0 : i32
    %mul3A_1 = arith.constant 2560 : i32
    %mul3A_2 = arith.muli %add3A, %mul3A_1 : i32
    "tpu.region"() ({
      %run_scoped3A = tpu.sem_alloc : memref<!tpu.dma_semaphore, #tpu.memory_space<semaphore_mem>>
      %dma_start3A_10 = tpu.memref_slice %arg3[%mul3A_2] : memref<81920xi32, #tpu.memory_space<hbm>> -> memref<128xi32, #tpu.memory_space<hbm>>
      %dma_start3A_11 = tpu.memref_slice %arg3[%mul3A_2] : memref<81920xi32, #tpu.memory_space<hbm>> -> memref<128xi32, #tpu.memory_space<hbm>>
      tpu.enqueue_dma source(%dma_start3A_11 : memref<128xi32, #tpu.memory_space<hbm>>) target(%arg5 : memref<128xi32, #tpu.memory_space<vmem>>) target_semaphore(%run_scoped3A : memref<!tpu.dma_semaphore, #tpu.memory_space<semaphore_mem>>)
      %dma_wait3A = tpu.memref_slice %arg3[%mul3A_2] : memref<81920xi32, #tpu.memory_space<hbm>> -> memref<128xi32, #tpu.memory_space<hbm>>
      %dma_wait3A_12 = tpu.memref_slice %arg3[%mul3A_2] : memref<81920xi32, #tpu.memory_space<hbm>> -> memref<128xi32, #tpu.memory_space<hbm>>
      tpu.wait_dma2 semaphore(%run_scoped3A : memref<!tpu.dma_semaphore, #tpu.memory_space<semaphore_mem>>) src(%dma_wait3A_12 : memref<128xi32, #tpu.memory_space<hbm>>) dst(%arg5 : memref<128xi32, #tpu.memory_space<vmem>>)
      tpu.yield
    }) : () -> ()
    %dma_start3A = arith.constant 0 : i32
    %dma_start3A_3 = arith.constant 0 : i32
    %dma_start3A_4 = tpu.memref_slice %arg2[%dma_start3A, %dma_start3A_3] : memref<10000x128xf32, #tpu.memory_space<hbm>> -> memref<10000x128xf32, #tpu.memory_space<hbm>>
    tpu.enqueue_indirect_dma source(%dma_start3A_4 : memref<10000x128xf32, #tpu.memory_space<hbm>>) target(%arg7 : memref<128x128xf32, #tpu.memory_space<vmem>>) offsets(%arg5 : memref<128xi32, #tpu.memory_space<vmem>>) semaphore(%arg9 : memref<!tpu.dma_semaphore, #tpu.memory_space<semaphore_mem>>)
    %scan3A = arith.constant 0 : i32
    %scan3A_5 = arith.constant 0 : i32
    %scan3A_6 = arith.constant 10 : i32
    %scan3A_7 = arith.addi %scan3A_5, %scan3A_6 : i32
    %scan3A_8 = arith.constant 1 : i32
    scf.for %scan3A_10 = %scan3A_5 to %scan3A_7 step %scan3A_8  : i32 {
      %mul3A_11 = arith.constant 2 : i32
      %mul3A_12 = arith.muli %mul3A_11, %scan3A_10 : i32
      %mul3A_13 = arith.constant 128 : i32
      %mul3A_14 = arith.muli %mul3A_12, %mul3A_13 : i32
      %add3A_15 = arith.addi %mul3A_2, %mul3A_14 : i32
      %add3A_16 = arith.constant 128 : i32
      %add3A_17 = arith.addi %add3A_15, %add3A_16 : i32
      "tpu.region"() ({
        %run_scoped3A = tpu.sem_alloc : memref<!tpu.dma_semaphore, #tpu.memory_space<semaphore_mem>>
        %dma_start3A_32 = tpu.memref_slice %arg3[%add3A_17] : memref<81920xi32, #tpu.memory_space<hbm>> -> memref<128xi32, #tpu.memory_space<hbm>>
        %dma_start3A_33 = tpu.memref_slice %arg3[%add3A_17] : memref<81920xi32, #tpu.memory_space<hbm>> -> memref<128xi32, #tpu.memory_space<hbm>>
        tpu.enqueue_dma source(%dma_start3A_33 : memref<128xi32, #tpu.memory_space<hbm>>) target(%arg6 : memref<128xi32, #tpu.memory_space<vmem>>) target_semaphore(%run_scoped3A : memref<!tpu.dma_semaphore, #tpu.memory_space<semaphore_mem>>)
        %dma_wait3A_34 = tpu.memref_slice %arg3[%add3A_17] : memref<81920xi32, #tpu.memory_space<hbm>> -> memref<128xi32, #tpu.memory_space<hbm>>
        %dma_wait3A_35 = tpu.memref_slice %arg3[%add3A_17] : memref<81920xi32, #tpu.memory_space<hbm>> -> memref<128xi32, #tpu.memory_space<hbm>>
        tpu.wait_dma2 semaphore(%run_scoped3A : memref<!tpu.dma_semaphore, #tpu.memory_space<semaphore_mem>>) src(%dma_wait3A_35 : memref<128xi32, #tpu.memory_space<hbm>>) dst(%arg6 : memref<128xi32, #tpu.memory_space<vmem>>)
        tpu.yield
      }) : () -> ()
      %dma_start3A_18 = arith.constant 0 : i32
      %dma_start3A_19 = arith.constant 0 : i32
      %dma_start3A_20 = tpu.memref_slice %arg2[%dma_start3A_18, %dma_start3A_19] : memref<10000x128xf32, #tpu.memory_space<hbm>> -> memref<10000x128xf32, #tpu.memory_space<hbm>>
      tpu.enqueue_indirect_dma source(%dma_start3A_20 : memref<10000x128xf32, #tpu.memory_space<hbm>>) target(%arg8 : memref<128x128xf32, #tpu.memory_space<vmem>>) offsets(%arg6 : memref<128xi32, #tpu.memory_space<vmem>>) semaphore(%arg10 : memref<!tpu.dma_semaphore, #tpu.memory_space<semaphore_mem>>)
      %dma_wait3A = arith.constant 0 : i32
      %dma_wait3A_21 = arith.constant 0 : i32
      %dma_wait3A_22 = tpu.memref_slice %arg2[%dma_wait3A, %dma_wait3A_21] : memref<10000x128xf32, #tpu.memory_space<hbm>> -> memref<10000x128xf32, #tpu.memory_space<hbm>>
      tpu.wait_indirect_dma semaphore(%arg9 : memref<!tpu.dma_semaphore, #tpu.memory_space<semaphore_mem>>) src(%dma_wait3A_22 : memref<10000x128xf32, #tpu.memory_space<hbm>>) dst(%arg7 : memref<128x128xf32, #tpu.memory_space<vmem>>)
      "tpu.region"() ({
        %run_scoped3A = tpu.sem_alloc : memref<!tpu.dma_semaphore, #tpu.memory_space<semaphore_mem>>
        %dma_start3A_32 = arith.constant 0 : i32
        %dma_start3A_33 = tpu.memref_slice %arg4[%add3A_15, %dma_start3A_32] : memref<81920x128xf32, #tpu.memory_space<hbm>> -> memref<128x128xf32, #tpu.memory_space<hbm>>
        %dma_start3A_34 = arith.constant 0 : i32
        %dma_start3A_35 = tpu.memref_slice %arg4[%add3A_15, %dma_start3A_34] : memref<81920x128xf32, #tpu.memory_space<hbm>> -> memref<128x128xf32, #tpu.memory_space<hbm>>
        tpu.enqueue_dma source(%arg7 : memref<128x128xf32, #tpu.memory_space<vmem>>) target(%dma_start3A_35 : memref<128x128xf32, #tpu.memory_space<hbm>>) target_semaphore(%run_scoped3A : memref<!tpu.dma_semaphore, #tpu.memory_space<semaphore_mem>>)
        %dma_wait3A_36 = arith.constant 0 : i32
        %dma_wait3A_37 = tpu.memref_slice %arg4[%add3A_15, %dma_wait3A_36] : memref<81920x128xf32, #tpu.memory_space<hbm>> -> memref<128x128xf32, #tpu.memory_space<hbm>>
        %dma_wait3A_38 = arith.constant 0 : i32
        %dma_wait3A_39 = tpu.memref_slice %arg4[%add3A_15, %dma_wait3A_38] : memref<81920x128xf32, #tpu.memory_space<hbm>> -> memref<128x128xf32, #tpu.memory_space<hbm>>
        tpu.wait_dma2 semaphore(%run_scoped3A : memref<!tpu.dma_semaphore, #tpu.memory_space<semaphore_mem>>) src(%arg7 : memref<128x128xf32, #tpu.memory_space<vmem>>) dst(%dma_wait3A_39 : memref<128x128xf32, #tpu.memory_space<hbm>>)
        tpu.yield
      }) : () -> ()
      %mul3A_23 = arith.constant 2 : i32
      %mul3A_24 = arith.muli %mul3A_23, %scan3A_10 : i32
      %add3A_25 = arith.constant 2 : i32
      %add3A_26 = arith.addi %mul3A_24, %add3A_25 : i32
      %lt3A = arith.constant 20 : i32
      %lt3A_27 = arith.cmpi slt, %add3A_26, %lt3A : i32
      %convert_element_type3A = arith.extui %lt3A_27 : i1 to i32
      %cond3A = arith.constant 0 : i32
      %cond3A_28 = arith.cmpi ne, %convert_element_type3A, %cond3A : i32
      scf.if %cond3A_28 {
        %add3A_32 = arith.constant 128 : i32
        %add3A_33 = arith.addi %add3A_17, %add3A_32 : i32
        "tpu.region"() ({
          %run_scoped3A = tpu.sem_alloc : memref<!tpu.dma_semaphore, #tpu.memory_space<semaphore_mem>>
          %dma_start3A_37 = tpu.memref_slice %arg3[%add3A_33] : memref<81920xi32, #tpu.memory_space<hbm>> -> memref<128xi32, #tpu.memory_space<hbm>>
          %dma_start3A_38 = tpu.memref_slice %arg3[%add3A_33] : memref<81920xi32, #tpu.memory_space<hbm>> -> memref<128xi32, #tpu.memory_space<hbm>>
          tpu.enqueue_dma source(%dma_start3A_38 : memref<128xi32, #tpu.memory_space<hbm>>) target(%arg5 : memref<128xi32, #tpu.memory_space<vmem>>) target_semaphore(%run_scoped3A : memref<!tpu.dma_semaphore, #tpu.memory_space<semaphore_mem>>)
          %dma_wait3A_39 = tpu.memref_slice %arg3[%add3A_33] : memref<81920xi32, #tpu.memory_space<hbm>> -> memref<128xi32, #tpu.memory_space<hbm>>
          %dma_wait3A_40 = tpu.memref_slice %arg3[%add3A_33] : memref<81920xi32, #tpu.memory_space<hbm>> -> memref<128xi32, #tpu.memory_space<hbm>>
          tpu.wait_dma2 semaphore(%run_scoped3A : memref<!tpu.dma_semaphore, #tpu.memory_space<semaphore_mem>>) src(%dma_wait3A_40 : memref<128xi32, #tpu.memory_space<hbm>>) dst(%arg5 : memref<128xi32, #tpu.memory_space<vmem>>)
          tpu.yield
        }) : () -> ()
        %dma_start3A_34 = arith.constant 0 : i32
        %dma_start3A_35 = arith.constant 0 : i32
        %dma_start3A_36 = tpu.memref_slice %arg2[%dma_start3A_34, %dma_start3A_35] : memref<10000x128xf32, #tpu.memory_space<hbm>> -> memref<10000x128xf32, #tpu.memory_space<hbm>>
        tpu.enqueue_indirect_dma source(%dma_start3A_36 : memref<10000x128xf32, #tpu.memory_space<hbm>>) target(%arg7 : memref<128x128xf32, #tpu.memory_space<vmem>>) offsets(%arg5 : memref<128xi32, #tpu.memory_space<vmem>>) semaphore(%arg9 : memref<!tpu.dma_semaphore, #tpu.memory_space<semaphore_mem>>)
      } else {
      }
      %dma_wait3A_29 = arith.constant 0 : i32
      %dma_wait3A_30 = arith.constant 0 : i32
      %dma_wait3A_31 = tpu.memref_slice %arg2[%dma_wait3A_29, %dma_wait3A_30] : memref<10000x128xf32, #tpu.memory_space<hbm>> -> memref<10000x128xf32, #tpu.memory_space<hbm>>
      tpu.wait_indirect_dma semaphore(%arg10 : memref<!tpu.dma_semaphore, #tpu.memory_space<semaphore_mem>>) src(%dma_wait3A_31 : memref<10000x128xf32, #tpu.memory_space<hbm>>) dst(%arg8 : memref<128x128xf32, #tpu.memory_space<vmem>>)
      "tpu.region"() ({
        %run_scoped3A = tpu.sem_alloc : memref<!tpu.dma_semaphore, #tpu.memory_space<semaphore_mem>>
        %dma_start3A_32 = arith.constant 0 : i32
        %dma_start3A_33 = tpu.memref_slice %arg4[%add3A_17, %dma_start3A_32] : memref<81920x128xf32, #tpu.memory_space<hbm>> -> memref<128x128xf32, #tpu.memory_space<hbm>>
        %dma_start3A_34 = arith.constant 0 : i32
        %dma_start3A_35 = tpu.memref_slice %arg4[%add3A_17, %dma_start3A_34] : memref<81920x128xf32, #tpu.memory_space<hbm>> -> memref<128x128xf32, #tpu.memory_space<hbm>>
        tpu.enqueue_dma source(%arg8 : memref<128x128xf32, #tpu.memory_space<vmem>>) target(%dma_start3A_35 : memref<128x128xf32, #tpu.memory_space<hbm>>) target_semaphore(%run_scoped3A : memref<!tpu.dma_semaphore, #tpu.memory_space<semaphore_mem>>)
        %dma_wait3A_36 = arith.constant 0 : i32
        %dma_wait3A_37 = tpu.memref_slice %arg4[%add3A_17, %dma_wait3A_36] : memref<81920x128xf32, #tpu.memory_space<hbm>> -> memref<128x128xf32, #tpu.memory_space<hbm>>
        %dma_wait3A_38 = arith.constant 0 : i32
        %dma_wait3A_39 = tpu.memref_slice %arg4[%add3A_17, %dma_wait3A_38] : memref<81920x128xf32, #tpu.memory_space<hbm>> -> memref<128x128xf32, #tpu.memory_space<hbm>>
        tpu.wait_dma2 semaphore(%run_scoped3A : memref<!tpu.dma_semaphore, #tpu.memory_space<semaphore_mem>>) src(%arg8 : memref<128x128xf32, #tpu.memory_space<vmem>>) dst(%dma_wait3A_39 : memref<128x128xf32, #tpu.memory_space<hbm>>)
        tpu.yield
      }) : () -> ()
    }
    %scan3A_9 = arith.constant 10 : i32
    return
  }
}

#map = affine_map<(d0, d1) -> (0, 0)>
#map1 = affine_map<(d0, d1) -> (0)>
module attributes {stable_mosaic.version = 14 : i64} {
  func.func @gk(%arg0: i32, %arg1: i32, %arg2: memref<10000x128xf32, #tpu.memory_space<hbm>>, %arg3: memref<81920xi32, #tpu.memory_space<hbm>>, %arg4: memref<81920x128xf32, #tpu.memory_space<hbm>>, %arg5: memref<128xi32, #tpu.memory_space<vmem>>, %arg6: memref<128xi32, #tpu.memory_space<vmem>>, %arg7: memref<128x128xf32, #tpu.memory_space<vmem>>, %arg8: memref<128x128xf32, #tpu.memory_space<vmem>>, %arg9: memref<!tpu.dma_semaphore, #tpu.memory_space<semaphore_mem>>, %arg10: memref<!tpu.dma_semaphore, #tpu.memory_space<semaphore_mem>>) attributes {dimension_semantics = [#tpu.dimension_semantics<core_parallel>, #tpu.dimension_semantics<subcore_parallel>], iteration_bounds = array<i64: 2, 16>, scalar_prefetch = 0 : i64, scratch_operands = 6 : i64, tpu.core_type = #tpu.core_type<sc_vector_subcore>, window_params = [{transform_indices = #map}, {transform_indices = #map1}, {transform_indices = #map}]} {
    %mul3A = arith.constant 2 : i32
    %mul3A_0 = arith.muli %arg1, %mul3A : i32
    %add3A = arith.addi %mul3A_0, %arg0 : i32
    %mul3A_1 = arith.constant 2560 : i32
    %mul3A_2 = arith.muli %add3A, %mul3A_1 : i32
    "tpu.region"() ({
      %run_scoped3A = tpu.sem_alloc : memref<!tpu.dma_semaphore, #tpu.memory_space<semaphore_mem>>
      %dma_start3A_10 = tpu.memref_slice %arg3[%mul3A_2] : memref<81920xi32, #tpu.memory_space<hbm>> -> memref<128xi32, #tpu.memory_space<hbm>>
      %dma_start3A_11 = tpu.memref_slice %arg3[%mul3A_2] : memref<81920xi32, #tpu.memory_space<hbm>> -> memref<128xi32, #tpu.memory_space<hbm>>
      tpu.enqueue_dma source(%dma_start3A_11 : memref<128xi32, #tpu.memory_space<hbm>>) target(%arg5 : memref<128xi32, #tpu.memory_space<vmem>>) target_semaphore(%run_scoped3A : memref<!tpu.dma_semaphore, #tpu.memory_space<semaphore_mem>>)
      %dma_wait3A = tpu.memref_slice %arg3[%mul3A_2] : memref<81920xi32, #tpu.memory_space<hbm>> -> memref<128xi32, #tpu.memory_space<hbm>>
      %dma_wait3A_12 = tpu.memref_slice %arg3[%mul3A_2] : memref<81920xi32, #tpu.memory_space<hbm>> -> memref<128xi32, #tpu.memory_space<hbm>>
      tpu.wait_dma2 semaphore(%run_scoped3A : memref<!tpu.dma_semaphore, #tpu.memory_space<semaphore_mem>>) src(%dma_wait3A_12 : memref<128xi32, #tpu.memory_space<hbm>>) dst(%arg5 : memref<128xi32, #tpu.memory_space<vmem>>)
      tpu.yield
    }) : () -> ()
    %dma_start3A = arith.constant 0 : i32
    %dma_start3A_3 = arith.constant 0 : i32
    %dma_start3A_4 = tpu.memref_slice %arg2[%dma_start3A, %dma_start3A_3] : memref<10000x128xf32, #tpu.memory_space<hbm>> -> memref<10000x128xf32, #tpu.memory_space<hbm>>
    tpu.enqueue_indirect_dma source(%dma_start3A_4 : memref<10000x128xf32, #tpu.memory_space<hbm>>) target(%arg7 : memref<128x128xf32, #tpu.memory_space<vmem>>) offsets(%arg5 : memref<128xi32, #tpu.memory_space<vmem>>) semaphore(%arg9 : memref<!tpu.dma_semaphore, #tpu.memory_space<semaphore_mem>>)
    %scan3A = arith.constant 0 : i32
    %scan3A_5 = arith.constant 0 : i32
    %scan3A_6 = arith.constant 10 : i32
    %scan3A_7 = arith.addi %scan3A_5, %scan3A_6 : i32
    %scan3A_8 = arith.constant 1 : i32
    scf.for %scan3A_10 = %scan3A_5 to %scan3A_7 step %scan3A_8  : i32 {
      %mul3A_11 = arith.constant 2 : i32
      %mul3A_12 = arith.muli %mul3A_11, %scan3A_10 : i32
      %mul3A_13 = arith.constant 128 : i32
      %mul3A_14 = arith.muli %mul3A_12, %mul3A_13 : i32
      %add3A_15 = arith.addi %mul3A_2, %mul3A_14 : i32
      %add3A_16 = arith.constant 128 : i32
      %add3A_17 = arith.addi %add3A_15, %add3A_16 : i32
      "tpu.region"() ({
        %run_scoped3A = tpu.sem_alloc : memref<!tpu.dma_semaphore, #tpu.memory_space<semaphore_mem>>
        %dma_start3A_32 = tpu.memref_slice %arg3[%add3A_17] : memref<81920xi32, #tpu.memory_space<hbm>> -> memref<128xi32, #tpu.memory_space<hbm>>
        %dma_start3A_33 = tpu.memref_slice %arg3[%add3A_17] : memref<81920xi32, #tpu.memory_space<hbm>> -> memref<128xi32, #tpu.memory_space<hbm>>
        tpu.enqueue_dma source(%dma_start3A_33 : memref<128xi32, #tpu.memory_space<hbm>>) target(%arg6 : memref<128xi32, #tpu.memory_space<vmem>>) target_semaphore(%run_scoped3A : memref<!tpu.dma_semaphore, #tpu.memory_space<semaphore_mem>>)
        %dma_wait3A_34 = tpu.memref_slice %arg3[%add3A_17] : memref<81920xi32, #tpu.memory_space<hbm>> -> memref<128xi32, #tpu.memory_space<hbm>>
        %dma_wait3A_35 = tpu.memref_slice %arg3[%add3A_17] : memref<81920xi32, #tpu.memory_space<hbm>> -> memref<128xi32, #tpu.memory_space<hbm>>
        tpu.wait_dma2 semaphore(%run_scoped3A : memref<!tpu.dma_semaphore, #tpu.memory_space<semaphore_mem>>) src(%dma_wait3A_35 : memref<128xi32, #tpu.memory_space<hbm>>) dst(%arg6 : memref<128xi32, #tpu.memory_space<vmem>>)
        tpu.yield
      }) : () -> ()
      %dma_start3A_18 = arith.constant 0 : i32
      %dma_start3A_19 = arith.constant 0 : i32
      %dma_start3A_20 = tpu.memref_slice %arg2[%dma_start3A_18, %dma_start3A_19] : memref<10000x128xf32, #tpu.memory_space<hbm>> -> memref<10000x128xf32, #tpu.memory_space<hbm>>
      tpu.enqueue_indirect_dma source(%dma_start3A_20 : memref<10000x128xf32, #tpu.memory_space<hbm>>) target(%arg8 : memref<128x128xf32, #tpu.memory_space<vmem>>) offsets(%arg6 : memref<128xi32, #tpu.memory_space<vmem>>) semaphore(%arg10 : memref<!tpu.dma_semaphore, #tpu.memory_space<semaphore_mem>>)
      %dma_wait3A = arith.constant 0 : i32
      %dma_wait3A_21 = arith.constant 0 : i32
      %dma_wait3A_22 = tpu.memref_slice %arg2[%dma_wait3A, %dma_wait3A_21] : memref<10000x128xf32, #tpu.memory_space<hbm>> -> memref<10000x128xf32, #tpu.memory_space<hbm>>
      tpu.wait_indirect_dma semaphore(%arg9 : memref<!tpu.dma_semaphore, #tpu.memory_space<semaphore_mem>>) src(%dma_wait3A_22 : memref<10000x128xf32, #tpu.memory_space<hbm>>) dst(%arg7 : memref<128x128xf32, #tpu.memory_space<vmem>>)
      "tpu.region"() ({
        %run_scoped3A = tpu.sem_alloc : memref<!tpu.dma_semaphore, #tpu.memory_space<semaphore_mem>>
        %dma_start3A_32 = arith.constant 0 : i32
        %dma_start3A_33 = tpu.memref_slice %arg4[%add3A_15, %dma_start3A_32] : memref<81920x128xf32, #tpu.memory_space<hbm>> -> memref<128x128xf32, #tpu.memory_space<hbm>>
        %dma_start3A_34 = arith.constant 0 : i32
        %dma_start3A_35 = tpu.memref_slice %arg4[%add3A_15, %dma_start3A_34] : memref<81920x128xf32, #tpu.memory_space<hbm>> -> memref<128x128xf32, #tpu.memory_space<hbm>>
        tpu.enqueue_dma source(%arg7 : memref<128x128xf32, #tpu.memory_space<vmem>>) target(%dma_start3A_35 : memref<128x128xf32, #tpu.memory_space<hbm>>) target_semaphore(%run_scoped3A : memref<!tpu.dma_semaphore, #tpu.memory_space<semaphore_mem>>)
        %dma_wait3A_36 = arith.constant 0 : i32
        %dma_wait3A_37 = tpu.memref_slice %arg4[%add3A_15, %dma_wait3A_36] : memref<81920x128xf32, #tpu.memory_space<hbm>> -> memref<128x128xf32, #tpu.memory_space<hbm>>
        %dma_wait3A_38 = arith.constant 0 : i32
        %dma_wait3A_39 = tpu.memref_slice %arg4[%add3A_15, %dma_wait3A_38] : memref<81920x128xf32, #tpu.memory_space<hbm>> -> memref<128x128xf32, #tpu.memory_space<hbm>>
        tpu.wait_dma2 semaphore(%run_scoped3A : memref<!tpu.dma_semaphore, #tpu.memory_space<semaphore_mem>>) src(%arg7 : memref<128x128xf32, #tpu.memory_space<vmem>>) dst(%dma_wait3A_39 : memref<128x128xf32, #tpu.memory_space<hbm>>)
        tpu.yield
      }) : () -> ()
      %mul3A_23 = arith.constant 2 : i32
      %mul3A_24 = arith.muli %mul3A_23, %scan3A_10 : i32
      %add3A_25 = arith.constant 2 : i32
      %add3A_26 = arith.addi %mul3A_24, %add3A_25 : i32
      %lt3A = arith.constant 20 : i32
      %lt3A_27 = arith.cmpi slt, %add3A_26, %lt3A : i32
      %convert_element_type3A = arith.extui %lt3A_27 : i1 to i32
      %cond3A = arith.constant 0 : i32
      %cond3A_28 = arith.cmpi ne, %convert_element_type3A, %cond3A : i32
      scf.if %cond3A_28 {
        %add3A_32 = arith.constant 128 : i32
        %add3A_33 = arith.addi %add3A_17, %add3A_32 : i32
        "tpu.region"() ({
          %run_scoped3A = tpu.sem_alloc : memref<!tpu.dma_semaphore, #tpu.memory_space<semaphore_mem>>
          %dma_start3A_37 = tpu.memref_slice %arg3[%add3A_33] : memref<81920xi32, #tpu.memory_space<hbm>> -> memref<128xi32, #tpu.memory_space<hbm>>
          %dma_start3A_38 = tpu.memref_slice %arg3[%add3A_33] : memref<81920xi32, #tpu.memory_space<hbm>> -> memref<128xi32, #tpu.memory_space<hbm>>
          tpu.enqueue_dma source(%dma_start3A_38 : memref<128xi32, #tpu.memory_space<hbm>>) target(%arg5 : memref<128xi32, #tpu.memory_space<vmem>>) target_semaphore(%run_scoped3A : memref<!tpu.dma_semaphore, #tpu.memory_space<semaphore_mem>>)
          %dma_wait3A_39 = tpu.memref_slice %arg3[%add3A_33] : memref<81920xi32, #tpu.memory_space<hbm>> -> memref<128xi32, #tpu.memory_space<hbm>>
          %dma_wait3A_40 = tpu.memref_slice %arg3[%add3A_33] : memref<81920xi32, #tpu.memory_space<hbm>> -> memref<128xi32, #tpu.memory_space<hbm>>
          tpu.wait_dma2 semaphore(%run_scoped3A : memref<!tpu.dma_semaphore, #tpu.memory_space<semaphore_mem>>) src(%dma_wait3A_40 : memref<128xi32, #tpu.memory_space<hbm>>) dst(%arg5 : memref<128xi32, #tpu.memory_space<vmem>>)
          tpu.yield
        }) : () -> ()
        %dma_start3A_34 = arith.constant 0 : i32
        %dma_start3A_35 = arith.constant 0 : i32
        %dma_start3A_36 = tpu.memref_slice %arg2[%dma_start3A_34, %dma_start3A_35] : memref<10000x128xf32, #tpu.memory_space<hbm>> -> memref<10000x128xf32, #tpu.memory_space<hbm>>
        tpu.enqueue_indirect_dma source(%dma_start3A_36 : memref<10000x128xf32, #tpu.memory_space<hbm>>) target(%arg7 : memref<128x128xf32, #tpu.memory_space<vmem>>) offsets(%arg5 : memref<128xi32, #tpu.memory_space<vmem>>) semaphore(%arg9 : memref<!tpu.dma_semaphore, #tpu.memory_space<semaphore_mem>>)
      } else {
      }
      %dma_wait3A_29 = arith.constant 0 : i32
      %dma_wait3A_30 = arith.constant 0 : i32
      %dma_wait3A_31 = tpu.memref_slice %arg2[%dma_wait3A_29, %dma_wait3A_30] : memref<10000x128xf32, #tpu.memory_space<hbm>> -> memref<10000x128xf32, #tpu.memory_space<hbm>>
      tpu.wait_indirect_dma semaphore(%arg10 : memref<!tpu.dma_semaphore, #tpu.memory_space<semaphore_mem>>) src(%dma_wait3A_31 : memref<10000x128xf32, #tpu.memory_space<hbm>>) dst(%arg8 : memref<128x128xf32, #tpu.memory_space<vmem>>)
      "tpu.region"() ({
        %run_scoped3A = tpu.sem_alloc : memref<!tpu.dma_semaphore, #tpu.memory_space<semaphore_mem>>
        %dma_start3A_32 = arith.constant 0 : i32
        %dma_start3A_33 = tpu.memref_slice %arg4[%add3A_17, %dma_start3A_32] : memref<81920x128xf32, #tpu.memory_space<hbm>> -> memref<128x128xf32, #tpu.memory_space<hbm>>
        %dma_start3A_34 = arith.constant 0 : i32
        %dma_start3A_35 = tpu.memref_slice %arg4[%add3A_17, %dma_start3A_34] : memref<81920x128xf32, #tpu.memory_space<hbm>> -> memref<128x128xf32, #tpu.memory_space<hbm>>
        tpu.enqueue_dma source(%arg8 : memref<128x128xf32, #tpu.memory_space<vmem>>) target(%dma_start3A_35 : memref<128x128xf32, #tpu.memory_space<hbm>>) target_semaphore(%run_scoped3A : memref<!tpu.dma_semaphore, #tpu.memory_space<semaphore_mem>>)
        %dma_wait3A_36 = arith.constant 0 : i32
        %dma_wait3A_37 = tpu.memref_slice %arg4[%add3A_17, %dma_wait3A_36] : memref<81920x128xf32, #tpu.memory_space<hbm>> -> memref<128x128xf32, #tpu.memory_space<hbm>>
        %dma_wait3A_38 = arith.constant 0 : i32
        %dma_wait3A_39 = tpu.memref_slice %arg4[%add3A_17, %dma_wait3A_38] : memref<81920x128xf32, #tpu.memory_space<hbm>> -> memref<128x128xf32, #tpu.memory_space<hbm>>
        tpu.wait_dma2 semaphore(%run_scoped3A : memref<!tpu.dma_semaphore, #tpu.memory_space<semaphore_mem>>) src(%arg8 : memref<128x128xf32, #tpu.memory_space<vmem>>) dst(%dma_wait3A_39 : memref<128x128xf32, #tpu.memory_space<hbm>>)
        tpu.yield
      }) : () -> ()
    }
    %scan3A_9 = arith.constant 10 : i32
    return
  }
}

#map = affine_map<(d0, d1) -> (0, 0)>
#map1 = affine_map<(d0, d1) -> (0)>
module attributes {stable_mosaic.version = 14 : i64} {
  func.func @gk(%arg0: i32, %arg1: i32, %arg2: memref<10000x128xf32, #tpu.memory_space<hbm>>, %arg3: memref<81920xi32, #tpu.memory_space<hbm>>, %arg4: memref<81920x128xf32, #tpu.memory_space<hbm>>, %arg5: memref<128xi32, #tpu.memory_space<vmem>>, %arg6: memref<128xi32, #tpu.memory_space<vmem>>, %arg7: memref<128x128xf32, #tpu.memory_space<vmem>>, %arg8: memref<128x128xf32, #tpu.memory_space<vmem>>, %arg9: memref<!tpu.dma_semaphore, #tpu.memory_space<semaphore_mem>>, %arg10: memref<!tpu.dma_semaphore, #tpu.memory_space<semaphore_mem>>) attributes {dimension_semantics = [#tpu.dimension_semantics<core_parallel>, #tpu.dimension_semantics<subcore_parallel>], iteration_bounds = array<i64: 2, 16>, scalar_prefetch = 0 : i64, scratch_operands = 6 : i64, tpu.core_type = #tpu.core_type<sc_vector_subcore>, window_params = [{transform_indices = #map}, {transform_indices = #map1}, {transform_indices = #map}]} {
    %mul3A = arith.constant 2 : i32
    %mul3A_0 = arith.muli %arg1, %mul3A : i32
    %add3A = arith.addi %mul3A_0, %arg0 : i32
    %mul3A_1 = arith.constant 2560 : i32
    %mul3A_2 = arith.muli %add3A, %mul3A_1 : i32
    "tpu.region"() ({
      %run_scoped3A = tpu.sem_alloc : memref<!tpu.dma_semaphore, #tpu.memory_space<semaphore_mem>>
      %dma_start3A_10 = tpu.memref_slice %arg3[%mul3A_2] : memref<81920xi32, #tpu.memory_space<hbm>> -> memref<128xi32, #tpu.memory_space<hbm>>
      %dma_start3A_11 = tpu.memref_slice %arg3[%mul3A_2] : memref<81920xi32, #tpu.memory_space<hbm>> -> memref<128xi32, #tpu.memory_space<hbm>>
      tpu.enqueue_dma source(%dma_start3A_11 : memref<128xi32, #tpu.memory_space<hbm>>) target(%arg5 : memref<128xi32, #tpu.memory_space<vmem>>) target_semaphore(%run_scoped3A : memref<!tpu.dma_semaphore, #tpu.memory_space<semaphore_mem>>)
      %dma_wait3A = tpu.memref_slice %arg3[%mul3A_2] : memref<81920xi32, #tpu.memory_space<hbm>> -> memref<128xi32, #tpu.memory_space<hbm>>
      %dma_wait3A_12 = tpu.memref_slice %arg3[%mul3A_2] : memref<81920xi32, #tpu.memory_space<hbm>> -> memref<128xi32, #tpu.memory_space<hbm>>
      tpu.wait_dma2 semaphore(%run_scoped3A : memref<!tpu.dma_semaphore, #tpu.memory_space<semaphore_mem>>) src(%dma_wait3A_12 : memref<128xi32, #tpu.memory_space<hbm>>) dst(%arg5 : memref<128xi32, #tpu.memory_space<vmem>>)
      tpu.yield
    }) : () -> ()
    %dma_start3A = arith.constant 0 : i32
    %dma_start3A_3 = arith.constant 0 : i32
    %dma_start3A_4 = tpu.memref_slice %arg2[%dma_start3A, %dma_start3A_3] : memref<10000x128xf32, #tpu.memory_space<hbm>> -> memref<10000x128xf32, #tpu.memory_space<hbm>>
    tpu.enqueue_indirect_dma source(%dma_start3A_4 : memref<10000x128xf32, #tpu.memory_space<hbm>>) target(%arg7 : memref<128x128xf32, #tpu.memory_space<vmem>>) offsets(%arg5 : memref<128xi32, #tpu.memory_space<vmem>>) semaphore(%arg9 : memref<!tpu.dma_semaphore, #tpu.memory_space<semaphore_mem>>)
    %scan3A = arith.constant 0 : i32
    %scan3A_5 = arith.constant 0 : i32
    %scan3A_6 = arith.constant 10 : i32
    %scan3A_7 = arith.addi %scan3A_5, %scan3A_6 : i32
    %scan3A_8 = arith.constant 1 : i32
    scf.for %scan3A_10 = %scan3A_5 to %scan3A_7 step %scan3A_8  : i32 {
      %mul3A_11 = arith.constant 2 : i32
      %mul3A_12 = arith.muli %mul3A_11, %scan3A_10 : i32
      %mul3A_13 = arith.constant 128 : i32
      %mul3A_14 = arith.muli %mul3A_12, %mul3A_13 : i32
      %add3A_15 = arith.addi %mul3A_2, %mul3A_14 : i32
      %add3A_16 = arith.constant 128 : i32
      %add3A_17 = arith.addi %add3A_15, %add3A_16 : i32
      "tpu.region"() ({
        %run_scoped3A = tpu.sem_alloc : memref<!tpu.dma_semaphore, #tpu.memory_space<semaphore_mem>>
        %dma_start3A_32 = tpu.memref_slice %arg3[%add3A_17] : memref<81920xi32, #tpu.memory_space<hbm>> -> memref<128xi32, #tpu.memory_space<hbm>>
        %dma_start3A_33 = tpu.memref_slice %arg3[%add3A_17] : memref<81920xi32, #tpu.memory_space<hbm>> -> memref<128xi32, #tpu.memory_space<hbm>>
        tpu.enqueue_dma source(%dma_start3A_33 : memref<128xi32, #tpu.memory_space<hbm>>) target(%arg6 : memref<128xi32, #tpu.memory_space<vmem>>) target_semaphore(%run_scoped3A : memref<!tpu.dma_semaphore, #tpu.memory_space<semaphore_mem>>)
        %dma_wait3A_34 = tpu.memref_slice %arg3[%add3A_17] : memref<81920xi32, #tpu.memory_space<hbm>> -> memref<128xi32, #tpu.memory_space<hbm>>
        %dma_wait3A_35 = tpu.memref_slice %arg3[%add3A_17] : memref<81920xi32, #tpu.memory_space<hbm>> -> memref<128xi32, #tpu.memory_space<hbm>>
        tpu.wait_dma2 semaphore(%run_scoped3A : memref<!tpu.dma_semaphore, #tpu.memory_space<semaphore_mem>>) src(%dma_wait3A_35 : memref<128xi32, #tpu.memory_space<hbm>>) dst(%arg6 : memref<128xi32, #tpu.memory_space<vmem>>)
        tpu.yield
      }) : () -> ()
      %dma_start3A_18 = arith.constant 0 : i32
      %dma_start3A_19 = arith.constant 0 : i32
      %dma_start3A_20 = tpu.memref_slice %arg2[%dma_start3A_18, %dma_start3A_19] : memref<10000x128xf32, #tpu.memory_space<hbm>> -> memref<10000x128xf32, #tpu.memory_space<hbm>>
      tpu.enqueue_indirect_dma source(%dma_start3A_20 : memref<10000x128xf32, #tpu.memory_space<hbm>>) target(%arg8 : memref<128x128xf32, #tpu.memory_space<vmem>>) offsets(%arg6 : memref<128xi32, #tpu.memory_space<vmem>>) semaphore(%arg10 : memref<!tpu.dma_semaphore, #tpu.memory_space<semaphore_mem>>)
      %dma_wait3A = arith.constant 0 : i32
      %dma_wait3A_21 = arith.constant 0 : i32
      %dma_wait3A_22 = tpu.memref_slice %arg2[%dma_wait3A, %dma_wait3A_21] : memref<10000x128xf32, #tpu.memory_space<hbm>> -> memref<10000x128xf32, #tpu.memory_space<hbm>>
      tpu.wait_indirect_dma semaphore(%arg9 : memref<!tpu.dma_semaphore, #tpu.memory_space<semaphore_mem>>) src(%dma_wait3A_22 : memref<10000x128xf32, #tpu.memory_space<hbm>>) dst(%arg7 : memref<128x128xf32, #tpu.memory_space<vmem>>)
      "tpu.region"() ({
        %run_scoped3A = tpu.sem_alloc : memref<!tpu.dma_semaphore, #tpu.memory_space<semaphore_mem>>
        %dma_start3A_32 = arith.constant 0 : i32
        %dma_start3A_33 = tpu.memref_slice %arg4[%add3A_15, %dma_start3A_32] : memref<81920x128xf32, #tpu.memory_space<hbm>> -> memref<128x128xf32, #tpu.memory_space<hbm>>
        %dma_start3A_34 = arith.constant 0 : i32
        %dma_start3A_35 = tpu.memref_slice %arg4[%add3A_15, %dma_start3A_34] : memref<81920x128xf32, #tpu.memory_space<hbm>> -> memref<128x128xf32, #tpu.memory_space<hbm>>
        tpu.enqueue_dma source(%arg7 : memref<128x128xf32, #tpu.memory_space<vmem>>) target(%dma_start3A_35 : memref<128x128xf32, #tpu.memory_space<hbm>>) target_semaphore(%run_scoped3A : memref<!tpu.dma_semaphore, #tpu.memory_space<semaphore_mem>>)
        %dma_wait3A_36 = arith.constant 0 : i32
        %dma_wait3A_37 = tpu.memref_slice %arg4[%add3A_15, %dma_wait3A_36] : memref<81920x128xf32, #tpu.memory_space<hbm>> -> memref<128x128xf32, #tpu.memory_space<hbm>>
        %dma_wait3A_38 = arith.constant 0 : i32
        %dma_wait3A_39 = tpu.memref_slice %arg4[%add3A_15, %dma_wait3A_38] : memref<81920x128xf32, #tpu.memory_space<hbm>> -> memref<128x128xf32, #tpu.memory_space<hbm>>
        tpu.wait_dma2 semaphore(%run_scoped3A : memref<!tpu.dma_semaphore, #tpu.memory_space<semaphore_mem>>) src(%arg7 : memref<128x128xf32, #tpu.memory_space<vmem>>) dst(%dma_wait3A_39 : memref<128x128xf32, #tpu.memory_space<hbm>>)
        tpu.yield
      }) : () -> ()
      %mul3A_23 = arith.constant 2 : i32
      %mul3A_24 = arith.muli %mul3A_23, %scan3A_10 : i32
      %add3A_25 = arith.constant 2 : i32
      %add3A_26 = arith.addi %mul3A_24, %add3A_25 : i32
      %lt3A = arith.constant 20 : i32
      %lt3A_27 = arith.cmpi slt, %add3A_26, %lt3A : i32
      %convert_element_type3A = arith.extui %lt3A_27 : i1 to i32
      %cond3A = arith.constant 0 : i32
      %cond3A_28 = arith.cmpi ne, %convert_element_type3A, %cond3A : i32
      scf.if %cond3A_28 {
        %add3A_32 = arith.constant 128 : i32
        %add3A_33 = arith.addi %add3A_17, %add3A_32 : i32
        "tpu.region"() ({
          %run_scoped3A = tpu.sem_alloc : memref<!tpu.dma_semaphore, #tpu.memory_space<semaphore_mem>>
          %dma_start3A_37 = tpu.memref_slice %arg3[%add3A_33] : memref<81920xi32, #tpu.memory_space<hbm>> -> memref<128xi32, #tpu.memory_space<hbm>>
          %dma_start3A_38 = tpu.memref_slice %arg3[%add3A_33] : memref<81920xi32, #tpu.memory_space<hbm>> -> memref<128xi32, #tpu.memory_space<hbm>>
          tpu.enqueue_dma source(%dma_start3A_38 : memref<128xi32, #tpu.memory_space<hbm>>) target(%arg5 : memref<128xi32, #tpu.memory_space<vmem>>) target_semaphore(%run_scoped3A : memref<!tpu.dma_semaphore, #tpu.memory_space<semaphore_mem>>)
          %dma_wait3A_39 = tpu.memref_slice %arg3[%add3A_33] : memref<81920xi32, #tpu.memory_space<hbm>> -> memref<128xi32, #tpu.memory_space<hbm>>
          %dma_wait3A_40 = tpu.memref_slice %arg3[%add3A_33] : memref<81920xi32, #tpu.memory_space<hbm>> -> memref<128xi32, #tpu.memory_space<hbm>>
          tpu.wait_dma2 semaphore(%run_scoped3A : memref<!tpu.dma_semaphore, #tpu.memory_space<semaphore_mem>>) src(%dma_wait3A_40 : memref<128xi32, #tpu.memory_space<hbm>>) dst(%arg5 : memref<128xi32, #tpu.memory_space<vmem>>)
          tpu.yield
        }) : () -> ()
        %dma_start3A_34 = arith.constant 0 : i32
        %dma_start3A_35 = arith.constant 0 : i32
        %dma_start3A_36 = tpu.memref_slice %arg2[%dma_start3A_34, %dma_start3A_35] : memref<10000x128xf32, #tpu.memory_space<hbm>> -> memref<10000x128xf32, #tpu.memory_space<hbm>>
        tpu.enqueue_indirect_dma source(%dma_start3A_36 : memref<10000x128xf32, #tpu.memory_space<hbm>>) target(%arg7 : memref<128x128xf32, #tpu.memory_space<vmem>>) offsets(%arg5 : memref<128xi32, #tpu.memory_space<vmem>>) semaphore(%arg9 : memref<!tpu.dma_semaphore, #tpu.memory_space<semaphore_mem>>)
      } else {
      }
      %dma_wait3A_29 = arith.constant 0 : i32
      %dma_wait3A_30 = arith.constant 0 : i32
      %dma_wait3A_31 = tpu.memref_slice %arg2[%dma_wait3A_29, %dma_wait3A_30] : memref<10000x128xf32, #tpu.memory_space<hbm>> -> memref<10000x128xf32, #tpu.memory_space<hbm>>
      tpu.wait_indirect_dma semaphore(%arg10 : memref<!tpu.dma_semaphore, #tpu.memory_space<semaphore_mem>>) src(%dma_wait3A_31 : memref<10000x128xf32, #tpu.memory_space<hbm>>) dst(%arg8 : memref<128x128xf32, #tpu.memory_space<vmem>>)
      "tpu.region"() ({
        %run_scoped3A = tpu.sem_alloc : memref<!tpu.dma_semaphore, #tpu.memory_space<semaphore_mem>>
        %dma_start3A_32 = arith.constant 0 : i32
        %dma_start3A_33 = tpu.memref_slice %arg4[%add3A_17, %dma_start3A_32] : memref<81920x128xf32, #tpu.memory_space<hbm>> -> memref<128x128xf32, #tpu.memory_space<hbm>>
        %dma_start3A_34 = arith.constant 0 : i32
        %dma_start3A_35 = tpu.memref_slice %arg4[%add3A_17, %dma_start3A_34] : memref<81920x128xf32, #tpu.memory_space<hbm>> -> memref<128x128xf32, #tpu.memory_space<hbm>>
        tpu.enqueue_dma source(%arg8 : memref<128x128xf32, #tpu.memory_space<vmem>>) target(%dma_start3A_35 : memref<128x128xf32, #tpu.memory_space<hbm>>) target_semaphore(%run_scoped3A : memref<!tpu.dma_semaphore, #tpu.memory_space<semaphore_mem>>)
        %dma_wait3A_36 = arith.constant 0 : i32
        %dma_wait3A_37 = tpu.memref_slice %arg4[%add3A_17, %dma_wait3A_36] : memref<81920x128xf32, #tpu.memory_space<hbm>> -> memref<128x128xf32, #tpu.memory_space<hbm>>
        %dma_wait3A_38 = arith.constant 0 : i32
        %dma_wait3A_39 = tpu.memref_slice %arg4[%add3A_17, %dma_wait3A_38] : memref<81920x128xf32, #tpu.memory_space<hbm>> -> memref<128x128xf32, #tpu.memory_space<hbm>>
        tpu.wait_dma2 semaphore(%run_scoped3A : memref<!tpu.dma_semaphore, #tpu.memory_space<semaphore_mem>>) src(%arg8 : memref<128x128xf32, #tpu.memory_space<vmem>>) dst(%dma_wait3A_39 : memref<128x128xf32, #tpu.memory_space<hbm>>)
        tpu.yield
      }) : () -> ()
    }
    %scan3A_9 = arith.constant 10 : i32
    return
  }
}

#map = affine_map<(d0, d1) -> (0, 0)>
#map1 = affine_map<(d0, d1) -> (0)>
module attributes {stable_mosaic.version = 14 : i64} {
  func.func @gk(%arg0: i32, %arg1: i32, %arg2: memref<10000x128xf32, #tpu.memory_space<hbm>>, %arg3: memref<81920xi32, #tpu.memory_space<hbm>>, %arg4: memref<81920x128xf32, #tpu.memory_space<hbm>>, %arg5: memref<128xi32, #tpu.memory_space<vmem>>, %arg6: memref<128xi32, #tpu.memory_space<vmem>>, %arg7: memref<128x128xf32, #tpu.memory_space<vmem>>, %arg8: memref<128x128xf32, #tpu.memory_space<vmem>>, %arg9: memref<!tpu.dma_semaphore, #tpu.memory_space<semaphore_mem>>, %arg10: memref<!tpu.dma_semaphore, #tpu.memory_space<semaphore_mem>>) attributes {dimension_semantics = [#tpu.dimension_semantics<core_parallel>, #tpu.dimension_semantics<subcore_parallel>], iteration_bounds = array<i64: 2, 16>, scalar_prefetch = 0 : i64, scratch_operands = 6 : i64, tpu.core_type = #tpu.core_type<sc_vector_subcore>, window_params = [{transform_indices = #map}, {transform_indices = #map1}, {transform_indices = #map}]} {
    %mul3A = arith.constant 2 : i32
    %mul3A_0 = arith.muli %arg1, %mul3A : i32
    %add3A = arith.addi %mul3A_0, %arg0 : i32
    %mul3A_1 = arith.constant 2560 : i32
    %mul3A_2 = arith.muli %add3A, %mul3A_1 : i32
    "tpu.region"() ({
      %run_scoped3A = tpu.sem_alloc : memref<!tpu.dma_semaphore, #tpu.memory_space<semaphore_mem>>
      %dma_start3A_10 = tpu.memref_slice %arg3[%mul3A_2] : memref<81920xi32, #tpu.memory_space<hbm>> -> memref<128xi32, #tpu.memory_space<hbm>>
      %dma_start3A_11 = tpu.memref_slice %arg3[%mul3A_2] : memref<81920xi32, #tpu.memory_space<hbm>> -> memref<128xi32, #tpu.memory_space<hbm>>
      tpu.enqueue_dma source(%dma_start3A_11 : memref<128xi32, #tpu.memory_space<hbm>>) target(%arg5 : memref<128xi32, #tpu.memory_space<vmem>>) target_semaphore(%run_scoped3A : memref<!tpu.dma_semaphore, #tpu.memory_space<semaphore_mem>>)
      %dma_wait3A = tpu.memref_slice %arg3[%mul3A_2] : memref<81920xi32, #tpu.memory_space<hbm>> -> memref<128xi32, #tpu.memory_space<hbm>>
      %dma_wait3A_12 = tpu.memref_slice %arg3[%mul3A_2] : memref<81920xi32, #tpu.memory_space<hbm>> -> memref<128xi32, #tpu.memory_space<hbm>>
      tpu.wait_dma2 semaphore(%run_scoped3A : memref<!tpu.dma_semaphore, #tpu.memory_space<semaphore_mem>>) src(%dma_wait3A_12 : memref<128xi32, #tpu.memory_space<hbm>>) dst(%arg5 : memref<128xi32, #tpu.memory_space<vmem>>)
      tpu.yield
    }) : () -> ()
    %dma_start3A = arith.constant 0 : i32
    %dma_start3A_3 = arith.constant 0 : i32
    %dma_start3A_4 = tpu.memref_slice %arg2[%dma_start3A, %dma_start3A_3] : memref<10000x128xf32, #tpu.memory_space<hbm>> -> memref<10000x128xf32, #tpu.memory_space<hbm>>
    tpu.enqueue_indirect_dma source(%dma_start3A_4 : memref<10000x128xf32, #tpu.memory_space<hbm>>) target(%arg7 : memref<128x128xf32, #tpu.memory_space<vmem>>) offsets(%arg5 : memref<128xi32, #tpu.memory_space<vmem>>) semaphore(%arg9 : memref<!tpu.dma_semaphore, #tpu.memory_space<semaphore_mem>>)
    %scan3A = arith.constant 0 : i32
    %scan3A_5 = arith.constant 0 : i32
    %scan3A_6 = arith.constant 10 : i32
    %scan3A_7 = arith.addi %scan3A_5, %scan3A_6 : i32
    %scan3A_8 = arith.constant 1 : i32
    scf.for %scan3A_10 = %scan3A_5 to %scan3A_7 step %scan3A_8  : i32 {
      %mul3A_11 = arith.constant 2 : i32
      %mul3A_12 = arith.muli %mul3A_11, %scan3A_10 : i32
      %mul3A_13 = arith.constant 128 : i32
      %mul3A_14 = arith.muli %mul3A_12, %mul3A_13 : i32
      %add3A_15 = arith.addi %mul3A_2, %mul3A_14 : i32
      %add3A_16 = arith.constant 128 : i32
      %add3A_17 = arith.addi %add3A_15, %add3A_16 : i32
      "tpu.region"() ({
        %run_scoped3A = tpu.sem_alloc : memref<!tpu.dma_semaphore, #tpu.memory_space<semaphore_mem>>
        %dma_start3A_32 = tpu.memref_slice %arg3[%add3A_17] : memref<81920xi32, #tpu.memory_space<hbm>> -> memref<128xi32, #tpu.memory_space<hbm>>
        %dma_start3A_33 = tpu.memref_slice %arg3[%add3A_17] : memref<81920xi32, #tpu.memory_space<hbm>> -> memref<128xi32, #tpu.memory_space<hbm>>
        tpu.enqueue_dma source(%dma_start3A_33 : memref<128xi32, #tpu.memory_space<hbm>>) target(%arg6 : memref<128xi32, #tpu.memory_space<vmem>>) target_semaphore(%run_scoped3A : memref<!tpu.dma_semaphore, #tpu.memory_space<semaphore_mem>>)
        %dma_wait3A_34 = tpu.memref_slice %arg3[%add3A_17] : memref<81920xi32, #tpu.memory_space<hbm>> -> memref<128xi32, #tpu.memory_space<hbm>>
        %dma_wait3A_35 = tpu.memref_slice %arg3[%add3A_17] : memref<81920xi32, #tpu.memory_space<hbm>> -> memref<128xi32, #tpu.memory_space<hbm>>
        tpu.wait_dma2 semaphore(%run_scoped3A : memref<!tpu.dma_semaphore, #tpu.memory_space<semaphore_mem>>) src(%dma_wait3A_35 : memref<128xi32, #tpu.memory_space<hbm>>) dst(%arg6 : memref<128xi32, #tpu.memory_space<vmem>>)
        tpu.yield
      }) : () -> ()
      %dma_start3A_18 = arith.constant 0 : i32
      %dma_start3A_19 = arith.constant 0 : i32
      %dma_start3A_20 = tpu.memref_slice %arg2[%dma_start3A_18, %dma_start3A_19] : memref<10000x128xf32, #tpu.memory_space<hbm>> -> memref<10000x128xf32, #tpu.memory_space<hbm>>
      tpu.enqueue_indirect_dma source(%dma_start3A_20 : memref<10000x128xf32, #tpu.memory_space<hbm>>) target(%arg8 : memref<128x128xf32, #tpu.memory_space<vmem>>) offsets(%arg6 : memref<128xi32, #tpu.memory_space<vmem>>) semaphore(%arg10 : memref<!tpu.dma_semaphore, #tpu.memory_space<semaphore_mem>>)
      %dma_wait3A = arith.constant 0 : i32
      %dma_wait3A_21 = arith.constant 0 : i32
      %dma_wait3A_22 = tpu.memref_slice %arg2[%dma_wait3A, %dma_wait3A_21] : memref<10000x128xf32, #tpu.memory_space<hbm>> -> memref<10000x128xf32, #tpu.memory_space<hbm>>
      tpu.wait_indirect_dma semaphore(%arg9 : memref<!tpu.dma_semaphore, #tpu.memory_space<semaphore_mem>>) src(%dma_wait3A_22 : memref<10000x128xf32, #tpu.memory_space<hbm>>) dst(%arg7 : memref<128x128xf32, #tpu.memory_space<vmem>>)
      "tpu.region"() ({
        %run_scoped3A = tpu.sem_alloc : memref<!tpu.dma_semaphore, #tpu.memory_space<semaphore_mem>>
        %dma_start3A_32 = arith.constant 0 : i32
        %dma_start3A_33 = tpu.memref_slice %arg4[%add3A_15, %dma_start3A_32] : memref<81920x128xf32, #tpu.memory_space<hbm>> -> memref<128x128xf32, #tpu.memory_space<hbm>>
        %dma_start3A_34 = arith.constant 0 : i32
        %dma_start3A_35 = tpu.memref_slice %arg4[%add3A_15, %dma_start3A_34] : memref<81920x128xf32, #tpu.memory_space<hbm>> -> memref<128x128xf32, #tpu.memory_space<hbm>>
        tpu.enqueue_dma source(%arg7 : memref<128x128xf32, #tpu.memory_space<vmem>>) target(%dma_start3A_35 : memref<128x128xf32, #tpu.memory_space<hbm>>) target_semaphore(%run_scoped3A : memref<!tpu.dma_semaphore, #tpu.memory_space<semaphore_mem>>)
        %dma_wait3A_36 = arith.constant 0 : i32
        %dma_wait3A_37 = tpu.memref_slice %arg4[%add3A_15, %dma_wait3A_36] : memref<81920x128xf32, #tpu.memory_space<hbm>> -> memref<128x128xf32, #tpu.memory_space<hbm>>
        %dma_wait3A_38 = arith.constant 0 : i32
        %dma_wait3A_39 = tpu.memref_slice %arg4[%add3A_15, %dma_wait3A_38] : memref<81920x128xf32, #tpu.memory_space<hbm>> -> memref<128x128xf32, #tpu.memory_space<hbm>>
        tpu.wait_dma2 semaphore(%run_scoped3A : memref<!tpu.dma_semaphore, #tpu.memory_space<semaphore_mem>>) src(%arg7 : memref<128x128xf32, #tpu.memory_space<vmem>>) dst(%dma_wait3A_39 : memref<128x128xf32, #tpu.memory_space<hbm>>)
        tpu.yield
      }) : () -> ()
      %mul3A_23 = arith.constant 2 : i32
      %mul3A_24 = arith.muli %mul3A_23, %scan3A_10 : i32
      %add3A_25 = arith.constant 2 : i32
      %add3A_26 = arith.addi %mul3A_24, %add3A_25 : i32
      %lt3A = arith.constant 20 : i32
      %lt3A_27 = arith.cmpi slt, %add3A_26, %lt3A : i32
      %convert_element_type3A = arith.extui %lt3A_27 : i1 to i32
      %cond3A = arith.constant 0 : i32
      %cond3A_28 = arith.cmpi ne, %convert_element_type3A, %cond3A : i32
      scf.if %cond3A_28 {
        %add3A_32 = arith.constant 128 : i32
        %add3A_33 = arith.addi %add3A_17, %add3A_32 : i32
        "tpu.region"() ({
          %run_scoped3A = tpu.sem_alloc : memref<!tpu.dma_semaphore, #tpu.memory_space<semaphore_mem>>
          %dma_start3A_37 = tpu.memref_slice %arg3[%add3A_33] : memref<81920xi32, #tpu.memory_space<hbm>> -> memref<128xi32, #tpu.memory_space<hbm>>
          %dma_start3A_38 = tpu.memref_slice %arg3[%add3A_33] : memref<81920xi32, #tpu.memory_space<hbm>> -> memref<128xi32, #tpu.memory_space<hbm>>
          tpu.enqueue_dma source(%dma_start3A_38 : memref<128xi32, #tpu.memory_space<hbm>>) target(%arg5 : memref<128xi32, #tpu.memory_space<vmem>>) target_semaphore(%run_scoped3A : memref<!tpu.dma_semaphore, #tpu.memory_space<semaphore_mem>>)
          %dma_wait3A_39 = tpu.memref_slice %arg3[%add3A_33] : memref<81920xi32, #tpu.memory_space<hbm>> -> memref<128xi32, #tpu.memory_space<hbm>>
          %dma_wait3A_40 = tpu.memref_slice %arg3[%add3A_33] : memref<81920xi32, #tpu.memory_space<hbm>> -> memref<128xi32, #tpu.memory_space<hbm>>
          tpu.wait_dma2 semaphore(%run_scoped3A : memref<!tpu.dma_semaphore, #tpu.memory_space<semaphore_mem>>) src(%dma_wait3A_40 : memref<128xi32, #tpu.memory_space<hbm>>) dst(%arg5 : memref<128xi32, #tpu.memory_space<vmem>>)
          tpu.yield
        }) : () -> ()
        %dma_start3A_34 = arith.constant 0 : i32
        %dma_start3A_35 = arith.constant 0 : i32
        %dma_start3A_36 = tpu.memref_slice %arg2[%dma_start3A_34, %dma_start3A_35] : memref<10000x128xf32, #tpu.memory_space<hbm>> -> memref<10000x128xf32, #tpu.memory_space<hbm>>
        tpu.enqueue_indirect_dma source(%dma_start3A_36 : memref<10000x128xf32, #tpu.memory_space<hbm>>) target(%arg7 : memref<128x128xf32, #tpu.memory_space<vmem>>) offsets(%arg5 : memref<128xi32, #tpu.memory_space<vmem>>) semaphore(%arg9 : memref<!tpu.dma_semaphore, #tpu.memory_space<semaphore_mem>>)
      } else {
      }
      %dma_wait3A_29 = arith.constant 0 : i32
      %dma_wait3A_30 = arith.constant 0 : i32
      %dma_wait3A_31 = tpu.memref_slice %arg2[%dma_wait3A_29, %dma_wait3A_30] : memref<10000x128xf32, #tpu.memory_space<hbm>> -> memref<10000x128xf32, #tpu.memory_space<hbm>>
      tpu.wait_indirect_dma semaphore(%arg10 : memref<!tpu.dma_semaphore, #tpu.memory_space<semaphore_mem>>) src(%dma_wait3A_31 : memref<10000x128xf32, #tpu.memory_space<hbm>>) dst(%arg8 : memref<128x128xf32, #tpu.memory_space<vmem>>)
      "tpu.region"() ({
        %run_scoped3A = tpu.sem_alloc : memref<!tpu.dma_semaphore, #tpu.memory_space<semaphore_mem>>
        %dma_start3A_32 = arith.constant 0 : i32
        %dma_start3A_33 = tpu.memref_slice %arg4[%add3A_17, %dma_start3A_32] : memref<81920x128xf32, #tpu.memory_space<hbm>> -> memref<128x128xf32, #tpu.memory_space<hbm>>
        %dma_start3A_34 = arith.constant 0 : i32
        %dma_start3A_35 = tpu.memref_slice %arg4[%add3A_17, %dma_start3A_34] : memref<81920x128xf32, #tpu.memory_space<hbm>> -> memref<128x128xf32, #tpu.memory_space<hbm>>
        tpu.enqueue_dma source(%arg8 : memref<128x128xf32, #tpu.memory_space<vmem>>) target(%dma_start3A_35 : memref<128x128xf32, #tpu.memory_space<hbm>>) target_semaphore(%run_scoped3A : memref<!tpu.dma_semaphore, #tpu.memory_space<semaphore_mem>>)
        %dma_wait3A_36 = arith.constant 0 : i32
        %dma_wait3A_37 = tpu.memref_slice %arg4[%add3A_17, %dma_wait3A_36] : memref<81920x128xf32, #tpu.memory_space<hbm>> -> memref<128x128xf32, #tpu.memory_space<hbm>>
        %dma_wait3A_38 = arith.constant 0 : i32
        %dma_wait3A_39 = tpu.memref_slice %arg4[%add3A_17, %dma_wait3A_38] : memref<81920x128xf32, #tpu.memory_space<hbm>> -> memref<128x128xf32, #tpu.memory_space<hbm>>
        tpu.wait_dma2 semaphore(%run_scoped3A : memref<!tpu.dma_semaphore, #tpu.memory_space<semaphore_mem>>) src(%arg8 : memref<128x128xf32, #tpu.memory_space<vmem>>) dst(%dma_wait3A_39 : memref<128x128xf32, #tpu.memory_space<hbm>>)
        tpu.yield
      }) : () -> ()
    }
    %scan3A_9 = arith.constant 10 : i32
    return
  }
}

module attributes {stable_mosaic.version = 14 : i64} {
  func.func @body(%arg0: i32, %arg1: memref<2xi32, #tpu.memory_space<smem>>, %arg2: memref<8x1024x128xf32, #tpu.memory_space<vmem>>, %arg3: memref<1024x128xf32, #tpu.memory_space<vmem>>, %arg4: memref<1024x128xf32, #tpu.memory_space<vmem>>, %arg5: memref<1024x1xi32, #tpu.memory_space<vmem>>, %arg6: memref<128x512xbf16, #tpu.memory_space<vmem>>, %arg7: memref<128x512xbf16, #tpu.memory_space<vmem>>, %arg8: memref<1x512xf32, #tpu.memory_space<vmem>>, %arg9: memref<1024x128xf32, #tpu.memory_space<vmem>>, %arg10: memref<1024x128xf32, #tpu.memory_space<vmem>>) attributes {dimension_semantics = [#tpu.dimension_semantics<arbitrary>], iteration_bounds = array<i64: 10>, scalar_prefetch = 0 : i64, scratch_operands = 0 : i64, tpu.core_type = #tpu.core_type<tc>, window_params = [{transform_indices = @transform_0, window_bounds = array<i64: 2>}, {transform_indices = @transform_1, window_bounds = array<i64: 8, 1024, 128>}, {transform_indices = @transform_2, window_bounds = array<i64: 1024, 128>}, {transform_indices = @transform_3, window_bounds = array<i64: 1024, 128>}, {transform_indices = @transform_4, window_bounds = array<i64: 1024, 1>}, {pipeline_mode = #tpu.pipeline_mode<synchronous>, transform_indices = @transform_5, window_bounds = array<i64: 128, 512>}, {pipeline_mode = #tpu.pipeline_mode<synchronous>, transform_indices = @transform_6, window_bounds = array<i64: 128, 512>}, {pipeline_mode = #tpu.pipeline_mode<synchronous>, transform_indices = @transform_7, window_bounds = array<i64: 1, 512>}, {transform_indices = @transform_8, window_bounds = array<i64: 1024, 128>}, {transform_indices = @transform_9, window_bounds = array<i64: 1024, 128>}]} {
    %get3A = arith.constant 0 : index
    %get3A_0 = memref.load %arg1[%get3A] : memref<2xi32, #tpu.memory_space<smem>>
    %get3A_1 = arith.constant 1 : index
    %get3A_2 = memref.load %arg1[%get3A_1] : memref<2xi32, #tpu.memory_space<smem>>
    %get3A_3 = arith.constant 0 : index
    %get3A_4 = arith.constant 0 : index
    %get3A_5 = vector.load %arg3[%get3A_3, %get3A_4] : memref<1024x128xf32, #tpu.memory_space<vmem>>, vector<1024x128xf32>
    %get3A_6 = arith.constant 0 : index
    %get3A_7 = arith.constant 0 : index
    %get3A_8 = vector.load %arg4[%get3A_6, %get3A_7] : memref<1024x128xf32, #tpu.memory_space<vmem>>, vector<1024x128xf32>
    %get3A_9 = arith.constant 0 : index
    %get3A_10 = arith.constant 0 : index
    %get3A_11 = vector.load %arg5[%get3A_9, %get3A_10] : memref<1024x1xi32, #tpu.memory_space<vmem>>, vector<1024x1xi32>
    %get3A_12 = arith.constant 0 : index
    %get3A_13 = arith.constant 0 : index
    %get3A_14 = vector.load %arg7[%get3A_12, %get3A_13] : memref<128x512xbf16, #tpu.memory_space<vmem>>, vector<128x512xbf16>
    %get3A_15 = arith.constant 0 : index
    %get3A_16 = arith.constant 0 : index
    %get3A_17 = vector.load %arg8[%get3A_15, %get3A_16] : memref<1x512xf32, #tpu.memory_space<vmem>>, vector<1x512xf32>
    %get3A_18 = arith.constant 0 : index
    %get3A_19 = arith.constant 0 : index
    %get3A_20 = arith.constant 0 : index
    %get3A_21 = vector.load %arg2[%get3A_18, %get3A_19, %get3A_20] : memref<8x1024x128xf32, #tpu.memory_space<vmem>>, vector<8x1024x128xf32>
    %reshape3A = vector.shape_cast %get3A_21 : vector<8x1024x128xf32> to vector<8192x128xf32>
    %convert_element_type3A = arith.truncf %reshape3A : vector<8192x128xf32> to vector<8192x128xbf16>
    %get3A_22 = arith.constant 0 : index
    %get3A_23 = arith.constant 0 : index
    %get3A_24 = vector.load %arg6[%get3A_22, %get3A_23] : memref<128x512xbf16, #tpu.memory_space<vmem>>, vector<128x512xbf16>
    %dot_general3A = arith.constant dense<0.000000e+00> : vector<8192x512xf32>
    %dot_general3A_25 = tpu.matmul %convert_element_type3A, %get3A_24, %dot_general3A {dimension_numbers = #tpu.dot_dimension_numbers<[1], [0], [0], [1], [0, 0, 1, 1], [], []>, transpose_lhs_hint = false} : vector<8192x128xbf16>, vector<128x512xbf16>, vector<8192x512xf32> -> vector<8192x512xf32>
    %slice3A = vector.extract_strided_slice %dot_general3A_25 {offsets = [0, 0], sizes = [1024, 512], strides = [1, 1]} : vector<8192x512xf32> to vector<1024x512xf32>
    %add3A = arith.constant 0 : i32
    %add3A_26 = arith.addi %get3A_0, %add3A : i32
    %lt3A = vector.broadcast %add3A_26 : i32 to vector<1024x1xi32>
    %lt3A_27 = arith.cmpi slt, %lt3A, %get3A_11 : vector<1024x1xi32>
    %jit3A = arith.constant 0.000000e+00 : f32
    %broadcast_in_dim3A = vector.shape_cast %lt3A_27 : vector<1024x1xi1> to vector<1024x1xi1>
    %broadcast_in_dim3A_28 = vector.broadcast %broadcast_in_dim3A : vector<1024x1xi1> to vector<1024x512xi1>
    %broadcast_in_dim3A_29 = vector.broadcast %jit3A : f32 to vector<1024x512xf32>
    %select_n3A = arith.select %broadcast_in_dim3A_28, %slice3A, %broadcast_in_dim3A_29 : vector<1024x512xi1>, vector<1024x512xf32>
    %convert_element_type3A_30 = arith.truncf %get3A_5 : vector<1024x128xf32> to vector<1024x128xbf16>
    %dot_general3A_31 = arith.constant dense<0.000000e+00> : vector<1024x512xf32>
    %dot_general3A_32 = tpu.matmul %convert_element_type3A_30, %get3A_14, %dot_general3A_31 {dimension_numbers = #tpu.dot_dimension_numbers<[1], [0], [0], [1], [0, 0, 1, 1], [], []>, transpose_lhs_hint = false} : vector<1024x128xbf16>, vector<128x512xbf16>, vector<1024x512xf32> -> vector<1024x512xf32>
    %add3A_33 = arith.addf %select_n3A, %dot_general3A_32 : vector<1024x512xf32>
    %add3A_34 = vector.broadcast %get3A_17 : vector<1x512xf32> to vector<1024x512xf32>
    %add3A_35 = arith.addf %add3A_33, %add3A_34 : vector<1024x512xf32>
    %slice3A_36 = vector.extract_strided_slice %add3A_35 {offsets = [0, 0], sizes = [1024, 256], strides = [1, 1]} : vector<1024x512xf32> to vector<1024x256xf32>
    %mul3A = arith.constant 5.000000e-01 : f32
    %mul3A_37 = vector.broadcast %mul3A : f32 to vector<1024x256xf32>
    %mul3A_38 = arith.mulf %mul3A_37, %slice3A_36 : vector<1024x256xf32>
    %tanh3A = math.tanh %mul3A_38 : vector<1024x256xf32>
    %mul3A_39 = arith.constant 5.000000e-01 : f32
    %mul3A_40 = vector.broadcast %mul3A_39 : f32 to vector<1024x256xf32>
    %mul3A_41 = arith.mulf %mul3A_40, %tanh3A : vector<1024x256xf32>
    %add3A_42 = arith.constant 5.000000e-01 : f32
    %add3A_43 = vector.broadcast %add3A_42 : f32 to vector<1024x256xf32>
    %add3A_44 = arith.addf %mul3A_41, %add3A_43 : vector<1024x256xf32>
    %slice3A_45 = vector.extract_strided_slice %add3A_44 {offsets = [0, 0], sizes = [1024, 128], strides = [1, 1]} : vector<1024x256xf32> to vector<1024x128xf32>
    %slice3A_46 = vector.extract_strided_slice %add3A_44 {offsets = [0, 128], sizes = [1024, 128], strides = [1, 1]} : vector<1024x256xf32> to vector<1024x128xf32>
    %slice3A_47 = vector.extract_strided_slice %add3A_35 {offsets = [0, 256], sizes = [1024, 128], strides = [1, 1]} : vector<1024x512xf32> to vector<1024x128xf32>
    %tanh3A_48 = math.tanh %slice3A_47 : vector<1024x128xf32>
    %slice3A_49 = vector.extract_strided_slice %add3A_35 {offsets = [0, 384], sizes = [1024, 128], strides = [1, 1]} : vector<1024x512xf32> to vector<1024x128xf32>
    %mul3A_50 = arith.constant 5.000000e-01 : f32
    %mul3A_51 = vector.broadcast %mul3A_50 : f32 to vector<1024x128xf32>
    %mul3A_52 = arith.mulf %mul3A_51, %slice3A_49 : vector<1024x128xf32>
    %tanh3A_53 = math.tanh %mul3A_52 : vector<1024x128xf32>
    %mul3A_54 = arith.constant 5.000000e-01 : f32
    %mul3A_55 = vector.broadcast %mul3A_54 : f32 to vector<1024x128xf32>
    %mul3A_56 = arith.mulf %mul3A_55, %tanh3A_53 : vector<1024x128xf32>
    %add3A_57 = arith.constant 5.000000e-01 : f32
    %add3A_58 = vector.broadcast %add3A_57 : f32 to vector<1024x128xf32>
    %add3A_59 = arith.addf %mul3A_56, %add3A_58 : vector<1024x128xf32>
    %mul3A_60 = arith.mulf %slice3A_46, %get3A_8 : vector<1024x128xf32>
    %mul3A_61 = arith.mulf %slice3A_45, %tanh3A_48 : vector<1024x128xf32>
    %add3A_62 = arith.addf %mul3A_60, %mul3A_61 : vector<1024x128xf32>
    %tanh3A_63 = math.tanh %add3A_62 : vector<1024x128xf32>
    %mul3A_64 = arith.mulf %add3A_59, %tanh3A_63 : vector<1024x128xf32>
    %gt3A = arith.constant 0 : i32
    %gt3A_65 = arith.cmpi sgt, %get3A_2, %gt3A : i32
    %select_n3A_66 = arith.select %gt3A_65, %mul3A_64, %get3A_5 : vector<1024x128xf32>
    %select_n3A_67 = arith.select %gt3A_65, %add3A_62, %get3A_8 : vector<1024x128xf32>
    %slice3A_68 = vector.extract_strided_slice %dot_general3A_25 {offsets = [1024, 0], sizes = [1024, 512], strides = [1, 1]} : vector<8192x512xf32> to vector<1024x512xf32>
    %add3A_69 = arith.constant 1 : i32
    %add3A_70 = arith.addi %get3A_0, %add3A_69 : i32
    %lt3A_71 = vector.broadcast %add3A_70 : i32 to vector<1024x1xi32>
    %lt3A_72 = arith.cmpi slt, %lt3A_71, %get3A_11 : vector<1024x1xi32>
    %jit3A_73 = arith.constant 0.000000e+00 : f32
    %broadcast_in_dim3A_74 = vector.shape_cast %lt3A_72 : vector<1024x1xi1> to vector<1024x1xi1>
    %broadcast_in_dim3A_75 = vector.broadcast %broadcast_in_dim3A_74 : vector<1024x1xi1> to vector<1024x512xi1>
    %broadcast_in_dim3A_76 = vector.broadcast %jit3A_73 : f32 to vector<1024x512xf32>
    %select_n3A_77 = arith.select %broadcast_in_dim3A_75, %slice3A_68, %broadcast_in_dim3A_76 : vector<1024x512xi1>, vector<1024x512xf32>
    %convert_element_type3A_78 = arith.truncf %select_n3A_66 : vector<1024x128xf32> to vector<1024x128xbf16>
    %dot_general3A_79 = arith.constant dense<0.000000e+00> : vector<1024x512xf32>
    %dot_general3A_80 = tpu.matmul %convert_element_type3A_78, %get3A_14, %dot_general3A_79 {dimension_numbers = #tpu.dot_dimension_numbers<[1], [0], [0], [1], [0, 0, 1, 1], [], []>, transpose_lhs_hint = false} : vector<1024x128xbf16>, vector<128x512xbf16>, vector<1024x512xf32> -> vector<1024x512xf32>
    %add3A_81 = arith.addf %select_n3A_77, %dot_general3A_80 : vector<1024x512xf32>
    %add3A_82 = vector.broadcast %get3A_17 : vector<1x512xf32> to vector<1024x512xf32>
    %add3A_83 = arith.addf %add3A_81, %add3A_82 : vector<1024x512xf32>
    %slice3A_84 = vector.extract_strided_slice %add3A_83 {offsets = [0, 0], sizes = [1024, 256], strides = [1, 1]} : vector<1024x512xf32> to vector<1024x256xf32>
    %mul3A_85 = arith.constant 5.000000e-01 : f32
    %mul3A_86 = vector.broadcast %mul3A_85 : f32 to vector<1024x256xf32>
    %mul3A_87 = arith.mulf %mul3A_86, %slice3A_84 : vector<1024x256xf32>
    %tanh3A_88 = math.tanh %mul3A_87 : vector<1024x256xf32>
    %mul3A_89 = arith.constant 5.000000e-01 : f32
    %mul3A_90 = vector.broadcast %mul3A_89 : f32 to vector<1024x256xf32>
    %mul3A_91 = arith.mulf %mul3A_90, %tanh3A_88 : vector<1024x256xf32>
    %add3A_92 = arith.constant 5.000000e-01 : f32
    %add3A_93 = vector.broadcast %add3A_92 : f32 to vector<1024x256xf32>
    %add3A_94 = arith.addf %mul3A_91, %add3A_93 : vector<1024x256xf32>
    %slice3A_95 = vector.extract_strided_slice %add3A_94 {offsets = [0, 0], sizes = [1024, 128], strides = [1, 1]} : vector<1024x256xf32> to vector<1024x128xf32>
    %slice3A_96 = vector.extract_strided_slice %add3A_94 {offsets = [0, 128], sizes = [1024, 128], strides = [1, 1]} : vector<1024x256xf32> to vector<1024x128xf32>
    %slice3A_97 = vector.extract_strided_slice %add3A_83 {offsets = [0, 256], sizes = [1024, 128], strides = [1, 1]} : vector<1024x512xf32> to vector<1024x128xf32>
    %tanh3A_98 = math.tanh %slice3A_97 : vector<1024x128xf32>
    %slice3A_99 = vector.extract_strided_slice %add3A_83 {offsets = [0, 384], sizes = [1024, 128], strides = [1, 1]} : vector<1024x512xf32> to vector<1024x128xf32>
    %mul3A_100 = arith.constant 5.000000e-01 : f32
    %mul3A_101 = vector.broadcast %mul3A_100 : f32 to vector<1024x128xf32>
    %mul3A_102 = arith.mulf %mul3A_101, %slice3A_99 : vector<1024x128xf32>
    %tanh3A_103 = math.tanh %mul3A_102 : vector<1024x128xf32>
    %mul3A_104 = arith.constant 5.000000e-01 : f32
    %mul3A_105 = vector.broadcast %mul3A_104 : f32 to vector<1024x128xf32>
    %mul3A_106 = arith.mulf %mul3A_105, %tanh3A_103 : vector<1024x128xf32>
    %add3A_107 = arith.constant 5.000000e-01 : f32
    %add3A_108 = vector.broadcast %add3A_107 : f32 to vector<1024x128xf32>
    %add3A_109 = arith.addf %mul3A_106, %add3A_108 : vector<1024x128xf32>
    %mul3A_110 = arith.mulf %slice3A_96, %select_n3A_67 : vector<1024x128xf32>
    %mul3A_111 = arith.mulf %slice3A_95, %tanh3A_98 : vector<1024x128xf32>
    %add3A_112 = arith.addf %mul3A_110, %mul3A_111 : vector<1024x128xf32>
    %tanh3A_113 = math.tanh %add3A_112 : vector<1024x128xf32>
    %mul3A_114 = arith.mulf %add3A_109, %tanh3A_113 : vector<1024x128xf32>
    %gt3A_115 = arith.constant 1 : i32
    %gt3A_116 = arith.cmpi sgt, %get3A_2, %gt3A_115 : i32
    %select_n3A_117 = arith.select %gt3A_116, %mul3A_114, %select_n3A_66 : vector<1024x128xf32>
    %select_n3A_118 = arith.select %gt3A_116, %add3A_112, %select_n3A_67 : vector<1024x128xf32>
    %slice3A_119 = vector.extract_strided_slice %dot_general3A_25 {offsets = [2048, 0], sizes = [1024, 512], strides = [1, 1]} : vector<8192x512xf32> to vector<1024x512xf32>
    %add3A_120 = arith.constant 2 : i32
    %add3A_121 = arith.addi %get3A_0, %add3A_120 : i32
    %lt3A_122 = vector.broadcast %add3A_121 : i32 to vector<1024x1xi32>
    %lt3A_123 = arith.cmpi slt, %lt3A_122, %get3A_11 : vector<1024x1xi32>
    %jit3A_124 = arith.constant 0.000000e+00 : f32
    %broadcast_in_dim3A_125 = vector.shape_cast %lt3A_123 : vector<1024x1xi1> to vector<1024x1xi1>
    %broadcast_in_dim3A_126 = vector.broadcast %broadcast_in_dim3A_125 : vector<1024x1xi1> to vector<1024x512xi1>
    %broadcast_in_dim3A_127 = vector.broadcast %jit3A_124 : f32 to vector<1024x512xf32>
    %select_n3A_128 = arith.select %broadcast_in_dim3A_126, %slice3A_119, %broadcast_in_dim3A_127 : vector<1024x512xi1>, vector<1024x512xf32>
    %convert_element_type3A_129 = arith.truncf %select_n3A_117 : vector<1024x128xf32> to vector<1024x128xbf16>
    %dot_general3A_130 = arith.constant dense<0.000000e+00> : vector<1024x512xf32>
    %dot_general3A_131 = tpu.matmul %convert_element_type3A_129, %get3A_14, %dot_general3A_130 {dimension_numbers = #tpu.dot_dimension_numbers<[1], [0], [0], [1], [0, 0, 1, 1], [], []>, transpose_lhs_hint = false} : vector<1024x128xbf16>, vector<128x512xbf16>, vector<1024x512xf32> -> vector<1024x512xf32>
    %add3A_132 = arith.addf %select_n3A_128, %dot_general3A_131 : vector<1024x512xf32>
    %add3A_133 = vector.broadcast %get3A_17 : vector<1x512xf32> to vector<1024x512xf32>
    %add3A_134 = arith.addf %add3A_132, %add3A_133 : vector<1024x512xf32>
    %slice3A_135 = vector.extract_strided_slice %add3A_134 {offsets = [0, 0], sizes = [1024, 256], strides = [1, 1]} : vector<1024x512xf32> to vector<1024x256xf32>
    %mul3A_136 = arith.constant 5.000000e-01 : f32
    %mul3A_137 = vector.broadcast %mul3A_136 : f32 to vector<1024x256xf32>
    %mul3A_138 = arith.mulf %mul3A_137, %slice3A_135 : vector<1024x256xf32>
    %tanh3A_139 = math.tanh %mul3A_138 : vector<1024x256xf32>
    %mul3A_140 = arith.constant 5.000000e-01 : f32
    %mul3A_141 = vector.broadcast %mul3A_140 : f32 to vector<1024x256xf32>
    %mul3A_142 = arith.mulf %mul3A_141, %tanh3A_139 : vector<1024x256xf32>
    %add3A_143 = arith.constant 5.000000e-01 : f32
    %add3A_144 = vector.broadcast %add3A_143 : f32 to vector<1024x256xf32>
    %add3A_145 = arith.addf %mul3A_142, %add3A_144 : vector<1024x256xf32>
    %slice3A_146 = vector.extract_strided_slice %add3A_145 {offsets = [0, 0], sizes = [1024, 128], strides = [1, 1]} : vector<1024x256xf32> to vector<1024x128xf32>
    %slice3A_147 = vector.extract_strided_slice %add3A_145 {offsets = [0, 128], sizes = [1024, 128], strides = [1, 1]} : vector<1024x256xf32> to vector<1024x128xf32>
    %slice3A_148 = vector.extract_strided_slice %add3A_134 {offsets = [0, 256], sizes = [1024, 128], strides = [1, 1]} : vector<1024x512xf32> to vector<1024x128xf32>
    %tanh3A_149 = math.tanh %slice3A_148 : vector<1024x128xf32>
    %slice3A_150 = vector.extract_strided_slice %add3A_134 {offsets = [0, 384], sizes = [1024, 128], strides = [1, 1]} : vector<1024x512xf32> to vector<1024x128xf32>
    %mul3A_151 = arith.constant 5.000000e-01 : f32
    %mul3A_152 = vector.broadcast %mul3A_151 : f32 to vector<1024x128xf32>
    %mul3A_153 = arith.mulf %mul3A_152, %slice3A_150 : vector<1024x128xf32>
    %tanh3A_154 = math.tanh %mul3A_153 : vector<1024x128xf32>
    %mul3A_155 = arith.constant 5.000000e-01 : f32
    %mul3A_156 = vector.broadcast %mul3A_155 : f32 to vector<1024x128xf32>
    %mul3A_157 = arith.mulf %mul3A_156, %tanh3A_154 : vector<1024x128xf32>
    %add3A_158 = arith.constant 5.000000e-01 : f32
    %add3A_159 = vector.broadcast %add3A_158 : f32 to vector<1024x128xf32>
    %add3A_160 = arith.addf %mul3A_157, %add3A_159 : vector<1024x128xf32>
    %mul3A_161 = arith.mulf %slice3A_147, %select_n3A_118 : vector<1024x128xf32>
    %mul3A_162 = arith.mulf %slice3A_146, %tanh3A_149 : vector<1024x128xf32>
    %add3A_163 = arith.addf %mul3A_161, %mul3A_162 : vector<1024x128xf32>
    %tanh3A_164 = math.tanh %add3A_163 : vector<1024x128xf32>
    %mul3A_165 = arith.mulf %add3A_160, %tanh3A_164 : vector<1024x128xf32>
    %gt3A_166 = arith.constant 2 : i32
    %gt3A_167 = arith.cmpi sgt, %get3A_2, %gt3A_166 : i32
    %select_n3A_168 = arith.select %gt3A_167, %mul3A_165, %select_n3A_117 : vector<1024x128xf32>
    %select_n3A_169 = arith.select %gt3A_167, %add3A_163, %select_n3A_118 : vector<1024x128xf32>
    %slice3A_170 = vector.extract_strided_slice %dot_general3A_25 {offsets = [3072, 0], sizes = [1024, 512], strides = [1, 1]} : vector<8192x512xf32> to vector<1024x512xf32>
    %add3A_171 = arith.constant 3 : i32
    %add3A_172 = arith.addi %get3A_0, %add3A_171 : i32
    %lt3A_173 = vector.broadcast %add3A_172 : i32 to vector<1024x1xi32>
    %lt3A_174 = arith.cmpi slt, %lt3A_173, %get3A_11 : vector<1024x1xi32>
    %jit3A_175 = arith.constant 0.000000e+00 : f32
    %broadcast_in_dim3A_176 = vector.shape_cast %lt3A_174 : vector<1024x1xi1> to vector<1024x1xi1>
    %broadcast_in_dim3A_177 = vector.broadcast %broadcast_in_dim3A_176 : vector<1024x1xi1> to vector<1024x512xi1>
    %broadcast_in_dim3A_178 = vector.broadcast %jit3A_175 : f32 to vector<1024x512xf32>
    %select_n3A_179 = arith.select %broadcast_in_dim3A_177, %slice3A_170, %broadcast_in_dim3A_178 : vector<1024x512xi1>, vector<1024x512xf32>
    %convert_element_type3A_180 = arith.truncf %select_n3A_168 : vector<1024x128xf32> to vector<1024x128xbf16>
    %dot_general3A_181 = arith.constant dense<0.000000e+00> : vector<1024x512xf32>
    %dot_general3A_182 = tpu.matmul %convert_element_type3A_180, %get3A_14, %dot_general3A_181 {dimension_numbers = #tpu.dot_dimension_numbers<[1], [0], [0], [1], [0, 0, 1, 1], [], []>, transpose_lhs_hint = false} : vector<1024x128xbf16>, vector<128x512xbf16>, vector<1024x512xf32> -> vector<1024x512xf32>
    %add3A_183 = arith.addf %select_n3A_179, %dot_general3A_182 : vector<1024x512xf32>
    %add3A_184 = vector.broadcast %get3A_17 : vector<1x512xf32> to vector<1024x512xf32>
    %add3A_185 = arith.addf %add3A_183, %add3A_184 : vector<1024x512xf32>
    %slice3A_186 = vector.extract_strided_slice %add3A_185 {offsets = [0, 0], sizes = [1024, 256], strides = [1, 1]} : vector<1024x512xf32> to vector<1024x256xf32>
    %mul3A_187 = arith.constant 5.000000e-01 : f32
    %mul3A_188 = vector.broadcast %mul3A_187 : f32 to vector<1024x256xf32>
    %mul3A_189 = arith.mulf %mul3A_188, %slice3A_186 : vector<1024x256xf32>
    %tanh3A_190 = math.tanh %mul3A_189 : vector<1024x256xf32>
    %mul3A_191 = arith.constant 5.000000e-01 : f32
    %mul3A_192 = vector.broadcast %mul3A_191 : f32 to vector<1024x256xf32>
    %mul3A_193 = arith.mulf %mul3A_192, %tanh3A_190 : vector<1024x256xf32>
    %add3A_194 = arith.constant 5.000000e-01 : f32
    %add3A_195 = vector.broadcast %add3A_194 : f32 to vector<1024x256xf32>
    %add3A_196 = arith.addf %mul3A_193, %add3A_195 : vector<1024x256xf32>
    %slice3A_197 = vector.extract_strided_slice %add3A_196 {offsets = [0, 0], sizes = [1024, 128], strides = [1, 1]} : vector<1024x256xf32> to vector<1024x128xf32>
    %slice3A_198 = vector.extract_strided_slice %add3A_196 {offsets = [0, 128], sizes = [1024, 128], strides = [1, 1]} : vector<1024x256xf32> to vector<1024x128xf32>
    %slice3A_199 = vector.extract_strided_slice %add3A_185 {offsets = [0, 256], sizes = [1024, 128], strides = [1, 1]} : vector<1024x512xf32> to vector<1024x128xf32>
    %tanh3A_200 = math.tanh %slice3A_199 : vector<1024x128xf32>
    %slice3A_201 = vector.extract_strided_slice %add3A_185 {offsets = [0, 384], sizes = [1024, 128], strides = [1, 1]} : vector<1024x512xf32> to vector<1024x128xf32>
    %mul3A_202 = arith.constant 5.000000e-01 : f32
    %mul3A_203 = vector.broadcast %mul3A_202 : f32 to vector<1024x128xf32>
    %mul3A_204 = arith.mulf %mul3A_203, %slice3A_201 : vector<1024x128xf32>
    %tanh3A_205 = math.tanh %mul3A_204 : vector<1024x128xf32>
    %mul3A_206 = arith.constant 5.000000e-01 : f32
    %mul3A_207 = vector.broadcast %mul3A_206 : f32 to vector<1024x128xf32>
    %mul3A_208 = arith.mulf %mul3A_207, %tanh3A_205 : vector<1024x128xf32>
    %add3A_209 = arith.constant 5.000000e-01 : f32
    %add3A_210 = vector.broadcast %add3A_209 : f32 to vector<1024x128xf32>
    %add3A_211 = arith.addf %mul3A_208, %add3A_210 : vector<1024x128xf32>
    %mul3A_212 = arith.mulf %slice3A_198, %select_n3A_169 : vector<1024x128xf32>
    %mul3A_213 = arith.mulf %slice3A_197, %tanh3A_200 : vector<1024x128xf32>
    %add3A_214 = arith.addf %mul3A_212, %mul3A_213 : vector<1024x128xf32>
    %tanh3A_215 = math.tanh %add3A_214 : vector<1024x128xf32>
    %mul3A_216 = arith.mulf %add3A_211, %tanh3A_215 : vector<1024x128xf32>
    %gt3A_217 = arith.constant 3 : i32
    %gt3A_218 = arith.cmpi sgt, %get3A_2, %gt3A_217 : i32
    %select_n3A_219 = arith.select %gt3A_218, %mul3A_216, %select_n3A_168 : vector<1024x128xf32>
    %select_n3A_220 = arith.select %gt3A_218, %add3A_214, %select_n3A_169 : vector<1024x128xf32>
    %slice3A_221 = vector.extract_strided_slice %dot_general3A_25 {offsets = [4096, 0], sizes = [1024, 512], strides = [1, 1]} : vector<8192x512xf32> to vector<1024x512xf32>
    %add3A_222 = arith.constant 4 : i32
    %add3A_223 = arith.addi %get3A_0, %add3A_222 : i32
    %lt3A_224 = vector.broadcast %add3A_223 : i32 to vector<1024x1xi32>
    %lt3A_225 = arith.cmpi slt, %lt3A_224, %get3A_11 : vector<1024x1xi32>
    %jit3A_226 = arith.constant 0.000000e+00 : f32
    %broadcast_in_dim3A_227 = vector.shape_cast %lt3A_225 : vector<1024x1xi1> to vector<1024x1xi1>
    %broadcast_in_dim3A_228 = vector.broadcast %broadcast_in_dim3A_227 : vector<1024x1xi1> to vector<1024x512xi1>
    %broadcast_in_dim3A_229 = vector.broadcast %jit3A_226 : f32 to vector<1024x512xf32>
    %select_n3A_230 = arith.select %broadcast_in_dim3A_228, %slice3A_221, %broadcast_in_dim3A_229 : vector<1024x512xi1>, vector<1024x512xf32>
    %convert_element_type3A_231 = arith.truncf %select_n3A_219 : vector<1024x128xf32> to vector<1024x128xbf16>
    %dot_general3A_232 = arith.constant dense<0.000000e+00> : vector<1024x512xf32>
    %dot_general3A_233 = tpu.matmul %convert_element_type3A_231, %get3A_14, %dot_general3A_232 {dimension_numbers = #tpu.dot_dimension_numbers<[1], [0], [0], [1], [0, 0, 1, 1], [], []>, transpose_lhs_hint = false} : vector<1024x128xbf16>, vector<128x512xbf16>, vector<1024x512xf32> -> vector<1024x512xf32>
    %add3A_234 = arith.addf %select_n3A_230, %dot_general3A_233 : vector<1024x512xf32>
    %add3A_235 = vector.broadcast %get3A_17 : vector<1x512xf32> to vector<1024x512xf32>
    %add3A_236 = arith.addf %add3A_234, %add3A_235 : vector<1024x512xf32>
    %slice3A_237 = vector.extract_strided_slice %add3A_236 {offsets = [0, 0], sizes = [1024, 256], strides = [1, 1]} : vector<1024x512xf32> to vector<1024x256xf32>
    %mul3A_238 = arith.constant 5.000000e-01 : f32
    %mul3A_239 = vector.broadcast %mul3A_238 : f32 to vector<1024x256xf32>
    %mul3A_240 = arith.mulf %mul3A_239, %slice3A_237 : vector<1024x256xf32>
    %tanh3A_241 = math.tanh %mul3A_240 : vector<1024x256xf32>
    %mul3A_242 = arith.constant 5.000000e-01 : f32
    %mul3A_243 = vector.broadcast %mul3A_242 : f32 to vector<1024x256xf32>
    %mul3A_244 = arith.mulf %mul3A_243, %tanh3A_241 : vector<1024x256xf32>
    %add3A_245 = arith.constant 5.000000e-01 : f32
    %add3A_246 = vector.broadcast %add3A_245 : f32 to vector<1024x256xf32>
    %add3A_247 = arith.addf %mul3A_244, %add3A_246 : vector<1024x256xf32>
    %slice3A_248 = vector.extract_strided_slice %add3A_247 {offsets = [0, 0], sizes = [1024, 128], strides = [1, 1]} : vector<1024x256xf32> to vector<1024x128xf32>
    %slice3A_249 = vector.extract_strided_slice %add3A_247 {offsets = [0, 128], sizes = [1024, 128], strides = [1, 1]} : vector<1024x256xf32> to vector<1024x128xf32>
    %slice3A_250 = vector.extract_strided_slice %add3A_236 {offsets = [0, 256], sizes = [1024, 128], strides = [1, 1]} : vector<1024x512xf32> to vector<1024x128xf32>
    %tanh3A_251 = math.tanh %slice3A_250 : vector<1024x128xf32>
    %slice3A_252 = vector.extract_strided_slice %add3A_236 {offsets = [0, 384], sizes = [1024, 128], strides = [1, 1]} : vector<1024x512xf32> to vector<1024x128xf32>
    %mul3A_253 = arith.constant 5.000000e-01 : f32
    %mul3A_254 = vector.broadcast %mul3A_253 : f32 to vector<1024x128xf32>
    %mul3A_255 = arith.mulf %mul3A_254, %slice3A_252 : vector<1024x128xf32>
    %tanh3A_256 = math.tanh %mul3A_255 : vector<1024x128xf32>
    %mul3A_257 = arith.constant 5.000000e-01 : f32
    %mul3A_258 = vector.broadcast %mul3A_257 : f32 to vector<1024x128xf32>
    %mul3A_259 = arith.mulf %mul3A_258, %tanh3A_256 : vector<1024x128xf32>
    %add3A_260 = arith.constant 5.000000e-01 : f32
    %add3A_261 = vector.broadcast %add3A_260 : f32 to vector<1024x128xf32>
    %add3A_262 = arith.addf %mul3A_259, %add3A_261 : vector<1024x128xf32>
    %mul3A_263 = arith.mulf %slice3A_249, %select_n3A_220 : vector<1024x128xf32>
    %mul3A_264 = arith.mulf %slice3A_248, %tanh3A_251 : vector<1024x128xf32>
    %add3A_265 = arith.addf %mul3A_263, %mul3A_264 : vector<1024x128xf32>
    %tanh3A_266 = math.tanh %add3A_265 : vector<1024x128xf32>
    %mul3A_267 = arith.mulf %add3A_262, %tanh3A_266 : vector<1024x128xf32>
    %gt3A_268 = arith.constant 4 : i32
    %gt3A_269 = arith.cmpi sgt, %get3A_2, %gt3A_268 : i32
    %select_n3A_270 = arith.select %gt3A_269, %mul3A_267, %select_n3A_219 : vector<1024x128xf32>
    %select_n3A_271 = arith.select %gt3A_269, %add3A_265, %select_n3A_220 : vector<1024x128xf32>
    %slice3A_272 = vector.extract_strided_slice %dot_general3A_25 {offsets = [5120, 0], sizes = [1024, 512], strides = [1, 1]} : vector<8192x512xf32> to vector<1024x512xf32>
    %add3A_273 = arith.constant 5 : i32
    %add3A_274 = arith.addi %get3A_0, %add3A_273 : i32
    %lt3A_275 = vector.broadcast %add3A_274 : i32 to vector<1024x1xi32>
    %lt3A_276 = arith.cmpi slt, %lt3A_275, %get3A_11 : vector<1024x1xi32>
    %jit3A_277 = arith.constant 0.000000e+00 : f32
    %broadcast_in_dim3A_278 = vector.shape_cast %lt3A_276 : vector<1024x1xi1> to vector<1024x1xi1>
    %broadcast_in_dim3A_279 = vector.broadcast %broadcast_in_dim3A_278 : vector<1024x1xi1> to vector<1024x512xi1>
    %broadcast_in_dim3A_280 = vector.broadcast %jit3A_277 : f32 to vector<1024x512xf32>
    %select_n3A_281 = arith.select %broadcast_in_dim3A_279, %slice3A_272, %broadcast_in_dim3A_280 : vector<1024x512xi1>, vector<1024x512xf32>
    %convert_element_type3A_282 = arith.truncf %select_n3A_270 : vector<1024x128xf32> to vector<1024x128xbf16>
    %dot_general3A_283 = arith.constant dense<0.000000e+00> : vector<1024x512xf32>
    %dot_general3A_284 = tpu.matmul %convert_element_type3A_282, %get3A_14, %dot_general3A_283 {dimension_numbers = #tpu.dot_dimension_numbers<[1], [0], [0], [1], [0, 0, 1, 1], [], []>, transpose_lhs_hint = false} : vector<1024x128xbf16>, vector<128x512xbf16>, vector<1024x512xf32> -> vector<1024x512xf32>
    %add3A_285 = arith.addf %select_n3A_281, %dot_general3A_284 : vector<1024x512xf32>
    %add3A_286 = vector.broadcast %get3A_17 : vector<1x512xf32> to vector<1024x512xf32>
    %add3A_287 = arith.addf %add3A_285, %add3A_286 : vector<1024x512xf32>
    %slice3A_288 = vector.extract_strided_slice %add3A_287 {offsets = [0, 0], sizes = [1024, 256], strides = [1, 1]} : vector<1024x512xf32> to vector<1024x256xf32>
    %mul3A_289 = arith.constant 5.000000e-01 : f32
    %mul3A_290 = vector.broadcast %mul3A_289 : f32 to vector<1024x256xf32>
    %mul3A_291 = arith.mulf %mul3A_290, %slice3A_288 : vector<1024x256xf32>
    %tanh3A_292 = math.tanh %mul3A_291 : vector<1024x256xf32>
    %mul3A_293 = arith.constant 5.000000e-01 : f32
    %mul3A_294 = vector.broadcast %mul3A_293 : f32 to vector<1024x256xf32>
    %mul3A_295 = arith.mulf %mul3A_294, %tanh3A_292 : vector<1024x256xf32>
    %add3A_296 = arith.constant 5.000000e-01 : f32
    %add3A_297 = vector.broadcast %add3A_296 : f32 to vector<1024x256xf32>
    %add3A_298 = arith.addf %mul3A_295, %add3A_297 : vector<1024x256xf32>
    %slice3A_299 = vector.extract_strided_slice %add3A_298 {offsets = [0, 0], sizes = [1024, 128], strides = [1, 1]} : vector<1024x256xf32> to vector<1024x128xf32>
    %slice3A_300 = vector.extract_strided_slice %add3A_298 {offsets = [0, 128], sizes = [1024, 128], strides = [1, 1]} : vector<1024x256xf32> to vector<1024x128xf32>
    %slice3A_301 = vector.extract_strided_slice %add3A_287 {offsets = [0, 256], sizes = [1024, 128], strides = [1, 1]} : vector<1024x512xf32> to vector<1024x128xf32>
    %tanh3A_302 = math.tanh %slice3A_301 : vector<1024x128xf32>
    %slice3A_303 = vector.extract_strided_slice %add3A_287 {offsets = [0, 384], sizes = [1024, 128], strides = [1, 1]} : vector<1024x512xf32> to vector<1024x128xf32>
    %mul3A_304 = arith.constant 5.000000e-01 : f32
    %mul3A_305 = vector.broadcast %mul3A_304 : f32 to vector<1024x128xf32>
    %mul3A_306 = arith.mulf %mul3A_305, %slice3A_303 : vector<1024x128xf32>
    %tanh3A_307 = math.tanh %mul3A_306 : vector<1024x128xf32>
    %mul3A_308 = arith.constant 5.000000e-01 : f32
    %mul3A_309 = vector.broadcast %mul3A_308 : f32 to vector<1024x128xf32>
    %mul3A_310 = arith.mulf %mul3A_309, %tanh3A_307 : vector<1024x128xf32>
    %add3A_311 = arith.constant 5.000000e-01 : f32
    %add3A_312 = vector.broadcast %add3A_311 : f32 to vector<1024x128xf32>
    %add3A_313 = arith.addf %mul3A_310, %add3A_312 : vector<1024x128xf32>
    %mul3A_314 = arith.mulf %slice3A_300, %select_n3A_271 : vector<1024x128xf32>
    %mul3A_315 = arith.mulf %slice3A_299, %tanh3A_302 : vector<1024x128xf32>
    %add3A_316 = arith.addf %mul3A_314, %mul3A_315 : vector<1024x128xf32>
    %tanh3A_317 = math.tanh %add3A_316 : vector<1024x128xf32>
    %mul3A_318 = arith.mulf %add3A_313, %tanh3A_317 : vector<1024x128xf32>
    %gt3A_319 = arith.constant 5 : i32
    %gt3A_320 = arith.cmpi sgt, %get3A_2, %gt3A_319 : i32
    %select_n3A_321 = arith.select %gt3A_320, %mul3A_318, %select_n3A_270 : vector<1024x128xf32>
    %select_n3A_322 = arith.select %gt3A_320, %add3A_316, %select_n3A_271 : vector<1024x128xf32>
    %slice3A_323 = vector.extract_strided_slice %dot_general3A_25 {offsets = [6144, 0], sizes = [1024, 512], strides = [1, 1]} : vector<8192x512xf32> to vector<1024x512xf32>
    %add3A_324 = arith.constant 6 : i32
    %add3A_325 = arith.addi %get3A_0, %add3A_324 : i32
    %lt3A_326 = vector.broadcast %add3A_325 : i32 to vector<1024x1xi32>
    %lt3A_327 = arith.cmpi slt, %lt3A_326, %get3A_11 : vector<1024x1xi32>
    %jit3A_328 = arith.constant 0.000000e+00 : f32
    %broadcast_in_dim3A_329 = vector.shape_cast %lt3A_327 : vector<1024x1xi1> to vector<1024x1xi1>
    %broadcast_in_dim3A_330 = vector.broadcast %broadcast_in_dim3A_329 : vector<1024x1xi1> to vector<1024x512xi1>
    %broadcast_in_dim3A_331 = vector.broadcast %jit3A_328 : f32 to vector<1024x512xf32>
    %select_n3A_332 = arith.select %broadcast_in_dim3A_330, %slice3A_323, %broadcast_in_dim3A_331 : vector<1024x512xi1>, vector<1024x512xf32>
    %convert_element_type3A_333 = arith.truncf %select_n3A_321 : vector<1024x128xf32> to vector<1024x128xbf16>
    %dot_general3A_334 = arith.constant dense<0.000000e+00> : vector<1024x512xf32>
    %dot_general3A_335 = tpu.matmul %convert_element_type3A_333, %get3A_14, %dot_general3A_334 {dimension_numbers = #tpu.dot_dimension_numbers<[1], [0], [0], [1], [0, 0, 1, 1], [], []>, transpose_lhs_hint = false} : vector<1024x128xbf16>, vector<128x512xbf16>, vector<1024x512xf32> -> vector<1024x512xf32>
    %add3A_336 = arith.addf %select_n3A_332, %dot_general3A_335 : vector<1024x512xf32>
    %add3A_337 = vector.broadcast %get3A_17 : vector<1x512xf32> to vector<1024x512xf32>
    %add3A_338 = arith.addf %add3A_336, %add3A_337 : vector<1024x512xf32>
    %slice3A_339 = vector.extract_strided_slice %add3A_338 {offsets = [0, 0], sizes = [1024, 256], strides = [1, 1]} : vector<1024x512xf32> to vector<1024x256xf32>
    %mul3A_340 = arith.constant 5.000000e-01 : f32
    %mul3A_341 = vector.broadcast %mul3A_340 : f32 to vector<1024x256xf32>
    %mul3A_342 = arith.mulf %mul3A_341, %slice3A_339 : vector<1024x256xf32>
    %tanh3A_343 = math.tanh %mul3A_342 : vector<1024x256xf32>
    %mul3A_344 = arith.constant 5.000000e-01 : f32
    %mul3A_345 = vector.broadcast %mul3A_344 : f32 to vector<1024x256xf32>
    %mul3A_346 = arith.mulf %mul3A_345, %tanh3A_343 : vector<1024x256xf32>
    %add3A_347 = arith.constant 5.000000e-01 : f32
    %add3A_348 = vector.broadcast %add3A_347 : f32 to vector<1024x256xf32>
    %add3A_349 = arith.addf %mul3A_346, %add3A_348 : vector<1024x256xf32>
    %slice3A_350 = vector.extract_strided_slice %add3A_349 {offsets = [0, 0], sizes = [1024, 128], strides = [1, 1]} : vector<1024x256xf32> to vector<1024x128xf32>
    %slice3A_351 = vector.extract_strided_slice %add3A_349 {offsets = [0, 128], sizes = [1024, 128], strides = [1, 1]} : vector<1024x256xf32> to vector<1024x128xf32>
    %slice3A_352 = vector.extract_strided_slice %add3A_338 {offsets = [0, 256], sizes = [1024, 128], strides = [1, 1]} : vector<1024x512xf32> to vector<1024x128xf32>
    %tanh3A_353 = math.tanh %slice3A_352 : vector<1024x128xf32>
    %slice3A_354 = vector.extract_strided_slice %add3A_338 {offsets = [0, 384], sizes = [1024, 128], strides = [1, 1]} : vector<1024x512xf32> to vector<1024x128xf32>
    %mul3A_355 = arith.constant 5.000000e-01 : f32
    %mul3A_356 = vector.broadcast %mul3A_355 : f32 to vector<1024x128xf32>
    %mul3A_357 = arith.mulf %mul3A_356, %slice3A_354 : vector<1024x128xf32>
    %tanh3A_358 = math.tanh %mul3A_357 : vector<1024x128xf32>
    %mul3A_359 = arith.constant 5.000000e-01 : f32
    %mul3A_360 = vector.broadcast %mul3A_359 : f32 to vector<1024x128xf32>
    %mul3A_361 = arith.mulf %mul3A_360, %tanh3A_358 : vector<1024x128xf32>
    %add3A_362 = arith.constant 5.000000e-01 : f32
    %add3A_363 = vector.broadcast %add3A_362 : f32 to vector<1024x128xf32>
    %add3A_364 = arith.addf %mul3A_361, %add3A_363 : vector<1024x128xf32>
    %mul3A_365 = arith.mulf %slice3A_351, %select_n3A_322 : vector<1024x128xf32>
    %mul3A_366 = arith.mulf %slice3A_350, %tanh3A_353 : vector<1024x128xf32>
    %add3A_367 = arith.addf %mul3A_365, %mul3A_366 : vector<1024x128xf32>
    %tanh3A_368 = math.tanh %add3A_367 : vector<1024x128xf32>
    %mul3A_369 = arith.mulf %add3A_364, %tanh3A_368 : vector<1024x128xf32>
    %gt3A_370 = arith.constant 6 : i32
    %gt3A_371 = arith.cmpi sgt, %get3A_2, %gt3A_370 : i32
    %select_n3A_372 = arith.select %gt3A_371, %mul3A_369, %select_n3A_321 : vector<1024x128xf32>
    %select_n3A_373 = arith.select %gt3A_371, %add3A_367, %select_n3A_322 : vector<1024x128xf32>
    %slice3A_374 = vector.extract_strided_slice %dot_general3A_25 {offsets = [7168, 0], sizes = [1024, 512], strides = [1, 1]} : vector<8192x512xf32> to vector<1024x512xf32>
    %add3A_375 = arith.constant 7 : i32
    %add3A_376 = arith.addi %get3A_0, %add3A_375 : i32
    %lt3A_377 = vector.broadcast %add3A_376 : i32 to vector<1024x1xi32>
    %lt3A_378 = arith.cmpi slt, %lt3A_377, %get3A_11 : vector<1024x1xi32>
    %jit3A_379 = arith.constant 0.000000e+00 : f32
    %broadcast_in_dim3A_380 = vector.shape_cast %lt3A_378 : vector<1024x1xi1> to vector<1024x1xi1>
    %broadcast_in_dim3A_381 = vector.broadcast %broadcast_in_dim3A_380 : vector<1024x1xi1> to vector<1024x512xi1>
    %broadcast_in_dim3A_382 = vector.broadcast %jit3A_379 : f32 to vector<1024x512xf32>
    %select_n3A_383 = arith.select %broadcast_in_dim3A_381, %slice3A_374, %broadcast_in_dim3A_382 : vector<1024x512xi1>, vector<1024x512xf32>
    %convert_element_type3A_384 = arith.truncf %select_n3A_372 : vector<1024x128xf32> to vector<1024x128xbf16>
    %dot_general3A_385 = arith.constant dense<0.000000e+00> : vector<1024x512xf32>
    %dot_general3A_386 = tpu.matmul %convert_element_type3A_384, %get3A_14, %dot_general3A_385 {dimension_numbers = #tpu.dot_dimension_numbers<[1], [0], [0], [1], [0, 0, 1, 1], [], []>, transpose_lhs_hint = false} : vector<1024x128xbf16>, vector<128x512xbf16>, vector<1024x512xf32> -> vector<1024x512xf32>
    %add3A_387 = arith.addf %select_n3A_383, %dot_general3A_386 : vector<1024x512xf32>
    %add3A_388 = vector.broadcast %get3A_17 : vector<1x512xf32> to vector<1024x512xf32>
    %add3A_389 = arith.addf %add3A_387, %add3A_388 : vector<1024x512xf32>
    %slice3A_390 = vector.extract_strided_slice %add3A_389 {offsets = [0, 0], sizes = [1024, 256], strides = [1, 1]} : vector<1024x512xf32> to vector<1024x256xf32>
    %mul3A_391 = arith.constant 5.000000e-01 : f32
    %mul3A_392 = vector.broadcast %mul3A_391 : f32 to vector<1024x256xf32>
    %mul3A_393 = arith.mulf %mul3A_392, %slice3A_390 : vector<1024x256xf32>
    %tanh3A_394 = math.tanh %mul3A_393 : vector<1024x256xf32>
    %mul3A_395 = arith.constant 5.000000e-01 : f32
    %mul3A_396 = vector.broadcast %mul3A_395 : f32 to vector<1024x256xf32>
    %mul3A_397 = arith.mulf %mul3A_396, %tanh3A_394 : vector<1024x256xf32>
    %add3A_398 = arith.constant 5.000000e-01 : f32
    %add3A_399 = vector.broadcast %add3A_398 : f32 to vector<1024x256xf32>
    %add3A_400 = arith.addf %mul3A_397, %add3A_399 : vector<1024x256xf32>
    %slice3A_401 = vector.extract_strided_slice %add3A_400 {offsets = [0, 0], sizes = [1024, 128], strides = [1, 1]} : vector<1024x256xf32> to vector<1024x128xf32>
    %slice3A_402 = vector.extract_strided_slice %add3A_400 {offsets = [0, 128], sizes = [1024, 128], strides = [1, 1]} : vector<1024x256xf32> to vector<1024x128xf32>
    %slice3A_403 = vector.extract_strided_slice %add3A_389 {offsets = [0, 256], sizes = [1024, 128], strides = [1, 1]} : vector<1024x512xf32> to vector<1024x128xf32>
    %tanh3A_404 = math.tanh %slice3A_403 : vector<1024x128xf32>
    %slice3A_405 = vector.extract_strided_slice %add3A_389 {offsets = [0, 384], sizes = [1024, 128], strides = [1, 1]} : vector<1024x512xf32> to vector<1024x128xf32>
    %mul3A_406 = arith.constant 5.000000e-01 : f32
    %mul3A_407 = vector.broadcast %mul3A_406 : f32 to vector<1024x128xf32>
    %mul3A_408 = arith.mulf %mul3A_407, %slice3A_405 : vector<1024x128xf32>
    %tanh3A_409 = math.tanh %mul3A_408 : vector<1024x128xf32>
    %mul3A_410 = arith.constant 5.000000e-01 : f32
    %mul3A_411 = vector.broadcast %mul3A_410 : f32 to vector<1024x128xf32>
    %mul3A_412 = arith.mulf %mul3A_411, %tanh3A_409 : vector<1024x128xf32>
    %add3A_413 = arith.constant 5.000000e-01 : f32
    %add3A_414 = vector.broadcast %add3A_413 : f32 to vector<1024x128xf32>
    %add3A_415 = arith.addf %mul3A_412, %add3A_414 : vector<1024x128xf32>
    %mul3A_416 = arith.mulf %slice3A_402, %select_n3A_373 : vector<1024x128xf32>
    %mul3A_417 = arith.mulf %slice3A_401, %tanh3A_404 : vector<1024x128xf32>
    %add3A_418 = arith.addf %mul3A_416, %mul3A_417 : vector<1024x128xf32>
    %tanh3A_419 = math.tanh %add3A_418 : vector<1024x128xf32>
    %mul3A_420 = arith.mulf %add3A_415, %tanh3A_419 : vector<1024x128xf32>
    %gt3A_421 = arith.constant 7 : i32
    %gt3A_422 = arith.cmpi sgt, %get3A_2, %gt3A_421 : i32
    %select_n3A_423 = arith.select %gt3A_422, %mul3A_420, %select_n3A_372 : vector<1024x128xf32>
    %select_n3A_424 = arith.select %gt3A_422, %add3A_418, %select_n3A_373 : vector<1024x128xf32>
    %swap3A = arith.constant 0 : index
    %swap3A_425 = arith.constant 0 : index
    %swap3A_426 = vector.load %arg9[%swap3A, %swap3A_425] : memref<1024x128xf32, #tpu.memory_space<vmem>>, vector<1024x128xf32>
    tpu.vector_store %arg9[%swap3A, %swap3A_425], %select_n3A_423 {strides = array<i32>} : memref<1024x128xf32, #tpu.memory_space<vmem>>, vector<1024x128xf32>,
    %swap3A_427 = arith.constant 0 : index
    %swap3A_428 = arith.constant 0 : index
    %swap3A_429 = vector.load %arg10[%swap3A_427, %swap3A_428] : memref<1024x128xf32, #tpu.memory_space<vmem>>, vector<1024x128xf32>
    tpu.vector_store %arg10[%swap3A_427, %swap3A_428], %select_n3A_424 {strides = array<i32>} : memref<1024x128xf32, #tpu.memory_space<vmem>>, vector<1024x128xf32>,
    return
  }
  func.func @transform_0(%arg0: i32) -> i32 {
    %c0_i32 = arith.constant 0 : i32
    %c0_i32_0 = arith.constant 0 : i32
    return %c0_i32 : i32
  }
  func.func @transform_1(%arg0: i32) -> (i32, i32, i32) {
    %c0_i32 = arith.constant 0 : i32
    %c0_i32_0 = arith.constant 0 : i32
    %c0_i32_1 = arith.constant 0 : i32
    return %c0_i32, %arg0, %c0_i32_0 : i32, i32, i32
  }
  func.func @transform_2(%arg0: i32) -> (i32, i32) {
    %c0_i32 = arith.constant 0 : i32
    %c0_i32_0 = arith.constant 0 : i32
    return %arg0, %c0_i32 : i32, i32
  }
  func.func @transform_3(%arg0: i32) -> (i32, i32) {
    %c0_i32 = arith.constant 0 : i32
    %c0_i32_0 = arith.constant 0 : i32
    return %arg0, %c0_i32 : i32, i32
  }
  func.func @transform_4(%arg0: i32) -> (i32, i32) {
    %c0_i32 = arith.constant 0 : i32
    %c0_i32_0 = arith.constant 0 : i32
    return %arg0, %c0_i32 : i32, i32
  }
  func.func @transform_5(%arg0: i32) -> (i32, i32) {
    %c0_i32 = arith.constant 0 : i32
    %c0_i32_0 = arith.constant 0 : i32
    %c0_i32_1 = arith.constant 0 : i32
    return %c0_i32, %c0_i32_0 : i32, i32
  }
  func.func @transform_6(%arg0: i32) -> (i32, i32) {
    %c0_i32 = arith.constant 0 : i32
    %c0_i32_0 = arith.constant 0 : i32
    %c0_i32_1 = arith.constant 0 : i32
    return %c0_i32, %c0_i32_0 : i32, i32
  }
  func.func @transform_7(%arg0: i32) -> (i32, i32) {
    %c0_i32 = arith.constant 0 : i32
    %c0_i32_0 = arith.constant 0 : i32
    %c0_i32_1 = arith.constant 0 : i32
    return %c0_i32, %c0_i32_0 : i32, i32
  }
  func.func @transform_8(%arg0: i32) -> (i32, i32) {
    %c0_i32 = arith.constant 0 : i32
    %c0_i32_0 = arith.constant 0 : i32
    return %arg0, %c0_i32 : i32, i32
  }
  func.func @transform_9(%arg0: i32) -> (i32, i32) {
    %c0_i32 = arith.constant 0 : i32
    %c0_i32_0 = arith.constant 0 : i32
    return %arg0, %c0_i32 : i32, i32
  }
}

module attributes {stable_mosaic.version = 14 : i64} {
  func.func @body(%arg0: i32, %arg1: memref<2xi32, #tpu.memory_space<smem>>, %arg2: memref<8x1024x128xf32, #tpu.memory_space<vmem>>, %arg3: memref<1024x128xf32, #tpu.memory_space<vmem>>, %arg4: memref<1024x128xf32, #tpu.memory_space<vmem>>, %arg5: memref<1024x1xi32, #tpu.memory_space<vmem>>, %arg6: memref<128x512xbf16, #tpu.memory_space<vmem>>, %arg7: memref<128x512xbf16, #tpu.memory_space<vmem>>, %arg8: memref<1x512xf32, #tpu.memory_space<vmem>>, %arg9: memref<1024x128xf32, #tpu.memory_space<vmem>>, %arg10: memref<1024x128xf32, #tpu.memory_space<vmem>>) attributes {dimension_semantics = [#tpu.dimension_semantics<arbitrary>], iteration_bounds = array<i64: 10>, scalar_prefetch = 0 : i64, scratch_operands = 0 : i64, tpu.core_type = #tpu.core_type<tc>, window_params = [{transform_indices = @transform_0, window_bounds = array<i64: 2>}, {transform_indices = @transform_1, window_bounds = array<i64: 8, 1024, 128>}, {transform_indices = @transform_2, window_bounds = array<i64: 1024, 128>}, {transform_indices = @transform_3, window_bounds = array<i64: 1024, 128>}, {transform_indices = @transform_4, window_bounds = array<i64: 1024, 1>}, {pipeline_mode = #tpu.pipeline_mode<synchronous>, transform_indices = @transform_5, window_bounds = array<i64: 128, 512>}, {pipeline_mode = #tpu.pipeline_mode<synchronous>, transform_indices = @transform_6, window_bounds = array<i64: 128, 512>}, {pipeline_mode = #tpu.pipeline_mode<synchronous>, transform_indices = @transform_7, window_bounds = array<i64: 1, 512>}, {transform_indices = @transform_8, window_bounds = array<i64: 1024, 128>}, {transform_indices = @transform_9, window_bounds = array<i64: 1024, 128>}]} {
    %get3A = arith.constant 0 : index
    %get3A_0 = memref.load %arg1[%get3A] : memref<2xi32, #tpu.memory_space<smem>>
    %get3A_1 = arith.constant 1 : index
    %get3A_2 = memref.load %arg1[%get3A_1] : memref<2xi32, #tpu.memory_space<smem>>
    %get3A_3 = arith.constant 0 : index
    %get3A_4 = arith.constant 0 : index
    %get3A_5 = vector.load %arg3[%get3A_3, %get3A_4] : memref<1024x128xf32, #tpu.memory_space<vmem>>, vector<1024x128xf32>
    %get3A_6 = arith.constant 0 : index
    %get3A_7 = arith.constant 0 : index
    %get3A_8 = vector.load %arg4[%get3A_6, %get3A_7] : memref<1024x128xf32, #tpu.memory_space<vmem>>, vector<1024x128xf32>
    %get3A_9 = arith.constant 0 : index
    %get3A_10 = arith.constant 0 : index
    %get3A_11 = vector.load %arg5[%get3A_9, %get3A_10] : memref<1024x1xi32, #tpu.memory_space<vmem>>, vector<1024x1xi32>
    %get3A_12 = arith.constant 0 : index
    %get3A_13 = arith.constant 0 : index
    %get3A_14 = vector.load %arg7[%get3A_12, %get3A_13] : memref<128x512xbf16, #tpu.memory_space<vmem>>, vector<128x512xbf16>
    %get3A_15 = arith.constant 0 : index
    %get3A_16 = arith.constant 0 : index
    %get3A_17 = vector.load %arg8[%get3A_15, %get3A_16] : memref<1x512xf32, #tpu.memory_space<vmem>>, vector<1x512xf32>
    %get3A_18 = arith.constant 0 : index
    %get3A_19 = arith.constant 0 : index
    %get3A_20 = arith.constant 0 : index
    %get3A_21 = vector.load %arg2[%get3A_18, %get3A_19, %get3A_20] : memref<8x1024x128xf32, #tpu.memory_space<vmem>>, vector<8x1024x128xf32>
    %reshape3A = vector.shape_cast %get3A_21 : vector<8x1024x128xf32> to vector<8192x128xf32>
    %convert_element_type3A = arith.truncf %reshape3A : vector<8192x128xf32> to vector<8192x128xbf16>
    %get3A_22 = arith.constant 0 : index
    %get3A_23 = arith.constant 0 : index
    %get3A_24 = vector.load %arg6[%get3A_22, %get3A_23] : memref<128x512xbf16, #tpu.memory_space<vmem>>, vector<128x512xbf16>
    %dot_general3A = arith.constant dense<0.000000e+00> : vector<8192x512xf32>
    %dot_general3A_25 = tpu.matmul %convert_element_type3A, %get3A_24, %dot_general3A {dimension_numbers = #tpu.dot_dimension_numbers<[1], [0], [0], [1], [0, 0, 1, 1], [], []>, transpose_lhs_hint = false} : vector<8192x128xbf16>, vector<128x512xbf16>, vector<8192x512xf32> -> vector<8192x512xf32>
    %slice3A = vector.extract_strided_slice %dot_general3A_25 {offsets = [0, 0], sizes = [1024, 512], strides = [1, 1]} : vector<8192x512xf32> to vector<1024x512xf32>
    %add3A = arith.constant 0 : i32
    %add3A_26 = arith.addi %get3A_0, %add3A : i32
    %lt3A = vector.broadcast %add3A_26 : i32 to vector<1024x1xi32>
    %lt3A_27 = arith.cmpi slt, %lt3A, %get3A_11 : vector<1024x1xi32>
    %jit3A = arith.constant 0.000000e+00 : f32
    %broadcast_in_dim3A = vector.shape_cast %lt3A_27 : vector<1024x1xi1> to vector<1024x1xi1>
    %broadcast_in_dim3A_28 = vector.broadcast %broadcast_in_dim3A : vector<1024x1xi1> to vector<1024x512xi1>
    %broadcast_in_dim3A_29 = vector.broadcast %jit3A : f32 to vector<1024x512xf32>
    %select_n3A = arith.select %broadcast_in_dim3A_28, %slice3A, %broadcast_in_dim3A_29 : vector<1024x512xi1>, vector<1024x512xf32>
    %convert_element_type3A_30 = arith.truncf %get3A_5 : vector<1024x128xf32> to vector<1024x128xbf16>
    %dot_general3A_31 = arith.constant dense<0.000000e+00> : vector<1024x512xf32>
    %dot_general3A_32 = tpu.matmul %convert_element_type3A_30, %get3A_14, %dot_general3A_31 {dimension_numbers = #tpu.dot_dimension_numbers<[1], [0], [0], [1], [0, 0, 1, 1], [], []>, transpose_lhs_hint = false} : vector<1024x128xbf16>, vector<128x512xbf16>, vector<1024x512xf32> -> vector<1024x512xf32>
    %add3A_33 = arith.addf %select_n3A, %dot_general3A_32 : vector<1024x512xf32>
    %add3A_34 = vector.broadcast %get3A_17 : vector<1x512xf32> to vector<1024x512xf32>
    %add3A_35 = arith.addf %add3A_33, %add3A_34 : vector<1024x512xf32>
    %slice3A_36 = vector.extract_strided_slice %add3A_35 {offsets = [0, 0], sizes = [1024, 256], strides = [1, 1]} : vector<1024x512xf32> to vector<1024x256xf32>
    %mul3A = arith.constant 5.000000e-01 : f32
    %mul3A_37 = vector.broadcast %mul3A : f32 to vector<1024x256xf32>
    %mul3A_38 = arith.mulf %mul3A_37, %slice3A_36 : vector<1024x256xf32>
    %tanh3A = math.tanh %mul3A_38 : vector<1024x256xf32>
    %mul3A_39 = arith.constant 5.000000e-01 : f32
    %mul3A_40 = vector.broadcast %mul3A_39 : f32 to vector<1024x256xf32>
    %mul3A_41 = arith.mulf %mul3A_40, %tanh3A : vector<1024x256xf32>
    %add3A_42 = arith.constant 5.000000e-01 : f32
    %add3A_43 = vector.broadcast %add3A_42 : f32 to vector<1024x256xf32>
    %add3A_44 = arith.addf %mul3A_41, %add3A_43 : vector<1024x256xf32>
    %slice3A_45 = vector.extract_strided_slice %add3A_44 {offsets = [0, 0], sizes = [1024, 128], strides = [1, 1]} : vector<1024x256xf32> to vector<1024x128xf32>
    %slice3A_46 = vector.extract_strided_slice %add3A_44 {offsets = [0, 128], sizes = [1024, 128], strides = [1, 1]} : vector<1024x256xf32> to vector<1024x128xf32>
    %slice3A_47 = vector.extract_strided_slice %add3A_35 {offsets = [0, 256], sizes = [1024, 128], strides = [1, 1]} : vector<1024x512xf32> to vector<1024x128xf32>
    %tanh3A_48 = math.tanh %slice3A_47 : vector<1024x128xf32>
    %slice3A_49 = vector.extract_strided_slice %add3A_35 {offsets = [0, 384], sizes = [1024, 128], strides = [1, 1]} : vector<1024x512xf32> to vector<1024x128xf32>
    %mul3A_50 = arith.constant 5.000000e-01 : f32
    %mul3A_51 = vector.broadcast %mul3A_50 : f32 to vector<1024x128xf32>
    %mul3A_52 = arith.mulf %mul3A_51, %slice3A_49 : vector<1024x128xf32>
    %tanh3A_53 = math.tanh %mul3A_52 : vector<1024x128xf32>
    %mul3A_54 = arith.constant 5.000000e-01 : f32
    %mul3A_55 = vector.broadcast %mul3A_54 : f32 to vector<1024x128xf32>
    %mul3A_56 = arith.mulf %mul3A_55, %tanh3A_53 : vector<1024x128xf32>
    %add3A_57 = arith.constant 5.000000e-01 : f32
    %add3A_58 = vector.broadcast %add3A_57 : f32 to vector<1024x128xf32>
    %add3A_59 = arith.addf %mul3A_56, %add3A_58 : vector<1024x128xf32>
    %mul3A_60 = arith.mulf %slice3A_46, %get3A_8 : vector<1024x128xf32>
    %mul3A_61 = arith.mulf %slice3A_45, %tanh3A_48 : vector<1024x128xf32>
    %add3A_62 = arith.addf %mul3A_60, %mul3A_61 : vector<1024x128xf32>
    %tanh3A_63 = math.tanh %add3A_62 : vector<1024x128xf32>
    %mul3A_64 = arith.mulf %add3A_59, %tanh3A_63 : vector<1024x128xf32>
    %gt3A = arith.constant 0 : i32
    %gt3A_65 = arith.cmpi sgt, %get3A_2, %gt3A : i32
    %select_n3A_66 = arith.select %gt3A_65, %mul3A_64, %get3A_5 : vector<1024x128xf32>
    %select_n3A_67 = arith.select %gt3A_65, %add3A_62, %get3A_8 : vector<1024x128xf32>
    %slice3A_68 = vector.extract_strided_slice %dot_general3A_25 {offsets = [1024, 0], sizes = [1024, 512], strides = [1, 1]} : vector<8192x512xf32> to vector<1024x512xf32>
    %add3A_69 = arith.constant 1 : i32
    %add3A_70 = arith.addi %get3A_0, %add3A_69 : i32
    %lt3A_71 = vector.broadcast %add3A_70 : i32 to vector<1024x1xi32>
    %lt3A_72 = arith.cmpi slt, %lt3A_71, %get3A_11 : vector<1024x1xi32>
    %jit3A_73 = arith.constant 0.000000e+00 : f32
    %broadcast_in_dim3A_74 = vector.shape_cast %lt3A_72 : vector<1024x1xi1> to vector<1024x1xi1>
    %broadcast_in_dim3A_75 = vector.broadcast %broadcast_in_dim3A_74 : vector<1024x1xi1> to vector<1024x512xi1>
    %broadcast_in_dim3A_76 = vector.broadcast %jit3A_73 : f32 to vector<1024x512xf32>
    %select_n3A_77 = arith.select %broadcast_in_dim3A_75, %slice3A_68, %broadcast_in_dim3A_76 : vector<1024x512xi1>, vector<1024x512xf32>
    %convert_element_type3A_78 = arith.truncf %select_n3A_66 : vector<1024x128xf32> to vector<1024x128xbf16>
    %dot_general3A_79 = arith.constant dense<0.000000e+00> : vector<1024x512xf32>
    %dot_general3A_80 = tpu.matmul %convert_element_type3A_78, %get3A_14, %dot_general3A_79 {dimension_numbers = #tpu.dot_dimension_numbers<[1], [0], [0], [1], [0, 0, 1, 1], [], []>, transpose_lhs_hint = false} : vector<1024x128xbf16>, vector<128x512xbf16>, vector<1024x512xf32> -> vector<1024x512xf32>
    %add3A_81 = arith.addf %select_n3A_77, %dot_general3A_80 : vector<1024x512xf32>
    %add3A_82 = vector.broadcast %get3A_17 : vector<1x512xf32> to vector<1024x512xf32>
    %add3A_83 = arith.addf %add3A_81, %add3A_82 : vector<1024x512xf32>
    %slice3A_84 = vector.extract_strided_slice %add3A_83 {offsets = [0, 0], sizes = [1024, 256], strides = [1, 1]} : vector<1024x512xf32> to vector<1024x256xf32>
    %mul3A_85 = arith.constant 5.000000e-01 : f32
    %mul3A_86 = vector.broadcast %mul3A_85 : f32 to vector<1024x256xf32>
    %mul3A_87 = arith.mulf %mul3A_86, %slice3A_84 : vector<1024x256xf32>
    %tanh3A_88 = math.tanh %mul3A_87 : vector<1024x256xf32>
    %mul3A_89 = arith.constant 5.000000e-01 : f32
    %mul3A_90 = vector.broadcast %mul3A_89 : f32 to vector<1024x256xf32>
    %mul3A_91 = arith.mulf %mul3A_90, %tanh3A_88 : vector<1024x256xf32>
    %add3A_92 = arith.constant 5.000000e-01 : f32
    %add3A_93 = vector.broadcast %add3A_92 : f32 to vector<1024x256xf32>
    %add3A_94 = arith.addf %mul3A_91, %add3A_93 : vector<1024x256xf32>
    %slice3A_95 = vector.extract_strided_slice %add3A_94 {offsets = [0, 0], sizes = [1024, 128], strides = [1, 1]} : vector<1024x256xf32> to vector<1024x128xf32>
    %slice3A_96 = vector.extract_strided_slice %add3A_94 {offsets = [0, 128], sizes = [1024, 128], strides = [1, 1]} : vector<1024x256xf32> to vector<1024x128xf32>
    %slice3A_97 = vector.extract_strided_slice %add3A_83 {offsets = [0, 256], sizes = [1024, 128], strides = [1, 1]} : vector<1024x512xf32> to vector<1024x128xf32>
    %tanh3A_98 = math.tanh %slice3A_97 : vector<1024x128xf32>
    %slice3A_99 = vector.extract_strided_slice %add3A_83 {offsets = [0, 384], sizes = [1024, 128], strides = [1, 1]} : vector<1024x512xf32> to vector<1024x128xf32>
    %mul3A_100 = arith.constant 5.000000e-01 : f32
    %mul3A_101 = vector.broadcast %mul3A_100 : f32 to vector<1024x128xf32>
    %mul3A_102 = arith.mulf %mul3A_101, %slice3A_99 : vector<1024x128xf32>
    %tanh3A_103 = math.tanh %mul3A_102 : vector<1024x128xf32>
    %mul3A_104 = arith.constant 5.000000e-01 : f32
    %mul3A_105 = vector.broadcast %mul3A_104 : f32 to vector<1024x128xf32>
    %mul3A_106 = arith.mulf %mul3A_105, %tanh3A_103 : vector<1024x128xf32>
    %add3A_107 = arith.constant 5.000000e-01 : f32
    %add3A_108 = vector.broadcast %add3A_107 : f32 to vector<1024x128xf32>
    %add3A_109 = arith.addf %mul3A_106, %add3A_108 : vector<1024x128xf32>
    %mul3A_110 = arith.mulf %slice3A_96, %select_n3A_67 : vector<1024x128xf32>
    %mul3A_111 = arith.mulf %slice3A_95, %tanh3A_98 : vector<1024x128xf32>
    %add3A_112 = arith.addf %mul3A_110, %mul3A_111 : vector<1024x128xf32>
    %tanh3A_113 = math.tanh %add3A_112 : vector<1024x128xf32>
    %mul3A_114 = arith.mulf %add3A_109, %tanh3A_113 : vector<1024x128xf32>
    %gt3A_115 = arith.constant 1 : i32
    %gt3A_116 = arith.cmpi sgt, %get3A_2, %gt3A_115 : i32
    %select_n3A_117 = arith.select %gt3A_116, %mul3A_114, %select_n3A_66 : vector<1024x128xf32>
    %select_n3A_118 = arith.select %gt3A_116, %add3A_112, %select_n3A_67 : vector<1024x128xf32>
    %slice3A_119 = vector.extract_strided_slice %dot_general3A_25 {offsets = [2048, 0], sizes = [1024, 512], strides = [1, 1]} : vector<8192x512xf32> to vector<1024x512xf32>
    %add3A_120 = arith.constant 2 : i32
    %add3A_121 = arith.addi %get3A_0, %add3A_120 : i32
    %lt3A_122 = vector.broadcast %add3A_121 : i32 to vector<1024x1xi32>
    %lt3A_123 = arith.cmpi slt, %lt3A_122, %get3A_11 : vector<1024x1xi32>
    %jit3A_124 = arith.constant 0.000000e+00 : f32
    %broadcast_in_dim3A_125 = vector.shape_cast %lt3A_123 : vector<1024x1xi1> to vector<1024x1xi1>
    %broadcast_in_dim3A_126 = vector.broadcast %broadcast_in_dim3A_125 : vector<1024x1xi1> to vector<1024x512xi1>
    %broadcast_in_dim3A_127 = vector.broadcast %jit3A_124 : f32 to vector<1024x512xf32>
    %select_n3A_128 = arith.select %broadcast_in_dim3A_126, %slice3A_119, %broadcast_in_dim3A_127 : vector<1024x512xi1>, vector<1024x512xf32>
    %convert_element_type3A_129 = arith.truncf %select_n3A_117 : vector<1024x128xf32> to vector<1024x128xbf16>
    %dot_general3A_130 = arith.constant dense<0.000000e+00> : vector<1024x512xf32>
    %dot_general3A_131 = tpu.matmul %convert_element_type3A_129, %get3A_14, %dot_general3A_130 {dimension_numbers = #tpu.dot_dimension_numbers<[1], [0], [0], [1], [0, 0, 1, 1], [], []>, transpose_lhs_hint = false} : vector<1024x128xbf16>, vector<128x512xbf16>, vector<1024x512xf32> -> vector<1024x512xf32>
    %add3A_132 = arith.addf %select_n3A_128, %dot_general3A_131 : vector<1024x512xf32>
    %add3A_133 = vector.broadcast %get3A_17 : vector<1x512xf32> to vector<1024x512xf32>
    %add3A_134 = arith.addf %add3A_132, %add3A_133 : vector<1024x512xf32>
    %slice3A_135 = vector.extract_strided_slice %add3A_134 {offsets = [0, 0], sizes = [1024, 256], strides = [1, 1]} : vector<1024x512xf32> to vector<1024x256xf32>
    %mul3A_136 = arith.constant 5.000000e-01 : f32
    %mul3A_137 = vector.broadcast %mul3A_136 : f32 to vector<1024x256xf32>
    %mul3A_138 = arith.mulf %mul3A_137, %slice3A_135 : vector<1024x256xf32>
    %tanh3A_139 = math.tanh %mul3A_138 : vector<1024x256xf32>
    %mul3A_140 = arith.constant 5.000000e-01 : f32
    %mul3A_141 = vector.broadcast %mul3A_140 : f32 to vector<1024x256xf32>
    %mul3A_142 = arith.mulf %mul3A_141, %tanh3A_139 : vector<1024x256xf32>
    %add3A_143 = arith.constant 5.000000e-01 : f32
    %add3A_144 = vector.broadcast %add3A_143 : f32 to vector<1024x256xf32>
    %add3A_145 = arith.addf %mul3A_142, %add3A_144 : vector<1024x256xf32>
    %slice3A_146 = vector.extract_strided_slice %add3A_145 {offsets = [0, 0], sizes = [1024, 128], strides = [1, 1]} : vector<1024x256xf32> to vector<1024x128xf32>
    %slice3A_147 = vector.extract_strided_slice %add3A_145 {offsets = [0, 128], sizes = [1024, 128], strides = [1, 1]} : vector<1024x256xf32> to vector<1024x128xf32>
    %slice3A_148 = vector.extract_strided_slice %add3A_134 {offsets = [0, 256], sizes = [1024, 128], strides = [1, 1]} : vector<1024x512xf32> to vector<1024x128xf32>
    %tanh3A_149 = math.tanh %slice3A_148 : vector<1024x128xf32>
    %slice3A_150 = vector.extract_strided_slice %add3A_134 {offsets = [0, 384], sizes = [1024, 128], strides = [1, 1]} : vector<1024x512xf32> to vector<1024x128xf32>
    %mul3A_151 = arith.constant 5.000000e-01 : f32
    %mul3A_152 = vector.broadcast %mul3A_151 : f32 to vector<1024x128xf32>
    %mul3A_153 = arith.mulf %mul3A_152, %slice3A_150 : vector<1024x128xf32>
    %tanh3A_154 = math.tanh %mul3A_153 : vector<1024x128xf32>
    %mul3A_155 = arith.constant 5.000000e-01 : f32
    %mul3A_156 = vector.broadcast %mul3A_155 : f32 to vector<1024x128xf32>
    %mul3A_157 = arith.mulf %mul3A_156, %tanh3A_154 : vector<1024x128xf32>
    %add3A_158 = arith.constant 5.000000e-01 : f32
    %add3A_159 = vector.broadcast %add3A_158 : f32 to vector<1024x128xf32>
    %add3A_160 = arith.addf %mul3A_157, %add3A_159 : vector<1024x128xf32>
    %mul3A_161 = arith.mulf %slice3A_147, %select_n3A_118 : vector<1024x128xf32>
    %mul3A_162 = arith.mulf %slice3A_146, %tanh3A_149 : vector<1024x128xf32>
    %add3A_163 = arith.addf %mul3A_161, %mul3A_162 : vector<1024x128xf32>
    %tanh3A_164 = math.tanh %add3A_163 : vector<1024x128xf32>
    %mul3A_165 = arith.mulf %add3A_160, %tanh3A_164 : vector<1024x128xf32>
    %gt3A_166 = arith.constant 2 : i32
    %gt3A_167 = arith.cmpi sgt, %get3A_2, %gt3A_166 : i32
    %select_n3A_168 = arith.select %gt3A_167, %mul3A_165, %select_n3A_117 : vector<1024x128xf32>
    %select_n3A_169 = arith.select %gt3A_167, %add3A_163, %select_n3A_118 : vector<1024x128xf32>
    %slice3A_170 = vector.extract_strided_slice %dot_general3A_25 {offsets = [3072, 0], sizes = [1024, 512], strides = [1, 1]} : vector<8192x512xf32> to vector<1024x512xf32>
    %add3A_171 = arith.constant 3 : i32
    %add3A_172 = arith.addi %get3A_0, %add3A_171 : i32
    %lt3A_173 = vector.broadcast %add3A_172 : i32 to vector<1024x1xi32>
    %lt3A_174 = arith.cmpi slt, %lt3A_173, %get3A_11 : vector<1024x1xi32>
    %jit3A_175 = arith.constant 0.000000e+00 : f32
    %broadcast_in_dim3A_176 = vector.shape_cast %lt3A_174 : vector<1024x1xi1> to vector<1024x1xi1>
    %broadcast_in_dim3A_177 = vector.broadcast %broadcast_in_dim3A_176 : vector<1024x1xi1> to vector<1024x512xi1>
    %broadcast_in_dim3A_178 = vector.broadcast %jit3A_175 : f32 to vector<1024x512xf32>
    %select_n3A_179 = arith.select %broadcast_in_dim3A_177, %slice3A_170, %broadcast_in_dim3A_178 : vector<1024x512xi1>, vector<1024x512xf32>
    %convert_element_type3A_180 = arith.truncf %select_n3A_168 : vector<1024x128xf32> to vector<1024x128xbf16>
    %dot_general3A_181 = arith.constant dense<0.000000e+00> : vector<1024x512xf32>
    %dot_general3A_182 = tpu.matmul %convert_element_type3A_180, %get3A_14, %dot_general3A_181 {dimension_numbers = #tpu.dot_dimension_numbers<[1], [0], [0], [1], [0, 0, 1, 1], [], []>, transpose_lhs_hint = false} : vector<1024x128xbf16>, vector<128x512xbf16>, vector<1024x512xf32> -> vector<1024x512xf32>
    %add3A_183 = arith.addf %select_n3A_179, %dot_general3A_182 : vector<1024x512xf32>
    %add3A_184 = vector.broadcast %get3A_17 : vector<1x512xf32> to vector<1024x512xf32>
    %add3A_185 = arith.addf %add3A_183, %add3A_184 : vector<1024x512xf32>
    %slice3A_186 = vector.extract_strided_slice %add3A_185 {offsets = [0, 0], sizes = [1024, 256], strides = [1, 1]} : vector<1024x512xf32> to vector<1024x256xf32>
    %mul3A_187 = arith.constant 5.000000e-01 : f32
    %mul3A_188 = vector.broadcast %mul3A_187 : f32 to vector<1024x256xf32>
    %mul3A_189 = arith.mulf %mul3A_188, %slice3A_186 : vector<1024x256xf32>
    %tanh3A_190 = math.tanh %mul3A_189 : vector<1024x256xf32>
    %mul3A_191 = arith.constant 5.000000e-01 : f32
    %mul3A_192 = vector.broadcast %mul3A_191 : f32 to vector<1024x256xf32>
    %mul3A_193 = arith.mulf %mul3A_192, %tanh3A_190 : vector<1024x256xf32>
    %add3A_194 = arith.constant 5.000000e-01 : f32
    %add3A_195 = vector.broadcast %add3A_194 : f32 to vector<1024x256xf32>
    %add3A_196 = arith.addf %mul3A_193, %add3A_195 : vector<1024x256xf32>
    %slice3A_197 = vector.extract_strided_slice %add3A_196 {offsets = [0, 0], sizes = [1024, 128], strides = [1, 1]} : vector<1024x256xf32> to vector<1024x128xf32>
    %slice3A_198 = vector.extract_strided_slice %add3A_196 {offsets = [0, 128], sizes = [1024, 128], strides = [1, 1]} : vector<1024x256xf32> to vector<1024x128xf32>
    %slice3A_199 = vector.extract_strided_slice %add3A_185 {offsets = [0, 256], sizes = [1024, 128], strides = [1, 1]} : vector<1024x512xf32> to vector<1024x128xf32>
    %tanh3A_200 = math.tanh %slice3A_199 : vector<1024x128xf32>
    %slice3A_201 = vector.extract_strided_slice %add3A_185 {offsets = [0, 384], sizes = [1024, 128], strides = [1, 1]} : vector<1024x512xf32> to vector<1024x128xf32>
    %mul3A_202 = arith.constant 5.000000e-01 : f32
    %mul3A_203 = vector.broadcast %mul3A_202 : f32 to vector<1024x128xf32>
    %mul3A_204 = arith.mulf %mul3A_203, %slice3A_201 : vector<1024x128xf32>
    %tanh3A_205 = math.tanh %mul3A_204 : vector<1024x128xf32>
    %mul3A_206 = arith.constant 5.000000e-01 : f32
    %mul3A_207 = vector.broadcast %mul3A_206 : f32 to vector<1024x128xf32>
    %mul3A_208 = arith.mulf %mul3A_207, %tanh3A_205 : vector<1024x128xf32>
    %add3A_209 = arith.constant 5.000000e-01 : f32
    %add3A_210 = vector.broadcast %add3A_209 : f32 to vector<1024x128xf32>
    %add3A_211 = arith.addf %mul3A_208, %add3A_210 : vector<1024x128xf32>
    %mul3A_212 = arith.mulf %slice3A_198, %select_n3A_169 : vector<1024x128xf32>
    %mul3A_213 = arith.mulf %slice3A_197, %tanh3A_200 : vector<1024x128xf32>
    %add3A_214 = arith.addf %mul3A_212, %mul3A_213 : vector<1024x128xf32>
    %tanh3A_215 = math.tanh %add3A_214 : vector<1024x128xf32>
    %mul3A_216 = arith.mulf %add3A_211, %tanh3A_215 : vector<1024x128xf32>
    %gt3A_217 = arith.constant 3 : i32
    %gt3A_218 = arith.cmpi sgt, %get3A_2, %gt3A_217 : i32
    %select_n3A_219 = arith.select %gt3A_218, %mul3A_216, %select_n3A_168 : vector<1024x128xf32>
    %select_n3A_220 = arith.select %gt3A_218, %add3A_214, %select_n3A_169 : vector<1024x128xf32>
    %slice3A_221 = vector.extract_strided_slice %dot_general3A_25 {offsets = [4096, 0], sizes = [1024, 512], strides = [1, 1]} : vector<8192x512xf32> to vector<1024x512xf32>
    %add3A_222 = arith.constant 4 : i32
    %add3A_223 = arith.addi %get3A_0, %add3A_222 : i32
    %lt3A_224 = vector.broadcast %add3A_223 : i32 to vector<1024x1xi32>
    %lt3A_225 = arith.cmpi slt, %lt3A_224, %get3A_11 : vector<1024x1xi32>
    %jit3A_226 = arith.constant 0.000000e+00 : f32
    %broadcast_in_dim3A_227 = vector.shape_cast %lt3A_225 : vector<1024x1xi1> to vector<1024x1xi1>
    %broadcast_in_dim3A_228 = vector.broadcast %broadcast_in_dim3A_227 : vector<1024x1xi1> to vector<1024x512xi1>
    %broadcast_in_dim3A_229 = vector.broadcast %jit3A_226 : f32 to vector<1024x512xf32>
    %select_n3A_230 = arith.select %broadcast_in_dim3A_228, %slice3A_221, %broadcast_in_dim3A_229 : vector<1024x512xi1>, vector<1024x512xf32>
    %convert_element_type3A_231 = arith.truncf %select_n3A_219 : vector<1024x128xf32> to vector<1024x128xbf16>
    %dot_general3A_232 = arith.constant dense<0.000000e+00> : vector<1024x512xf32>
    %dot_general3A_233 = tpu.matmul %convert_element_type3A_231, %get3A_14, %dot_general3A_232 {dimension_numbers = #tpu.dot_dimension_numbers<[1], [0], [0], [1], [0, 0, 1, 1], [], []>, transpose_lhs_hint = false} : vector<1024x128xbf16>, vector<128x512xbf16>, vector<1024x512xf32> -> vector<1024x512xf32>
    %add3A_234 = arith.addf %select_n3A_230, %dot_general3A_233 : vector<1024x512xf32>
    %add3A_235 = vector.broadcast %get3A_17 : vector<1x512xf32> to vector<1024x512xf32>
    %add3A_236 = arith.addf %add3A_234, %add3A_235 : vector<1024x512xf32>
    %slice3A_237 = vector.extract_strided_slice %add3A_236 {offsets = [0, 0], sizes = [1024, 256], strides = [1, 1]} : vector<1024x512xf32> to vector<1024x256xf32>
    %mul3A_238 = arith.constant 5.000000e-01 : f32
    %mul3A_239 = vector.broadcast %mul3A_238 : f32 to vector<1024x256xf32>
    %mul3A_240 = arith.mulf %mul3A_239, %slice3A_237 : vector<1024x256xf32>
    %tanh3A_241 = math.tanh %mul3A_240 : vector<1024x256xf32>
    %mul3A_242 = arith.constant 5.000000e-01 : f32
    %mul3A_243 = vector.broadcast %mul3A_242 : f32 to vector<1024x256xf32>
    %mul3A_244 = arith.mulf %mul3A_243, %tanh3A_241 : vector<1024x256xf32>
    %add3A_245 = arith.constant 5.000000e-01 : f32
    %add3A_246 = vector.broadcast %add3A_245 : f32 to vector<1024x256xf32>
    %add3A_247 = arith.addf %mul3A_244, %add3A_246 : vector<1024x256xf32>
    %slice3A_248 = vector.extract_strided_slice %add3A_247 {offsets = [0, 0], sizes = [1024, 128], strides = [1, 1]} : vector<1024x256xf32> to vector<1024x128xf32>
    %slice3A_249 = vector.extract_strided_slice %add3A_247 {offsets = [0, 128], sizes = [1024, 128], strides = [1, 1]} : vector<1024x256xf32> to vector<1024x128xf32>
    %slice3A_250 = vector.extract_strided_slice %add3A_236 {offsets = [0, 256], sizes = [1024, 128], strides = [1, 1]} : vector<1024x512xf32> to vector<1024x128xf32>
    %tanh3A_251 = math.tanh %slice3A_250 : vector<1024x128xf32>
    %slice3A_252 = vector.extract_strided_slice %add3A_236 {offsets = [0, 384], sizes = [1024, 128], strides = [1, 1]} : vector<1024x512xf32> to vector<1024x128xf32>
    %mul3A_253 = arith.constant 5.000000e-01 : f32
    %mul3A_254 = vector.broadcast %mul3A_253 : f32 to vector<1024x128xf32>
    %mul3A_255 = arith.mulf %mul3A_254, %slice3A_252 : vector<1024x128xf32>
    %tanh3A_256 = math.tanh %mul3A_255 : vector<1024x128xf32>
    %mul3A_257 = arith.constant 5.000000e-01 : f32
    %mul3A_258 = vector.broadcast %mul3A_257 : f32 to vector<1024x128xf32>
    %mul3A_259 = arith.mulf %mul3A_258, %tanh3A_256 : vector<1024x128xf32>
    %add3A_260 = arith.constant 5.000000e-01 : f32
    %add3A_261 = vector.broadcast %add3A_260 : f32 to vector<1024x128xf32>
    %add3A_262 = arith.addf %mul3A_259, %add3A_261 : vector<1024x128xf32>
    %mul3A_263 = arith.mulf %slice3A_249, %select_n3A_220 : vector<1024x128xf32>
    %mul3A_264 = arith.mulf %slice3A_248, %tanh3A_251 : vector<1024x128xf32>
    %add3A_265 = arith.addf %mul3A_263, %mul3A_264 : vector<1024x128xf32>
    %tanh3A_266 = math.tanh %add3A_265 : vector<1024x128xf32>
    %mul3A_267 = arith.mulf %add3A_262, %tanh3A_266 : vector<1024x128xf32>
    %gt3A_268 = arith.constant 4 : i32
    %gt3A_269 = arith.cmpi sgt, %get3A_2, %gt3A_268 : i32
    %select_n3A_270 = arith.select %gt3A_269, %mul3A_267, %select_n3A_219 : vector<1024x128xf32>
    %select_n3A_271 = arith.select %gt3A_269, %add3A_265, %select_n3A_220 : vector<1024x128xf32>
    %slice3A_272 = vector.extract_strided_slice %dot_general3A_25 {offsets = [5120, 0], sizes = [1024, 512], strides = [1, 1]} : vector<8192x512xf32> to vector<1024x512xf32>
    %add3A_273 = arith.constant 5 : i32
    %add3A_274 = arith.addi %get3A_0, %add3A_273 : i32
    %lt3A_275 = vector.broadcast %add3A_274 : i32 to vector<1024x1xi32>
    %lt3A_276 = arith.cmpi slt, %lt3A_275, %get3A_11 : vector<1024x1xi32>
    %jit3A_277 = arith.constant 0.000000e+00 : f32
    %broadcast_in_dim3A_278 = vector.shape_cast %lt3A_276 : vector<1024x1xi1> to vector<1024x1xi1>
    %broadcast_in_dim3A_279 = vector.broadcast %broadcast_in_dim3A_278 : vector<1024x1xi1> to vector<1024x512xi1>
    %broadcast_in_dim3A_280 = vector.broadcast %jit3A_277 : f32 to vector<1024x512xf32>
    %select_n3A_281 = arith.select %broadcast_in_dim3A_279, %slice3A_272, %broadcast_in_dim3A_280 : vector<1024x512xi1>, vector<1024x512xf32>
    %convert_element_type3A_282 = arith.truncf %select_n3A_270 : vector<1024x128xf32> to vector<1024x128xbf16>
    %dot_general3A_283 = arith.constant dense<0.000000e+00> : vector<1024x512xf32>
    %dot_general3A_284 = tpu.matmul %convert_element_type3A_282, %get3A_14, %dot_general3A_283 {dimension_numbers = #tpu.dot_dimension_numbers<[1], [0], [0], [1], [0, 0, 1, 1], [], []>, transpose_lhs_hint = false} : vector<1024x128xbf16>, vector<128x512xbf16>, vector<1024x512xf32> -> vector<1024x512xf32>
    %add3A_285 = arith.addf %select_n3A_281, %dot_general3A_284 : vector<1024x512xf32>
    %add3A_286 = vector.broadcast %get3A_17 : vector<1x512xf32> to vector<1024x512xf32>
    %add3A_287 = arith.addf %add3A_285, %add3A_286 : vector<1024x512xf32>
    %slice3A_288 = vector.extract_strided_slice %add3A_287 {offsets = [0, 0], sizes = [1024, 256], strides = [1, 1]} : vector<1024x512xf32> to vector<1024x256xf32>
    %mul3A_289 = arith.constant 5.000000e-01 : f32
    %mul3A_290 = vector.broadcast %mul3A_289 : f32 to vector<1024x256xf32>
    %mul3A_291 = arith.mulf %mul3A_290, %slice3A_288 : vector<1024x256xf32>
    %tanh3A_292 = math.tanh %mul3A_291 : vector<1024x256xf32>
    %mul3A_293 = arith.constant 5.000000e-01 : f32
    %mul3A_294 = vector.broadcast %mul3A_293 : f32 to vector<1024x256xf32>
    %mul3A_295 = arith.mulf %mul3A_294, %tanh3A_292 : vector<1024x256xf32>
    %add3A_296 = arith.constant 5.000000e-01 : f32
    %add3A_297 = vector.broadcast %add3A_296 : f32 to vector<1024x256xf32>
    %add3A_298 = arith.addf %mul3A_295, %add3A_297 : vector<1024x256xf32>
    %slice3A_299 = vector.extract_strided_slice %add3A_298 {offsets = [0, 0], sizes = [1024, 128], strides = [1, 1]} : vector<1024x256xf32> to vector<1024x128xf32>
    %slice3A_300 = vector.extract_strided_slice %add3A_298 {offsets = [0, 128], sizes = [1024, 128], strides = [1, 1]} : vector<1024x256xf32> to vector<1024x128xf32>
    %slice3A_301 = vector.extract_strided_slice %add3A_287 {offsets = [0, 256], sizes = [1024, 128], strides = [1, 1]} : vector<1024x512xf32> to vector<1024x128xf32>
    %tanh3A_302 = math.tanh %slice3A_301 : vector<1024x128xf32>
    %slice3A_303 = vector.extract_strided_slice %add3A_287 {offsets = [0, 384], sizes = [1024, 128], strides = [1, 1]} : vector<1024x512xf32> to vector<1024x128xf32>
    %mul3A_304 = arith.constant 5.000000e-01 : f32
    %mul3A_305 = vector.broadcast %mul3A_304 : f32 to vector<1024x128xf32>
    %mul3A_306 = arith.mulf %mul3A_305, %slice3A_303 : vector<1024x128xf32>
    %tanh3A_307 = math.tanh %mul3A_306 : vector<1024x128xf32>
    %mul3A_308 = arith.constant 5.000000e-01 : f32
    %mul3A_309 = vector.broadcast %mul3A_308 : f32 to vector<1024x128xf32>
    %mul3A_310 = arith.mulf %mul3A_309, %tanh3A_307 : vector<1024x128xf32>
    %add3A_311 = arith.constant 5.000000e-01 : f32
    %add3A_312 = vector.broadcast %add3A_311 : f32 to vector<1024x128xf32>
    %add3A_313 = arith.addf %mul3A_310, %add3A_312 : vector<1024x128xf32>
    %mul3A_314 = arith.mulf %slice3A_300, %select_n3A_271 : vector<1024x128xf32>
    %mul3A_315 = arith.mulf %slice3A_299, %tanh3A_302 : vector<1024x128xf32>
    %add3A_316 = arith.addf %mul3A_314, %mul3A_315 : vector<1024x128xf32>
    %tanh3A_317 = math.tanh %add3A_316 : vector<1024x128xf32>
    %mul3A_318 = arith.mulf %add3A_313, %tanh3A_317 : vector<1024x128xf32>
    %gt3A_319 = arith.constant 5 : i32
    %gt3A_320 = arith.cmpi sgt, %get3A_2, %gt3A_319 : i32
    %select_n3A_321 = arith.select %gt3A_320, %mul3A_318, %select_n3A_270 : vector<1024x128xf32>
    %select_n3A_322 = arith.select %gt3A_320, %add3A_316, %select_n3A_271 : vector<1024x128xf32>
    %slice3A_323 = vector.extract_strided_slice %dot_general3A_25 {offsets = [6144, 0], sizes = [1024, 512], strides = [1, 1]} : vector<8192x512xf32> to vector<1024x512xf32>
    %add3A_324 = arith.constant 6 : i32
    %add3A_325 = arith.addi %get3A_0, %add3A_324 : i32
    %lt3A_326 = vector.broadcast %add3A_325 : i32 to vector<1024x1xi32>
    %lt3A_327 = arith.cmpi slt, %lt3A_326, %get3A_11 : vector<1024x1xi32>
    %jit3A_328 = arith.constant 0.000000e+00 : f32
    %broadcast_in_dim3A_329 = vector.shape_cast %lt3A_327 : vector<1024x1xi1> to vector<1024x1xi1>
    %broadcast_in_dim3A_330 = vector.broadcast %broadcast_in_dim3A_329 : vector<1024x1xi1> to vector<1024x512xi1>
    %broadcast_in_dim3A_331 = vector.broadcast %jit3A_328 : f32 to vector<1024x512xf32>
    %select_n3A_332 = arith.select %broadcast_in_dim3A_330, %slice3A_323, %broadcast_in_dim3A_331 : vector<1024x512xi1>, vector<1024x512xf32>
    %convert_element_type3A_333 = arith.truncf %select_n3A_321 : vector<1024x128xf32> to vector<1024x128xbf16>
    %dot_general3A_334 = arith.constant dense<0.000000e+00> : vector<1024x512xf32>
    %dot_general3A_335 = tpu.matmul %convert_element_type3A_333, %get3A_14, %dot_general3A_334 {dimension_numbers = #tpu.dot_dimension_numbers<[1], [0], [0], [1], [0, 0, 1, 1], [], []>, transpose_lhs_hint = false} : vector<1024x128xbf16>, vector<128x512xbf16>, vector<1024x512xf32> -> vector<1024x512xf32>
    %add3A_336 = arith.addf %select_n3A_332, %dot_general3A_335 : vector<1024x512xf32>
    %add3A_337 = vector.broadcast %get3A_17 : vector<1x512xf32> to vector<1024x512xf32>
    %add3A_338 = arith.addf %add3A_336, %add3A_337 : vector<1024x512xf32>
    %slice3A_339 = vector.extract_strided_slice %add3A_338 {offsets = [0, 0], sizes = [1024, 256], strides = [1, 1]} : vector<1024x512xf32> to vector<1024x256xf32>
    %mul3A_340 = arith.constant 5.000000e-01 : f32
    %mul3A_341 = vector.broadcast %mul3A_340 : f32 to vector<1024x256xf32>
    %mul3A_342 = arith.mulf %mul3A_341, %slice3A_339 : vector<1024x256xf32>
    %tanh3A_343 = math.tanh %mul3A_342 : vector<1024x256xf32>
    %mul3A_344 = arith.constant 5.000000e-01 : f32
    %mul3A_345 = vector.broadcast %mul3A_344 : f32 to vector<1024x256xf32>
    %mul3A_346 = arith.mulf %mul3A_345, %tanh3A_343 : vector<1024x256xf32>
    %add3A_347 = arith.constant 5.000000e-01 : f32
    %add3A_348 = vector.broadcast %add3A_347 : f32 to vector<1024x256xf32>
    %add3A_349 = arith.addf %mul3A_346, %add3A_348 : vector<1024x256xf32>
    %slice3A_350 = vector.extract_strided_slice %add3A_349 {offsets = [0, 0], sizes = [1024, 128], strides = [1, 1]} : vector<1024x256xf32> to vector<1024x128xf32>
    %slice3A_351 = vector.extract_strided_slice %add3A_349 {offsets = [0, 128], sizes = [1024, 128], strides = [1, 1]} : vector<1024x256xf32> to vector<1024x128xf32>
    %slice3A_352 = vector.extract_strided_slice %add3A_338 {offsets = [0, 256], sizes = [1024, 128], strides = [1, 1]} : vector<1024x512xf32> to vector<1024x128xf32>
    %tanh3A_353 = math.tanh %slice3A_352 : vector<1024x128xf32>
    %slice3A_354 = vector.extract_strided_slice %add3A_338 {offsets = [0, 384], sizes = [1024, 128], strides = [1, 1]} : vector<1024x512xf32> to vector<1024x128xf32>
    %mul3A_355 = arith.constant 5.000000e-01 : f32
    %mul3A_356 = vector.broadcast %mul3A_355 : f32 to vector<1024x128xf32>
    %mul3A_357 = arith.mulf %mul3A_356, %slice3A_354 : vector<1024x128xf32>
    %tanh3A_358 = math.tanh %mul3A_357 : vector<1024x128xf32>
    %mul3A_359 = arith.constant 5.000000e-01 : f32
    %mul3A_360 = vector.broadcast %mul3A_359 : f32 to vector<1024x128xf32>
    %mul3A_361 = arith.mulf %mul3A_360, %tanh3A_358 : vector<1024x128xf32>
    %add3A_362 = arith.constant 5.000000e-01 : f32
    %add3A_363 = vector.broadcast %add3A_362 : f32 to vector<1024x128xf32>
    %add3A_364 = arith.addf %mul3A_361, %add3A_363 : vector<1024x128xf32>
    %mul3A_365 = arith.mulf %slice3A_351, %select_n3A_322 : vector<1024x128xf32>
    %mul3A_366 = arith.mulf %slice3A_350, %tanh3A_353 : vector<1024x128xf32>
    %add3A_367 = arith.addf %mul3A_365, %mul3A_366 : vector<1024x128xf32>
    %tanh3A_368 = math.tanh %add3A_367 : vector<1024x128xf32>
    %mul3A_369 = arith.mulf %add3A_364, %tanh3A_368 : vector<1024x128xf32>
    %gt3A_370 = arith.constant 6 : i32
    %gt3A_371 = arith.cmpi sgt, %get3A_2, %gt3A_370 : i32
    %select_n3A_372 = arith.select %gt3A_371, %mul3A_369, %select_n3A_321 : vector<1024x128xf32>
    %select_n3A_373 = arith.select %gt3A_371, %add3A_367, %select_n3A_322 : vector<1024x128xf32>
    %slice3A_374 = vector.extract_strided_slice %dot_general3A_25 {offsets = [7168, 0], sizes = [1024, 512], strides = [1, 1]} : vector<8192x512xf32> to vector<1024x512xf32>
    %add3A_375 = arith.constant 7 : i32
    %add3A_376 = arith.addi %get3A_0, %add3A_375 : i32
    %lt3A_377 = vector.broadcast %add3A_376 : i32 to vector<1024x1xi32>
    %lt3A_378 = arith.cmpi slt, %lt3A_377, %get3A_11 : vector<1024x1xi32>
    %jit3A_379 = arith.constant 0.000000e+00 : f32
    %broadcast_in_dim3A_380 = vector.shape_cast %lt3A_378 : vector<1024x1xi1> to vector<1024x1xi1>
    %broadcast_in_dim3A_381 = vector.broadcast %broadcast_in_dim3A_380 : vector<1024x1xi1> to vector<1024x512xi1>
    %broadcast_in_dim3A_382 = vector.broadcast %jit3A_379 : f32 to vector<1024x512xf32>
    %select_n3A_383 = arith.select %broadcast_in_dim3A_381, %slice3A_374, %broadcast_in_dim3A_382 : vector<1024x512xi1>, vector<1024x512xf32>
    %convert_element_type3A_384 = arith.truncf %select_n3A_372 : vector<1024x128xf32> to vector<1024x128xbf16>
    %dot_general3A_385 = arith.constant dense<0.000000e+00> : vector<1024x512xf32>
    %dot_general3A_386 = tpu.matmul %convert_element_type3A_384, %get3A_14, %dot_general3A_385 {dimension_numbers = #tpu.dot_dimension_numbers<[1], [0], [0], [1], [0, 0, 1, 1], [], []>, transpose_lhs_hint = false} : vector<1024x128xbf16>, vector<128x512xbf16>, vector<1024x512xf32> -> vector<1024x512xf32>
    %add3A_387 = arith.addf %select_n3A_383, %dot_general3A_386 : vector<1024x512xf32>
    %add3A_388 = vector.broadcast %get3A_17 : vector<1x512xf32> to vector<1024x512xf32>
    %add3A_389 = arith.addf %add3A_387, %add3A_388 : vector<1024x512xf32>
    %slice3A_390 = vector.extract_strided_slice %add3A_389 {offsets = [0, 0], sizes = [1024, 256], strides = [1, 1]} : vector<1024x512xf32> to vector<1024x256xf32>
    %mul3A_391 = arith.constant 5.000000e-01 : f32
    %mul3A_392 = vector.broadcast %mul3A_391 : f32 to vector<1024x256xf32>
    %mul3A_393 = arith.mulf %mul3A_392, %slice3A_390 : vector<1024x256xf32>
    %tanh3A_394 = math.tanh %mul3A_393 : vector<1024x256xf32>
    %mul3A_395 = arith.constant 5.000000e-01 : f32
    %mul3A_396 = vector.broadcast %mul3A_395 : f32 to vector<1024x256xf32>
    %mul3A_397 = arith.mulf %mul3A_396, %tanh3A_394 : vector<1024x256xf32>
    %add3A_398 = arith.constant 5.000000e-01 : f32
    %add3A_399 = vector.broadcast %add3A_398 : f32 to vector<1024x256xf32>
    %add3A_400 = arith.addf %mul3A_397, %add3A_399 : vector<1024x256xf32>
    %slice3A_401 = vector.extract_strided_slice %add3A_400 {offsets = [0, 0], sizes = [1024, 128], strides = [1, 1]} : vector<1024x256xf32> to vector<1024x128xf32>
    %slice3A_402 = vector.extract_strided_slice %add3A_400 {offsets = [0, 128], sizes = [1024, 128], strides = [1, 1]} : vector<1024x256xf32> to vector<1024x128xf32>
    %slice3A_403 = vector.extract_strided_slice %add3A_389 {offsets = [0, 256], sizes = [1024, 128], strides = [1, 1]} : vector<1024x512xf32> to vector<1024x128xf32>
    %tanh3A_404 = math.tanh %slice3A_403 : vector<1024x128xf32>
    %slice3A_405 = vector.extract_strided_slice %add3A_389 {offsets = [0, 384], sizes = [1024, 128], strides = [1, 1]} : vector<1024x512xf32> to vector<1024x128xf32>
    %mul3A_406 = arith.constant 5.000000e-01 : f32
    %mul3A_407 = vector.broadcast %mul3A_406 : f32 to vector<1024x128xf32>
    %mul3A_408 = arith.mulf %mul3A_407, %slice3A_405 : vector<1024x128xf32>
    %tanh3A_409 = math.tanh %mul3A_408 : vector<1024x128xf32>
    %mul3A_410 = arith.constant 5.000000e-01 : f32
    %mul3A_411 = vector.broadcast %mul3A_410 : f32 to vector<1024x128xf32>
    %mul3A_412 = arith.mulf %mul3A_411, %tanh3A_409 : vector<1024x128xf32>
    %add3A_413 = arith.constant 5.000000e-01 : f32
    %add3A_414 = vector.broadcast %add3A_413 : f32 to vector<1024x128xf32>
    %add3A_415 = arith.addf %mul3A_412, %add3A_414 : vector<1024x128xf32>
    %mul3A_416 = arith.mulf %slice3A_402, %select_n3A_373 : vector<1024x128xf32>
    %mul3A_417 = arith.mulf %slice3A_401, %tanh3A_404 : vector<1024x128xf32>
    %add3A_418 = arith.addf %mul3A_416, %mul3A_417 : vector<1024x128xf32>
    %tanh3A_419 = math.tanh %add3A_418 : vector<1024x128xf32>
    %mul3A_420 = arith.mulf %add3A_415, %tanh3A_419 : vector<1024x128xf32>
    %gt3A_421 = arith.constant 7 : i32
    %gt3A_422 = arith.cmpi sgt, %get3A_2, %gt3A_421 : i32
    %select_n3A_423 = arith.select %gt3A_422, %mul3A_420, %select_n3A_372 : vector<1024x128xf32>
    %select_n3A_424 = arith.select %gt3A_422, %add3A_418, %select_n3A_373 : vector<1024x128xf32>
    %swap3A = arith.constant 0 : index
    %swap3A_425 = arith.constant 0 : index
    %swap3A_426 = vector.load %arg9[%swap3A, %swap3A_425] : memref<1024x128xf32, #tpu.memory_space<vmem>>, vector<1024x128xf32>
    tpu.vector_store %arg9[%swap3A, %swap3A_425], %select_n3A_423 {strides = array<i32>} : memref<1024x128xf32, #tpu.memory_space<vmem>>, vector<1024x128xf32>,
    %swap3A_427 = arith.constant 0 : index
    %swap3A_428 = arith.constant 0 : index
    %swap3A_429 = vector.load %arg10[%swap3A_427, %swap3A_428] : memref<1024x128xf32, #tpu.memory_space<vmem>>, vector<1024x128xf32>
    tpu.vector_store %arg10[%swap3A_427, %swap3A_428], %select_n3A_424 {strides = array<i32>} : memref<1024x128xf32, #tpu.memory_space<vmem>>, vector<1024x128xf32>,
    return
  }
  func.func @transform_0(%arg0: i32) -> i32 {
    %c0_i32 = arith.constant 0 : i32
    %c0_i32_0 = arith.constant 0 : i32
    return %c0_i32 : i32
  }
  func.func @transform_1(%arg0: i32) -> (i32, i32, i32) {
    %c0_i32 = arith.constant 0 : i32
    %c0_i32_0 = arith.constant 0 : i32
    %c0_i32_1 = arith.constant 0 : i32
    return %c0_i32, %arg0, %c0_i32_0 : i32, i32, i32
  }
  func.func @transform_2(%arg0: i32) -> (i32, i32) {
    %c0_i32 = arith.constant 0 : i32
    %c0_i32_0 = arith.constant 0 : i32
    return %arg0, %c0_i32 : i32, i32
  }
  func.func @transform_3(%arg0: i32) -> (i32, i32) {
    %c0_i32 = arith.constant 0 : i32
    %c0_i32_0 = arith.constant 0 : i32
    return %arg0, %c0_i32 : i32, i32
  }
  func.func @transform_4(%arg0: i32) -> (i32, i32) {
    %c0_i32 = arith.constant 0 : i32
    %c0_i32_0 = arith.constant 0 : i32
    return %arg0, %c0_i32 : i32, i32
  }
  func.func @transform_5(%arg0: i32) -> (i32, i32) {
    %c0_i32 = arith.constant 0 : i32
    %c0_i32_0 = arith.constant 0 : i32
    %c0_i32_1 = arith.constant 0 : i32
    return %c0_i32, %c0_i32_0 : i32, i32
  }
  func.func @transform_6(%arg0: i32) -> (i32, i32) {
    %c0_i32 = arith.constant 0 : i32
    %c0_i32_0 = arith.constant 0 : i32
    %c0_i32_1 = arith.constant 0 : i32
    return %c0_i32, %c0_i32_0 : i32, i32
  }
  func.func @transform_7(%arg0: i32) -> (i32, i32) {
    %c0_i32 = arith.constant 0 : i32
    %c0_i32_0 = arith.constant 0 : i32
    %c0_i32_1 = arith.constant 0 : i32
    return %c0_i32, %c0_i32_0 : i32, i32
  }
  func.func @transform_8(%arg0: i32) -> (i32, i32) {
    %c0_i32 = arith.constant 0 : i32
    %c0_i32_0 = arith.constant 0 : i32
    return %arg0, %c0_i32 : i32, i32
  }
  func.func @transform_9(%arg0: i32) -> (i32, i32) {
    %c0_i32 = arith.constant 0 : i32
    %c0_i32_0 = arith.constant 0 : i32
    return %arg0, %c0_i32 : i32, i32
  }
}

module attributes {stable_mosaic.version = 14 : i64} {
  func.func @body(%arg0: i32, %arg1: memref<2xi32, #tpu.memory_space<smem>>, %arg2: memref<8x1024x128xf32, #tpu.memory_space<vmem>>, %arg3: memref<1024x128xf32, #tpu.memory_space<vmem>>, %arg4: memref<1024x128xf32, #tpu.memory_space<vmem>>, %arg5: memref<1024x1xi32, #tpu.memory_space<vmem>>, %arg6: memref<128x512xbf16, #tpu.memory_space<vmem>>, %arg7: memref<128x512xbf16, #tpu.memory_space<vmem>>, %arg8: memref<1x512xf32, #tpu.memory_space<vmem>>, %arg9: memref<1024x128xf32, #tpu.memory_space<vmem>>, %arg10: memref<1024x128xf32, #tpu.memory_space<vmem>>) attributes {dimension_semantics = [#tpu.dimension_semantics<arbitrary>], iteration_bounds = array<i64: 10>, scalar_prefetch = 0 : i64, scratch_operands = 0 : i64, tpu.core_type = #tpu.core_type<tc>, window_params = [{transform_indices = @transform_0, window_bounds = array<i64: 2>}, {transform_indices = @transform_1, window_bounds = array<i64: 8, 1024, 128>}, {transform_indices = @transform_2, window_bounds = array<i64: 1024, 128>}, {transform_indices = @transform_3, window_bounds = array<i64: 1024, 128>}, {transform_indices = @transform_4, window_bounds = array<i64: 1024, 1>}, {pipeline_mode = #tpu.pipeline_mode<synchronous>, transform_indices = @transform_5, window_bounds = array<i64: 128, 512>}, {pipeline_mode = #tpu.pipeline_mode<synchronous>, transform_indices = @transform_6, window_bounds = array<i64: 128, 512>}, {pipeline_mode = #tpu.pipeline_mode<synchronous>, transform_indices = @transform_7, window_bounds = array<i64: 1, 512>}, {transform_indices = @transform_8, window_bounds = array<i64: 1024, 128>}, {transform_indices = @transform_9, window_bounds = array<i64: 1024, 128>}]} {
    %get3A = arith.constant 0 : index
    %get3A_0 = memref.load %arg1[%get3A] : memref<2xi32, #tpu.memory_space<smem>>
    %get3A_1 = arith.constant 1 : index
    %get3A_2 = memref.load %arg1[%get3A_1] : memref<2xi32, #tpu.memory_space<smem>>
    %get3A_3 = arith.constant 0 : index
    %get3A_4 = arith.constant 0 : index
    %get3A_5 = vector.load %arg3[%get3A_3, %get3A_4] : memref<1024x128xf32, #tpu.memory_space<vmem>>, vector<1024x128xf32>
    %get3A_6 = arith.constant 0 : index
    %get3A_7 = arith.constant 0 : index
    %get3A_8 = vector.load %arg4[%get3A_6, %get3A_7] : memref<1024x128xf32, #tpu.memory_space<vmem>>, vector<1024x128xf32>
    %get3A_9 = arith.constant 0 : index
    %get3A_10 = arith.constant 0 : index
    %get3A_11 = vector.load %arg5[%get3A_9, %get3A_10] : memref<1024x1xi32, #tpu.memory_space<vmem>>, vector<1024x1xi32>
    %get3A_12 = arith.constant 0 : index
    %get3A_13 = arith.constant 0 : index
    %get3A_14 = vector.load %arg7[%get3A_12, %get3A_13] : memref<128x512xbf16, #tpu.memory_space<vmem>>, vector<128x512xbf16>
    %get3A_15 = arith.constant 0 : index
    %get3A_16 = arith.constant 0 : index
    %get3A_17 = vector.load %arg8[%get3A_15, %get3A_16] : memref<1x512xf32, #tpu.memory_space<vmem>>, vector<1x512xf32>
    %get3A_18 = arith.constant 0 : index
    %get3A_19 = arith.constant 0 : index
    %get3A_20 = arith.constant 0 : index
    %get3A_21 = vector.load %arg2[%get3A_18, %get3A_19, %get3A_20] : memref<8x1024x128xf32, #tpu.memory_space<vmem>>, vector<8x1024x128xf32>
    %reshape3A = vector.shape_cast %get3A_21 : vector<8x1024x128xf32> to vector<8192x128xf32>
    %convert_element_type3A = arith.truncf %reshape3A : vector<8192x128xf32> to vector<8192x128xbf16>
    %get3A_22 = arith.constant 0 : index
    %get3A_23 = arith.constant 0 : index
    %get3A_24 = vector.load %arg6[%get3A_22, %get3A_23] : memref<128x512xbf16, #tpu.memory_space<vmem>>, vector<128x512xbf16>
    %dot_general3A = arith.constant dense<0.000000e+00> : vector<8192x512xf32>
    %dot_general3A_25 = tpu.matmul %convert_element_type3A, %get3A_24, %dot_general3A {dimension_numbers = #tpu.dot_dimension_numbers<[1], [0], [0], [1], [0, 0, 1, 1], [], []>, transpose_lhs_hint = false} : vector<8192x128xbf16>, vector<128x512xbf16>, vector<8192x512xf32> -> vector<8192x512xf32>
    %slice3A = vector.extract_strided_slice %dot_general3A_25 {offsets = [0, 0], sizes = [1024, 512], strides = [1, 1]} : vector<8192x512xf32> to vector<1024x512xf32>
    %add3A = arith.constant 0 : i32
    %add3A_26 = arith.addi %get3A_0, %add3A : i32
    %lt3A = vector.broadcast %add3A_26 : i32 to vector<1024x1xi32>
    %lt3A_27 = arith.cmpi slt, %lt3A, %get3A_11 : vector<1024x1xi32>
    %jit3A = arith.constant 0.000000e+00 : f32
    %broadcast_in_dim3A = vector.shape_cast %lt3A_27 : vector<1024x1xi1> to vector<1024x1xi1>
    %broadcast_in_dim3A_28 = vector.broadcast %broadcast_in_dim3A : vector<1024x1xi1> to vector<1024x512xi1>
    %broadcast_in_dim3A_29 = vector.broadcast %jit3A : f32 to vector<1024x512xf32>
    %select_n3A = arith.select %broadcast_in_dim3A_28, %slice3A, %broadcast_in_dim3A_29 : vector<1024x512xi1>, vector<1024x512xf32>
    %convert_element_type3A_30 = arith.truncf %get3A_5 : vector<1024x128xf32> to vector<1024x128xbf16>
    %dot_general3A_31 = arith.constant dense<0.000000e+00> : vector<1024x512xf32>
    %dot_general3A_32 = tpu.matmul %convert_element_type3A_30, %get3A_14, %dot_general3A_31 {dimension_numbers = #tpu.dot_dimension_numbers<[1], [0], [0], [1], [0, 0, 1, 1], [], []>, transpose_lhs_hint = false} : vector<1024x128xbf16>, vector<128x512xbf16>, vector<1024x512xf32> -> vector<1024x512xf32>
    %add3A_33 = arith.addf %select_n3A, %dot_general3A_32 : vector<1024x512xf32>
    %add3A_34 = vector.broadcast %get3A_17 : vector<1x512xf32> to vector<1024x512xf32>
    %add3A_35 = arith.addf %add3A_33, %add3A_34 : vector<1024x512xf32>
    %slice3A_36 = vector.extract_strided_slice %add3A_35 {offsets = [0, 0], sizes = [1024, 256], strides = [1, 1]} : vector<1024x512xf32> to vector<1024x256xf32>
    %mul3A = arith.constant 5.000000e-01 : f32
    %mul3A_37 = vector.broadcast %mul3A : f32 to vector<1024x256xf32>
    %mul3A_38 = arith.mulf %mul3A_37, %slice3A_36 : vector<1024x256xf32>
    %tanh3A = math.tanh %mul3A_38 : vector<1024x256xf32>
    %mul3A_39 = arith.constant 5.000000e-01 : f32
    %mul3A_40 = vector.broadcast %mul3A_39 : f32 to vector<1024x256xf32>
    %mul3A_41 = arith.mulf %mul3A_40, %tanh3A : vector<1024x256xf32>
    %add3A_42 = arith.constant 5.000000e-01 : f32
    %add3A_43 = vector.broadcast %add3A_42 : f32 to vector<1024x256xf32>
    %add3A_44 = arith.addf %mul3A_41, %add3A_43 : vector<1024x256xf32>
    %slice3A_45 = vector.extract_strided_slice %add3A_44 {offsets = [0, 0], sizes = [1024, 128], strides = [1, 1]} : vector<1024x256xf32> to vector<1024x128xf32>
    %slice3A_46 = vector.extract_strided_slice %add3A_44 {offsets = [0, 128], sizes = [1024, 128], strides = [1, 1]} : vector<1024x256xf32> to vector<1024x128xf32>
    %slice3A_47 = vector.extract_strided_slice %add3A_35 {offsets = [0, 256], sizes = [1024, 128], strides = [1, 1]} : vector<1024x512xf32> to vector<1024x128xf32>
    %tanh3A_48 = math.tanh %slice3A_47 : vector<1024x128xf32>
    %slice3A_49 = vector.extract_strided_slice %add3A_35 {offsets = [0, 384], sizes = [1024, 128], strides = [1, 1]} : vector<1024x512xf32> to vector<1024x128xf32>
    %mul3A_50 = arith.constant 5.000000e-01 : f32
    %mul3A_51 = vector.broadcast %mul3A_50 : f32 to vector<1024x128xf32>
    %mul3A_52 = arith.mulf %mul3A_51, %slice3A_49 : vector<1024x128xf32>
    %tanh3A_53 = math.tanh %mul3A_52 : vector<1024x128xf32>
    %mul3A_54 = arith.constant 5.000000e-01 : f32
    %mul3A_55 = vector.broadcast %mul3A_54 : f32 to vector<1024x128xf32>
    %mul3A_56 = arith.mulf %mul3A_55, %tanh3A_53 : vector<1024x128xf32>
    %add3A_57 = arith.constant 5.000000e-01 : f32
    %add3A_58 = vector.broadcast %add3A_57 : f32 to vector<1024x128xf32>
    %add3A_59 = arith.addf %mul3A_56, %add3A_58 : vector<1024x128xf32>
    %mul3A_60 = arith.mulf %slice3A_46, %get3A_8 : vector<1024x128xf32>
    %mul3A_61 = arith.mulf %slice3A_45, %tanh3A_48 : vector<1024x128xf32>
    %add3A_62 = arith.addf %mul3A_60, %mul3A_61 : vector<1024x128xf32>
    %tanh3A_63 = math.tanh %add3A_62 : vector<1024x128xf32>
    %mul3A_64 = arith.mulf %add3A_59, %tanh3A_63 : vector<1024x128xf32>
    %gt3A = arith.constant 0 : i32
    %gt3A_65 = arith.cmpi sgt, %get3A_2, %gt3A : i32
    %select_n3A_66 = arith.select %gt3A_65, %mul3A_64, %get3A_5 : vector<1024x128xf32>
    %select_n3A_67 = arith.select %gt3A_65, %add3A_62, %get3A_8 : vector<1024x128xf32>
    %slice3A_68 = vector.extract_strided_slice %dot_general3A_25 {offsets = [1024, 0], sizes = [1024, 512], strides = [1, 1]} : vector<8192x512xf32> to vector<1024x512xf32>
    %add3A_69 = arith.constant 1 : i32
    %add3A_70 = arith.addi %get3A_0, %add3A_69 : i32
    %lt3A_71 = vector.broadcast %add3A_70 : i32 to vector<1024x1xi32>
    %lt3A_72 = arith.cmpi slt, %lt3A_71, %get3A_11 : vector<1024x1xi32>
    %jit3A_73 = arith.constant 0.000000e+00 : f32
    %broadcast_in_dim3A_74 = vector.shape_cast %lt3A_72 : vector<1024x1xi1> to vector<1024x1xi1>
    %broadcast_in_dim3A_75 = vector.broadcast %broadcast_in_dim3A_74 : vector<1024x1xi1> to vector<1024x512xi1>
    %broadcast_in_dim3A_76 = vector.broadcast %jit3A_73 : f32 to vector<1024x512xf32>
    %select_n3A_77 = arith.select %broadcast_in_dim3A_75, %slice3A_68, %broadcast_in_dim3A_76 : vector<1024x512xi1>, vector<1024x512xf32>
    %convert_element_type3A_78 = arith.truncf %select_n3A_66 : vector<1024x128xf32> to vector<1024x128xbf16>
    %dot_general3A_79 = arith.constant dense<0.000000e+00> : vector<1024x512xf32>
    %dot_general3A_80 = tpu.matmul %convert_element_type3A_78, %get3A_14, %dot_general3A_79 {dimension_numbers = #tpu.dot_dimension_numbers<[1], [0], [0], [1], [0, 0, 1, 1], [], []>, transpose_lhs_hint = false} : vector<1024x128xbf16>, vector<128x512xbf16>, vector<1024x512xf32> -> vector<1024x512xf32>
    %add3A_81 = arith.addf %select_n3A_77, %dot_general3A_80 : vector<1024x512xf32>
    %add3A_82 = vector.broadcast %get3A_17 : vector<1x512xf32> to vector<1024x512xf32>
    %add3A_83 = arith.addf %add3A_81, %add3A_82 : vector<1024x512xf32>
    %slice3A_84 = vector.extract_strided_slice %add3A_83 {offsets = [0, 0], sizes = [1024, 256], strides = [1, 1]} : vector<1024x512xf32> to vector<1024x256xf32>
    %mul3A_85 = arith.constant 5.000000e-01 : f32
    %mul3A_86 = vector.broadcast %mul3A_85 : f32 to vector<1024x256xf32>
    %mul3A_87 = arith.mulf %mul3A_86, %slice3A_84 : vector<1024x256xf32>
    %tanh3A_88 = math.tanh %mul3A_87 : vector<1024x256xf32>
    %mul3A_89 = arith.constant 5.000000e-01 : f32
    %mul3A_90 = vector.broadcast %mul3A_89 : f32 to vector<1024x256xf32>
    %mul3A_91 = arith.mulf %mul3A_90, %tanh3A_88 : vector<1024x256xf32>
    %add3A_92 = arith.constant 5.000000e-01 : f32
    %add3A_93 = vector.broadcast %add3A_92 : f32 to vector<1024x256xf32>
    %add3A_94 = arith.addf %mul3A_91, %add3A_93 : vector<1024x256xf32>
    %slice3A_95 = vector.extract_strided_slice %add3A_94 {offsets = [0, 0], sizes = [1024, 128], strides = [1, 1]} : vector<1024x256xf32> to vector<1024x128xf32>
    %slice3A_96 = vector.extract_strided_slice %add3A_94 {offsets = [0, 128], sizes = [1024, 128], strides = [1, 1]} : vector<1024x256xf32> to vector<1024x128xf32>
    %slice3A_97 = vector.extract_strided_slice %add3A_83 {offsets = [0, 256], sizes = [1024, 128], strides = [1, 1]} : vector<1024x512xf32> to vector<1024x128xf32>
    %tanh3A_98 = math.tanh %slice3A_97 : vector<1024x128xf32>
    %slice3A_99 = vector.extract_strided_slice %add3A_83 {offsets = [0, 384], sizes = [1024, 128], strides = [1, 1]} : vector<1024x512xf32> to vector<1024x128xf32>
    %mul3A_100 = arith.constant 5.000000e-01 : f32
    %mul3A_101 = vector.broadcast %mul3A_100 : f32 to vector<1024x128xf32>
    %mul3A_102 = arith.mulf %mul3A_101, %slice3A_99 : vector<1024x128xf32>
    %tanh3A_103 = math.tanh %mul3A_102 : vector<1024x128xf32>
    %mul3A_104 = arith.constant 5.000000e-01 : f32
    %mul3A_105 = vector.broadcast %mul3A_104 : f32 to vector<1024x128xf32>
    %mul3A_106 = arith.mulf %mul3A_105, %tanh3A_103 : vector<1024x128xf32>
    %add3A_107 = arith.constant 5.000000e-01 : f32
    %add3A_108 = vector.broadcast %add3A_107 : f32 to vector<1024x128xf32>
    %add3A_109 = arith.addf %mul3A_106, %add3A_108 : vector<1024x128xf32>
    %mul3A_110 = arith.mulf %slice3A_96, %select_n3A_67 : vector<1024x128xf32>
    %mul3A_111 = arith.mulf %slice3A_95, %tanh3A_98 : vector<1024x128xf32>
    %add3A_112 = arith.addf %mul3A_110, %mul3A_111 : vector<1024x128xf32>
    %tanh3A_113 = math.tanh %add3A_112 : vector<1024x128xf32>
    %mul3A_114 = arith.mulf %add3A_109, %tanh3A_113 : vector<1024x128xf32>
    %gt3A_115 = arith.constant 1 : i32
    %gt3A_116 = arith.cmpi sgt, %get3A_2, %gt3A_115 : i32
    %select_n3A_117 = arith.select %gt3A_116, %mul3A_114, %select_n3A_66 : vector<1024x128xf32>
    %select_n3A_118 = arith.select %gt3A_116, %add3A_112, %select_n3A_67 : vector<1024x128xf32>
    %slice3A_119 = vector.extract_strided_slice %dot_general3A_25 {offsets = [2048, 0], sizes = [1024, 512], strides = [1, 1]} : vector<8192x512xf32> to vector<1024x512xf32>
    %add3A_120 = arith.constant 2 : i32
    %add3A_121 = arith.addi %get3A_0, %add3A_120 : i32
    %lt3A_122 = vector.broadcast %add3A_121 : i32 to vector<1024x1xi32>
    %lt3A_123 = arith.cmpi slt, %lt3A_122, %get3A_11 : vector<1024x1xi32>
    %jit3A_124 = arith.constant 0.000000e+00 : f32
    %broadcast_in_dim3A_125 = vector.shape_cast %lt3A_123 : vector<1024x1xi1> to vector<1024x1xi1>
    %broadcast_in_dim3A_126 = vector.broadcast %broadcast_in_dim3A_125 : vector<1024x1xi1> to vector<1024x512xi1>
    %broadcast_in_dim3A_127 = vector.broadcast %jit3A_124 : f32 to vector<1024x512xf32>
    %select_n3A_128 = arith.select %broadcast_in_dim3A_126, %slice3A_119, %broadcast_in_dim3A_127 : vector<1024x512xi1>, vector<1024x512xf32>
    %convert_element_type3A_129 = arith.truncf %select_n3A_117 : vector<1024x128xf32> to vector<1024x128xbf16>
    %dot_general3A_130 = arith.constant dense<0.000000e+00> : vector<1024x512xf32>
    %dot_general3A_131 = tpu.matmul %convert_element_type3A_129, %get3A_14, %dot_general3A_130 {dimension_numbers = #tpu.dot_dimension_numbers<[1], [0], [0], [1], [0, 0, 1, 1], [], []>, transpose_lhs_hint = false} : vector<1024x128xbf16>, vector<128x512xbf16>, vector<1024x512xf32> -> vector<1024x512xf32>
    %add3A_132 = arith.addf %select_n3A_128, %dot_general3A_131 : vector<1024x512xf32>
    %add3A_133 = vector.broadcast %get3A_17 : vector<1x512xf32> to vector<1024x512xf32>
    %add3A_134 = arith.addf %add3A_132, %add3A_133 : vector<1024x512xf32>
    %slice3A_135 = vector.extract_strided_slice %add3A_134 {offsets = [0, 0], sizes = [1024, 256], strides = [1, 1]} : vector<1024x512xf32> to vector<1024x256xf32>
    %mul3A_136 = arith.constant 5.000000e-01 : f32
    %mul3A_137 = vector.broadcast %mul3A_136 : f32 to vector<1024x256xf32>
    %mul3A_138 = arith.mulf %mul3A_137, %slice3A_135 : vector<1024x256xf32>
    %tanh3A_139 = math.tanh %mul3A_138 : vector<1024x256xf32>
    %mul3A_140 = arith.constant 5.000000e-01 : f32
    %mul3A_141 = vector.broadcast %mul3A_140 : f32 to vector<1024x256xf32>
    %mul3A_142 = arith.mulf %mul3A_141, %tanh3A_139 : vector<1024x256xf32>
    %add3A_143 = arith.constant 5.000000e-01 : f32
    %add3A_144 = vector.broadcast %add3A_143 : f32 to vector<1024x256xf32>
    %add3A_145 = arith.addf %mul3A_142, %add3A_144 : vector<1024x256xf32>
    %slice3A_146 = vector.extract_strided_slice %add3A_145 {offsets = [0, 0], sizes = [1024, 128], strides = [1, 1]} : vector<1024x256xf32> to vector<1024x128xf32>
    %slice3A_147 = vector.extract_strided_slice %add3A_145 {offsets = [0, 128], sizes = [1024, 128], strides = [1, 1]} : vector<1024x256xf32> to vector<1024x128xf32>
    %slice3A_148 = vector.extract_strided_slice %add3A_134 {offsets = [0, 256], sizes = [1024, 128], strides = [1, 1]} : vector<1024x512xf32> to vector<1024x128xf32>
    %tanh3A_149 = math.tanh %slice3A_148 : vector<1024x128xf32>
    %slice3A_150 = vector.extract_strided_slice %add3A_134 {offsets = [0, 384], sizes = [1024, 128], strides = [1, 1]} : vector<1024x512xf32> to vector<1024x128xf32>
    %mul3A_151 = arith.constant 5.000000e-01 : f32
    %mul3A_152 = vector.broadcast %mul3A_151 : f32 to vector<1024x128xf32>
    %mul3A_153 = arith.mulf %mul3A_152, %slice3A_150 : vector<1024x128xf32>
    %tanh3A_154 = math.tanh %mul3A_153 : vector<1024x128xf32>
    %mul3A_155 = arith.constant 5.000000e-01 : f32
    %mul3A_156 = vector.broadcast %mul3A_155 : f32 to vector<1024x128xf32>
    %mul3A_157 = arith.mulf %mul3A_156, %tanh3A_154 : vector<1024x128xf32>
    %add3A_158 = arith.constant 5.000000e-01 : f32
    %add3A_159 = vector.broadcast %add3A_158 : f32 to vector<1024x128xf32>
    %add3A_160 = arith.addf %mul3A_157, %add3A_159 : vector<1024x128xf32>
    %mul3A_161 = arith.mulf %slice3A_147, %select_n3A_118 : vector<1024x128xf32>
    %mul3A_162 = arith.mulf %slice3A_146, %tanh3A_149 : vector<1024x128xf32>
    %add3A_163 = arith.addf %mul3A_161, %mul3A_162 : vector<1024x128xf32>
    %tanh3A_164 = math.tanh %add3A_163 : vector<1024x128xf32>
    %mul3A_165 = arith.mulf %add3A_160, %tanh3A_164 : vector<1024x128xf32>
    %gt3A_166 = arith.constant 2 : i32
    %gt3A_167 = arith.cmpi sgt, %get3A_2, %gt3A_166 : i32
    %select_n3A_168 = arith.select %gt3A_167, %mul3A_165, %select_n3A_117 : vector<1024x128xf32>
    %select_n3A_169 = arith.select %gt3A_167, %add3A_163, %select_n3A_118 : vector<1024x128xf32>
    %slice3A_170 = vector.extract_strided_slice %dot_general3A_25 {offsets = [3072, 0], sizes = [1024, 512], strides = [1, 1]} : vector<8192x512xf32> to vector<1024x512xf32>
    %add3A_171 = arith.constant 3 : i32
    %add3A_172 = arith.addi %get3A_0, %add3A_171 : i32
    %lt3A_173 = vector.broadcast %add3A_172 : i32 to vector<1024x1xi32>
    %lt3A_174 = arith.cmpi slt, %lt3A_173, %get3A_11 : vector<1024x1xi32>
    %jit3A_175 = arith.constant 0.000000e+00 : f32
    %broadcast_in_dim3A_176 = vector.shape_cast %lt3A_174 : vector<1024x1xi1> to vector<1024x1xi1>
    %broadcast_in_dim3A_177 = vector.broadcast %broadcast_in_dim3A_176 : vector<1024x1xi1> to vector<1024x512xi1>
    %broadcast_in_dim3A_178 = vector.broadcast %jit3A_175 : f32 to vector<1024x512xf32>
    %select_n3A_179 = arith.select %broadcast_in_dim3A_177, %slice3A_170, %broadcast_in_dim3A_178 : vector<1024x512xi1>, vector<1024x512xf32>
    %convert_element_type3A_180 = arith.truncf %select_n3A_168 : vector<1024x128xf32> to vector<1024x128xbf16>
    %dot_general3A_181 = arith.constant dense<0.000000e+00> : vector<1024x512xf32>
    %dot_general3A_182 = tpu.matmul %convert_element_type3A_180, %get3A_14, %dot_general3A_181 {dimension_numbers = #tpu.dot_dimension_numbers<[1], [0], [0], [1], [0, 0, 1, 1], [], []>, transpose_lhs_hint = false} : vector<1024x128xbf16>, vector<128x512xbf16>, vector<1024x512xf32> -> vector<1024x512xf32>
    %add3A_183 = arith.addf %select_n3A_179, %dot_general3A_182 : vector<1024x512xf32>
    %add3A_184 = vector.broadcast %get3A_17 : vector<1x512xf32> to vector<1024x512xf32>
    %add3A_185 = arith.addf %add3A_183, %add3A_184 : vector<1024x512xf32>
    %slice3A_186 = vector.extract_strided_slice %add3A_185 {offsets = [0, 0], sizes = [1024, 256], strides = [1, 1]} : vector<1024x512xf32> to vector<1024x256xf32>
    %mul3A_187 = arith.constant 5.000000e-01 : f32
    %mul3A_188 = vector.broadcast %mul3A_187 : f32 to vector<1024x256xf32>
    %mul3A_189 = arith.mulf %mul3A_188, %slice3A_186 : vector<1024x256xf32>
    %tanh3A_190 = math.tanh %mul3A_189 : vector<1024x256xf32>
    %mul3A_191 = arith.constant 5.000000e-01 : f32
    %mul3A_192 = vector.broadcast %mul3A_191 : f32 to vector<1024x256xf32>
    %mul3A_193 = arith.mulf %mul3A_192, %tanh3A_190 : vector<1024x256xf32>
    %add3A_194 = arith.constant 5.000000e-01 : f32
    %add3A_195 = vector.broadcast %add3A_194 : f32 to vector<1024x256xf32>
    %add3A_196 = arith.addf %mul3A_193, %add3A_195 : vector<1024x256xf32>
    %slice3A_197 = vector.extract_strided_slice %add3A_196 {offsets = [0, 0], sizes = [1024, 128], strides = [1, 1]} : vector<1024x256xf32> to vector<1024x128xf32>
    %slice3A_198 = vector.extract_strided_slice %add3A_196 {offsets = [0, 128], sizes = [1024, 128], strides = [1, 1]} : vector<1024x256xf32> to vector<1024x128xf32>
    %slice3A_199 = vector.extract_strided_slice %add3A_185 {offsets = [0, 256], sizes = [1024, 128], strides = [1, 1]} : vector<1024x512xf32> to vector<1024x128xf32>
    %tanh3A_200 = math.tanh %slice3A_199 : vector<1024x128xf32>
    %slice3A_201 = vector.extract_strided_slice %add3A_185 {offsets = [0, 384], sizes = [1024, 128], strides = [1, 1]} : vector<1024x512xf32> to vector<1024x128xf32>
    %mul3A_202 = arith.constant 5.000000e-01 : f32
    %mul3A_203 = vector.broadcast %mul3A_202 : f32 to vector<1024x128xf32>
    %mul3A_204 = arith.mulf %mul3A_203, %slice3A_201 : vector<1024x128xf32>
    %tanh3A_205 = math.tanh %mul3A_204 : vector<1024x128xf32>
    %mul3A_206 = arith.constant 5.000000e-01 : f32
    %mul3A_207 = vector.broadcast %mul3A_206 : f32 to vector<1024x128xf32>
    %mul3A_208 = arith.mulf %mul3A_207, %tanh3A_205 : vector<1024x128xf32>
    %add3A_209 = arith.constant 5.000000e-01 : f32
    %add3A_210 = vector.broadcast %add3A_209 : f32 to vector<1024x128xf32>
    %add3A_211 = arith.addf %mul3A_208, %add3A_210 : vector<1024x128xf32>
    %mul3A_212 = arith.mulf %slice3A_198, %select_n3A_169 : vector<1024x128xf32>
    %mul3A_213 = arith.mulf %slice3A_197, %tanh3A_200 : vector<1024x128xf32>
    %add3A_214 = arith.addf %mul3A_212, %mul3A_213 : vector<1024x128xf32>
    %tanh3A_215 = math.tanh %add3A_214 : vector<1024x128xf32>
    %mul3A_216 = arith.mulf %add3A_211, %tanh3A_215 : vector<1024x128xf32>
    %gt3A_217 = arith.constant 3 : i32
    %gt3A_218 = arith.cmpi sgt, %get3A_2, %gt3A_217 : i32
    %select_n3A_219 = arith.select %gt3A_218, %mul3A_216, %select_n3A_168 : vector<1024x128xf32>
    %select_n3A_220 = arith.select %gt3A_218, %add3A_214, %select_n3A_169 : vector<1024x128xf32>
    %slice3A_221 = vector.extract_strided_slice %dot_general3A_25 {offsets = [4096, 0], sizes = [1024, 512], strides = [1, 1]} : vector<8192x512xf32> to vector<1024x512xf32>
    %add3A_222 = arith.constant 4 : i32
    %add3A_223 = arith.addi %get3A_0, %add3A_222 : i32
    %lt3A_224 = vector.broadcast %add3A_223 : i32 to vector<1024x1xi32>
    %lt3A_225 = arith.cmpi slt, %lt3A_224, %get3A_11 : vector<1024x1xi32>
    %jit3A_226 = arith.constant 0.000000e+00 : f32
    %broadcast_in_dim3A_227 = vector.shape_cast %lt3A_225 : vector<1024x1xi1> to vector<1024x1xi1>
    %broadcast_in_dim3A_228 = vector.broadcast %broadcast_in_dim3A_227 : vector<1024x1xi1> to vector<1024x512xi1>
    %broadcast_in_dim3A_229 = vector.broadcast %jit3A_226 : f32 to vector<1024x512xf32>
    %select_n3A_230 = arith.select %broadcast_in_dim3A_228, %slice3A_221, %broadcast_in_dim3A_229 : vector<1024x512xi1>, vector<1024x512xf32>
    %convert_element_type3A_231 = arith.truncf %select_n3A_219 : vector<1024x128xf32> to vector<1024x128xbf16>
    %dot_general3A_232 = arith.constant dense<0.000000e+00> : vector<1024x512xf32>
    %dot_general3A_233 = tpu.matmul %convert_element_type3A_231, %get3A_14, %dot_general3A_232 {dimension_numbers = #tpu.dot_dimension_numbers<[1], [0], [0], [1], [0, 0, 1, 1], [], []>, transpose_lhs_hint = false} : vector<1024x128xbf16>, vector<128x512xbf16>, vector<1024x512xf32> -> vector<1024x512xf32>
    %add3A_234 = arith.addf %select_n3A_230, %dot_general3A_233 : vector<1024x512xf32>
    %add3A_235 = vector.broadcast %get3A_17 : vector<1x512xf32> to vector<1024x512xf32>
    %add3A_236 = arith.addf %add3A_234, %add3A_235 : vector<1024x512xf32>
    %slice3A_237 = vector.extract_strided_slice %add3A_236 {offsets = [0, 0], sizes = [1024, 256], strides = [1, 1]} : vector<1024x512xf32> to vector<1024x256xf32>
    %mul3A_238 = arith.constant 5.000000e-01 : f32
    %mul3A_239 = vector.broadcast %mul3A_238 : f32 to vector<1024x256xf32>
    %mul3A_240 = arith.mulf %mul3A_239, %slice3A_237 : vector<1024x256xf32>
    %tanh3A_241 = math.tanh %mul3A_240 : vector<1024x256xf32>
    %mul3A_242 = arith.constant 5.000000e-01 : f32
    %mul3A_243 = vector.broadcast %mul3A_242 : f32 to vector<1024x256xf32>
    %mul3A_244 = arith.mulf %mul3A_243, %tanh3A_241 : vector<1024x256xf32>
    %add3A_245 = arith.constant 5.000000e-01 : f32
    %add3A_246 = vector.broadcast %add3A_245 : f32 to vector<1024x256xf32>
    %add3A_247 = arith.addf %mul3A_244, %add3A_246 : vector<1024x256xf32>
    %slice3A_248 = vector.extract_strided_slice %add3A_247 {offsets = [0, 0], sizes = [1024, 128], strides = [1, 1]} : vector<1024x256xf32> to vector<1024x128xf32>
    %slice3A_249 = vector.extract_strided_slice %add3A_247 {offsets = [0, 128], sizes = [1024, 128], strides = [1, 1]} : vector<1024x256xf32> to vector<1024x128xf32>
    %slice3A_250 = vector.extract_strided_slice %add3A_236 {offsets = [0, 256], sizes = [1024, 128], strides = [1, 1]} : vector<1024x512xf32> to vector<1024x128xf32>
    %tanh3A_251 = math.tanh %slice3A_250 : vector<1024x128xf32>
    %slice3A_252 = vector.extract_strided_slice %add3A_236 {offsets = [0, 384], sizes = [1024, 128], strides = [1, 1]} : vector<1024x512xf32> to vector<1024x128xf32>
    %mul3A_253 = arith.constant 5.000000e-01 : f32
    %mul3A_254 = vector.broadcast %mul3A_253 : f32 to vector<1024x128xf32>
    %mul3A_255 = arith.mulf %mul3A_254, %slice3A_252 : vector<1024x128xf32>
    %tanh3A_256 = math.tanh %mul3A_255 : vector<1024x128xf32>
    %mul3A_257 = arith.constant 5.000000e-01 : f32
    %mul3A_258 = vector.broadcast %mul3A_257 : f32 to vector<1024x128xf32>
    %mul3A_259 = arith.mulf %mul3A_258, %tanh3A_256 : vector<1024x128xf32>
    %add3A_260 = arith.constant 5.000000e-01 : f32
    %add3A_261 = vector.broadcast %add3A_260 : f32 to vector<1024x128xf32>
    %add3A_262 = arith.addf %mul3A_259, %add3A_261 : vector<1024x128xf32>
    %mul3A_263 = arith.mulf %slice3A_249, %select_n3A_220 : vector<1024x128xf32>
    %mul3A_264 = arith.mulf %slice3A_248, %tanh3A_251 : vector<1024x128xf32>
    %add3A_265 = arith.addf %mul3A_263, %mul3A_264 : vector<1024x128xf32>
    %tanh3A_266 = math.tanh %add3A_265 : vector<1024x128xf32>
    %mul3A_267 = arith.mulf %add3A_262, %tanh3A_266 : vector<1024x128xf32>
    %gt3A_268 = arith.constant 4 : i32
    %gt3A_269 = arith.cmpi sgt, %get3A_2, %gt3A_268 : i32
    %select_n3A_270 = arith.select %gt3A_269, %mul3A_267, %select_n3A_219 : vector<1024x128xf32>
    %select_n3A_271 = arith.select %gt3A_269, %add3A_265, %select_n3A_220 : vector<1024x128xf32>
    %slice3A_272 = vector.extract_strided_slice %dot_general3A_25 {offsets = [5120, 0], sizes = [1024, 512], strides = [1, 1]} : vector<8192x512xf32> to vector<1024x512xf32>
    %add3A_273 = arith.constant 5 : i32
    %add3A_274 = arith.addi %get3A_0, %add3A_273 : i32
    %lt3A_275 = vector.broadcast %add3A_274 : i32 to vector<1024x1xi32>
    %lt3A_276 = arith.cmpi slt, %lt3A_275, %get3A_11 : vector<1024x1xi32>
    %jit3A_277 = arith.constant 0.000000e+00 : f32
    %broadcast_in_dim3A_278 = vector.shape_cast %lt3A_276 : vector<1024x1xi1> to vector<1024x1xi1>
    %broadcast_in_dim3A_279 = vector.broadcast %broadcast_in_dim3A_278 : vector<1024x1xi1> to vector<1024x512xi1>
    %broadcast_in_dim3A_280 = vector.broadcast %jit3A_277 : f32 to vector<1024x512xf32>
    %select_n3A_281 = arith.select %broadcast_in_dim3A_279, %slice3A_272, %broadcast_in_dim3A_280 : vector<1024x512xi1>, vector<1024x512xf32>
    %convert_element_type3A_282 = arith.truncf %select_n3A_270 : vector<1024x128xf32> to vector<1024x128xbf16>
    %dot_general3A_283 = arith.constant dense<0.000000e+00> : vector<1024x512xf32>
    %dot_general3A_284 = tpu.matmul %convert_element_type3A_282, %get3A_14, %dot_general3A_283 {dimension_numbers = #tpu.dot_dimension_numbers<[1], [0], [0], [1], [0, 0, 1, 1], [], []>, transpose_lhs_hint = false} : vector<1024x128xbf16>, vector<128x512xbf16>, vector<1024x512xf32> -> vector<1024x512xf32>
    %add3A_285 = arith.addf %select_n3A_281, %dot_general3A_284 : vector<1024x512xf32>
    %add3A_286 = vector.broadcast %get3A_17 : vector<1x512xf32> to vector<1024x512xf32>
    %add3A_287 = arith.addf %add3A_285, %add3A_286 : vector<1024x512xf32>
    %slice3A_288 = vector.extract_strided_slice %add3A_287 {offsets = [0, 0], sizes = [1024, 256], strides = [1, 1]} : vector<1024x512xf32> to vector<1024x256xf32>
    %mul3A_289 = arith.constant 5.000000e-01 : f32
    %mul3A_290 = vector.broadcast %mul3A_289 : f32 to vector<1024x256xf32>
    %mul3A_291 = arith.mulf %mul3A_290, %slice3A_288 : vector<1024x256xf32>
    %tanh3A_292 = math.tanh %mul3A_291 : vector<1024x256xf32>
    %mul3A_293 = arith.constant 5.000000e-01 : f32
    %mul3A_294 = vector.broadcast %mul3A_293 : f32 to vector<1024x256xf32>
    %mul3A_295 = arith.mulf %mul3A_294, %tanh3A_292 : vector<1024x256xf32>
    %add3A_296 = arith.constant 5.000000e-01 : f32
    %add3A_297 = vector.broadcast %add3A_296 : f32 to vector<1024x256xf32>
    %add3A_298 = arith.addf %mul3A_295, %add3A_297 : vector<1024x256xf32>
    %slice3A_299 = vector.extract_strided_slice %add3A_298 {offsets = [0, 0], sizes = [1024, 128], strides = [1, 1]} : vector<1024x256xf32> to vector<1024x128xf32>
    %slice3A_300 = vector.extract_strided_slice %add3A_298 {offsets = [0, 128], sizes = [1024, 128], strides = [1, 1]} : vector<1024x256xf32> to vector<1024x128xf32>
    %slice3A_301 = vector.extract_strided_slice %add3A_287 {offsets = [0, 256], sizes = [1024, 128], strides = [1, 1]} : vector<1024x512xf32> to vector<1024x128xf32>
    %tanh3A_302 = math.tanh %slice3A_301 : vector<1024x128xf32>
    %slice3A_303 = vector.extract_strided_slice %add3A_287 {offsets = [0, 384], sizes = [1024, 128], strides = [1, 1]} : vector<1024x512xf32> to vector<1024x128xf32>
    %mul3A_304 = arith.constant 5.000000e-01 : f32
    %mul3A_305 = vector.broadcast %mul3A_304 : f32 to vector<1024x128xf32>
    %mul3A_306 = arith.mulf %mul3A_305, %slice3A_303 : vector<1024x128xf32>
    %tanh3A_307 = math.tanh %mul3A_306 : vector<1024x128xf32>
    %mul3A_308 = arith.constant 5.000000e-01 : f32
    %mul3A_309 = vector.broadcast %mul3A_308 : f32 to vector<1024x128xf32>
    %mul3A_310 = arith.mulf %mul3A_309, %tanh3A_307 : vector<1024x128xf32>
    %add3A_311 = arith.constant 5.000000e-01 : f32
    %add3A_312 = vector.broadcast %add3A_311 : f32 to vector<1024x128xf32>
    %add3A_313 = arith.addf %mul3A_310, %add3A_312 : vector<1024x128xf32>
    %mul3A_314 = arith.mulf %slice3A_300, %select_n3A_271 : vector<1024x128xf32>
    %mul3A_315 = arith.mulf %slice3A_299, %tanh3A_302 : vector<1024x128xf32>
    %add3A_316 = arith.addf %mul3A_314, %mul3A_315 : vector<1024x128xf32>
    %tanh3A_317 = math.tanh %add3A_316 : vector<1024x128xf32>
    %mul3A_318 = arith.mulf %add3A_313, %tanh3A_317 : vector<1024x128xf32>
    %gt3A_319 = arith.constant 5 : i32
    %gt3A_320 = arith.cmpi sgt, %get3A_2, %gt3A_319 : i32
    %select_n3A_321 = arith.select %gt3A_320, %mul3A_318, %select_n3A_270 : vector<1024x128xf32>
    %select_n3A_322 = arith.select %gt3A_320, %add3A_316, %select_n3A_271 : vector<1024x128xf32>
    %slice3A_323 = vector.extract_strided_slice %dot_general3A_25 {offsets = [6144, 0], sizes = [1024, 512], strides = [1, 1]} : vector<8192x512xf32> to vector<1024x512xf32>
    %add3A_324 = arith.constant 6 : i32
    %add3A_325 = arith.addi %get3A_0, %add3A_324 : i32
    %lt3A_326 = vector.broadcast %add3A_325 : i32 to vector<1024x1xi32>
    %lt3A_327 = arith.cmpi slt, %lt3A_326, %get3A_11 : vector<1024x1xi32>
    %jit3A_328 = arith.constant 0.000000e+00 : f32
    %broadcast_in_dim3A_329 = vector.shape_cast %lt3A_327 : vector<1024x1xi1> to vector<1024x1xi1>
    %broadcast_in_dim3A_330 = vector.broadcast %broadcast_in_dim3A_329 : vector<1024x1xi1> to vector<1024x512xi1>
    %broadcast_in_dim3A_331 = vector.broadcast %jit3A_328 : f32 to vector<1024x512xf32>
    %select_n3A_332 = arith.select %broadcast_in_dim3A_330, %slice3A_323, %broadcast_in_dim3A_331 : vector<1024x512xi1>, vector<1024x512xf32>
    %convert_element_type3A_333 = arith.truncf %select_n3A_321 : vector<1024x128xf32> to vector<1024x128xbf16>
    %dot_general3A_334 = arith.constant dense<0.000000e+00> : vector<1024x512xf32>
    %dot_general3A_335 = tpu.matmul %convert_element_type3A_333, %get3A_14, %dot_general3A_334 {dimension_numbers = #tpu.dot_dimension_numbers<[1], [0], [0], [1], [0, 0, 1, 1], [], []>, transpose_lhs_hint = false} : vector<1024x128xbf16>, vector<128x512xbf16>, vector<1024x512xf32> -> vector<1024x512xf32>
    %add3A_336 = arith.addf %select_n3A_332, %dot_general3A_335 : vector<1024x512xf32>
    %add3A_337 = vector.broadcast %get3A_17 : vector<1x512xf32> to vector<1024x512xf32>
    %add3A_338 = arith.addf %add3A_336, %add3A_337 : vector<1024x512xf32>
    %slice3A_339 = vector.extract_strided_slice %add3A_338 {offsets = [0, 0], sizes = [1024, 256], strides = [1, 1]} : vector<1024x512xf32> to vector<1024x256xf32>
    %mul3A_340 = arith.constant 5.000000e-01 : f32
    %mul3A_341 = vector.broadcast %mul3A_340 : f32 to vector<1024x256xf32>
    %mul3A_342 = arith.mulf %mul3A_341, %slice3A_339 : vector<1024x256xf32>
    %tanh3A_343 = math.tanh %mul3A_342 : vector<1024x256xf32>
    %mul3A_344 = arith.constant 5.000000e-01 : f32
    %mul3A_345 = vector.broadcast %mul3A_344 : f32 to vector<1024x256xf32>
    %mul3A_346 = arith.mulf %mul3A_345, %tanh3A_343 : vector<1024x256xf32>
    %add3A_347 = arith.constant 5.000000e-01 : f32
    %add3A_348 = vector.broadcast %add3A_347 : f32 to vector<1024x256xf32>
    %add3A_349 = arith.addf %mul3A_346, %add3A_348 : vector<1024x256xf32>
    %slice3A_350 = vector.extract_strided_slice %add3A_349 {offsets = [0, 0], sizes = [1024, 128], strides = [1, 1]} : vector<1024x256xf32> to vector<1024x128xf32>
    %slice3A_351 = vector.extract_strided_slice %add3A_349 {offsets = [0, 128], sizes = [1024, 128], strides = [1, 1]} : vector<1024x256xf32> to vector<1024x128xf32>
    %slice3A_352 = vector.extract_strided_slice %add3A_338 {offsets = [0, 256], sizes = [1024, 128], strides = [1, 1]} : vector<1024x512xf32> to vector<1024x128xf32>
    %tanh3A_353 = math.tanh %slice3A_352 : vector<1024x128xf32>
    %slice3A_354 = vector.extract_strided_slice %add3A_338 {offsets = [0, 384], sizes = [1024, 128], strides = [1, 1]} : vector<1024x512xf32> to vector<1024x128xf32>
    %mul3A_355 = arith.constant 5.000000e-01 : f32
    %mul3A_356 = vector.broadcast %mul3A_355 : f32 to vector<1024x128xf32>
    %mul3A_357 = arith.mulf %mul3A_356, %slice3A_354 : vector<1024x128xf32>
    %tanh3A_358 = math.tanh %mul3A_357 : vector<1024x128xf32>
    %mul3A_359 = arith.constant 5.000000e-01 : f32
    %mul3A_360 = vector.broadcast %mul3A_359 : f32 to vector<1024x128xf32>
    %mul3A_361 = arith.mulf %mul3A_360, %tanh3A_358 : vector<1024x128xf32>
    %add3A_362 = arith.constant 5.000000e-01 : f32
    %add3A_363 = vector.broadcast %add3A_362 : f32 to vector<1024x128xf32>
    %add3A_364 = arith.addf %mul3A_361, %add3A_363 : vector<1024x128xf32>
    %mul3A_365 = arith.mulf %slice3A_351, %select_n3A_322 : vector<1024x128xf32>
    %mul3A_366 = arith.mulf %slice3A_350, %tanh3A_353 : vector<1024x128xf32>
    %add3A_367 = arith.addf %mul3A_365, %mul3A_366 : vector<1024x128xf32>
    %tanh3A_368 = math.tanh %add3A_367 : vector<1024x128xf32>
    %mul3A_369 = arith.mulf %add3A_364, %tanh3A_368 : vector<1024x128xf32>
    %gt3A_370 = arith.constant 6 : i32
    %gt3A_371 = arith.cmpi sgt, %get3A_2, %gt3A_370 : i32
    %select_n3A_372 = arith.select %gt3A_371, %mul3A_369, %select_n3A_321 : vector<1024x128xf32>
    %select_n3A_373 = arith.select %gt3A_371, %add3A_367, %select_n3A_322 : vector<1024x128xf32>
    %slice3A_374 = vector.extract_strided_slice %dot_general3A_25 {offsets = [7168, 0], sizes = [1024, 512], strides = [1, 1]} : vector<8192x512xf32> to vector<1024x512xf32>
    %add3A_375 = arith.constant 7 : i32
    %add3A_376 = arith.addi %get3A_0, %add3A_375 : i32
    %lt3A_377 = vector.broadcast %add3A_376 : i32 to vector<1024x1xi32>
    %lt3A_378 = arith.cmpi slt, %lt3A_377, %get3A_11 : vector<1024x1xi32>
    %jit3A_379 = arith.constant 0.000000e+00 : f32
    %broadcast_in_dim3A_380 = vector.shape_cast %lt3A_378 : vector<1024x1xi1> to vector<1024x1xi1>
    %broadcast_in_dim3A_381 = vector.broadcast %broadcast_in_dim3A_380 : vector<1024x1xi1> to vector<1024x512xi1>
    %broadcast_in_dim3A_382 = vector.broadcast %jit3A_379 : f32 to vector<1024x512xf32>
    %select_n3A_383 = arith.select %broadcast_in_dim3A_381, %slice3A_374, %broadcast_in_dim3A_382 : vector<1024x512xi1>, vector<1024x512xf32>
    %convert_element_type3A_384 = arith.truncf %select_n3A_372 : vector<1024x128xf32> to vector<1024x128xbf16>
    %dot_general3A_385 = arith.constant dense<0.000000e+00> : vector<1024x512xf32>
    %dot_general3A_386 = tpu.matmul %convert_element_type3A_384, %get3A_14, %dot_general3A_385 {dimension_numbers = #tpu.dot_dimension_numbers<[1], [0], [0], [1], [0, 0, 1, 1], [], []>, transpose_lhs_hint = false} : vector<1024x128xbf16>, vector<128x512xbf16>, vector<1024x512xf32> -> vector<1024x512xf32>
    %add3A_387 = arith.addf %select_n3A_383, %dot_general3A_386 : vector<1024x512xf32>
    %add3A_388 = vector.broadcast %get3A_17 : vector<1x512xf32> to vector<1024x512xf32>
    %add3A_389 = arith.addf %add3A_387, %add3A_388 : vector<1024x512xf32>
    %slice3A_390 = vector.extract_strided_slice %add3A_389 {offsets = [0, 0], sizes = [1024, 256], strides = [1, 1]} : vector<1024x512xf32> to vector<1024x256xf32>
    %mul3A_391 = arith.constant 5.000000e-01 : f32
    %mul3A_392 = vector.broadcast %mul3A_391 : f32 to vector<1024x256xf32>
    %mul3A_393 = arith.mulf %mul3A_392, %slice3A_390 : vector<1024x256xf32>
    %tanh3A_394 = math.tanh %mul3A_393 : vector<1024x256xf32>
    %mul3A_395 = arith.constant 5.000000e-01 : f32
    %mul3A_396 = vector.broadcast %mul3A_395 : f32 to vector<1024x256xf32>
    %mul3A_397 = arith.mulf %mul3A_396, %tanh3A_394 : vector<1024x256xf32>
    %add3A_398 = arith.constant 5.000000e-01 : f32
    %add3A_399 = vector.broadcast %add3A_398 : f32 to vector<1024x256xf32>
    %add3A_400 = arith.addf %mul3A_397, %add3A_399 : vector<1024x256xf32>
    %slice3A_401 = vector.extract_strided_slice %add3A_400 {offsets = [0, 0], sizes = [1024, 128], strides = [1, 1]} : vector<1024x256xf32> to vector<1024x128xf32>
    %slice3A_402 = vector.extract_strided_slice %add3A_400 {offsets = [0, 128], sizes = [1024, 128], strides = [1, 1]} : vector<1024x256xf32> to vector<1024x128xf32>
    %slice3A_403 = vector.extract_strided_slice %add3A_389 {offsets = [0, 256], sizes = [1024, 128], strides = [1, 1]} : vector<1024x512xf32> to vector<1024x128xf32>
    %tanh3A_404 = math.tanh %slice3A_403 : vector<1024x128xf32>
    %slice3A_405 = vector.extract_strided_slice %add3A_389 {offsets = [0, 384], sizes = [1024, 128], strides = [1, 1]} : vector<1024x512xf32> to vector<1024x128xf32>
    %mul3A_406 = arith.constant 5.000000e-01 : f32
    %mul3A_407 = vector.broadcast %mul3A_406 : f32 to vector<1024x128xf32>
    %mul3A_408 = arith.mulf %mul3A_407, %slice3A_405 : vector<1024x128xf32>
    %tanh3A_409 = math.tanh %mul3A_408 : vector<1024x128xf32>
    %mul3A_410 = arith.constant 5.000000e-01 : f32
    %mul3A_411 = vector.broadcast %mul3A_410 : f32 to vector<1024x128xf32>
    %mul3A_412 = arith.mulf %mul3A_411, %tanh3A_409 : vector<1024x128xf32>
    %add3A_413 = arith.constant 5.000000e-01 : f32
    %add3A_414 = vector.broadcast %add3A_413 : f32 to vector<1024x128xf32>
    %add3A_415 = arith.addf %mul3A_412, %add3A_414 : vector<1024x128xf32>
    %mul3A_416 = arith.mulf %slice3A_402, %select_n3A_373 : vector<1024x128xf32>
    %mul3A_417 = arith.mulf %slice3A_401, %tanh3A_404 : vector<1024x128xf32>
    %add3A_418 = arith.addf %mul3A_416, %mul3A_417 : vector<1024x128xf32>
    %tanh3A_419 = math.tanh %add3A_418 : vector<1024x128xf32>
    %mul3A_420 = arith.mulf %add3A_415, %tanh3A_419 : vector<1024x128xf32>
    %gt3A_421 = arith.constant 7 : i32
    %gt3A_422 = arith.cmpi sgt, %get3A_2, %gt3A_421 : i32
    %select_n3A_423 = arith.select %gt3A_422, %mul3A_420, %select_n3A_372 : vector<1024x128xf32>
    %select_n3A_424 = arith.select %gt3A_422, %add3A_418, %select_n3A_373 : vector<1024x128xf32>
    %swap3A = arith.constant 0 : index
    %swap3A_425 = arith.constant 0 : index
    %swap3A_426 = vector.load %arg9[%swap3A, %swap3A_425] : memref<1024x128xf32, #tpu.memory_space<vmem>>, vector<1024x128xf32>
    tpu.vector_store %arg9[%swap3A, %swap3A_425], %select_n3A_423 {strides = array<i32>} : memref<1024x128xf32, #tpu.memory_space<vmem>>, vector<1024x128xf32>,
    %swap3A_427 = arith.constant 0 : index
    %swap3A_428 = arith.constant 0 : index
    %swap3A_429 = vector.load %arg10[%swap3A_427, %swap3A_428] : memref<1024x128xf32, #tpu.memory_space<vmem>>, vector<1024x128xf32>
    tpu.vector_store %arg10[%swap3A_427, %swap3A_428], %select_n3A_424 {strides = array<i32>} : memref<1024x128xf32, #tpu.memory_space<vmem>>, vector<1024x128xf32>,
    return
  }
  func.func @transform_0(%arg0: i32) -> i32 {
    %c0_i32 = arith.constant 0 : i32
    %c0_i32_0 = arith.constant 0 : i32
    return %c0_i32 : i32
  }
  func.func @transform_1(%arg0: i32) -> (i32, i32, i32) {
    %c0_i32 = arith.constant 0 : i32
    %c0_i32_0 = arith.constant 0 : i32
    %c0_i32_1 = arith.constant 0 : i32
    return %c0_i32, %arg0, %c0_i32_0 : i32, i32, i32
  }
  func.func @transform_2(%arg0: i32) -> (i32, i32) {
    %c0_i32 = arith.constant 0 : i32
    %c0_i32_0 = arith.constant 0 : i32
    return %arg0, %c0_i32 : i32, i32
  }
  func.func @transform_3(%arg0: i32) -> (i32, i32) {
    %c0_i32 = arith.constant 0 : i32
    %c0_i32_0 = arith.constant 0 : i32
    return %arg0, %c0_i32 : i32, i32
  }
  func.func @transform_4(%arg0: i32) -> (i32, i32) {
    %c0_i32 = arith.constant 0 : i32
    %c0_i32_0 = arith.constant 0 : i32
    return %arg0, %c0_i32 : i32, i32
  }
  func.func @transform_5(%arg0: i32) -> (i32, i32) {
    %c0_i32 = arith.constant 0 : i32
    %c0_i32_0 = arith.constant 0 : i32
    %c0_i32_1 = arith.constant 0 : i32
    return %c0_i32, %c0_i32_0 : i32, i32
  }
  func.func @transform_6(%arg0: i32) -> (i32, i32) {
    %c0_i32 = arith.constant 0 : i32
    %c0_i32_0 = arith.constant 0 : i32
    %c0_i32_1 = arith.constant 0 : i32
    return %c0_i32, %c0_i32_0 : i32, i32
  }
  func.func @transform_7(%arg0: i32) -> (i32, i32) {
    %c0_i32 = arith.constant 0 : i32
    %c0_i32_0 = arith.constant 0 : i32
    %c0_i32_1 = arith.constant 0 : i32
    return %c0_i32, %c0_i32_0 : i32, i32
  }
  func.func @transform_8(%arg0: i32) -> (i32, i32) {
    %c0_i32 = arith.constant 0 : i32
    %c0_i32_0 = arith.constant 0 : i32
    return %arg0, %c0_i32 : i32, i32
  }
  func.func @transform_9(%arg0: i32) -> (i32, i32) {
    %c0_i32 = arith.constant 0 : i32
    %c0_i32_0 = arith.constant 0 : i32
    return %arg0, %c0_i32 : i32, i32
  }
}

module attributes {stable_mosaic.version = 14 : i64} {
  func.func @body(%arg0: i32, %arg1: memref<2xi32, #tpu.memory_space<smem>>, %arg2: memref<8x1024x128xf32, #tpu.memory_space<vmem>>, %arg3: memref<1024x128xf32, #tpu.memory_space<vmem>>, %arg4: memref<1024x128xf32, #tpu.memory_space<vmem>>, %arg5: memref<1024x1xi32, #tpu.memory_space<vmem>>, %arg6: memref<128x512xbf16, #tpu.memory_space<vmem>>, %arg7: memref<128x512xbf16, #tpu.memory_space<vmem>>, %arg8: memref<1x512xf32, #tpu.memory_space<vmem>>, %arg9: memref<1024x128xf32, #tpu.memory_space<vmem>>, %arg10: memref<1024x128xf32, #tpu.memory_space<vmem>>) attributes {dimension_semantics = [#tpu.dimension_semantics<arbitrary>], iteration_bounds = array<i64: 10>, scalar_prefetch = 0 : i64, scratch_operands = 0 : i64, tpu.core_type = #tpu.core_type<tc>, window_params = [{transform_indices = @transform_0, window_bounds = array<i64: 2>}, {transform_indices = @transform_1, window_bounds = array<i64: 8, 1024, 128>}, {transform_indices = @transform_2, window_bounds = array<i64: 1024, 128>}, {transform_indices = @transform_3, window_bounds = array<i64: 1024, 128>}, {transform_indices = @transform_4, window_bounds = array<i64: 1024, 1>}, {pipeline_mode = #tpu.pipeline_mode<synchronous>, transform_indices = @transform_5, window_bounds = array<i64: 128, 512>}, {pipeline_mode = #tpu.pipeline_mode<synchronous>, transform_indices = @transform_6, window_bounds = array<i64: 128, 512>}, {pipeline_mode = #tpu.pipeline_mode<synchronous>, transform_indices = @transform_7, window_bounds = array<i64: 1, 512>}, {transform_indices = @transform_8, window_bounds = array<i64: 1024, 128>}, {transform_indices = @transform_9, window_bounds = array<i64: 1024, 128>}]} {
    %get3A = arith.constant 0 : index
    %get3A_0 = memref.load %arg1[%get3A] : memref<2xi32, #tpu.memory_space<smem>>
    %get3A_1 = arith.constant 1 : index
    %get3A_2 = memref.load %arg1[%get3A_1] : memref<2xi32, #tpu.memory_space<smem>>
    %get3A_3 = arith.constant 0 : index
    %get3A_4 = arith.constant 0 : index
    %get3A_5 = vector.load %arg3[%get3A_3, %get3A_4] : memref<1024x128xf32, #tpu.memory_space<vmem>>, vector<1024x128xf32>
    %get3A_6 = arith.constant 0 : index
    %get3A_7 = arith.constant 0 : index
    %get3A_8 = vector.load %arg4[%get3A_6, %get3A_7] : memref<1024x128xf32, #tpu.memory_space<vmem>>, vector<1024x128xf32>
    %get3A_9 = arith.constant 0 : index
    %get3A_10 = arith.constant 0 : index
    %get3A_11 = vector.load %arg5[%get3A_9, %get3A_10] : memref<1024x1xi32, #tpu.memory_space<vmem>>, vector<1024x1xi32>
    %get3A_12 = arith.constant 0 : index
    %get3A_13 = arith.constant 0 : index
    %get3A_14 = vector.load %arg7[%get3A_12, %get3A_13] : memref<128x512xbf16, #tpu.memory_space<vmem>>, vector<128x512xbf16>
    %get3A_15 = arith.constant 0 : index
    %get3A_16 = arith.constant 0 : index
    %get3A_17 = vector.load %arg8[%get3A_15, %get3A_16] : memref<1x512xf32, #tpu.memory_space<vmem>>, vector<1x512xf32>
    %get3A_18 = arith.constant 0 : index
    %get3A_19 = arith.constant 0 : index
    %get3A_20 = arith.constant 0 : index
    %get3A_21 = vector.load %arg2[%get3A_18, %get3A_19, %get3A_20] : memref<8x1024x128xf32, #tpu.memory_space<vmem>>, vector<8x1024x128xf32>
    %reshape3A = vector.shape_cast %get3A_21 : vector<8x1024x128xf32> to vector<8192x128xf32>
    %convert_element_type3A = arith.truncf %reshape3A : vector<8192x128xf32> to vector<8192x128xbf16>
    %get3A_22 = arith.constant 0 : index
    %get3A_23 = arith.constant 0 : index
    %get3A_24 = vector.load %arg6[%get3A_22, %get3A_23] : memref<128x512xbf16, #tpu.memory_space<vmem>>, vector<128x512xbf16>
    %dot_general3A = arith.constant dense<0.000000e+00> : vector<8192x512xf32>
    %dot_general3A_25 = tpu.matmul %convert_element_type3A, %get3A_24, %dot_general3A {dimension_numbers = #tpu.dot_dimension_numbers<[1], [0], [0], [1], [0, 0, 1, 1], [], []>, transpose_lhs_hint = false} : vector<8192x128xbf16>, vector<128x512xbf16>, vector<8192x512xf32> -> vector<8192x512xf32>
    %slice3A = vector.extract_strided_slice %dot_general3A_25 {offsets = [0, 0], sizes = [1024, 512], strides = [1, 1]} : vector<8192x512xf32> to vector<1024x512xf32>
    %add3A = arith.constant 0 : i32
    %add3A_26 = arith.addi %get3A_0, %add3A : i32
    %lt3A = vector.broadcast %add3A_26 : i32 to vector<1024x1xi32>
    %lt3A_27 = arith.cmpi slt, %lt3A, %get3A_11 : vector<1024x1xi32>
    %jit3A = arith.constant 0.000000e+00 : f32
    %broadcast_in_dim3A = vector.shape_cast %lt3A_27 : vector<1024x1xi1> to vector<1024x1xi1>
    %broadcast_in_dim3A_28 = vector.broadcast %broadcast_in_dim3A : vector<1024x1xi1> to vector<1024x512xi1>
    %broadcast_in_dim3A_29 = vector.broadcast %jit3A : f32 to vector<1024x512xf32>
    %select_n3A = arith.select %broadcast_in_dim3A_28, %slice3A, %broadcast_in_dim3A_29 : vector<1024x512xi1>, vector<1024x512xf32>
    %convert_element_type3A_30 = arith.truncf %get3A_5 : vector<1024x128xf32> to vector<1024x128xbf16>
    %dot_general3A_31 = arith.constant dense<0.000000e+00> : vector<1024x512xf32>
    %dot_general3A_32 = tpu.matmul %convert_element_type3A_30, %get3A_14, %dot_general3A_31 {dimension_numbers = #tpu.dot_dimension_numbers<[1], [0], [0], [1], [0, 0, 1, 1], [], []>, transpose_lhs_hint = false} : vector<1024x128xbf16>, vector<128x512xbf16>, vector<1024x512xf32> -> vector<1024x512xf32>
    %add3A_33 = arith.addf %select_n3A, %dot_general3A_32 : vector<1024x512xf32>
    %add3A_34 = vector.broadcast %get3A_17 : vector<1x512xf32> to vector<1024x512xf32>
    %add3A_35 = arith.addf %add3A_33, %add3A_34 : vector<1024x512xf32>
    %slice3A_36 = vector.extract_strided_slice %add3A_35 {offsets = [0, 0], sizes = [1024, 256], strides = [1, 1]} : vector<1024x512xf32> to vector<1024x256xf32>
    %mul3A = arith.constant 5.000000e-01 : f32
    %mul3A_37 = vector.broadcast %mul3A : f32 to vector<1024x256xf32>
    %mul3A_38 = arith.mulf %mul3A_37, %slice3A_36 : vector<1024x256xf32>
    %tanh3A = math.tanh %mul3A_38 : vector<1024x256xf32>
    %mul3A_39 = arith.constant 5.000000e-01 : f32
    %mul3A_40 = vector.broadcast %mul3A_39 : f32 to vector<1024x256xf32>
    %mul3A_41 = arith.mulf %mul3A_40, %tanh3A : vector<1024x256xf32>
    %add3A_42 = arith.constant 5.000000e-01 : f32
    %add3A_43 = vector.broadcast %add3A_42 : f32 to vector<1024x256xf32>
    %add3A_44 = arith.addf %mul3A_41, %add3A_43 : vector<1024x256xf32>
    %slice3A_45 = vector.extract_strided_slice %add3A_44 {offsets = [0, 0], sizes = [1024, 128], strides = [1, 1]} : vector<1024x256xf32> to vector<1024x128xf32>
    %slice3A_46 = vector.extract_strided_slice %add3A_44 {offsets = [0, 128], sizes = [1024, 128], strides = [1, 1]} : vector<1024x256xf32> to vector<1024x128xf32>
    %slice3A_47 = vector.extract_strided_slice %add3A_35 {offsets = [0, 256], sizes = [1024, 128], strides = [1, 1]} : vector<1024x512xf32> to vector<1024x128xf32>
    %tanh3A_48 = math.tanh %slice3A_47 : vector<1024x128xf32>
    %slice3A_49 = vector.extract_strided_slice %add3A_35 {offsets = [0, 384], sizes = [1024, 128], strides = [1, 1]} : vector<1024x512xf32> to vector<1024x128xf32>
    %mul3A_50 = arith.constant 5.000000e-01 : f32
    %mul3A_51 = vector.broadcast %mul3A_50 : f32 to vector<1024x128xf32>
    %mul3A_52 = arith.mulf %mul3A_51, %slice3A_49 : vector<1024x128xf32>
    %tanh3A_53 = math.tanh %mul3A_52 : vector<1024x128xf32>
    %mul3A_54 = arith.constant 5.000000e-01 : f32
    %mul3A_55 = vector.broadcast %mul3A_54 : f32 to vector<1024x128xf32>
    %mul3A_56 = arith.mulf %mul3A_55, %tanh3A_53 : vector<1024x128xf32>
    %add3A_57 = arith.constant 5.000000e-01 : f32
    %add3A_58 = vector.broadcast %add3A_57 : f32 to vector<1024x128xf32>
    %add3A_59 = arith.addf %mul3A_56, %add3A_58 : vector<1024x128xf32>
    %mul3A_60 = arith.mulf %slice3A_46, %get3A_8 : vector<1024x128xf32>
    %mul3A_61 = arith.mulf %slice3A_45, %tanh3A_48 : vector<1024x128xf32>
    %add3A_62 = arith.addf %mul3A_60, %mul3A_61 : vector<1024x128xf32>
    %tanh3A_63 = math.tanh %add3A_62 : vector<1024x128xf32>
    %mul3A_64 = arith.mulf %add3A_59, %tanh3A_63 : vector<1024x128xf32>
    %gt3A = arith.constant 0 : i32
    %gt3A_65 = arith.cmpi sgt, %get3A_2, %gt3A : i32
    %select_n3A_66 = arith.select %gt3A_65, %mul3A_64, %get3A_5 : vector<1024x128xf32>
    %select_n3A_67 = arith.select %gt3A_65, %add3A_62, %get3A_8 : vector<1024x128xf32>
    %slice3A_68 = vector.extract_strided_slice %dot_general3A_25 {offsets = [1024, 0], sizes = [1024, 512], strides = [1, 1]} : vector<8192x512xf32> to vector<1024x512xf32>
    %add3A_69 = arith.constant 1 : i32
    %add3A_70 = arith.addi %get3A_0, %add3A_69 : i32
    %lt3A_71 = vector.broadcast %add3A_70 : i32 to vector<1024x1xi32>
    %lt3A_72 = arith.cmpi slt, %lt3A_71, %get3A_11 : vector<1024x1xi32>
    %jit3A_73 = arith.constant 0.000000e+00 : f32
    %broadcast_in_dim3A_74 = vector.shape_cast %lt3A_72 : vector<1024x1xi1> to vector<1024x1xi1>
    %broadcast_in_dim3A_75 = vector.broadcast %broadcast_in_dim3A_74 : vector<1024x1xi1> to vector<1024x512xi1>
    %broadcast_in_dim3A_76 = vector.broadcast %jit3A_73 : f32 to vector<1024x512xf32>
    %select_n3A_77 = arith.select %broadcast_in_dim3A_75, %slice3A_68, %broadcast_in_dim3A_76 : vector<1024x512xi1>, vector<1024x512xf32>
    %convert_element_type3A_78 = arith.truncf %select_n3A_66 : vector<1024x128xf32> to vector<1024x128xbf16>
    %dot_general3A_79 = arith.constant dense<0.000000e+00> : vector<1024x512xf32>
    %dot_general3A_80 = tpu.matmul %convert_element_type3A_78, %get3A_14, %dot_general3A_79 {dimension_numbers = #tpu.dot_dimension_numbers<[1], [0], [0], [1], [0, 0, 1, 1], [], []>, transpose_lhs_hint = false} : vector<1024x128xbf16>, vector<128x512xbf16>, vector<1024x512xf32> -> vector<1024x512xf32>
    %add3A_81 = arith.addf %select_n3A_77, %dot_general3A_80 : vector<1024x512xf32>
    %add3A_82 = vector.broadcast %get3A_17 : vector<1x512xf32> to vector<1024x512xf32>
    %add3A_83 = arith.addf %add3A_81, %add3A_82 : vector<1024x512xf32>
    %slice3A_84 = vector.extract_strided_slice %add3A_83 {offsets = [0, 0], sizes = [1024, 256], strides = [1, 1]} : vector<1024x512xf32> to vector<1024x256xf32>
    %mul3A_85 = arith.constant 5.000000e-01 : f32
    %mul3A_86 = vector.broadcast %mul3A_85 : f32 to vector<1024x256xf32>
    %mul3A_87 = arith.mulf %mul3A_86, %slice3A_84 : vector<1024x256xf32>
    %tanh3A_88 = math.tanh %mul3A_87 : vector<1024x256xf32>
    %mul3A_89 = arith.constant 5.000000e-01 : f32
    %mul3A_90 = vector.broadcast %mul3A_89 : f32 to vector<1024x256xf32>
    %mul3A_91 = arith.mulf %mul3A_90, %tanh3A_88 : vector<1024x256xf32>
    %add3A_92 = arith.constant 5.000000e-01 : f32
    %add3A_93 = vector.broadcast %add3A_92 : f32 to vector<1024x256xf32>
    %add3A_94 = arith.addf %mul3A_91, %add3A_93 : vector<1024x256xf32>
    %slice3A_95 = vector.extract_strided_slice %add3A_94 {offsets = [0, 0], sizes = [1024, 128], strides = [1, 1]} : vector<1024x256xf32> to vector<1024x128xf32>
    %slice3A_96 = vector.extract_strided_slice %add3A_94 {offsets = [0, 128], sizes = [1024, 128], strides = [1, 1]} : vector<1024x256xf32> to vector<1024x128xf32>
    %slice3A_97 = vector.extract_strided_slice %add3A_83 {offsets = [0, 256], sizes = [1024, 128], strides = [1, 1]} : vector<1024x512xf32> to vector<1024x128xf32>
    %tanh3A_98 = math.tanh %slice3A_97 : vector<1024x128xf32>
    %slice3A_99 = vector.extract_strided_slice %add3A_83 {offsets = [0, 384], sizes = [1024, 128], strides = [1, 1]} : vector<1024x512xf32> to vector<1024x128xf32>
    %mul3A_100 = arith.constant 5.000000e-01 : f32
    %mul3A_101 = vector.broadcast %mul3A_100 : f32 to vector<1024x128xf32>
    %mul3A_102 = arith.mulf %mul3A_101, %slice3A_99 : vector<1024x128xf32>
    %tanh3A_103 = math.tanh %mul3A_102 : vector<1024x128xf32>
    %mul3A_104 = arith.constant 5.000000e-01 : f32
    %mul3A_105 = vector.broadcast %mul3A_104 : f32 to vector<1024x128xf32>
    %mul3A_106 = arith.mulf %mul3A_105, %tanh3A_103 : vector<1024x128xf32>
    %add3A_107 = arith.constant 5.000000e-01 : f32
    %add3A_108 = vector.broadcast %add3A_107 : f32 to vector<1024x128xf32>
    %add3A_109 = arith.addf %mul3A_106, %add3A_108 : vector<1024x128xf32>
    %mul3A_110 = arith.mulf %slice3A_96, %select_n3A_67 : vector<1024x128xf32>
    %mul3A_111 = arith.mulf %slice3A_95, %tanh3A_98 : vector<1024x128xf32>
    %add3A_112 = arith.addf %mul3A_110, %mul3A_111 : vector<1024x128xf32>
    %tanh3A_113 = math.tanh %add3A_112 : vector<1024x128xf32>
    %mul3A_114 = arith.mulf %add3A_109, %tanh3A_113 : vector<1024x128xf32>
    %gt3A_115 = arith.constant 1 : i32
    %gt3A_116 = arith.cmpi sgt, %get3A_2, %gt3A_115 : i32
    %select_n3A_117 = arith.select %gt3A_116, %mul3A_114, %select_n3A_66 : vector<1024x128xf32>
    %select_n3A_118 = arith.select %gt3A_116, %add3A_112, %select_n3A_67 : vector<1024x128xf32>
    %slice3A_119 = vector.extract_strided_slice %dot_general3A_25 {offsets = [2048, 0], sizes = [1024, 512], strides = [1, 1]} : vector<8192x512xf32> to vector<1024x512xf32>
    %add3A_120 = arith.constant 2 : i32
    %add3A_121 = arith.addi %get3A_0, %add3A_120 : i32
    %lt3A_122 = vector.broadcast %add3A_121 : i32 to vector<1024x1xi32>
    %lt3A_123 = arith.cmpi slt, %lt3A_122, %get3A_11 : vector<1024x1xi32>
    %jit3A_124 = arith.constant 0.000000e+00 : f32
    %broadcast_in_dim3A_125 = vector.shape_cast %lt3A_123 : vector<1024x1xi1> to vector<1024x1xi1>
    %broadcast_in_dim3A_126 = vector.broadcast %broadcast_in_dim3A_125 : vector<1024x1xi1> to vector<1024x512xi1>
    %broadcast_in_dim3A_127 = vector.broadcast %jit3A_124 : f32 to vector<1024x512xf32>
    %select_n3A_128 = arith.select %broadcast_in_dim3A_126, %slice3A_119, %broadcast_in_dim3A_127 : vector<1024x512xi1>, vector<1024x512xf32>
    %convert_element_type3A_129 = arith.truncf %select_n3A_117 : vector<1024x128xf32> to vector<1024x128xbf16>
    %dot_general3A_130 = arith.constant dense<0.000000e+00> : vector<1024x512xf32>
    %dot_general3A_131 = tpu.matmul %convert_element_type3A_129, %get3A_14, %dot_general3A_130 {dimension_numbers = #tpu.dot_dimension_numbers<[1], [0], [0], [1], [0, 0, 1, 1], [], []>, transpose_lhs_hint = false} : vector<1024x128xbf16>, vector<128x512xbf16>, vector<1024x512xf32> -> vector<1024x512xf32>
    %add3A_132 = arith.addf %select_n3A_128, %dot_general3A_131 : vector<1024x512xf32>
    %add3A_133 = vector.broadcast %get3A_17 : vector<1x512xf32> to vector<1024x512xf32>
    %add3A_134 = arith.addf %add3A_132, %add3A_133 : vector<1024x512xf32>
    %slice3A_135 = vector.extract_strided_slice %add3A_134 {offsets = [0, 0], sizes = [1024, 256], strides = [1, 1]} : vector<1024x512xf32> to vector<1024x256xf32>
    %mul3A_136 = arith.constant 5.000000e-01 : f32
    %mul3A_137 = vector.broadcast %mul3A_136 : f32 to vector<1024x256xf32>
    %mul3A_138 = arith.mulf %mul3A_137, %slice3A_135 : vector<1024x256xf32>
    %tanh3A_139 = math.tanh %mul3A_138 : vector<1024x256xf32>
    %mul3A_140 = arith.constant 5.000000e-01 : f32
    %mul3A_141 = vector.broadcast %mul3A_140 : f32 to vector<1024x256xf32>
    %mul3A_142 = arith.mulf %mul3A_141, %tanh3A_139 : vector<1024x256xf32>
    %add3A_143 = arith.constant 5.000000e-01 : f32
    %add3A_144 = vector.broadcast %add3A_143 : f32 to vector<1024x256xf32>
    %add3A_145 = arith.addf %mul3A_142, %add3A_144 : vector<1024x256xf32>
    %slice3A_146 = vector.extract_strided_slice %add3A_145 {offsets = [0, 0], sizes = [1024, 128], strides = [1, 1]} : vector<1024x256xf32> to vector<1024x128xf32>
    %slice3A_147 = vector.extract_strided_slice %add3A_145 {offsets = [0, 128], sizes = [1024, 128], strides = [1, 1]} : vector<1024x256xf32> to vector<1024x128xf32>
    %slice3A_148 = vector.extract_strided_slice %add3A_134 {offsets = [0, 256], sizes = [1024, 128], strides = [1, 1]} : vector<1024x512xf32> to vector<1024x128xf32>
    %tanh3A_149 = math.tanh %slice3A_148 : vector<1024x128xf32>
    %slice3A_150 = vector.extract_strided_slice %add3A_134 {offsets = [0, 384], sizes = [1024, 128], strides = [1, 1]} : vector<1024x512xf32> to vector<1024x128xf32>
    %mul3A_151 = arith.constant 5.000000e-01 : f32
    %mul3A_152 = vector.broadcast %mul3A_151 : f32 to vector<1024x128xf32>
    %mul3A_153 = arith.mulf %mul3A_152, %slice3A_150 : vector<1024x128xf32>
    %tanh3A_154 = math.tanh %mul3A_153 : vector<1024x128xf32>
    %mul3A_155 = arith.constant 5.000000e-01 : f32
    %mul3A_156 = vector.broadcast %mul3A_155 : f32 to vector<1024x128xf32>
    %mul3A_157 = arith.mulf %mul3A_156, %tanh3A_154 : vector<1024x128xf32>
    %add3A_158 = arith.constant 5.000000e-01 : f32
    %add3A_159 = vector.broadcast %add3A_158 : f32 to vector<1024x128xf32>
    %add3A_160 = arith.addf %mul3A_157, %add3A_159 : vector<1024x128xf32>
    %mul3A_161 = arith.mulf %slice3A_147, %select_n3A_118 : vector<1024x128xf32>
    %mul3A_162 = arith.mulf %slice3A_146, %tanh3A_149 : vector<1024x128xf32>
    %add3A_163 = arith.addf %mul3A_161, %mul3A_162 : vector<1024x128xf32>
    %tanh3A_164 = math.tanh %add3A_163 : vector<1024x128xf32>
    %mul3A_165 = arith.mulf %add3A_160, %tanh3A_164 : vector<1024x128xf32>
    %gt3A_166 = arith.constant 2 : i32
    %gt3A_167 = arith.cmpi sgt, %get3A_2, %gt3A_166 : i32
    %select_n3A_168 = arith.select %gt3A_167, %mul3A_165, %select_n3A_117 : vector<1024x128xf32>
    %select_n3A_169 = arith.select %gt3A_167, %add3A_163, %select_n3A_118 : vector<1024x128xf32>
    %slice3A_170 = vector.extract_strided_slice %dot_general3A_25 {offsets = [3072, 0], sizes = [1024, 512], strides = [1, 1]} : vector<8192x512xf32> to vector<1024x512xf32>
    %add3A_171 = arith.constant 3 : i32
    %add3A_172 = arith.addi %get3A_0, %add3A_171 : i32
    %lt3A_173 = vector.broadcast %add3A_172 : i32 to vector<1024x1xi32>
    %lt3A_174 = arith.cmpi slt, %lt3A_173, %get3A_11 : vector<1024x1xi32>
    %jit3A_175 = arith.constant 0.000000e+00 : f32
    %broadcast_in_dim3A_176 = vector.shape_cast %lt3A_174 : vector<1024x1xi1> to vector<1024x1xi1>
    %broadcast_in_dim3A_177 = vector.broadcast %broadcast_in_dim3A_176 : vector<1024x1xi1> to vector<1024x512xi1>
    %broadcast_in_dim3A_178 = vector.broadcast %jit3A_175 : f32 to vector<1024x512xf32>
    %select_n3A_179 = arith.select %broadcast_in_dim3A_177, %slice3A_170, %broadcast_in_dim3A_178 : vector<1024x512xi1>, vector<1024x512xf32>
    %convert_element_type3A_180 = arith.truncf %select_n3A_168 : vector<1024x128xf32> to vector<1024x128xbf16>
    %dot_general3A_181 = arith.constant dense<0.000000e+00> : vector<1024x512xf32>
    %dot_general3A_182 = tpu.matmul %convert_element_type3A_180, %get3A_14, %dot_general3A_181 {dimension_numbers = #tpu.dot_dimension_numbers<[1], [0], [0], [1], [0, 0, 1, 1], [], []>, transpose_lhs_hint = false} : vector<1024x128xbf16>, vector<128x512xbf16>, vector<1024x512xf32> -> vector<1024x512xf32>
    %add3A_183 = arith.addf %select_n3A_179, %dot_general3A_182 : vector<1024x512xf32>
    %add3A_184 = vector.broadcast %get3A_17 : vector<1x512xf32> to vector<1024x512xf32>
    %add3A_185 = arith.addf %add3A_183, %add3A_184 : vector<1024x512xf32>
    %slice3A_186 = vector.extract_strided_slice %add3A_185 {offsets = [0, 0], sizes = [1024, 256], strides = [1, 1]} : vector<1024x512xf32> to vector<1024x256xf32>
    %mul3A_187 = arith.constant 5.000000e-01 : f32
    %mul3A_188 = vector.broadcast %mul3A_187 : f32 to vector<1024x256xf32>
    %mul3A_189 = arith.mulf %mul3A_188, %slice3A_186 : vector<1024x256xf32>
    %tanh3A_190 = math.tanh %mul3A_189 : vector<1024x256xf32>
    %mul3A_191 = arith.constant 5.000000e-01 : f32
    %mul3A_192 = vector.broadcast %mul3A_191 : f32 to vector<1024x256xf32>
    %mul3A_193 = arith.mulf %mul3A_192, %tanh3A_190 : vector<1024x256xf32>
    %add3A_194 = arith.constant 5.000000e-01 : f32
    %add3A_195 = vector.broadcast %add3A_194 : f32 to vector<1024x256xf32>
    %add3A_196 = arith.addf %mul3A_193, %add3A_195 : vector<1024x256xf32>
    %slice3A_197 = vector.extract_strided_slice %add3A_196 {offsets = [0, 0], sizes = [1024, 128], strides = [1, 1]} : vector<1024x256xf32> to vector<1024x128xf32>
    %slice3A_198 = vector.extract_strided_slice %add3A_196 {offsets = [0, 128], sizes = [1024, 128], strides = [1, 1]} : vector<1024x256xf32> to vector<1024x128xf32>
    %slice3A_199 = vector.extract_strided_slice %add3A_185 {offsets = [0, 256], sizes = [1024, 128], strides = [1, 1]} : vector<1024x512xf32> to vector<1024x128xf32>
    %tanh3A_200 = math.tanh %slice3A_199 : vector<1024x128xf32>
    %slice3A_201 = vector.extract_strided_slice %add3A_185 {offsets = [0, 384], sizes = [1024, 128], strides = [1, 1]} : vector<1024x512xf32> to vector<1024x128xf32>
    %mul3A_202 = arith.constant 5.000000e-01 : f32
    %mul3A_203 = vector.broadcast %mul3A_202 : f32 to vector<1024x128xf32>
    %mul3A_204 = arith.mulf %mul3A_203, %slice3A_201 : vector<1024x128xf32>
    %tanh3A_205 = math.tanh %mul3A_204 : vector<1024x128xf32>
    %mul3A_206 = arith.constant 5.000000e-01 : f32
    %mul3A_207 = vector.broadcast %mul3A_206 : f32 to vector<1024x128xf32>
    %mul3A_208 = arith.mulf %mul3A_207, %tanh3A_205 : vector<1024x128xf32>
    %add3A_209 = arith.constant 5.000000e-01 : f32
    %add3A_210 = vector.broadcast %add3A_209 : f32 to vector<1024x128xf32>
    %add3A_211 = arith.addf %mul3A_208, %add3A_210 : vector<1024x128xf32>
    %mul3A_212 = arith.mulf %slice3A_198, %select_n3A_169 : vector<1024x128xf32>
    %mul3A_213 = arith.mulf %slice3A_197, %tanh3A_200 : vector<1024x128xf32>
    %add3A_214 = arith.addf %mul3A_212, %mul3A_213 : vector<1024x128xf32>
    %tanh3A_215 = math.tanh %add3A_214 : vector<1024x128xf32>
    %mul3A_216 = arith.mulf %add3A_211, %tanh3A_215 : vector<1024x128xf32>
    %gt3A_217 = arith.constant 3 : i32
    %gt3A_218 = arith.cmpi sgt, %get3A_2, %gt3A_217 : i32
    %select_n3A_219 = arith.select %gt3A_218, %mul3A_216, %select_n3A_168 : vector<1024x128xf32>
    %select_n3A_220 = arith.select %gt3A_218, %add3A_214, %select_n3A_169 : vector<1024x128xf32>
    %slice3A_221 = vector.extract_strided_slice %dot_general3A_25 {offsets = [4096, 0], sizes = [1024, 512], strides = [1, 1]} : vector<8192x512xf32> to vector<1024x512xf32>
    %add3A_222 = arith.constant 4 : i32
    %add3A_223 = arith.addi %get3A_0, %add3A_222 : i32
    %lt3A_224 = vector.broadcast %add3A_223 : i32 to vector<1024x1xi32>
    %lt3A_225 = arith.cmpi slt, %lt3A_224, %get3A_11 : vector<1024x1xi32>
    %jit3A_226 = arith.constant 0.000000e+00 : f32
    %broadcast_in_dim3A_227 = vector.shape_cast %lt3A_225 : vector<1024x1xi1> to vector<1024x1xi1>
    %broadcast_in_dim3A_228 = vector.broadcast %broadcast_in_dim3A_227 : vector<1024x1xi1> to vector<1024x512xi1>
    %broadcast_in_dim3A_229 = vector.broadcast %jit3A_226 : f32 to vector<1024x512xf32>
    %select_n3A_230 = arith.select %broadcast_in_dim3A_228, %slice3A_221, %broadcast_in_dim3A_229 : vector<1024x512xi1>, vector<1024x512xf32>
    %convert_element_type3A_231 = arith.truncf %select_n3A_219 : vector<1024x128xf32> to vector<1024x128xbf16>
    %dot_general3A_232 = arith.constant dense<0.000000e+00> : vector<1024x512xf32>
    %dot_general3A_233 = tpu.matmul %convert_element_type3A_231, %get3A_14, %dot_general3A_232 {dimension_numbers = #tpu.dot_dimension_numbers<[1], [0], [0], [1], [0, 0, 1, 1], [], []>, transpose_lhs_hint = false} : vector<1024x128xbf16>, vector<128x512xbf16>, vector<1024x512xf32> -> vector<1024x512xf32>
    %add3A_234 = arith.addf %select_n3A_230, %dot_general3A_233 : vector<1024x512xf32>
    %add3A_235 = vector.broadcast %get3A_17 : vector<1x512xf32> to vector<1024x512xf32>
    %add3A_236 = arith.addf %add3A_234, %add3A_235 : vector<1024x512xf32>
    %slice3A_237 = vector.extract_strided_slice %add3A_236 {offsets = [0, 0], sizes = [1024, 256], strides = [1, 1]} : vector<1024x512xf32> to vector<1024x256xf32>
    %mul3A_238 = arith.constant 5.000000e-01 : f32
    %mul3A_239 = vector.broadcast %mul3A_238 : f32 to vector<1024x256xf32>
    %mul3A_240 = arith.mulf %mul3A_239, %slice3A_237 : vector<1024x256xf32>
    %tanh3A_241 = math.tanh %mul3A_240 : vector<1024x256xf32>
    %mul3A_242 = arith.constant 5.000000e-01 : f32
    %mul3A_243 = vector.broadcast %mul3A_242 : f32 to vector<1024x256xf32>
    %mul3A_244 = arith.mulf %mul3A_243, %tanh3A_241 : vector<1024x256xf32>
    %add3A_245 = arith.constant 5.000000e-01 : f32
    %add3A_246 = vector.broadcast %add3A_245 : f32 to vector<1024x256xf32>
    %add3A_247 = arith.addf %mul3A_244, %add3A_246 : vector<1024x256xf32>
    %slice3A_248 = vector.extract_strided_slice %add3A_247 {offsets = [0, 0], sizes = [1024, 128], strides = [1, 1]} : vector<1024x256xf32> to vector<1024x128xf32>
    %slice3A_249 = vector.extract_strided_slice %add3A_247 {offsets = [0, 128], sizes = [1024, 128], strides = [1, 1]} : vector<1024x256xf32> to vector<1024x128xf32>
    %slice3A_250 = vector.extract_strided_slice %add3A_236 {offsets = [0, 256], sizes = [1024, 128], strides = [1, 1]} : vector<1024x512xf32> to vector<1024x128xf32>
    %tanh3A_251 = math.tanh %slice3A_250 : vector<1024x128xf32>
    %slice3A_252 = vector.extract_strided_slice %add3A_236 {offsets = [0, 384], sizes = [1024, 128], strides = [1, 1]} : vector<1024x512xf32> to vector<1024x128xf32>
    %mul3A_253 = arith.constant 5.000000e-01 : f32
    %mul3A_254 = vector.broadcast %mul3A_253 : f32 to vector<1024x128xf32>
    %mul3A_255 = arith.mulf %mul3A_254, %slice3A_252 : vector<1024x128xf32>
    %tanh3A_256 = math.tanh %mul3A_255 : vector<1024x128xf32>
    %mul3A_257 = arith.constant 5.000000e-01 : f32
    %mul3A_258 = vector.broadcast %mul3A_257 : f32 to vector<1024x128xf32>
    %mul3A_259 = arith.mulf %mul3A_258, %tanh3A_256 : vector<1024x128xf32>
    %add3A_260 = arith.constant 5.000000e-01 : f32
    %add3A_261 = vector.broadcast %add3A_260 : f32 to vector<1024x128xf32>
    %add3A_262 = arith.addf %mul3A_259, %add3A_261 : vector<1024x128xf32>
    %mul3A_263 = arith.mulf %slice3A_249, %select_n3A_220 : vector<1024x128xf32>
    %mul3A_264 = arith.mulf %slice3A_248, %tanh3A_251 : vector<1024x128xf32>
    %add3A_265 = arith.addf %mul3A_263, %mul3A_264 : vector<1024x128xf32>
    %tanh3A_266 = math.tanh %add3A_265 : vector<1024x128xf32>
    %mul3A_267 = arith.mulf %add3A_262, %tanh3A_266 : vector<1024x128xf32>
    %gt3A_268 = arith.constant 4 : i32
    %gt3A_269 = arith.cmpi sgt, %get3A_2, %gt3A_268 : i32
    %select_n3A_270 = arith.select %gt3A_269, %mul3A_267, %select_n3A_219 : vector<1024x128xf32>
    %select_n3A_271 = arith.select %gt3A_269, %add3A_265, %select_n3A_220 : vector<1024x128xf32>
    %slice3A_272 = vector.extract_strided_slice %dot_general3A_25 {offsets = [5120, 0], sizes = [1024, 512], strides = [1, 1]} : vector<8192x512xf32> to vector<1024x512xf32>
    %add3A_273 = arith.constant 5 : i32
    %add3A_274 = arith.addi %get3A_0, %add3A_273 : i32
    %lt3A_275 = vector.broadcast %add3A_274 : i32 to vector<1024x1xi32>
    %lt3A_276 = arith.cmpi slt, %lt3A_275, %get3A_11 : vector<1024x1xi32>
    %jit3A_277 = arith.constant 0.000000e+00 : f32
    %broadcast_in_dim3A_278 = vector.shape_cast %lt3A_276 : vector<1024x1xi1> to vector<1024x1xi1>
    %broadcast_in_dim3A_279 = vector.broadcast %broadcast_in_dim3A_278 : vector<1024x1xi1> to vector<1024x512xi1>
    %broadcast_in_dim3A_280 = vector.broadcast %jit3A_277 : f32 to vector<1024x512xf32>
    %select_n3A_281 = arith.select %broadcast_in_dim3A_279, %slice3A_272, %broadcast_in_dim3A_280 : vector<1024x512xi1>, vector<1024x512xf32>
    %convert_element_type3A_282 = arith.truncf %select_n3A_270 : vector<1024x128xf32> to vector<1024x128xbf16>
    %dot_general3A_283 = arith.constant dense<0.000000e+00> : vector<1024x512xf32>
    %dot_general3A_284 = tpu.matmul %convert_element_type3A_282, %get3A_14, %dot_general3A_283 {dimension_numbers = #tpu.dot_dimension_numbers<[1], [0], [0], [1], [0, 0, 1, 1], [], []>, transpose_lhs_hint = false} : vector<1024x128xbf16>, vector<128x512xbf16>, vector<1024x512xf32> -> vector<1024x512xf32>
    %add3A_285 = arith.addf %select_n3A_281, %dot_general3A_284 : vector<1024x512xf32>
    %add3A_286 = vector.broadcast %get3A_17 : vector<1x512xf32> to vector<1024x512xf32>
    %add3A_287 = arith.addf %add3A_285, %add3A_286 : vector<1024x512xf32>
    %slice3A_288 = vector.extract_strided_slice %add3A_287 {offsets = [0, 0], sizes = [1024, 256], strides = [1, 1]} : vector<1024x512xf32> to vector<1024x256xf32>
    %mul3A_289 = arith.constant 5.000000e-01 : f32
    %mul3A_290 = vector.broadcast %mul3A_289 : f32 to vector<1024x256xf32>
    %mul3A_291 = arith.mulf %mul3A_290, %slice3A_288 : vector<1024x256xf32>
    %tanh3A_292 = math.tanh %mul3A_291 : vector<1024x256xf32>
    %mul3A_293 = arith.constant 5.000000e-01 : f32
    %mul3A_294 = vector.broadcast %mul3A_293 : f32 to vector<1024x256xf32>
    %mul3A_295 = arith.mulf %mul3A_294, %tanh3A_292 : vector<1024x256xf32>
    %add3A_296 = arith.constant 5.000000e-01 : f32
    %add3A_297 = vector.broadcast %add3A_296 : f32 to vector<1024x256xf32>
    %add3A_298 = arith.addf %mul3A_295, %add3A_297 : vector<1024x256xf32>
    %slice3A_299 = vector.extract_strided_slice %add3A_298 {offsets = [0, 0], sizes = [1024, 128], strides = [1, 1]} : vector<1024x256xf32> to vector<1024x128xf32>
    %slice3A_300 = vector.extract_strided_slice %add3A_298 {offsets = [0, 128], sizes = [1024, 128], strides = [1, 1]} : vector<1024x256xf32> to vector<1024x128xf32>
    %slice3A_301 = vector.extract_strided_slice %add3A_287 {offsets = [0, 256], sizes = [1024, 128], strides = [1, 1]} : vector<1024x512xf32> to vector<1024x128xf32>
    %tanh3A_302 = math.tanh %slice3A_301 : vector<1024x128xf32>
    %slice3A_303 = vector.extract_strided_slice %add3A_287 {offsets = [0, 384], sizes = [1024, 128], strides = [1, 1]} : vector<1024x512xf32> to vector<1024x128xf32>
    %mul3A_304 = arith.constant 5.000000e-01 : f32
    %mul3A_305 = vector.broadcast %mul3A_304 : f32 to vector<1024x128xf32>
    %mul3A_306 = arith.mulf %mul3A_305, %slice3A_303 : vector<1024x128xf32>
    %tanh3A_307 = math.tanh %mul3A_306 : vector<1024x128xf32>
    %mul3A_308 = arith.constant 5.000000e-01 : f32
    %mul3A_309 = vector.broadcast %mul3A_308 : f32 to vector<1024x128xf32>
    %mul3A_310 = arith.mulf %mul3A_309, %tanh3A_307 : vector<1024x128xf32>
    %add3A_311 = arith.constant 5.000000e-01 : f32
    %add3A_312 = vector.broadcast %add3A_311 : f32 to vector<1024x128xf32>
    %add3A_313 = arith.addf %mul3A_310, %add3A_312 : vector<1024x128xf32>
    %mul3A_314 = arith.mulf %slice3A_300, %select_n3A_271 : vector<1024x128xf32>
    %mul3A_315 = arith.mulf %slice3A_299, %tanh3A_302 : vector<1024x128xf32>
    %add3A_316 = arith.addf %mul3A_314, %mul3A_315 : vector<1024x128xf32>
    %tanh3A_317 = math.tanh %add3A_316 : vector<1024x128xf32>
    %mul3A_318 = arith.mulf %add3A_313, %tanh3A_317 : vector<1024x128xf32>
    %gt3A_319 = arith.constant 5 : i32
    %gt3A_320 = arith.cmpi sgt, %get3A_2, %gt3A_319 : i32
    %select_n3A_321 = arith.select %gt3A_320, %mul3A_318, %select_n3A_270 : vector<1024x128xf32>
    %select_n3A_322 = arith.select %gt3A_320, %add3A_316, %select_n3A_271 : vector<1024x128xf32>
    %slice3A_323 = vector.extract_strided_slice %dot_general3A_25 {offsets = [6144, 0], sizes = [1024, 512], strides = [1, 1]} : vector<8192x512xf32> to vector<1024x512xf32>
    %add3A_324 = arith.constant 6 : i32
    %add3A_325 = arith.addi %get3A_0, %add3A_324 : i32
    %lt3A_326 = vector.broadcast %add3A_325 : i32 to vector<1024x1xi32>
    %lt3A_327 = arith.cmpi slt, %lt3A_326, %get3A_11 : vector<1024x1xi32>
    %jit3A_328 = arith.constant 0.000000e+00 : f32
    %broadcast_in_dim3A_329 = vector.shape_cast %lt3A_327 : vector<1024x1xi1> to vector<1024x1xi1>
    %broadcast_in_dim3A_330 = vector.broadcast %broadcast_in_dim3A_329 : vector<1024x1xi1> to vector<1024x512xi1>
    %broadcast_in_dim3A_331 = vector.broadcast %jit3A_328 : f32 to vector<1024x512xf32>
    %select_n3A_332 = arith.select %broadcast_in_dim3A_330, %slice3A_323, %broadcast_in_dim3A_331 : vector<1024x512xi1>, vector<1024x512xf32>
    %convert_element_type3A_333 = arith.truncf %select_n3A_321 : vector<1024x128xf32> to vector<1024x128xbf16>
    %dot_general3A_334 = arith.constant dense<0.000000e+00> : vector<1024x512xf32>
    %dot_general3A_335 = tpu.matmul %convert_element_type3A_333, %get3A_14, %dot_general3A_334 {dimension_numbers = #tpu.dot_dimension_numbers<[1], [0], [0], [1], [0, 0, 1, 1], [], []>, transpose_lhs_hint = false} : vector<1024x128xbf16>, vector<128x512xbf16>, vector<1024x512xf32> -> vector<1024x512xf32>
    %add3A_336 = arith.addf %select_n3A_332, %dot_general3A_335 : vector<1024x512xf32>
    %add3A_337 = vector.broadcast %get3A_17 : vector<1x512xf32> to vector<1024x512xf32>
    %add3A_338 = arith.addf %add3A_336, %add3A_337 : vector<1024x512xf32>
    %slice3A_339 = vector.extract_strided_slice %add3A_338 {offsets = [0, 0], sizes = [1024, 256], strides = [1, 1]} : vector<1024x512xf32> to vector<1024x256xf32>
    %mul3A_340 = arith.constant 5.000000e-01 : f32
    %mul3A_341 = vector.broadcast %mul3A_340 : f32 to vector<1024x256xf32>
    %mul3A_342 = arith.mulf %mul3A_341, %slice3A_339 : vector<1024x256xf32>
    %tanh3A_343 = math.tanh %mul3A_342 : vector<1024x256xf32>
    %mul3A_344 = arith.constant 5.000000e-01 : f32
    %mul3A_345 = vector.broadcast %mul3A_344 : f32 to vector<1024x256xf32>
    %mul3A_346 = arith.mulf %mul3A_345, %tanh3A_343 : vector<1024x256xf32>
    %add3A_347 = arith.constant 5.000000e-01 : f32
    %add3A_348 = vector.broadcast %add3A_347 : f32 to vector<1024x256xf32>
    %add3A_349 = arith.addf %mul3A_346, %add3A_348 : vector<1024x256xf32>
    %slice3A_350 = vector.extract_strided_slice %add3A_349 {offsets = [0, 0], sizes = [1024, 128], strides = [1, 1]} : vector<1024x256xf32> to vector<1024x128xf32>
    %slice3A_351 = vector.extract_strided_slice %add3A_349 {offsets = [0, 128], sizes = [1024, 128], strides = [1, 1]} : vector<1024x256xf32> to vector<1024x128xf32>
    %slice3A_352 = vector.extract_strided_slice %add3A_338 {offsets = [0, 256], sizes = [1024, 128], strides = [1, 1]} : vector<1024x512xf32> to vector<1024x128xf32>
    %tanh3A_353 = math.tanh %slice3A_352 : vector<1024x128xf32>
    %slice3A_354 = vector.extract_strided_slice %add3A_338 {offsets = [0, 384], sizes = [1024, 128], strides = [1, 1]} : vector<1024x512xf32> to vector<1024x128xf32>
    %mul3A_355 = arith.constant 5.000000e-01 : f32
    %mul3A_356 = vector.broadcast %mul3A_355 : f32 to vector<1024x128xf32>
    %mul3A_357 = arith.mulf %mul3A_356, %slice3A_354 : vector<1024x128xf32>
    %tanh3A_358 = math.tanh %mul3A_357 : vector<1024x128xf32>
    %mul3A_359 = arith.constant 5.000000e-01 : f32
    %mul3A_360 = vector.broadcast %mul3A_359 : f32 to vector<1024x128xf32>
    %mul3A_361 = arith.mulf %mul3A_360, %tanh3A_358 : vector<1024x128xf32>
    %add3A_362 = arith.constant 5.000000e-01 : f32
    %add3A_363 = vector.broadcast %add3A_362 : f32 to vector<1024x128xf32>
    %add3A_364 = arith.addf %mul3A_361, %add3A_363 : vector<1024x128xf32>
    %mul3A_365 = arith.mulf %slice3A_351, %select_n3A_322 : vector<1024x128xf32>
    %mul3A_366 = arith.mulf %slice3A_350, %tanh3A_353 : vector<1024x128xf32>
    %add3A_367 = arith.addf %mul3A_365, %mul3A_366 : vector<1024x128xf32>
    %tanh3A_368 = math.tanh %add3A_367 : vector<1024x128xf32>
    %mul3A_369 = arith.mulf %add3A_364, %tanh3A_368 : vector<1024x128xf32>
    %gt3A_370 = arith.constant 6 : i32
    %gt3A_371 = arith.cmpi sgt, %get3A_2, %gt3A_370 : i32
    %select_n3A_372 = arith.select %gt3A_371, %mul3A_369, %select_n3A_321 : vector<1024x128xf32>
    %select_n3A_373 = arith.select %gt3A_371, %add3A_367, %select_n3A_322 : vector<1024x128xf32>
    %slice3A_374 = vector.extract_strided_slice %dot_general3A_25 {offsets = [7168, 0], sizes = [1024, 512], strides = [1, 1]} : vector<8192x512xf32> to vector<1024x512xf32>
    %add3A_375 = arith.constant 7 : i32
    %add3A_376 = arith.addi %get3A_0, %add3A_375 : i32
    %lt3A_377 = vector.broadcast %add3A_376 : i32 to vector<1024x1xi32>
    %lt3A_378 = arith.cmpi slt, %lt3A_377, %get3A_11 : vector<1024x1xi32>
    %jit3A_379 = arith.constant 0.000000e+00 : f32
    %broadcast_in_dim3A_380 = vector.shape_cast %lt3A_378 : vector<1024x1xi1> to vector<1024x1xi1>
    %broadcast_in_dim3A_381 = vector.broadcast %broadcast_in_dim3A_380 : vector<1024x1xi1> to vector<1024x512xi1>
    %broadcast_in_dim3A_382 = vector.broadcast %jit3A_379 : f32 to vector<1024x512xf32>
    %select_n3A_383 = arith.select %broadcast_in_dim3A_381, %slice3A_374, %broadcast_in_dim3A_382 : vector<1024x512xi1>, vector<1024x512xf32>
    %convert_element_type3A_384 = arith.truncf %select_n3A_372 : vector<1024x128xf32> to vector<1024x128xbf16>
    %dot_general3A_385 = arith.constant dense<0.000000e+00> : vector<1024x512xf32>
    %dot_general3A_386 = tpu.matmul %convert_element_type3A_384, %get3A_14, %dot_general3A_385 {dimension_numbers = #tpu.dot_dimension_numbers<[1], [0], [0], [1], [0, 0, 1, 1], [], []>, transpose_lhs_hint = false} : vector<1024x128xbf16>, vector<128x512xbf16>, vector<1024x512xf32> -> vector<1024x512xf32>
    %add3A_387 = arith.addf %select_n3A_383, %dot_general3A_386 : vector<1024x512xf32>
    %add3A_388 = vector.broadcast %get3A_17 : vector<1x512xf32> to vector<1024x512xf32>
    %add3A_389 = arith.addf %add3A_387, %add3A_388 : vector<1024x512xf32>
    %slice3A_390 = vector.extract_strided_slice %add3A_389 {offsets = [0, 0], sizes = [1024, 256], strides = [1, 1]} : vector<1024x512xf32> to vector<1024x256xf32>
    %mul3A_391 = arith.constant 5.000000e-01 : f32
    %mul3A_392 = vector.broadcast %mul3A_391 : f32 to vector<1024x256xf32>
    %mul3A_393 = arith.mulf %mul3A_392, %slice3A_390 : vector<1024x256xf32>
    %tanh3A_394 = math.tanh %mul3A_393 : vector<1024x256xf32>
    %mul3A_395 = arith.constant 5.000000e-01 : f32
    %mul3A_396 = vector.broadcast %mul3A_395 : f32 to vector<1024x256xf32>
    %mul3A_397 = arith.mulf %mul3A_396, %tanh3A_394 : vector<1024x256xf32>
    %add3A_398 = arith.constant 5.000000e-01 : f32
    %add3A_399 = vector.broadcast %add3A_398 : f32 to vector<1024x256xf32>
    %add3A_400 = arith.addf %mul3A_397, %add3A_399 : vector<1024x256xf32>
    %slice3A_401 = vector.extract_strided_slice %add3A_400 {offsets = [0, 0], sizes = [1024, 128], strides = [1, 1]} : vector<1024x256xf32> to vector<1024x128xf32>
    %slice3A_402 = vector.extract_strided_slice %add3A_400 {offsets = [0, 128], sizes = [1024, 128], strides = [1, 1]} : vector<1024x256xf32> to vector<1024x128xf32>
    %slice3A_403 = vector.extract_strided_slice %add3A_389 {offsets = [0, 256], sizes = [1024, 128], strides = [1, 1]} : vector<1024x512xf32> to vector<1024x128xf32>
    %tanh3A_404 = math.tanh %slice3A_403 : vector<1024x128xf32>
    %slice3A_405 = vector.extract_strided_slice %add3A_389 {offsets = [0, 384], sizes = [1024, 128], strides = [1, 1]} : vector<1024x512xf32> to vector<1024x128xf32>
    %mul3A_406 = arith.constant 5.000000e-01 : f32
    %mul3A_407 = vector.broadcast %mul3A_406 : f32 to vector<1024x128xf32>
    %mul3A_408 = arith.mulf %mul3A_407, %slice3A_405 : vector<1024x128xf32>
    %tanh3A_409 = math.tanh %mul3A_408 : vector<1024x128xf32>
    %mul3A_410 = arith.constant 5.000000e-01 : f32
    %mul3A_411 = vector.broadcast %mul3A_410 : f32 to vector<1024x128xf32>
    %mul3A_412 = arith.mulf %mul3A_411, %tanh3A_409 : vector<1024x128xf32>
    %add3A_413 = arith.constant 5.000000e-01 : f32
    %add3A_414 = vector.broadcast %add3A_413 : f32 to vector<1024x128xf32>
    %add3A_415 = arith.addf %mul3A_412, %add3A_414 : vector<1024x128xf32>
    %mul3A_416 = arith.mulf %slice3A_402, %select_n3A_373 : vector<1024x128xf32>
    %mul3A_417 = arith.mulf %slice3A_401, %tanh3A_404 : vector<1024x128xf32>
    %add3A_418 = arith.addf %mul3A_416, %mul3A_417 : vector<1024x128xf32>
    %tanh3A_419 = math.tanh %add3A_418 : vector<1024x128xf32>
    %mul3A_420 = arith.mulf %add3A_415, %tanh3A_419 : vector<1024x128xf32>
    %gt3A_421 = arith.constant 7 : i32
    %gt3A_422 = arith.cmpi sgt, %get3A_2, %gt3A_421 : i32
    %select_n3A_423 = arith.select %gt3A_422, %mul3A_420, %select_n3A_372 : vector<1024x128xf32>
    %select_n3A_424 = arith.select %gt3A_422, %add3A_418, %select_n3A_373 : vector<1024x128xf32>
    %swap3A = arith.constant 0 : index
    %swap3A_425 = arith.constant 0 : index
    %swap3A_426 = vector.load %arg9[%swap3A, %swap3A_425] : memref<1024x128xf32, #tpu.memory_space<vmem>>, vector<1024x128xf32>
    tpu.vector_store %arg9[%swap3A, %swap3A_425], %select_n3A_423 {strides = array<i32>} : memref<1024x128xf32, #tpu.memory_space<vmem>>, vector<1024x128xf32>,
    %swap3A_427 = arith.constant 0 : index
    %swap3A_428 = arith.constant 0 : index
    %swap3A_429 = vector.load %arg10[%swap3A_427, %swap3A_428] : memref<1024x128xf32, #tpu.memory_space<vmem>>, vector<1024x128xf32>
    tpu.vector_store %arg10[%swap3A_427, %swap3A_428], %select_n3A_424 {strides = array<i32>} : memref<1024x128xf32, #tpu.memory_space<vmem>>, vector<1024x128xf32>,
    return
  }
  func.func @transform_0(%arg0: i32) -> i32 {
    %c0_i32 = arith.constant 0 : i32
    %c0_i32_0 = arith.constant 0 : i32
    return %c0_i32 : i32
  }
  func.func @transform_1(%arg0: i32) -> (i32, i32, i32) {
    %c0_i32 = arith.constant 0 : i32
    %c0_i32_0 = arith.constant 0 : i32
    %c0_i32_1 = arith.constant 0 : i32
    return %c0_i32, %arg0, %c0_i32_0 : i32, i32, i32
  }
  func.func @transform_2(%arg0: i32) -> (i32, i32) {
    %c0_i32 = arith.constant 0 : i32
    %c0_i32_0 = arith.constant 0 : i32
    return %arg0, %c0_i32 : i32, i32
  }
  func.func @transform_3(%arg0: i32) -> (i32, i32) {
    %c0_i32 = arith.constant 0 : i32
    %c0_i32_0 = arith.constant 0 : i32
    return %arg0, %c0_i32 : i32, i32
  }
  func.func @transform_4(%arg0: i32) -> (i32, i32) {
    %c0_i32 = arith.constant 0 : i32
    %c0_i32_0 = arith.constant 0 : i32
    return %arg0, %c0_i32 : i32, i32
  }
  func.func @transform_5(%arg0: i32) -> (i32, i32) {
    %c0_i32 = arith.constant 0 : i32
    %c0_i32_0 = arith.constant 0 : i32
    %c0_i32_1 = arith.constant 0 : i32
    return %c0_i32, %c0_i32_0 : i32, i32
  }
  func.func @transform_6(%arg0: i32) -> (i32, i32) {
    %c0_i32 = arith.constant 0 : i32
    %c0_i32_0 = arith.constant 0 : i32
    %c0_i32_1 = arith.constant 0 : i32
    return %c0_i32, %c0_i32_0 : i32, i32
  }
  func.func @transform_7(%arg0: i32) -> (i32, i32) {
    %c0_i32 = arith.constant 0 : i32
    %c0_i32_0 = arith.constant 0 : i32
    %c0_i32_1 = arith.constant 0 : i32
    return %c0_i32, %c0_i32_0 : i32, i32
  }
  func.func @transform_8(%arg0: i32) -> (i32, i32) {
    %c0_i32 = arith.constant 0 : i32
    %c0_i32_0 = arith.constant 0 : i32
    return %arg0, %c0_i32 : i32, i32
  }
  func.func @transform_9(%arg0: i32) -> (i32, i32) {
    %c0_i32 = arith.constant 0 : i32
    %c0_i32_0 = arith.constant 0 : i32
    return %arg0, %c0_i32 : i32, i32
  }
}

module attributes {stable_mosaic.version = 14 : i64} {
  func.func @body(%arg0: i32, %arg1: memref<1024x128xf32, #tpu.memory_space<vmem>>, %arg2: memref<1024x128xf32, #tpu.memory_space<vmem>>, %arg3: memref<128x128xf32, #tpu.memory_space<vmem>>, %arg4: memref<128x128xf32, #tpu.memory_space<vmem>>, %arg5: memref<1x128xf32, #tpu.memory_space<vmem>>, %arg6: memref<1024x128xf32, #tpu.memory_space<vmem>>) attributes {dimension_semantics = [#tpu.dimension_semantics<arbitrary>], iteration_bounds = array<i64: 10>, scalar_prefetch = 0 : i64, scratch_operands = 0 : i64, tpu.core_type = #tpu.core_type<tc>, window_params = [{transform_indices = @transform_0, window_bounds = array<i64: 1024, 128>}, {transform_indices = @transform_1, window_bounds = array<i64: 1024, 128>}, {pipeline_mode = #tpu.pipeline_mode<synchronous>, transform_indices = @transform_2, window_bounds = array<i64: 128, 128>}, {pipeline_mode = #tpu.pipeline_mode<synchronous>, transform_indices = @transform_3, window_bounds = array<i64: 128, 128>}, {pipeline_mode = #tpu.pipeline_mode<synchronous>, transform_indices = @transform_4, window_bounds = array<i64: 1, 128>}, {transform_indices = @transform_5, window_bounds = array<i64: 1024, 128>}]} {
    %get3A = arith.constant 0 : index
    %get3A_0 = arith.constant 0 : index
    %get3A_1 = vector.load %arg1[%get3A, %get3A_0] : memref<1024x128xf32, #tpu.memory_space<vmem>>, vector<1024x128xf32>
    %get3A_2 = arith.constant 0 : index
    %get3A_3 = arith.constant 0 : index
    %get3A_4 = vector.load %arg3[%get3A_2, %get3A_3] : memref<128x128xf32, #tpu.memory_space<vmem>>, vector<128x128xf32>
    %dot_general3A = arith.constant dense<0.000000e+00> : vector<1024x128xf32>
    %dot_general3A_5 = tpu.matmul %get3A_1, %get3A_4, %dot_general3A {dimension_numbers = #tpu.dot_dimension_numbers<[1], [0], [0], [1], [0, 0, 1, 1], [], []>, transpose_lhs_hint = false} : vector<1024x128xf32>, vector<128x128xf32>, vector<1024x128xf32> -> vector<1024x128xf32>
    %get3A_6 = arith.constant 0 : index
    %get3A_7 = arith.constant 0 : index
    %get3A_8 = vector.load %arg2[%get3A_6, %get3A_7] : memref<1024x128xf32, #tpu.memory_space<vmem>>, vector<1024x128xf32>
    %get3A_9 = arith.constant 0 : index
    %get3A_10 = arith.constant 0 : index
    %get3A_11 = vector.load %arg4[%get3A_9, %get3A_10] : memref<128x128xf32, #tpu.memory_space<vmem>>, vector<128x128xf32>
    %dot_general3A_12 = arith.constant dense<0.000000e+00> : vector<1024x128xf32>
    %dot_general3A_13 = tpu.matmul %get3A_8, %get3A_11, %dot_general3A_12 {dimension_numbers = #tpu.dot_dimension_numbers<[1], [0], [0], [1], [0, 0, 1, 1], [], []>, transpose_lhs_hint = false} : vector<1024x128xf32>, vector<128x128xf32>, vector<1024x128xf32> -> vector<1024x128xf32>
    %add3A = arith.addf %dot_general3A_5, %dot_general3A_13 : vector<1024x128xf32>
    %get3A_14 = arith.constant 0 : index
    %get3A_15 = arith.constant 0 : index
    %get3A_16 = vector.load %arg5[%get3A_14, %get3A_15] : memref<1x128xf32, #tpu.memory_space<vmem>>, vector<1x128xf32>
    %add3A_17 = vector.broadcast %get3A_16 : vector<1x128xf32> to vector<1024x128xf32>
    %add3A_18 = arith.addf %add3A, %add3A_17 : vector<1024x128xf32>
    %max3A = arith.constant 0.000000e+00 : f32
    %max3A_19 = vector.broadcast %max3A : f32 to vector<1024x128xf32>
    %max3A_20 = arith.maximumf %add3A_18, %max3A_19 : vector<1024x128xf32>
    %swap3A = arith.constant 0 : index
    %swap3A_21 = arith.constant 0 : index
    %swap3A_22 = vector.load %arg6[%swap3A, %swap3A_21] : memref<1024x128xf32, #tpu.memory_space<vmem>>, vector<1024x128xf32>
    tpu.vector_store %arg6[%swap3A, %swap3A_21], %max3A_20 {strides = array<i32>} : memref<1024x128xf32, #tpu.memory_space<vmem>>, vector<1024x128xf32>,
    return
  }
  func.func @transform_0(%arg0: i32) -> (i32, i32) {
    %c0_i32 = arith.constant 0 : i32
    %c0_i32_0 = arith.constant 0 : i32
    return %arg0, %c0_i32 : i32, i32
  }
  func.func @transform_1(%arg0: i32) -> (i32, i32) {
    %c0_i32 = arith.constant 0 : i32
    %c0_i32_0 = arith.constant 0 : i32
    return %arg0, %c0_i32 : i32, i32
  }
  func.func @transform_2(%arg0: i32) -> (i32, i32) {
    %c0_i32 = arith.constant 0 : i32
    %c0_i32_0 = arith.constant 0 : i32
    %c0_i32_1 = arith.constant 0 : i32
    return %c0_i32, %c0_i32_0 : i32, i32
  }
  func.func @transform_3(%arg0: i32) -> (i32, i32) {
    %c0_i32 = arith.constant 0 : i32
    %c0_i32_0 = arith.constant 0 : i32
    %c0_i32_1 = arith.constant 0 : i32
    return %c0_i32, %c0_i32_0 : i32, i32
  }
  func.func @transform_4(%arg0: i32) -> (i32, i32) {
    %c0_i32 = arith.constant 0 : i32
    %c0_i32_0 = arith.constant 0 : i32
    %c0_i32_1 = arith.constant 0 : i32
    return %c0_i32, %c0_i32_0 : i32, i32
  }
  func.func @transform_5(%arg0: i32) -> (i32, i32) {
    %c0_i32 = arith.constant 0 : i32
    %c0_i32_0 = arith.constant 0 : i32
    return %arg0, %c0_i32 : i32, i32
  }
}

</mosaic_0001>

<sc_bundles>
// kernel: body.30.cloned.1.call-start
scs
__scs_entry_jumppad:
0x0: {  	(pc) =	sbr.rel $0x88, $3  }
0x1: {  	(tag) =	ssettag $0x0;
	lr =	simm.s32 $0x1  }
0x2: {  	[smem:$0x3F98] =	sst lr;
	_ =	strace $0xD0000000  }
0x3: {  	_ = 	snop  }
0x4: {  	_ = 	snop  }
0x5: {  	_ = 	snop  }
0x6: {  	_ = 	snop  }
0x7: {  	_ = 	snop  }
__scs_overlays_trampoline_lowered:
0x8: {  	[smem:$0x3FA7] =	sst s0  }
0x9: {  	[smem:$0x3FA8] =	sst s1  }
0xa: {  	[smem:$0x3FA9] =	sst s2  }
0xb: {  	[smem:$0x3FAA] =	sst s3  }
0xc: {  	[smem:$0x3FAB] =	sst s4  }
0xd: {  	[smem:$0x3FAC] =	sst s5  }
0xe: {  	[smem:$0x3FAD] =	sst s6  }
0xf: {  	[smem:$0x3FAE] =	sst s7  }
0x10: {  	[smem:$0x3FAF] =	sst s8  }
0x11: {  	[smem:$0x3FB0] =	sst s9;
	s0 =	simm.s32 @!p0 $0x0  }
0x12: {  	s1 =	sld [smem:$0x3F96];
	s0 =	simm.s32 @p0 $0x1  }
0x13: {  	[smem:$0x3FB1] =	sst s0;
	s0 =	simm.s32 @!p1 $0x0  }
0x14: {  	s2 =	sld [smem:$0x3F95];
	s0 =	simm.s32 @p1 $0x1  }
0x15: {  	[smem:$0x3FB2] =	sst s0;
	s0 =	simm.s32 @!p2 $0x0  }
0x16: {  	s3 =	sld [smem:$0x3FDB];
	s0 =	simm.s32 @p2 $0x1  }
0x17: {  	s4 =	simm.s32 $0x1BF5;
	[smem:$0x3FB4] =	sst s0  }
0x18: {  	s0 =	sld [smem:$0x3F97];
	_ =	swait.ge [sflag:s4], $0x0  }
0x19: {  	s7 =	sld [smem:$0x3F98]  }
0x1a: {  	s8 =	sadd.s32 $0xFFFFE003, lr  }
0x1b: {  	s9 =	sadd.s32 $0xFFFFFEF7, lr;
	s5 =	simm.s32 $0xFFFFFFFF;
	p2 =	slt.u32 s8, $0xFFFFF086  }
0x1c: {  	p1 =	slt.u32 s9, $0xF7A;
	s5 =	simm.s32 @!p2 $0x0  }
0x1d: {  	s5 =	simm.s32 @p1 $0x1;
	p0 =	seq.s32 s7, s2  }
0x1e: {  	s7 =	smul.u32 @!p0 $0xF7A, s2;
	p2 =	seq.s32 @!p0 s5, $0x0  }
0x1f: {  	s9 =	smul.u32 $0xF7A, s1;
	s8 =	simm.s32 @!p0 $0x1BF5;
	p2 =	por !p2, p0  }
0x20: {  	[sflag:s8] =	ssyncset.s32 @!p0 $0xFFFFF086;
	s6 =	sadd.s32 @!p0 s3, s7;
	s7 =	simm.s32 @!p0 $0x108  }
0x21: {  	s3 =	sadd.s32 s3, s9;
	s6 =	sadd.s32 @!p0 $0x88, s6;
	s7 =	simm.s32 @p2 $0x1082  }
0x22: {  	[simem:s7], [sflag:s8] =	dma.local @!p0 [hbm:s6], $0xF7A  }
0x23: {  	s9 =	sor.u32 $0xD0000000, s2;
	s6 =	simm.s32 $0x108;
	_ =	swait.ge @!p0 [sflag:s8], $0x0  }
0x24: {  	s3 =	sadd.s32 $0x88, s3;
	s6 =	simm.s32 @!p1 $0x1082;
	[sflag:s4] =	ssyncset.s32 $0xFFFFF086  }
0x25: {  	[simem:s6], [sflag:s4] =	dma.local [hbm:s3], $0xF7A  }
0x26: {  	[smem:$0x3F98] =	sst s1;
	(tag) =	ssettag s2;
	_ =	strace s9  }
0x27: {  	s1 =	sld [smem:$0x3FA8]  }
0x28: {  	s2 =	sld [smem:$0x3FA9]  }
0x29: {  	s4 =	sld [smem:$0x3FAB]  }
0x2a: {  	p0 =	seq.s32 s5, $0x0;
	s5 =	sld [smem:$0x3FAC]  }
0x2b: {  	s6 =	sld [smem:$0x3FAD]  }
0x2c: {  	s7 =	sld [smem:$0x3FAE]  }
0x2d: {  	s3 =	simm.s32 $0x108;
	s8 =	sld [smem:$0x3FAF]  }
0x2e: {  	s3 =	simm.s32 @!p0 $0x1082;
	s9 =	sld [smem:$0x3FB0]  }
0x2f: {  	lr =	sadd.s32 s0, s3;
	s0 =	sld [smem:$0x3FA7]  }
0x30: {  	s3 =	sld [smem:$0x3FAA]  }
0x31: {  	[smem:$0x3FB3] =	sst s10  }
0x32: {  	s10 =	sld [smem:$0x3FB1];
	_ =	sdelay $0x3  }
0x33: {  	p0 =	seq.s32 s10, $0x1;
	s10 =	sld [smem:$0x3FB3];
	_ =	sdelay $0x3  }
0x34: {  	[smem:$0x3FB3] =	sst s10  }
0x35: {  	s10 =	sld [smem:$0x3FB2];
	_ =	sdelay $0x3  }
0x36: {  	p1 =	seq.s32 s10, $0x1;
	s10 =	sld [smem:$0x3FB3];
	_ =	sdelay $0x3  }
0x37: {  	[smem:$0x3FB3] =	sst s10  }
0x38: {  	s10 =	sld [smem:$0x3FB4]  }
0x39: {  	_ = 	snop;
	(pc) =	sbr.ind lr, $3  }
0x3a: {  	_ = 	snop  }
0x3b: {  	_ = 	snop  }
0x3c: {  	p2 =	seq.s32 s10, $0x1;
	s10 =	sld [smem:$0x3FB3]  }
0x3d: {  	_ =	shalt  }
0x3e: {  	_ =	shalt  }
0x3f: {  	_ =	shalt  }
0x40: {  	_ =	shalt  }
0x41: {  	_ =	shalt  }
0x42: {  	_ =	shalt  }
0x43: {  	_ =	shalt  }
0x44: {  	_ =	shalt  }
0x45: {  	_ =	shalt  }
0x46: {  	_ =	shalt  }
0x47: {  	_ =	shalt  }
0x48: {  	_ =	shalt  }
0x49: {  	_ =	shalt  }
0x4a: {  	_ =	shalt  }
0x4b: {  	_ =	shalt  }
0x4c: {  	_ =	shalt  }
0x4d: {  	_ =	shalt  }
0x4e: {  	_ =	shalt  }
0x4f: {  	_ =	shalt  }
0x50: {  	_ =	shalt  }
0x51: {  	_ =	shalt  }
0x52: {  	_ =	shalt  }
0x53: {  	_ =	shalt  }
0x54: {  	_ =	shalt  }
0x55: {  	_ =	shalt  }
0x56: {  	_ =	shalt  }
0x57: {  	_ =	shalt  }
0x58: {  	_ =	shalt  }
0x59: {  	_ =	shalt  }
0x5a: {  	_ =	shalt  }
0x5b: {  	_ =	shalt  }
0x5c: {  	_ =	shalt  }
0x5d: {  	_ =	shalt  }
0x5e: {  	_ =	shalt  }
0x5f: {  	_ =	shalt  }
0x60: {  	_ =	shalt  }
0x61: {  	_ =	shalt  }
0x62: {  	_ =	shalt  }
0x63: {  	_ =	shalt  }
0x64: {  	_ =	shalt  }
0x65: {  	_ =	shalt  }
0x66: {  	_ =	shalt  }
0x67: {  	_ =	shalt  }
0x68: {  	_ =	shalt  }
0x69: {  	_ =	shalt  }
0x6a: {  	_ =	shalt  }
0x6b: {  	_ =	shalt  }
0x6c: {  	_ =	shalt  }
0x6d: {  	_ =	shalt  }
0x6e: {  	_ =	shalt  }
0x6f: {  	_ =	shalt  }
0x70: {  	_ =	shalt  }
0x71: {  	_ =	shalt  }
0x72: {  	_ =	shalt  }
0x73: {  	_ =	shalt  }
0x74: {  	_ =	shalt  }
0x75: {  	_ =	shalt  }
0x76: {  	_ =	shalt  }
0x77: {  	_ =	shalt  }
0x78: {  	_ =	shalt  }
0x79: {  	_ =	shalt  }
0x7a: {  	_ =	shalt  }
0x7b: {  	_ =	shalt  }
0x7c: {  	_ =	shalt  }
0x7d: {  	_ =	shalt  }
0x7e: {  	_ =	shalt  }
0x7f: {  	_ =	shalt  }
0x80: {  	_ =	shalt  }
0x81: {  	_ =	shalt  }
0x82: {  	_ =	shalt  }
0x83: {  	_ =	shalt  }
0x84: {  	_ =	shalt  }
0x85: {  	_ =	shalt  }
0x86: {  	_ =	shalt  }
0x87: {  	_ =	shalt  }
.Lfunc_end0:
.L_simem_size_0:
called_computation.6_lowered:
.L_overlay_start_0:
0x88: {  	s2 =	sld [smem:$0x3FD9]  }
0x89: {  	s3 =	sld [smem:$0x3FFE];
	_ =	sdelay $0x1  }
0x8a: {  	s1 =	srdreg.scid  }
0x8b: {  	s0 =	sand.u32 $0x1, s1  }
0x8c: {  	s17 =	sshll.u32 s0, $0xA;
	s2 =	sadd.s32 s3, s2  }
0x8d: {  	s2 =	sadd.s32 s2, s17  }
0x8e: {  	[smem:$0x3FBF] =	sst s2  }
0x8f: {  	_ = 	snop  }
0x90: {  	s18 =	sld [smem:$0x3FC9];
	(tm) =	ssettm $0x1  }
0x91: {  	s19 =	sld [smem:$0x3FFB];
	_ =	sdelay $0x3  }
0x92: {  	_ =	strace s19  }
0x93: {  	s2 =	sld [smem:$0x3FFC];
	_ =	sdelay $0x3  }
0x94: {  	_ =	strace s2  }
0x95: {  	s2 =	sld [smem:$0x3FFD];
	_ =	sdelay $0x3  }
0x96: {  	_ =	strace s2  }
0x97: {  	_ =	strace $0x8FFFFFFF  }
0x98: {  	s20 =	sld [smem:$0x3FDB];
	_ =	sdelay $0x1  }
0x99: {  	s4 =	simm.s32 $_scs_section_size  }
0x9a: {  	s5 =	simm.s32 $_size__tile_overlayer_lowered;
	s6 =	simm.s32 $_tile_overlayer_lowered  }
0x9b: {  	s7 =	simm.s32 $0x1BFF;
	s21 =	sshll.u32 s6, $0x1;
	s4 =	sadd.s32 s4, s20  }
0x9c: {  	s22 =	simm.s32 $0x0;
	s5 =	sshll.u32 s5, $0x1;
	s6 =	sadd.s32 s21, s4  }
0x9d: {  	[timem:s22], [sflag:s7] =	dma.local [hbm:s6], s5  }
0x9e: {  	_ =	swait.ge [sflag:s7], s5  }
0x9f: {  	s5 =	ssub.s32 $0x0, s5;
	[sflag:s7] =	ssyncset.done $0x0  }
0xa0: {  	[sflag:s7] =	ssyncadd.s32 s5;
	_ =	sdelay $0x1  }
0xa1: {  	s23 =	simm.s32 $0x1B8B  }
0xa2: {  	_ =	swait.ge [sflag:s23], $0x1  }
0xa3: {  	[sflag:s23] =	ssyncset.done $0x0  }
0xa4: {  	[sflag:s23] =	ssyncadd.s32 $0xFFFFFFFF  }
0xa5: {  	s5 =	sld [smem:$0x0]  }
0xa6: {  	s6 =	sand.u32 $0xFFFFFFFE, s1  }
0xa7: {  	p0 =	sne.s32 s1, s6  }
0xa8: {  	s6 =	sshll.u32 @p0 s6, $0xE  }
0xa9: {  	s6 =	sadd.s32 @p0 $0x11B8D, s6;
	s7 =	sshll.u32 @p0 s5, $0x11  }
0xaa: {  	s6 =	sor.u32 @p0 s7, s6  }
0xab: {  	[sflag:s6] =	ssyncadd.remote.s32 @p0 $0x1;
	_ =	sdelay $0x1  }
0xac: {  	s6 =	simm.s32 @p0 $0x1B8D  }
0xad: {  	_ =	swait.eq @p0 [sflag:s6], $0x1  }
0xae: {  	[sflag:s6] =	ssyncadd.s32 @p0 $0xFFFFFFFF  }
0xaf: {  	s7 =	sshll.u32 @!p0 s1, $0xE  }
0xb0: {  	s7 =	sor.u32 @!p0 $0x4000, s7;
	s6 =	simm.s32 @!p0 $0x1B8D  }
0xb1: {  	s5 =	sshll.u32 @!p0 s5, $0x11;
	s7 =	sadd.s32 @!p0 $0x11B8D, s7;
	_ =	swait.eq @!p0 [sflag:s6], $0x1  }
0xb2: {  	s5 =	sor.u32 @!p0 s5, s7;
	[sflag:s6] =	ssyncadd.s32 @!p0 $0xFFFFFFFF  }
0xb3: {  	s25 =	simm.s32 $0x1B8E;
	s24 =	sld [smem:$0x3FFE];
	[sflag:s5] =	ssyncadd.remote.s32 @!p0 $0x1  }
0xb4: {  	s26 =	simm.s32 $execute0_lowered;
	[smem:$0x3FD2] =	sst s25  }
0xb5: {  	s6 =	sshll.u32 s26, $0x1;
	_ =	strace $0x8000005E;
	[dreg:$0x1] =	wrdreg $0xFFFFFFFF  }
0xb6: {  	s28 =	simm.s32 $_size_execute0_lowered;
	s4 =	sadd.s32 s4, s6;
	[dreg:$0x0] =	wrdreg $0x0  }
0xb7: {  	s6 =	sshll.u32 s28, $0x1;
	[dreg:$0x2] =	wrdreg s4  }
0xb8: {  	[dreg:$0x3] =	wrdreg s6  }
0xb9: {  	[dreg:$0x4] =	wrdreg $0xC0  }
0xba: {  	_ =	task [dreg:s22], $0x5FFFF  }
0xbb: {  	[dreg:$0x1] =	wrdreg $0xFFFFFFFF  }
0xbc: {  	[dreg:$0x0] =	wrdreg $0x60  }
0xbd: {  	[dreg:$0x2] =	wrdreg s18  }
0xbe: {  	[dreg:$0x3] =	wrdreg s24  }
0xbf: {  	[dreg:$0x4] =	wrdreg $0xA  }
0xc0: {  	_ =	task.clear_ibuf [dreg:s22], $0x5FFFF;
	_ =	strace $0x9000005E  }
0xc1: {  	s29 =	simm.s32 $0xA;
	_ =	strace $0x80000060  }
0xc2: {  	_ =	swait.ge [sflag:s29], $0x1  }
0xc3: {  	[sflag:s29] =	ssyncadd.s32 $0xFFFFFFFF  }
0xc4: {  	_ =	strace $0x90000060  }
0xc5: {  	_ =	sfence  }
0xc6: {  	s30 =	sld [smem:$0x0];
	_ =	sdelay $0x2  }
0xc7: {  	s31 =	sshll.u32 s1, $0xD;
	s1 =	sshrl.u32 s1, $0x2  }
0xc8: {  	s4 =	sand.u32 $0x4000, s31;
	s1 =	sadd.s32 s1, s30  }
0xc9: {  	s0 =	sor.u32 s4, s0;
	s1 =	sshll.u32 s1, $0x11  }
0xca: {  	s0 =	sor.u32 s1, s0  }
0xcb: {  	s0 =	sadd.s32 $0x8F2B, s0  }
0xcc: {  	[sflag:s0] =	ssyncadd.remote.s32 $0x1  }
0xcd: {  	_ =	sfence.sel $0xFFFF  }
0xce: {  	[dreg:$0x0] =	wrdreg $0xFFFFFFFF;
	(pc) =	sbr.abs _section_cstart, $3  }
0xcf: {  	[dreg:$0x1] =	wrdreg $0xFFFFFFFF  }
0xd0: {  	_ =	task.clear_ibuf [dreg:s22], $0x2FFFF;
	_ =	strace $0x9FFFFFFF  }
0xd1: {  	(tm) =	ssettm $0x7FFFFFFF  }
tec
execute0_lowered:
.L_overlay_start_1:
0x0: {  	(tag) =	ssettag $0x1  }
0x1: {  	s2 =	rddreg [dreg:$0x0]  }
0x2: {  	s1 =	srdreg.scid;
	s0 =	stileid.u32  }
0x3: {  	s4 =	rddreg [dreg:$0x1];
	s3 =	simm.s32 $0x0;
	s15 =	simm.s32 $0x4100  }
0x4: {  	s16 =	simm.s32 $0x1;
	s17 =	simm.s32 $0x2;
	s18 =	simm.s32 $0x0  }
0x5: {  	s9 =	sand.u32 $0x1, s1;
	s1 =	rddreg [dreg:$0x2];
	s12 =	smul.u32 $0x1400, s0  }
0x6: {  	s5 =	sshll.u32 s0, $0x1;
	[smem:$0x7FF] =	sst s3;
	s14 =	smul.u32 $0x14000, s0  }
0x7: {  	s11 =	sadd.s32 $0xBE00, s4;
	s5 =	sor.u32 s9, s5;
	s13 =	smul.u32 $0xA00, s9  }
0x8: {  	s10 =	sadd.s32 $0x160800, s4;
	s6 =	ssub.s32 $0x2, s9;
	s7 =	smul.u32 $0xA00, s5  }
0x9: {  	_ =	strace $0x8000005F;
	s9 =	smul.u32 $0xA000, s9;
	s28 =	sshrl.u32 s6, $0x1  }
0xa: {  	s5 =	ssub.s32 s6, s28;
	s12 =	sadd.s32 s13, s12;
	s29 =	sshrl.u32 s7, $0x3  }
0xb: {  	s5 =	smax.u32 s5, $0x1;
	s8 =	sadd.s32 $0x980, s7;
	s7 =	sshll.u32 s7, $0x4  }
0xc: {  	s13 =	sor.u32 $0x80, s12;
	s12 =	sor.u32 $0x100, s12;
	s4 =	sadd.s32 s11, s29  }
0xd: {  	s30 =	sshrl.u32 s8, $0x3;
	s7 =	sadd.s32 s10, s7;
	s8 =	sshll.u32 s8, $0x4  }
0xe: {  	s31 =	sshrl.u32 s13, $0x3;
	s12 =	sshrl.u32 s12, $0x3;
	s13 =	simm.s32 $0x80  }
0xf: {  	s6 =	sadd.s32 s11, s30;
	s8 =	sadd.s32 s10, s8;
	s10 =	sadd.s32 s14, s10  }
0x10: {  	s7 =	sadd.s32 $0x9000, s7;
	s14 =	simm.s32 $0x100;
	s9 =	sadd.s32 s9, s10  }
0x11: {  	s10 =	sadd.s32 s31, s11;
	s11 =	sadd.s32 s12, s11;
	s12 =	simm.s32 $0x3  }
.LBB2_1:
0x12: {  	[tilespmem:s3], [sflag:$0x3] =	stream.linear.gather [hbm4b:s4+s3], $0x80, $0x38;
	[tilespmem:$0x8100] =	vst v63  }
0x13: {  	_ =	swait.ge [sflag:s12], $0x80  }
0x14: {  	[sflag:s12] =	ssyncset.done $0x0  }
0x15: {  	[sflag:s12] =	ssyncadd.s32 $0xFFFFFF80  }
0x16: {  	[tilespmem:s14], [sflag:$0x1] =	stream.indirect.gather [hbm4b:s2+s13], $0x80, s3, s13, $0xb8;
	[tilespmem:$0x8100] =	vst v63  }
0x17: {  	s19 =	sadd.s32 $0x0, s10  }
0x18: {  	[tilespmem:s13], [sflag:$0x3] =	stream.linear.gather [hbm4b:s19+s3], $0x80, $0x38;
	[tilespmem:$0x8100] =	vst v63  }
0x19: {  	_ =	swait.ge [sflag:s12], $0x80  }
0x1a: {  	[sflag:s12] =	ssyncset.done $0x0  }
0x1b: {  	[sflag:s12] =	ssyncadd.s32 $0xFFFFFF80  }
0x1c: {  	[tilespmem:s15], [sflag:$0x2] =	stream.indirect.gather [hbm4b:s2+s13], $0x80, s13, s13, $0xb8;
	[tilespmem:$0x8100] =	vst v63  }
0x1d: {  	_ =	swait.ge [sflag:s16], $0x4000  }
0x1e: {  	[sflag:s16] =	ssyncset.done $0x0  }
0x1f: {  	[sflag:s16] =	ssyncadd.s32 $0xFFFFC000  }
0x20: {  	[hbm4b:s9+s3] =	stream.linear.scatter [tilespmem:s14], [sflag:$0x3], $0x4000, $0x38;
	[tilespmem:$0x8100] =	vst v63  }
0x21: {  	_ =	swait.ge [sflag:s12], $0x4000  }
0x22: {  	[sflag:s12] =	ssyncset.done $0x0  }
0x23: {  	s30 =	sadd.s32 $0x0, s11;
	[sflag:s12] =	ssyncadd.s32 $0xFFFFC000  }
0x24: {  	[tilespmem:s3], [sflag:$0x3] =	stream.linear.gather [hbm4b:s30+s3], $0x80, $0x38;
	[tilespmem:$0x8100] =	vst v63  }
0x25: {  	_ =	swait.ge [sflag:s12], $0x80  }
0x26: {  	[sflag:s12] =	ssyncset.done $0x0  }
0x27: {  	[sflag:s12] =	ssyncadd.s32 $0xFFFFFF80  }
0x28: {  	[tilespmem:s14], [sflag:$0x1] =	stream.indirect.gather [hbm4b:s2+s13], $0x80, s3, s13, $0xb8;
	[tilespmem:$0x8100] =	vst v63  }
0x29: {  	_ =	swait.ge [sflag:s17], $0x4000  }
0x2a: {  	[sflag:s17] =	ssyncset.done $0x0  }
0x2b: {  	s31 =	sadd.s32 $0x800, s9;
	[sflag:s17] =	ssyncadd.s32 $0xFFFFC000  }
0x2c: {  	[hbm4b:s31+s3] =	stream.linear.scatter [tilespmem:s15], [sflag:$0x3], $0x4000, $0x38;
	[tilespmem:$0x8100] =	vst v63  }
0x2d: {  	s20 =	simm.s32 $0x20;
	_ =	swait.ge [sflag:s12], $0x4000  }
0x2e: {  	s21 =	simm.s32 $0x40;
	s19 =	sadd.s32 $0x1000, s9;
	[sflag:s12] =	ssyncset.done $0x0  }
.LBB2_2:
0x2f: {  	s22 =	sadd.s32 s20, s10  }
0x30: {  	[sflag:s12] =	ssyncadd.s32 $0xFFFFC000;
	s23 =	smov.u32 s21;
	s24 =	sadd.s32 $0x20, s21  }
0x31: {  	[tilespmem:s13], [sflag:$0x3] =	stream.linear.gather [hbm4b:s22+s3], $0x80, $0x38;
	[tilespmem:$0x8100] =	vst v63  }
0x32: {  	p0 =	sne.s32 s21, $0x100;
	_ =	swait.ge [sflag:s12], $0x80  }
0x33: {  	[sflag:s12] =	ssyncset.done $0x0  }
0x34: {  	[sflag:s12] =	ssyncadd.s32 $0xFFFFFF80  }
0x35: {  	[tilespmem:s15], [sflag:$0x2] =	stream.indirect.gather [hbm4b:s2+s13], $0x80, s13, s13, $0xb8;
	[tilespmem:$0x8100] =	vst v63  }
0x36: {  	_ =	swait.ge [sflag:s16], $0x4000  }
0x37: {  	[sflag:s16] =	ssyncset.done $0x0  }
0x38: {  	[sflag:s16] =	ssyncadd.s32 $0xFFFFC000  }
0x39: {  	[hbm4b:s19+s3] =	stream.linear.scatter [tilespmem:s14], [sflag:$0x3], $0x4000, $0x38;
	[tilespmem:$0x8100] =	vst v63  }
0x3a: {  	_ =	swait.ge [sflag:s12], $0x4000  }
0x3b: {  	[sflag:s12] =	ssyncset.done $0x0  }
0x3c: {  	s21 =	sadd.s32 s20, s11;
	s20 =	smov.u32 s23;
	[sflag:s12] =	ssyncadd.s32 $0xFFFFC000  }
0x3d: {  	[tilespmem:s3], [sflag:$0x3] =	stream.linear.gather [hbm4b:s21+s3], $0x80, $0x38;
	[tilespmem:$0x8100] =	vst v63  }
0x3e: {  	_ =	swait.ge [sflag:s12], $0x80  }
0x3f: {  	[sflag:s12] =	ssyncset.done $0x0  }
0x40: {  	[sflag:s12] =	ssyncadd.s32 $0xFFFFFF80  }
0x41: {  	[tilespmem:s14], [sflag:$0x1] =	stream.indirect.gather [hbm4b:s2+s13], $0x80, s3, s13, $0xb8;
	[tilespmem:$0x8100] =	vst v63  }
0x42: {  	_ =	swait.ge [sflag:s17], $0x4000  }
.Ltmp0:
0x43: {  	[sflag:s17] =	ssyncset.done $0x0;
	(pc) =	sbr.rel @p0 .LBB2_2-.Ltmp0, $4  }
0x44: {  	s21 =	sadd.s32 $0x800, s19;
	[sflag:s17] =	ssyncadd.s32 $0xFFFFC000  }
0x45: {  	[hbm4b:s21+s3] =	stream.linear.scatter [tilespmem:s15], [sflag:$0x3], $0x4000, $0x38;
	[tilespmem:$0x8100] =	vst v63  }
0x46: {  	_ =	swait.ge [sflag:s12], $0x4000  }
0x47: {  	s19 =	sadd.s32 $0x1000, s19;
	s21 =	smov.u32 s24;
	[sflag:s12] =	ssyncset.done $0x0  }
0x48: {  	s21 =	sadd.s32 s20, s10;
	[sflag:s12] =	ssyncadd.s32 $0xFFFFC000  }
0x49: {  	[tilespmem:s13], [sflag:$0x3] =	stream.linear.gather [hbm4b:s21+s3], $0x80, $0x38;
	[tilespmem:$0x8100] =	vst v63  }
0x4a: {  	_ =	swait.ge [sflag:s12], $0x80  }
0x4b: {  	[sflag:s12] =	ssyncset.done $0x0  }
0x4c: {  	[sflag:s12] =	ssyncadd.s32 $0xFFFFFF80  }
0x4d: {  	[tilespmem:s15], [sflag:$0x2] =	stream.indirect.gather [hbm4b:s2+s13], $0x80, s13, s13, $0xb8;
	[tilespmem:$0x8100] =	vst v63  }
0x4e: {  	_ =	swait.ge [sflag:s16], $0x4000  }
0x4f: {  	[sflag:s16] =	ssyncset.done $0x0  }
0x50: {  	[sflag:s16] =	ssyncadd.s32 $0xFFFFC000  }
0x51: {  	[hbm4b:s19+s3] =	stream.linear.scatter [tilespmem:s14], [sflag:$0x3], $0x4000, $0x38;
	[tilespmem:$0x8100] =	vst v63  }
0x52: {  	_ =	swait.ge [sflag:s12], $0x4000  }
0x53: {  	[sflag:s12] =	ssyncset.done $0x0  }
0x54: {  	s30 =	sadd.s32 s20, s11;
	[sflag:s12] =	ssyncadd.s32 $0xFFFFC000  }
0x55: {  	[tilespmem:s3], [sflag:$0x3] =	stream.linear.gather [hbm4b:s30+s3], $0x80, $0x38;
	[tilespmem:$0x8100] =	vst v63  }
0x56: {  	_ =	swait.ge [sflag:s12], $0x80  }
0x57: {  	[sflag:s12] =	ssyncset.done $0x0  }
0x58: {  	[sflag:s12] =	ssyncadd.s32 $0xFFFFFF80  }
0x59: {  	[tilespmem:s14], [sflag:$0x1] =	stream.indirect.gather [hbm4b:s2+s13], $0x80, s3, s13, $0xb8;
	[tilespmem:$0x8100] =	vst v63  }
0x5a: {  	_ =	swait.ge [sflag:s17], $0x4000  }
0x5b: {  	[sflag:s17] =	ssyncset.done $0x0  }
0x5c: {  	s31 =	sadd.s32 $0x800, s19;
	[sflag:s17] =	ssyncadd.s32 $0xFFFFC000  }
0x5d: {  	[hbm4b:s31+s3] =	stream.linear.scatter [tilespmem:s15], [sflag:$0x3], $0x4000, $0x38;
	[tilespmem:$0x8100] =	vst v63  }
0x5e: {  	_ =	swait.ge [sflag:s12], $0x4000  }
0x5f: {  	[sflag:s12] =	ssyncset.done $0x0  }
0x60: {  	[sflag:s12] =	ssyncadd.s32 $0xFFFFC000  }
0x61: {  	[tilespmem:s13], [sflag:$0x3] =	stream.linear.gather [hbm4b:s6+s3], $0x80, $0x38;
	[tilespmem:$0x8100] =	vst v63  }
0x62: {  	_ =	swait.ge [sflag:s12], $0x80  }
0x63: {  	[sflag:s12] =	ssyncset.done $0x0  }
0x64: {  	[sflag:s12] =	ssyncadd.s32 $0xFFFFFF80  }
0x65: {  	[tilespmem:s15], [sflag:$0x2] =	stream.indirect.gather [hbm4b:s2+s13], $0x80, s13, s13, $0xb8;
	[tilespmem:$0x8100] =	vst v63  }
0x66: {  	_ =	swait.ge [sflag:s16], $0x4000  }
0x67: {  	[sflag:s16] =	ssyncset.done $0x0  }
0x68: {  	[sflag:s16] =	ssyncadd.s32 $0xFFFFC000  }
0x69: {  	[hbm4b:s7+s3] =	stream.linear.scatter [tilespmem:s14], [sflag:$0x3], $0x4000, $0x38;
	[tilespmem:$0x8100] =	vst v63  }
0x6a: {  	_ =	swait.ge [sflag:s12], $0x4000  }
0x6b: {  	[sflag:s12] =	ssyncset.done $0x0  }
0x6c: {  	[sflag:s12] =	ssyncadd.s32 $0xFFFFC000  }
0x6d: {  	s18 =	sadd.s32 $0x1, s18;
	_ =	swait.ge [sflag:s17], $0x4000  }
0x6e: {  	p0 =	sne.s32 s18, s5;
	[sflag:s17] =	ssyncset.done $0x0  }
.Ltmp1:
0x6f: {  	[sflag:s17] =	ssyncadd.s32 $0xFFFFC000;
	(pc) =	sbr.rel @p0 .LBB2_1-.Ltmp1, $4  }
0x70: {  	[hbm4b:s8+s3] =	stream.linear.scatter [tilespmem:s15], [sflag:$0x3], $0x4000, $0x38;
	[tilespmem:$0x8100] =	vst v63  }
0x71: {  	_ =	swait.ge [sflag:s12], $0x4000  }
0x72: {  	[sflag:s12] =	ssyncset.done $0x0  }
0x73: {  	[sflag:s12] =	ssyncadd.s32 $0xFFFFC000  }
0x74: {  	_ =	sfence.sel $0x180000  }
0x75: {  	[bflag:$0x0] =	sbarrier.arrive $0xFFFF  }
0x76: {  	p0 =	sne.s32 s0, $0x0;
	_ =	strace $0x9000005F  }
0x77: {  	s0 =	sadd.s32 @!p0 $0x100000, s1;
	[bflag:$0x2] =	sbarrier.arrive $0xFFFF  }
0x78: {  	[sflag:s0] =	ssyncadd.tile.s32 @!p0 $0x1;
	_ =	shalt  }
.Lfunc_end2:
_tile_overlayer_lowered:
.L_overlay_start_2:
0x79: {  	(tag) =	ssettag $0x2  }
0x7a: {  	s0 =	rddreg [dreg:$0x0];
	s2 =	stileid.u32  }
0x7b: {  	s1 =	rddreg [dreg:$0x1];
	p0 =	sne.s32 s2, $0x0  }
0x7c: {  	s3 =	rddreg [dreg:$0x2];
	[bflag:$0x3] =	sbarrier.arrive $0xFFFF;
	s2 =	simm.s32 @!p0 $0x1C03  }
0x7d: {  	[timem:s3], [sflag:s2] =	dma.local @!p0 [hbm:s0], s1  }
0x7e: {  	s0 =	simm.s32 @!p0 $0x3  }
0x7f: {  	_ =	swait.ge @!p0 [sflag:s0], s1  }
0x80: {  	s1 =	ssub.s32 @!p0 $0x0, s1;
	[sflag:s0] =	ssyncset.done @!p0 $0x0  }
0x81: {  	[sflag:s0] =	ssyncadd.s32 @!p0 s1  }
0x82: {  	[bflag:$0x3] =	sbarrier.arrive $0xFFFF  }
0x83: {  	_ =	shalt  }

// kernel: body.33.cloned.1.call-start
scs
__scs_entry_jumppad:
0x0: {  	(pc) =	sbr.rel $0x88, $3  }
0x1: {  	(tag) =	ssettag $0x0;
	lr =	simm.s32 $0x1  }
0x2: {  	[smem:$0x3F98] =	sst lr;
	_ =	strace $0xD0000000  }
0x3: {  	_ = 	snop  }
0x4: {  	_ = 	snop  }
0x5: {  	_ = 	snop  }
0x6: {  	_ = 	snop  }
0x7: {  	_ = 	snop  }
__scs_overlays_trampoline_lowered:
0x8: {  	[smem:$0x3FA7] =	sst s0  }
0x9: {  	[smem:$0x3FA8] =	sst s1  }
0xa: {  	[smem:$0x3FA9] =	sst s2  }
0xb: {  	[smem:$0x3FAA] =	sst s3  }
0xc: {  	[smem:$0x3FAB] =	sst s4  }
0xd: {  	[smem:$0x3FAC] =	sst s5  }
0xe: {  	[smem:$0x3FAD] =	sst s6  }
0xf: {  	[smem:$0x3FAE] =	sst s7  }
0x10: {  	[smem:$0x3FAF] =	sst s8  }
0x11: {  	[smem:$0x3FB0] =	sst s9;
	s0 =	simm.s32 @!p0 $0x0  }
0x12: {  	s1 =	sld [smem:$0x3F96];
	s0 =	simm.s32 @p0 $0x1  }
0x13: {  	[smem:$0x3FB1] =	sst s0;
	s0 =	simm.s32 @!p1 $0x0  }
0x14: {  	s2 =	sld [smem:$0x3F95];
	s0 =	simm.s32 @p1 $0x1  }
0x15: {  	[smem:$0x3FB2] =	sst s0;
	s0 =	simm.s32 @!p2 $0x0  }
0x16: {  	s3 =	sld [smem:$0x3FDB];
	s0 =	simm.s32 @p2 $0x1  }
0x17: {  	s4 =	simm.s32 $0x1BF5;
	[smem:$0x3FB4] =	sst s0  }
0x18: {  	s0 =	sld [smem:$0x3F97];
	_ =	swait.ge [sflag:s4], $0x0  }
0x19: {  	s7 =	sld [smem:$0x3F98]  }
0x1a: {  	s8 =	sadd.s32 $0xFFFFE003, lr  }
0x1b: {  	s9 =	sadd.s32 $0xFFFFFEF7, lr;
	s5 =	simm.s32 $0xFFFFFFFF;
	p2 =	slt.u32 s8, $0xFFFFF086  }
0x1c: {  	p1 =	slt.u32 s9, $0xF7A;
	s5 =	simm.s32 @!p2 $0x0  }
0x1d: {  	s5 =	simm.s32 @p1 $0x1;
	p0 =	seq.s32 s7, s2  }
0x1e: {  	s7 =	smul.u32 @!p0 $0xF7A, s2;
	p2 =	seq.s32 @!p0 s5, $0x0  }
0x1f: {  	s9 =	smul.u32 $0xF7A, s1;
	s8 =	simm.s32 @!p0 $0x1BF5;
	p2 =	por !p2, p0  }
0x20: {  	[sflag:s8] =	ssyncset.s32 @!p0 $0xFFFFF086;
	s6 =	sadd.s32 @!p0 s3, s7;
	s7 =	simm.s32 @!p0 $0x108  }
0x21: {  	s3 =	sadd.s32 s3, s9;
	s6 =	sadd.s32 @!p0 $0x88, s6;
	s7 =	simm.s32 @p2 $0x1082  }
0x22: {  	[simem:s7], [sflag:s8] =	dma.local @!p0 [hbm:s6], $0xF7A  }
0x23: {  	s9 =	sor.u32 $0xD0000000, s2;
	s6 =	simm.s32 $0x108;
	_ =	swait.ge @!p0 [sflag:s8], $0x0  }
0x24: {  	s3 =	sadd.s32 $0x88, s3;
	s6 =	simm.s32 @!p1 $0x1082;
	[sflag:s4] =	ssyncset.s32 $0xFFFFF086  }
0x25: {  	[simem:s6], [sflag:s4] =	dma.local [hbm:s3], $0xF7A  }
0x26: {  	[smem:$0x3F98] =	sst s1;
	(tag) =	ssettag s2;
	_ =	strace s9  }
0x27: {  	s1 =	sld [smem:$0x3FA8]  }
0x28: {  	s2 =	sld [smem:$0x3FA9]  }
0x29: {  	s4 =	sld [smem:$0x3FAB]  }
0x2a: {  	p0 =	seq.s32 s5, $0x0;
	s5 =	sld [smem:$0x3FAC]  }
0x2b: {  	s6 =	sld [smem:$0x3FAD]  }
0x2c: {  	s7 =	sld [smem:$0x3FAE]  }
0x2d: {  	s3 =	simm.s32 $0x108;
	s8 =	sld [smem:$0x3FAF]  }
0x2e: {  	s3 =	simm.s32 @!p0 $0x1082;
	s9 =	sld [smem:$0x3FB0]  }
0x2f: {  	lr =	sadd.s32 s0, s3;
	s0 =	sld [smem:$0x3FA7]  }
0x30: {  	s3 =	sld [smem:$0x3FAA]  }
0x31: {  	[smem:$0x3FB3] =	sst s10  }
0x32: {  	s10 =	sld [smem:$0x3FB1];
	_ =	sdelay $0x3  }
0x33: {  	p0 =	seq.s32 s10, $0x1;
	s10 =	sld [smem:$0x3FB3];
	_ =	sdelay $0x3  }
0x34: {  	[smem:$0x3FB3] =	sst s10  }
0x35: {  	s10 =	sld [smem:$0x3FB2];
	_ =	sdelay $0x3  }
0x36: {  	p1 =	seq.s32 s10, $0x1;
	s10 =	sld [smem:$0x3FB3];
	_ =	sdelay $0x3  }
0x37: {  	[smem:$0x3FB3] =	sst s10  }
0x38: {  	s10 =	sld [smem:$0x3FB4]  }
0x39: {  	_ = 	snop;
	(pc) =	sbr.ind lr, $3  }
0x3a: {  	_ = 	snop  }
0x3b: {  	_ = 	snop  }
0x3c: {  	p2 =	seq.s32 s10, $0x1;
	s10 =	sld [smem:$0x3FB3]  }
0x3d: {  	_ =	shalt  }
0x3e: {  	_ =	shalt  }
0x3f: {  	_ =	shalt  }
0x40: {  	_ =	shalt  }
0x41: {  	_ =	shalt  }
0x42: {  	_ =	shalt  }
0x43: {  	_ =	shalt  }
0x44: {  	_ =	shalt  }
0x45: {  	_ =	shalt  }
0x46: {  	_ =	shalt  }
0x47: {  	_ =	shalt  }
0x48: {  	_ =	shalt  }
0x49: {  	_ =	shalt  }
0x4a: {  	_ =	shalt  }
0x4b: {  	_ =	shalt  }
0x4c: {  	_ =	shalt  }
0x4d: {  	_ =	shalt  }
0x4e: {  	_ =	shalt  }
0x4f: {  	_ =	shalt  }
0x50: {  	_ =	shalt  }
0x51: {  	_ =	shalt  }
0x52: {  	_ =	shalt  }
0x53: {  	_ =	shalt  }
0x54: {  	_ =	shalt  }
0x55: {  	_ =	shalt  }
0x56: {  	_ =	shalt  }
0x57: {  	_ =	shalt  }
0x58: {  	_ =	shalt  }
0x59: {  	_ =	shalt  }
0x5a: {  	_ =	shalt  }
0x5b: {  	_ =	shalt  }
0x5c: {  	_ =	shalt  }
0x5d: {  	_ =	shalt  }
0x5e: {  	_ =	shalt  }
0x5f: {  	_ =	shalt  }
0x60: {  	_ =	shalt  }
0x61: {  	_ =	shalt  }
0x62: {  	_ =	shalt  }
0x63: {  	_ =	shalt  }
0x64: {  	_ =	shalt  }
0x65: {  	_ =	shalt  }
0x66: {  	_ =	shalt  }
0x67: {  	_ =	shalt  }
0x68: {  	_ =	shalt  }
0x69: {  	_ =	shalt  }
0x6a: {  	_ =	shalt  }
0x6b: {  	_ =	shalt  }
0x6c: {  	_ =	shalt  }
0x6d: {  	_ =	shalt  }
0x6e: {  	_ =	shalt  }
0x6f: {  	_ =	shalt  }
0x70: {  	_ =	shalt  }
0x71: {  	_ =	shalt  }
0x72: {  	_ =	shalt  }
0x73: {  	_ =	shalt  }
0x74: {  	_ =	shalt  }
0x75: {  	_ =	shalt  }
0x76: {  	_ =	shalt  }
0x77: {  	_ =	shalt  }
0x78: {  	_ =	shalt  }
0x79: {  	_ =	shalt  }
0x7a: {  	_ =	shalt  }
0x7b: {  	_ =	shalt  }
0x7c: {  	_ =	shalt  }
0x7d: {  	_ =	shalt  }
0x7e: {  	_ =	shalt  }
0x7f: {  	_ =	shalt  }
0x80: {  	_ =	shalt  }
0x81: {  	_ =	shalt  }
0x82: {  	_ =	shalt  }
0x83: {  	_ =	shalt  }
0x84: {  	_ =	shalt  }
0x85: {  	_ =	shalt  }
0x86: {  	_ =	shalt  }
0x87: {  	_ =	shalt  }
.Lfunc_end0:
.L_simem_size_0:
called_computation.7_lowered:
.L_overlay_start_0:
0x88: {  	s2 =	sld [smem:$0x3FD9]  }
0x89: {  	s3 =	sld [smem:$0x3FFE];
	_ =	sdelay $0x1  }
0x8a: {  	s1 =	srdreg.scid  }
0x8b: {  	s0 =	sand.u32 $0x1, s1  }
0x8c: {  	s17 =	sshll.u32 s0, $0xA;
	s2 =	sadd.s32 s3, s2  }
0x8d: {  	s2 =	sadd.s32 s2, s17  }
0x8e: {  	[smem:$0x3FBF] =	sst s2  }
0x8f: {  	_ = 	snop  }
0x90: {  	s18 =	sld [smem:$0x3FC9];
	(tm) =	ssettm $0x1  }
0x91: {  	s19 =	sld [smem:$0x3FFB];
	_ =	sdelay $0x3  }
0x92: {  	_ =	strace s19  }
0x93: {  	s2 =	sld [smem:$0x3FFC];
	_ =	sdelay $0x3  }
0x94: {  	_ =	strace s2  }
0x95: {  	s2 =	sld [smem:$0x3FFD];
	_ =	sdelay $0x3  }
0x96: {  	_ =	strace s2  }
0x97: {  	_ =	strace $0x8FFFFFFF  }
0x98: {  	s20 =	sld [smem:$0x3FDB];
	_ =	sdelay $0x1  }
0x99: {  	s4 =	simm.s32 $_scs_section_size  }
0x9a: {  	s5 =	simm.s32 $_size__tile_overlayer_lowered;
	s6 =	simm.s32 $_tile_overlayer_lowered  }
0x9b: {  	s7 =	simm.s32 $0x1BFF;
	s21 =	sshll.u32 s6, $0x1;
	s4 =	sadd.s32 s4, s20  }
0x9c: {  	s22 =	simm.s32 $0x0;
	s5 =	sshll.u32 s5, $0x1;
	s6 =	sadd.s32 s21, s4  }
0x9d: {  	[timem:s22], [sflag:s7] =	dma.local [hbm:s6], s5  }
0x9e: {  	_ =	swait.ge [sflag:s7], s5  }
0x9f: {  	s5 =	ssub.s32 $0x0, s5;
	[sflag:s7] =	ssyncset.done $0x0  }
0xa0: {  	[sflag:s7] =	ssyncadd.s32 s5;
	_ =	sdelay $0x1  }
0xa1: {  	s23 =	simm.s32 $0x1B8B  }
0xa2: {  	_ =	swait.ge [sflag:s23], $0x1  }
0xa3: {  	[sflag:s23] =	ssyncset.done $0x0  }
0xa4: {  	[sflag:s23] =	ssyncadd.s32 $0xFFFFFFFF  }
0xa5: {  	s5 =	sld [smem:$0x0]  }
0xa6: {  	s6 =	sand.u32 $0xFFFFFFFE, s1  }
0xa7: {  	p0 =	sne.s32 s1, s6  }
0xa8: {  	s6 =	sshll.u32 @p0 s6, $0xE  }
0xa9: {  	s6 =	sadd.s32 @p0 $0x11B8D, s6;
	s7 =	sshll.u32 @p0 s5, $0x11  }
0xaa: {  	s6 =	sor.u32 @p0 s7, s6  }
0xab: {  	[sflag:s6] =	ssyncadd.remote.s32 @p0 $0x1;
	_ =	sdelay $0x1  }
0xac: {  	s6 =	simm.s32 @p0 $0x1B8D  }
0xad: {  	_ =	swait.eq @p0 [sflag:s6], $0x1  }
0xae: {  	[sflag:s6] =	ssyncadd.s32 @p0 $0xFFFFFFFF  }
0xaf: {  	s7 =	sshll.u32 @!p0 s1, $0xE  }
0xb0: {  	s7 =	sor.u32 @!p0 $0x4000, s7;
	s6 =	simm.s32 @!p0 $0x1B8D  }
0xb1: {  	s5 =	sshll.u32 @!p0 s5, $0x11;
	s7 =	sadd.s32 @!p0 $0x11B8D, s7;
	_ =	swait.eq @!p0 [sflag:s6], $0x1  }
0xb2: {  	s5 =	sor.u32 @!p0 s5, s7;
	[sflag:s6] =	ssyncadd.s32 @!p0 $0xFFFFFFFF  }
0xb3: {  	s25 =	simm.s32 $0x1B8E;
	s24 =	sld [smem:$0x3FFE];
	[sflag:s5] =	ssyncadd.remote.s32 @!p0 $0x1  }
0xb4: {  	s26 =	simm.s32 $execute0_lowered;
	[smem:$0x3FD2] =	sst s25  }
0xb5: {  	s6 =	sshll.u32 s26, $0x1;
	_ =	strace $0x80000061;
	[dreg:$0x1] =	wrdreg $0xFFFFFFFF  }
0xb6: {  	s28 =	simm.s32 $_size_execute0_lowered;
	s4 =	sadd.s32 s4, s6;
	[dreg:$0x0] =	wrdreg $0x0  }
0xb7: {  	s6 =	sshll.u32 s28, $0x1;
	[dreg:$0x2] =	wrdreg s4  }
0xb8: {  	[dreg:$0x3] =	wrdreg s6  }
0xb9: {  	[dreg:$0x4] =	wrdreg $0xC0  }
0xba: {  	_ =	task [dreg:s22], $0x5FFFF  }
0xbb: {  	[dreg:$0x1] =	wrdreg $0xFFFFFFFF  }
0xbc: {  	[dreg:$0x0] =	wrdreg $0x60  }
0xbd: {  	[dreg:$0x2] =	wrdreg s18  }
0xbe: {  	[dreg:$0x3] =	wrdreg s24  }
0xbf: {  	[dreg:$0x4] =	wrdreg $0x9  }
0xc0: {  	_ =	task.clear_ibuf [dreg:s22], $0x5FFFF;
	_ =	strace $0x90000061  }
0xc1: {  	s29 =	simm.s32 $0x9;
	_ =	strace $0x80000063  }
0xc2: {  	_ =	swait.ge [sflag:s29], $0x1  }
0xc3: {  	[sflag:s29] =	ssyncadd.s32 $0xFFFFFFFF  }
0xc4: {  	_ =	strace $0x90000063  }
0xc5: {  	_ =	sfence  }
0xc6: {  	s30 =	sld [smem:$0x0];
	_ =	sdelay $0x2  }
0xc7: {  	s31 =	sshll.u32 s1, $0xD;
	s1 =	sshrl.u32 s1, $0x2  }
0xc8: {  	s4 =	sand.u32 $0x4000, s31;
	s1 =	sadd.s32 s1, s30  }
0xc9: {  	s0 =	sor.u32 s4, s0;
	s1 =	sshll.u32 s1, $0x11  }
0xca: {  	s0 =	sor.u32 s1, s0  }
0xcb: {  	s0 =	sadd.s32 $0x8F2B, s0  }
0xcc: {  	[sflag:s0] =	ssyncadd.remote.s32 $0x1  }
0xcd: {  	_ =	sfence.sel $0xFFFF  }
0xce: {  	[dreg:$0x0] =	wrdreg $0xFFFFFFFF;
	(pc) =	sbr.abs _section_cstart, $3  }
0xcf: {  	[dreg:$0x1] =	wrdreg $0xFFFFFFFF  }
0xd0: {  	_ =	task.clear_ibuf [dreg:s22], $0x2FFFF;
	_ =	strace $0x9FFFFFFF  }
0xd1: {  	(tm) =	ssettm $0x7FFFFFFF  }
tec
execute0_lowered:
.L_overlay_start_1:
0x0: {  	(tag) =	ssettag $0x1  }
0x1: {  	s2 =	rddreg [dreg:$0x0]  }
0x2: {  	s1 =	srdreg.scid;
	s0 =	stileid.u32  }
0x3: {  	s4 =	rddreg [dreg:$0x1];
	s3 =	simm.s32 $0x0;
	s15 =	simm.s32 $0x4100  }
0x4: {  	s16 =	simm.s32 $0x1;
	s17 =	simm.s32 $0x2;
	s18 =	simm.s32 $0x0  }
0x5: {  	s9 =	sand.u32 $0x1, s1;
	s1 =	rddreg [dreg:$0x2];
	s12 =	smul.u32 $0x1400, s0  }
0x6: {  	s5 =	sshll.u32 s0, $0x1;
	[smem:$0x7FF] =	sst s3;
	s14 =	smul.u32 $0x14000, s0  }
0x7: {  	s11 =	sadd.s32 $0xE600, s4;
	s5 =	sor.u32 s9, s5;
	s13 =	smul.u32 $0xA00, s9  }
0x8: {  	s10 =	sadd.s32 $0x20800, s4;
	s6 =	ssub.s32 $0x2, s9;
	s7 =	smul.u32 $0xA00, s5  }
0x9: {  	_ =	strace $0x80000062;
	s9 =	smul.u32 $0xA000, s9;
	s28 =	sshrl.u32 s6, $0x1  }
0xa: {  	s5 =	ssub.s32 s6, s28;
	s12 =	sadd.s32 s13, s12;
	s29 =	sshrl.u32 s7, $0x3  }
0xb: {  	s5 =	smax.u32 s5, $0x1;
	s8 =	sadd.s32 $0x980, s7;
	s7 =	sshll.u32 s7, $0x4  }
0xc: {  	s13 =	sor.u32 $0x80, s12;
	s12 =	sor.u32 $0x100, s12;
	s4 =	sadd.s32 s11, s29  }
0xd: {  	s30 =	sshrl.u32 s8, $0x3;
	s7 =	sadd.s32 s10, s7;
	s8 =	sshll.u32 s8, $0x4  }
0xe: {  	s31 =	sshrl.u32 s13, $0x3;
	s12 =	sshrl.u32 s12, $0x3;
	s13 =	simm.s32 $0x80  }
0xf: {  	s6 =	sadd.s32 s11, s30;
	s8 =	sadd.s32 s10, s8;
	s10 =	sadd.s32 s14, s10  }
0x10: {  	s7 =	sadd.s32 $0x9000, s7;
	s14 =	simm.s32 $0x100;
	s9 =	sadd.s32 s9, s10  }
0x11: {  	s10 =	sadd.s32 s31, s11;
	s11 =	sadd.s32 s12, s11;
	s12 =	simm.s32 $0x3  }
.LBB2_1:
0x12: {  	[tilespmem:s3], [sflag:$0x3] =	stream.linear.gather [hbm4b:s4+s3], $0x80, $0x38;
	[tilespmem:$0x8100] =	vst v63  }
0x13: {  	_ =	swait.ge [sflag:s12], $0x80  }
0x14: {  	[sflag:s12] =	ssyncset.done $0x0  }
0x15: {  	[sflag:s12] =	ssyncadd.s32 $0xFFFFFF80  }
0x16: {  	[tilespmem:s14], [sflag:$0x1] =	stream.indirect.gather [hbm4b:s2+s13], $0x80, s3, s13, $0xb8;
	[tilespmem:$0x8100] =	vst v63  }
0x17: {  	s19 =	sadd.s32 $0x0, s10  }
0x18: {  	[tilespmem:s13], [sflag:$0x3] =	stream.linear.gather [hbm4b:s19+s3], $0x80, $0x38;
	[tilespmem:$0x8100] =	vst v63  }
0x19: {  	_ =	swait.ge [sflag:s12], $0x80  }
0x1a: {  	[sflag:s12] =	ssyncset.done $0x0  }
0x1b: {  	[sflag:s12] =	ssyncadd.s32 $0xFFFFFF80  }
0x1c: {  	[tilespmem:s15], [sflag:$0x2] =	stream.indirect.gather [hbm4b:s2+s13], $0x80, s13, s13, $0xb8;
	[tilespmem:$0x8100] =	vst v63  }
0x1d: {  	_ =	swait.ge [sflag:s16], $0x4000  }
0x1e: {  	[sflag:s16] =	ssyncset.done $0x0  }
0x1f: {  	[sflag:s16] =	ssyncadd.s32 $0xFFFFC000  }
0x20: {  	[hbm4b:s9+s3] =	stream.linear.scatter [tilespmem:s14], [sflag:$0x3], $0x4000, $0x38;
	[tilespmem:$0x8100] =	vst v63  }
0x21: {  	_ =	swait.ge [sflag:s12], $0x4000  }
0x22: {  	[sflag:s12] =	ssyncset.done $0x0  }
0x23: {  	s30 =	sadd.s32 $0x0, s11;
	[sflag:s12] =	ssyncadd.s32 $0xFFFFC000  }
0x24: {  	[tilespmem:s3], [sflag:$0x3] =	stream.linear.gather [hbm4b:s30+s3], $0x80, $0x38;
	[tilespmem:$0x8100] =	vst v63  }
0x25: {  	_ =	swait.ge [sflag:s12], $0x80  }
0x26: {  	[sflag:s12] =	ssyncset.done $0x0  }
0x27: {  	[sflag:s12] =	ssyncadd.s32 $0xFFFFFF80  }
0x28: {  	[tilespmem:s14], [sflag:$0x1] =	stream.indirect.gather [hbm4b:s2+s13], $0x80, s3, s13, $0xb8;
	[tilespmem:$0x8100] =	vst v63  }
0x29: {  	_ =	swait.ge [sflag:s17], $0x4000  }
0x2a: {  	[sflag:s17] =	ssyncset.done $0x0  }
0x2b: {  	s31 =	sadd.s32 $0x800, s9;
	[sflag:s17] =	ssyncadd.s32 $0xFFFFC000  }
0x2c: {  	[hbm4b:s31+s3] =	stream.linear.scatter [tilespmem:s15], [sflag:$0x3], $0x4000, $0x38;
	[tilespmem:$0x8100] =	vst v63  }
0x2d: {  	s20 =	simm.s32 $0x20;
	_ =	swait.ge [sflag:s12], $0x4000  }
0x2e: {  	s21 =	simm.s32 $0x40;
	s19 =	sadd.s32 $0x1000, s9;
	[sflag:s12] =	ssyncset.done $0x0  }
.LBB2_2:
0x2f: {  	s22 =	sadd.s32 s20, s10  }
0x30: {  	[sflag:s12] =	ssyncadd.s32 $0xFFFFC000;
	s23 =	smov.u32 s21;
	s24 =	sadd.s32 $0x20, s21  }
0x31: {  	[tilespmem:s13], [sflag:$0x3] =	stream.linear.gather [hbm4b:s22+s3], $0x80, $0x38;
	[tilespmem:$0x8100] =	vst v63  }
0x32: {  	p0 =	sne.s32 s21, $0x100;
	_ =	swait.ge [sflag:s12], $0x80  }
0x33: {  	[sflag:s12] =	ssyncset.done $0x0  }
0x34: {  	[sflag:s12] =	ssyncadd.s32 $0xFFFFFF80  }
0x35: {  	[tilespmem:s15], [sflag:$0x2] =	stream.indirect.gather [hbm4b:s2+s13], $0x80, s13, s13, $0xb8;
	[tilespmem:$0x8100] =	vst v63  }
0x36: {  	_ =	swait.ge [sflag:s16], $0x4000  }
0x37: {  	[sflag:s16] =	ssyncset.done $0x0  }
0x38: {  	[sflag:s16] =	ssyncadd.s32 $0xFFFFC000  }
0x39: {  	[hbm4b:s19+s3] =	stream.linear.scatter [tilespmem:s14], [sflag:$0x3], $0x4000, $0x38;
	[tilespmem:$0x8100] =	vst v63  }
0x3a: {  	_ =	swait.ge [sflag:s12], $0x4000  }
0x3b: {  	[sflag:s12] =	ssyncset.done $0x0  }
0x3c: {  	s21 =	sadd.s32 s20, s11;
	s20 =	smov.u32 s23;
	[sflag:s12] =	ssyncadd.s32 $0xFFFFC000  }
0x3d: {  	[tilespmem:s3], [sflag:$0x3] =	stream.linear.gather [hbm4b:s21+s3], $0x80, $0x38;
	[tilespmem:$0x8100] =	vst v63  }
0x3e: {  	_ =	swait.ge [sflag:s12], $0x80  }
0x3f: {  	[sflag:s12] =	ssyncset.done $0x0  }
0x40: {  	[sflag:s12] =	ssyncadd.s32 $0xFFFFFF80  }
0x41: {  	[tilespmem:s14], [sflag:$0x1] =	stream.indirect.gather [hbm4b:s2+s13], $0x80, s3, s13, $0xb8;
	[tilespmem:$0x8100] =	vst v63  }
0x42: {  	_ =	swait.ge [sflag:s17], $0x4000  }
.Ltmp0:
0x43: {  	[sflag:s17] =	ssyncset.done $0x0;
	(pc) =	sbr.rel @p0 .LBB2_2-.Ltmp0, $4  }
0x44: {  	s21 =	sadd.s32 $0x800, s19;
	[sflag:s17] =	ssyncadd.s32 $0xFFFFC000  }
0x45: {  	[hbm4b:s21+s3] =	stream.linear.scatter [tilespmem:s15], [sflag:$0x3], $0x4000, $0x38;
	[tilespmem:$0x8100] =	vst v63  }
0x46: {  	_ =	swait.ge [sflag:s12], $0x4000  }
0x47: {  	s19 =	sadd.s32 $0x1000, s19;
	s21 =	smov.u32 s24;
	[sflag:s12] =	ssyncset.done $0x0  }
0x48: {  	s21 =	sadd.s32 s20, s10;
	[sflag:s12] =	ssyncadd.s32 $0xFFFFC000  }
0x49: {  	[tilespmem:s13], [sflag:$0x3] =	stream.linear.gather [hbm4b:s21+s3], $0x80, $0x38;
	[tilespmem:$0x8100] =	vst v63  }
0x4a: {  	_ =	swait.ge [sflag:s12], $0x80  }
0x4b: {  	[sflag:s12] =	ssyncset.done $0x0  }
0x4c: {  	[sflag:s12] =	ssyncadd.s32 $0xFFFFFF80  }
0x4d: {  	[tilespmem:s15], [sflag:$0x2] =	stream.indirect.gather [hbm4b:s2+s13], $0x80, s13, s13, $0xb8;
	[tilespmem:$0x8100] =	vst v63  }
0x4e: {  	_ =	swait.ge [sflag:s16], $0x4000  }
0x4f: {  	[sflag:s16] =	ssyncset.done $0x0  }
0x50: {  	[sflag:s16] =	ssyncadd.s32 $0xFFFFC000  }
0x51: {  	[hbm4b:s19+s3] =	stream.linear.scatter [tilespmem:s14], [sflag:$0x3], $0x4000, $0x38;
	[tilespmem:$0x8100] =	vst v63  }
0x52: {  	_ =	swait.ge [sflag:s12], $0x4000  }
0x53: {  	[sflag:s12] =	ssyncset.done $0x0  }
0x54: {  	s30 =	sadd.s32 s20, s11;
	[sflag:s12] =	ssyncadd.s32 $0xFFFFC000  }
0x55: {  	[tilespmem:s3], [sflag:$0x3] =	stream.linear.gather [hbm4b:s30+s3], $0x80, $0x38;
	[tilespmem:$0x8100] =	vst v63  }
0x56: {  	_ =	swait.ge [sflag:s12], $0x80  }
0x57: {  	[sflag:s12] =	ssyncset.done $0x0  }
0x58: {  	[sflag:s12] =	ssyncadd.s32 $0xFFFFFF80  }
0x59: {  	[tilespmem:s14], [sflag:$0x1] =	stream.indirect.gather [hbm4b:s2+s13], $0x80, s3, s13, $0xb8;
	[tilespmem:$0x8100] =	vst v63  }
0x5a: {  	_ =	swait.ge [sflag:s17], $0x4000  }
0x5b: {  	[sflag:s17] =	ssyncset.done $0x0  }
0x5c: {  	s31 =	sadd.s32 $0x800, s19;
	[sflag:s17] =	ssyncadd.s32 $0xFFFFC000  }
0x5d: {  	[hbm4b:s31+s3] =	stream.linear.scatter [tilespmem:s15], [sflag:$0x3], $0x4000, $0x38;
	[tilespmem:$0x8100] =	vst v63  }
0x5e: {  	_ =	swait.ge [sflag:s12], $0x4000  }
0x5f: {  	[sflag:s12] =	ssyncset.done $0x0  }
0x60: {  	[sflag:s12] =	ssyncadd.s32 $0xFFFFC000  }
0x61: {  	[tilespmem:s13], [sflag:$0x3] =	stream.linear.gather [hbm4b:s6+s3], $0x80, $0x38;
	[tilespmem:$0x8100] =	vst v63  }
0x62: {  	_ =	swait.ge [sflag:s12], $0x80  }
0x63: {  	[sflag:s12] =	ssyncset.done $0x0  }
0x64: {  	[sflag:s12] =	ssyncadd.s32 $0xFFFFFF80  }
0x65: {  	[tilespmem:s15], [sflag:$0x2] =	stream.indirect.gather [hbm4b:s2+s13], $0x80, s13, s13, $0xb8;
	[tilespmem:$0x8100] =	vst v63  }
0x66: {  	_ =	swait.ge [sflag:s16], $0x4000  }
0x67: {  	[sflag:s16] =	ssyncset.done $0x0  }
0x68: {  	[sflag:s16] =	ssyncadd.s32 $0xFFFFC000  }
0x69: {  	[hbm4b:s7+s3] =	stream.linear.scatter [tilespmem:s14], [sflag:$0x3], $0x4000, $0x38;
	[tilespmem:$0x8100] =	vst v63  }
0x6a: {  	_ =	swait.ge [sflag:s12], $0x4000  }
0x6b: {  	[sflag:s12] =	ssyncset.done $0x0  }
0x6c: {  	[sflag:s12] =	ssyncadd.s32 $0xFFFFC000  }
0x6d: {  	s18 =	sadd.s32 $0x1, s18;
	_ =	swait.ge [sflag:s17], $0x4000  }
0x6e: {  	p0 =	sne.s32 s18, s5;
	[sflag:s17] =	ssyncset.done $0x0  }
.Ltmp1:
0x6f: {  	[sflag:s17] =	ssyncadd.s32 $0xFFFFC000;
	(pc) =	sbr.rel @p0 .LBB2_1-.Ltmp1, $4  }
0x70: {  	[hbm4b:s8+s3] =	stream.linear.scatter [tilespmem:s15], [sflag:$0x3], $0x4000, $0x38;
	[tilespmem:$0x8100] =	vst v63  }
0x71: {  	_ =	swait.ge [sflag:s12], $0x4000  }
0x72: {  	[sflag:s12] =	ssyncset.done $0x0  }
0x73: {  	[sflag:s12] =	ssyncadd.s32 $0xFFFFC000  }
0x74: {  	_ =	sfence.sel $0x180000  }
0x75: {  	[bflag:$0x0] =	sbarrier.arrive $0xFFFF  }
0x76: {  	p0 =	sne.s32 s0, $0x0;
	_ =	strace $0x90000062  }
0x77: {  	s0 =	sadd.s32 @!p0 $0x100000, s1;
	[bflag:$0x2] =	sbarrier.arrive $0xFFFF  }
0x78: {  	[sflag:s0] =	ssyncadd.tile.s32 @!p0 $0x1;
	_ =	shalt  }
.Lfunc_end2:
_tile_overlayer_lowered:
.L_overlay_start_2:
0x79: {  	(tag) =	ssettag $0x2  }
0x7a: {  	s0 =	rddreg [dreg:$0x0];
	s2 =	stileid.u32  }
0x7b: {  	s1 =	rddreg [dreg:$0x1];
	p0 =	sne.s32 s2, $0x0  }
0x7c: {  	s3 =	rddreg [dreg:$0x2];
	[bflag:$0x3] =	sbarrier.arrive $0xFFFF;
	s2 =	simm.s32 @!p0 $0x1C03  }
0x7d: {  	[timem:s3], [sflag:s2] =	dma.local @!p0 [hbm:s0], s1  }
0x7e: {  	s0 =	simm.s32 @!p0 $0x3  }
0x7f: {  	_ =	swait.ge @!p0 [sflag:s0], s1  }
0x80: {  	s1 =	ssub.s32 @!p0 $0x0, s1;
	[sflag:s0] =	ssyncset.done @!p0 $0x0  }
0x81: {  	[sflag:s0] =	ssyncadd.s32 @!p0 s1  }
0x82: {  	[bflag:$0x3] =	sbarrier.arrive $0xFFFF  }
0x83: {  	_ =	shalt  }

// kernel: gather_offload_async_start.1
scs
__scs_entry_jumppad:
0x0: {  	(pc) =	sbr.rel $0x88, $3  }
0x1: {  	(tag) =	ssettag $0x0;
	lr =	simm.s32 $0x1  }
0x2: {  	[smem:$0x3F98] =	sst lr;
	_ =	strace $0xD0000000  }
0x3: {  	_ = 	snop  }
0x4: {  	_ = 	snop  }
0x5: {  	_ = 	snop  }
0x6: {  	_ = 	snop  }
0x7: {  	_ = 	snop  }
__scs_overlays_trampoline_lowered:
0x8: {  	[smem:$0x3FA7] =	sst s0  }
0x9: {  	[smem:$0x3FA8] =	sst s1  }
0xa: {  	[smem:$0x3FA9] =	sst s2  }
0xb: {  	[smem:$0x3FAA] =	sst s3  }
0xc: {  	[smem:$0x3FAB] =	sst s4  }
0xd: {  	[smem:$0x3FAC] =	sst s5  }
0xe: {  	[smem:$0x3FAD] =	sst s6  }
0xf: {  	[smem:$0x3FAE] =	sst s7  }
0x10: {  	[smem:$0x3FAF] =	sst s8  }
0x11: {  	[smem:$0x3FB0] =	sst s9;
	s0 =	simm.s32 @!p0 $0x0  }
0x12: {  	s1 =	sld [smem:$0x3F96];
	s0 =	simm.s32 @p0 $0x1  }
0x13: {  	[smem:$0x3FB1] =	sst s0;
	s0 =	simm.s32 @!p1 $0x0  }
0x14: {  	s2 =	sld [smem:$0x3F95];
	s0 =	simm.s32 @p1 $0x1  }
0x15: {  	[smem:$0x3FB2] =	sst s0;
	s0 =	simm.s32 @!p2 $0x0  }
0x16: {  	s3 =	sld [smem:$0x3FDB];
	s0 =	simm.s32 @p2 $0x1  }
0x17: {  	s4 =	simm.s32 $0x1BF5;
	[smem:$0x3FB4] =	sst s0  }
0x18: {  	s0 =	sld [smem:$0x3F97];
	_ =	swait.ge [sflag:s4], $0x0  }
0x19: {  	s7 =	sld [smem:$0x3F98]  }
0x1a: {  	s8 =	sadd.s32 $0xFFFFE003, lr  }
0x1b: {  	s9 =	sadd.s32 $0xFFFFFEF7, lr;
	s5 =	simm.s32 $0xFFFFFFFF;
	p2 =	slt.u32 s8, $0xFFFFF086  }
0x1c: {  	p1 =	slt.u32 s9, $0xF7A;
	s5 =	simm.s32 @!p2 $0x0  }
0x1d: {  	s5 =	simm.s32 @p1 $0x1;
	p0 =	seq.s32 s7, s2  }
0x1e: {  	s7 =	smul.u32 @!p0 $0xF7A, s2;
	p2 =	seq.s32 @!p0 s5, $0x0  }
0x1f: {  	s9 =	smul.u32 $0xF7A, s1;
	s8 =	simm.s32 @!p0 $0x1BF5;
	p2 =	por !p2, p0  }
0x20: {  	[sflag:s8] =	ssyncset.s32 @!p0 $0xFFFFF086;
	s6 =	sadd.s32 @!p0 s3, s7;
	s7 =	simm.s32 @!p0 $0x108  }
0x21: {  	s3 =	sadd.s32 s3, s9;
	s6 =	sadd.s32 @!p0 $0x88, s6;
	s7 =	simm.s32 @p2 $0x1082  }
0x22: {  	[simem:s7], [sflag:s8] =	dma.local @!p0 [hbm:s6], $0xF7A  }
0x23: {  	s9 =	sor.u32 $0xD0000000, s2;
	s6 =	simm.s32 $0x108;
	_ =	swait.ge @!p0 [sflag:s8], $0x0  }
0x24: {  	s3 =	sadd.s32 $0x88, s3;
	s6 =	simm.s32 @!p1 $0x1082;
	[sflag:s4] =	ssyncset.s32 $0xFFFFF086  }
0x25: {  	[simem:s6], [sflag:s4] =	dma.local [hbm:s3], $0xF7A  }
0x26: {  	[smem:$0x3F98] =	sst s1;
	(tag) =	ssettag s2;
	_ =	strace s9  }
0x27: {  	s1 =	sld [smem:$0x3FA8]  }
0x28: {  	s2 =	sld [smem:$0x3FA9]  }
0x29: {  	s4 =	sld [smem:$0x3FAB]  }
0x2a: {  	p0 =	seq.s32 s5, $0x0;
	s5 =	sld [smem:$0x3FAC]  }
0x2b: {  	s6 =	sld [smem:$0x3FAD]  }
0x2c: {  	s7 =	sld [smem:$0x3FAE]  }
0x2d: {  	s3 =	simm.s32 $0x108;
	s8 =	sld [smem:$0x3FAF]  }
0x2e: {  	s3 =	simm.s32 @!p0 $0x1082;
	s9 =	sld [smem:$0x3FB0]  }
0x2f: {  	lr =	sadd.s32 s0, s3;
	s0 =	sld [smem:$0x3FA7]  }
0x30: {  	s3 =	sld [smem:$0x3FAA]  }
0x31: {  	[smem:$0x3FB3] =	sst s10  }
0x32: {  	s10 =	sld [smem:$0x3FB1];
	_ =	sdelay $0x3  }
0x33: {  	p0 =	seq.s32 s10, $0x1;
	s10 =	sld [smem:$0x3FB3];
	_ =	sdelay $0x3  }
0x34: {  	[smem:$0x3FB3] =	sst s10  }
0x35: {  	s10 =	sld [smem:$0x3FB2];
	_ =	sdelay $0x3  }
0x36: {  	p1 =	seq.s32 s10, $0x1;
	s10 =	sld [smem:$0x3FB3];
	_ =	sdelay $0x3  }
0x37: {  	[smem:$0x3FB3] =	sst s10  }
0x38: {  	s10 =	sld [smem:$0x3FB4]  }
0x39: {  	_ = 	snop;
	(pc) =	sbr.ind lr, $3  }
0x3a: {  	_ = 	snop  }
0x3b: {  	_ = 	snop  }
0x3c: {  	p2 =	seq.s32 s10, $0x1;
	s10 =	sld [smem:$0x3FB3]  }
0x3d: {  	_ =	shalt  }
0x3e: {  	_ =	shalt  }
0x3f: {  	_ =	shalt  }
0x40: {  	_ =	shalt  }
0x41: {  	_ =	shalt  }
0x42: {  	_ =	shalt  }
0x43: {  	_ =	shalt  }
0x44: {  	_ =	shalt  }
0x45: {  	_ =	shalt  }
0x46: {  	_ =	shalt  }
0x47: {  	_ =	shalt  }
0x48: {  	_ =	shalt  }
0x49: {  	_ =	shalt  }
0x4a: {  	_ =	shalt  }
0x4b: {  	_ =	shalt  }
0x4c: {  	_ =	shalt  }
0x4d: {  	_ =	shalt  }
0x4e: {  	_ =	shalt  }
0x4f: {  	_ =	shalt  }
0x50: {  	_ =	shalt  }
0x51: {  	_ =	shalt  }
0x52: {  	_ =	shalt  }
0x53: {  	_ =	shalt  }
0x54: {  	_ =	shalt  }
0x55: {  	_ =	shalt  }
0x56: {  	_ =	shalt  }
0x57: {  	_ =	shalt  }
0x58: {  	_ =	shalt  }
0x59: {  	_ =	shalt  }
0x5a: {  	_ =	shalt  }
0x5b: {  	_ =	shalt  }
0x5c: {  	_ =	shalt  }
0x5d: {  	_ =	shalt  }
0x5e: {  	_ =	shalt  }
0x5f: {  	_ =	shalt  }
0x60: {  	_ =	shalt  }
0x61: {  	_ =	shalt  }
0x62: {  	_ =	shalt  }
0x63: {  	_ =	shalt  }
0x64: {  	_ =	shalt  }
0x65: {  	_ =	shalt  }
0x66: {  	_ =	shalt  }
0x67: {  	_ =	shalt  }
0x68: {  	_ =	shalt  }
0x69: {  	_ =	shalt  }
0x6a: {  	_ =	shalt  }
0x6b: {  	_ =	shalt  }
0x6c: {  	_ =	shalt  }
0x6d: {  	_ =	shalt  }
0x6e: {  	_ =	shalt  }
0x6f: {  	_ =	shalt  }
0x70: {  	_ =	shalt  }
0x71: {  	_ =	shalt  }
0x72: {  	_ =	shalt  }
0x73: {  	_ =	shalt  }
0x74: {  	_ =	shalt  }
0x75: {  	_ =	shalt  }
0x76: {  	_ =	shalt  }
0x77: {  	_ =	shalt  }
0x78: {  	_ =	shalt  }
0x79: {  	_ =	shalt  }
0x7a: {  	_ =	shalt  }
0x7b: {  	_ =	shalt  }
0x7c: {  	_ =	shalt  }
0x7d: {  	_ =	shalt  }
0x7e: {  	_ =	shalt  }
0x7f: {  	_ =	shalt  }
0x80: {  	_ =	shalt  }
0x81: {  	_ =	shalt  }
0x82: {  	_ =	shalt  }
0x83: {  	_ =	shalt  }
0x84: {  	_ =	shalt  }
0x85: {  	_ =	shalt  }
0x86: {  	_ =	shalt  }
0x87: {  	_ =	shalt  }
.Lfunc_end0:
.L_simem_size_0:
called_computation.2_lowered:
.L_overlay_start_0:
0x88: {  	s2 =	sld [smem:$0x3FD9]  }
0x89: {  	s3 =	sld [smem:$0x3FFE];
	_ =	sdelay $0x1  }
0x8a: {  	s1 =	srdreg.scid  }
0x8b: {  	s0 =	sand.u32 $0x1, s1  }
0x8c: {  	s17 =	sshll.u32 s0, $0xA;
	s2 =	sadd.s32 s3, s2  }
0x8d: {  	s2 =	sadd.s32 s2, s17  }
0x8e: {  	[smem:$0x3FBF] =	sst s2  }
0x8f: {  	_ = 	snop  }
0x90: {  	s18 =	sld [smem:$0x3FD0];
	(tm) =	ssettm $0x1  }
0x91: {  	s19 =	sld [smem:$0x3FFB];
	_ =	sdelay $0x3  }
0x92: {  	_ =	strace s19  }
0x93: {  	s2 =	sld [smem:$0x3FFC];
	_ =	sdelay $0x3  }
0x94: {  	_ =	strace s2  }
0x95: {  	s2 =	sld [smem:$0x3FFD];
	_ =	sdelay $0x3  }
0x96: {  	_ =	strace s2  }
0x97: {  	_ =	strace $0x8FFFFFFF  }
0x98: {  	s20 =	sld [smem:$0x3FDB];
	_ =	sdelay $0x1  }
0x99: {  	s4 =	simm.s32 $_scs_section_size  }
0x9a: {  	s5 =	simm.s32 $_size__tile_overlayer_lowered;
	s6 =	simm.s32 $_tile_overlayer_lowered  }
0x9b: {  	s7 =	simm.s32 $0x1BFF;
	s21 =	sshll.u32 s6, $0x1;
	s4 =	sadd.s32 s4, s20  }
0x9c: {  	s22 =	simm.s32 $0x0;
	s5 =	sshll.u32 s5, $0x1;
	s6 =	sadd.s32 s21, s4  }
0x9d: {  	[timem:s22], [sflag:s7] =	dma.local [hbm:s6], s5  }
0x9e: {  	_ =	swait.ge [sflag:s7], s5  }
0x9f: {  	s5 =	ssub.s32 $0x0, s5;
	[sflag:s7] =	ssyncset.done $0x0  }
0xa0: {  	[sflag:s7] =	ssyncadd.s32 s5;
	_ =	sdelay $0x1  }
0xa1: {  	s23 =	simm.s32 $0x1B8B  }
0xa2: {  	_ =	swait.ge [sflag:s23], $0x1  }
0xa3: {  	[sflag:s23] =	ssyncset.done $0x0  }
0xa4: {  	[sflag:s23] =	ssyncadd.s32 $0xFFFFFFFF  }
0xa5: {  	s5 =	sld [smem:$0x0]  }
0xa6: {  	s6 =	sand.u32 $0xFFFFFFFE, s1  }
0xa7: {  	p0 =	sne.s32 s1, s6  }
0xa8: {  	s6 =	sshll.u32 @p0 s6, $0xE  }
0xa9: {  	s6 =	sadd.s32 @p0 $0x11B8D, s6;
	s7 =	sshll.u32 @p0 s5, $0x11  }
0xaa: {  	s6 =	sor.u32 @p0 s7, s6  }
0xab: {  	[sflag:s6] =	ssyncadd.remote.s32 @p0 $0x1;
	_ =	sdelay $0x1  }
0xac: {  	s6 =	simm.s32 @p0 $0x1B8D  }
0xad: {  	_ =	swait.eq @p0 [sflag:s6], $0x1  }
0xae: {  	[sflag:s6] =	ssyncadd.s32 @p0 $0xFFFFFFFF  }
0xaf: {  	s7 =	sshll.u32 @!p0 s1, $0xE  }
0xb0: {  	s7 =	sor.u32 @!p0 $0x4000, s7;
	s6 =	simm.s32 @!p0 $0x1B8D  }
0xb1: {  	s5 =	sshll.u32 @!p0 s5, $0x11;
	s7 =	sadd.s32 @!p0 $0x11B8D, s7;
	_ =	swait.eq @!p0 [sflag:s6], $0x1  }
0xb2: {  	s5 =	sor.u32 @!p0 s5, s7;
	[sflag:s6] =	ssyncadd.s32 @!p0 $0xFFFFFFFF  }
0xb3: {  	s25 =	simm.s32 $0x1B8E;
	s24 =	sld [smem:$0x3FFE];
	[sflag:s5] =	ssyncadd.remote.s32 @!p0 $0x1  }
0xb4: {  	s26 =	simm.s32 $execute0_lowered;
	[smem:$0x3FD2] =	sst s25  }
0xb5: {  	s6 =	sshll.u32 s26, $0x1;
	_ =	strace $0x8000005B;
	[dreg:$0x1] =	wrdreg $0xFFFFFFFF  }
0xb6: {  	s28 =	simm.s32 $_size_execute0_lowered;
	s4 =	sadd.s32 s4, s6;
	[dreg:$0x0] =	wrdreg $0x0  }
0xb7: {  	s6 =	sshll.u32 s28, $0x1;
	[dreg:$0x2] =	wrdreg s4  }
0xb8: {  	[dreg:$0x3] =	wrdreg s6  }
0xb9: {  	[dreg:$0x4] =	wrdreg $0xC0  }
0xba: {  	_ =	task [dreg:s22], $0x5FFFF  }
0xbb: {  	[dreg:$0x1] =	wrdreg $0xFFFFFFFF  }
0xbc: {  	[dreg:$0x0] =	wrdreg $0x60  }
0xbd: {  	[dreg:$0x2] =	wrdreg s18  }
0xbe: {  	[dreg:$0x3] =	wrdreg s24  }
0xbf: {  	[dreg:$0x4] =	wrdreg $0x9  }
0xc0: {  	_ =	task.clear_ibuf [dreg:s22], $0x5FFFF;
	_ =	strace $0x9000005B  }
0xc1: {  	s29 =	simm.s32 $0x9;
	_ =	strace $0x8000005D  }
0xc2: {  	_ =	swait.ge [sflag:s29], $0x1  }
0xc3: {  	[sflag:s29] =	ssyncadd.s32 $0xFFFFFFFF  }
0xc4: {  	_ =	strace $0x9000005D  }
0xc5: {  	_ =	sfence  }
0xc6: {  	s30 =	sld [smem:$0x0];
	_ =	sdelay $0x2  }
0xc7: {  	s31 =	sshll.u32 s1, $0xD;
	s1 =	sshrl.u32 s1, $0x2  }
0xc8: {  	s4 =	sand.u32 $0x4000, s31;
	s1 =	sadd.s32 s1, s30  }
0xc9: {  	s0 =	sor.u32 s4, s0;
	s1 =	sshll.u32 s1, $0x11  }
0xca: {  	s0 =	sor.u32 s1, s0  }
0xcb: {  	s0 =	sadd.s32 $0x8F2B, s0  }
0xcc: {  	[sflag:s0] =	ssyncadd.remote.s32 $0x1  }
0xcd: {  	_ =	sfence.sel $0xFFFF  }
0xce: {  	[dreg:$0x0] =	wrdreg $0xFFFFFFFF;
	(pc) =	sbr.abs _section_cstart, $3  }
0xcf: {  	[dreg:$0x1] =	wrdreg $0xFFFFFFFF  }
0xd0: {  	_ =	task.clear_ibuf [dreg:s22], $0x2FFFF;
	_ =	strace $0x9FFFFFFF  }
0xd1: {  	(tm) =	ssettm $0x7FFFFFFF  }
tec
execute0_lowered:
.L_overlay_start_1:
0x0: {  	(tag) =	ssettag $0x1  }
0x1: {  	s1 =	srdreg.scid;
	s2 =	rddreg [dreg:$0x0]  }
0x2: {  	s0 =	stileid.u32;
	s5 =	rddreg [dreg:$0x1];
	s6 =	simm.s32 $0x1  }
0x3: {  	s9 =	simm.s32 $0x1;
	s10 =	simm.s32 $0x3;
	s1 =	sshll.u32 s1, $0xB  }
0x4: {  	s13 =	simm.s32 $0x0;
	s3 =	sshll.u32 s0, $0xC;
	s4 =	sand.u32 $0x800, s1  }
0x5: {  	s12 =	simm.s32 $0x0;
	s1 =	rddreg [dreg:$0x2];
	s3 =	sor.u32 s3, s4  }
0x6: {  	_ =	strace $0x8000005C;
	s4 =	sadd.s32 $0x9600, s5;
	s8 =	ssub.s32 $0x14000, s3  }
.Ltmp0:
0x7: {  	s5 =	sadd.s32 $0xE600, s5;
	s7 =	sand.u32 $0xF800, s8;
	(pc) =	sbr.rel .LBB2_1-.Ltmp0, $4  }
0x8: {  	[sflag:s6] =	ssyncpa.u1 $0x0;
	s11 =	smov.u32 s3;
	p0 =	sne.s32 s7, $0x0  }
0x9: {  	s8 =	sshrl.u32 s8, $0x10;
	s7 =	simm.s32 $0x2;
	s9 =	simm.s32 @!p0 $0x0  }
0xa: {  	[sflag:s7] =	ssyncpa.u1 $0x0;
	p0 =	por $0x0, $0x0;
	s8 =	sadd.s32 s9, s8  }
0xb: {  	vm0 =	vmmov $0xffff;
	[sflag:s10] =	ssyncpa.u1 $0x0;
	s10 =	simm.s32 $0x0;
	s9 =	sadd.s32 $0x1, s8  }
.LBB2_4:
0xc: {  	v2 =	vnsel vm1, $0x0, v2  }
0xd: {  	vm1 =	vgt.s32 v0, $0x0;
	v2 =	vmin.u32 v2, $0x4E1FF  }
0xe: {  	v0 =	vnsel vm1, $0x0, v0  }
0xf: {  	v0 =	vmin.u32 v0, $0x4E1FF  }
0x10: {  	[tilespmem:s15], [sflag:$0x1] =	stream.indirect_vreg.gather [hbm4b:s2+s10], $0x1, v1, vm0, $0x4038;
	[tilespmem:$0x2000] =	vst v63  }
0x11: {  	(ifvalue) =	ssetifvalue $0x7FFFFFFF  }
0x12: {  	[tilespmem:s16], [sflag:$0x1] =	stream.indirect_vreg.gather [hbm4b:s2+s10], $0x1, v2, vm0, $0x4038;
	[tilespmem:$0x2000] =	vst v63  }
0x13: {  	s29 =	sadd.s32 $0x10, s16;
	(ifvalue) =	ssetifvalue $0x7FFFFFFF  }
0x14: {  	[tilespmem:s29], [sflag:$0x1] =	stream.indirect_vreg.gather [hbm4b:s2+s10], $0x1, v0, vm0, $0x4038;
	[tilespmem:$0x2000] =	vst v63  }
0x15: {  	_ =	swait.ge [sflag:s6], $0x800  }
0x16: {  	s30 =	sshrl.u32 s13, $0x3;
	[sflag:s6] =	ssyncset.done $0x0  }
0x17: {  	s31 =	sand.u32 $0x7, s13;
	s15 =	sadd.s32 s5, s30;
	[sflag:s6] =	ssyncadd.s32 $0xFFFFF800  }
0x18: {  	[hbm4b:s15+s31] =	stream.linear.scatter [tilespmem:s14], [sflag:$0x3], $0x800, $0x38;
	[tilespmem:$0x2000] =	vst v63  }
.LBB2_5:
0x19: {  	s15 =	sadd.s32 $0x10000, s11  }
0x1a: {  	p2 =	sgt.s32 s15, $0x13FFF  }
0x1b: {  	s15 =	smov.u32 @p2 s3;
	p2 =	sne.s32 s12, s9  }
.Ltmp1:
0x1c: {  	p1 =	slt.u32 s12, $0x2;
	(pc) =	sbr.rel @!p2 .LBB2_6-.Ltmp1, $4  }
0x1d: {  	s14 =	simm.s32 @!p1 $0x3  }
0x1e: {  	s16 =	sadd.s32 $0x1, s12;
	_ =	swait.ge @!p1 [sflag:s14], $0x800  }
0x1f: {  	s13 =	smov.u32 s11;
	p0 =	por !p0, !p0;
	[sflag:s14] =	ssyncset.done @!p1 $0x0  }
0x20: {  	s12 =	smov.u32 s16;
	s11 =	smov.u32 s15;
	[sflag:s14] =	ssyncadd.s32 @!p1 $0xFFFFF800  }
.LBB2_1:
0x21: {  	p1 =	sge.u32 s12, s8  }
0x22: {  	s14 =	sxor.u32 @!p1 $0xFFFFFFFF, s12  }
0x23: {  	s31 =	sadd.s32 $0xFFFFFFFF, s12;
	s15 =	sshrl.u32 @!p1 s11, $0x3;
	s14 =	sshll.u32 @!p1 s14, $0xB  }
0x24: {  	s16 =	sand.u32 @!p1 $0x7, s11;
	s15 =	sadd.s32 @!p1 s4, s15;
	s14 =	sand.u32 @!p1 $0x800, s14  }
0x25: {  	[tilespmem:s14], [sflag:$0x2] =	stream.linear.gather @!p1 [hbm4b:s15+s16], $0x800, $0x38;
	[tilespmem:$0x2000] =	vst v63  }
0x26: {  	p1 =	sge.u32 s31, s8  }
.Ltmp2:
0x27: {  	_ = 	snop;
	(pc) =	sbr.rel @p1 .LBB2_5-.Ltmp2, $1  }
0x28: {  	_ =	sdelay $0x3  }
0x29: {  	s14 =	simm.s32 $0x1  }
0x2a: {  	_ =	swait.ge [sflag:s7], $0x800;
	s14 =	simm.s32 @!p0 $0x0  }
0x2b: {  	[sflag:s7] =	ssyncset.done $0x0;
	s14 =	sshll.u32 s14, $0xB  }
0x2c: {  	[sflag:s7] =	ssyncadd.s32 $0xFFFFF800;
	(ifvalue) =	ssetifvalue $0x7FFFFFFF;
	v0 =	vld.msk [tilespmem:s14+$0x0 ss:$0x1], $0xffff;
	_ =	sdelay $0x4  }
0x2d: {  	s15 =	sadd.s32 $0x10, s14;
	vm1 =	vgt.s32 v0, $0x0  }
0x2e: {  	v2 =	vld.msk [tilespmem:s15+$0x0 ss:$0x1], $0xffff;
	v1 =	vnsel vm1, $0x0, v0  }
0x2f: {  	v1 =	vmin.u32 v1, $0x4E1FF;
	_ =	sdelay $0x1  }
0x30: {  	s16 =	sshll.u32 s12, $0xB;
	s18 =	simm.s32 $0x20  }
0x31: {  	s16 =	sand.u32 $0x800, s16;
	s17 =	sadd.s32 $0x10, s15;
	s15 =	sor.u32 $0x1000, s14  }
0x32: {  	s14 =	sor.u32 $0x1000, s16;
	s16 =	sadd.s32 $0x10, s15;
	v0 =	vld.msk [tilespmem:s17+$0x0 ss:$0x1], $0xffff;
	vm1 =	vgt.s32 v2, $0x0;
	(ifvalue) =	ssetifvalue $0x7FFFFFFF  }
.LBB2_3:
0x33: {  	[tilespmem:s15], [sflag:$0x1] =	stream.indirect_vreg.gather [hbm4b:s2+s10], $0x1, v1, vm0, $0x4038;
	[tilespmem:$0x2000] =	vst v63  }
0x34: {  	s18 =	sadd.s32 $0x10, s18  }
0x35: {  	v2 =	vnsel vm1, $0x0, v2;
	p1 =	slt.u32 s18, $0x7F0  }
.Ltmp3:
0x36: {  	s15 =	smov.u32 s16;
	v1 =	vmin.u32 v2, $0x4E1FF;
	(pc) =	sbr.rel @p1 .LBB2_3-.Ltmp3, $3  }
0x37: {  	_ =	sdelay $0x1  }
0x38: {  	s17 =	sadd.s32 $0x10, s17  }
0x39: {  	vm1 =	vgt.s32 v0, $0x0;
	s16 =	sadd.s32 $0x10, s16;
	v2 =	vmov v0;
	(ifvalue) =	ssetifvalue $0x7FFFFFFF;
	v0 =	vld.msk [tilespmem:s17+$0x0 ss:$0x1], $0xffff  }
.Ltmp4:
0x3a: {  	_ = 	snop;
	(pc) =	sbr.rel .LBB2_4-.Ltmp4, $1  }
0x3b: {  	_ =	sdelay $0x3  }
.LBB2_6:
0x3c: {  	_ =	sfence.sel $0x180000  }
0x3d: {  	s2 =	simm.s32 $0x2;
	[bflag:$0x0] =	sbarrier.arrive $0xFFFF  }
0x3e: {  	s30 =	simm.s32 $0x3;
	[sflag:s2] =	ssyncpa.u1 $0x1  }
0x3f: {  	s31 =	simm.s32 $0x1;
	[sflag:s30] =	ssyncpa.u1 $0x1  }
0x40: {  	[sflag:s31] =	ssyncpa.u1 $0x1  }
0x41: {  	p0 =	sne.s32 s0, $0x0;
	_ =	strace $0x9000005C  }
0x42: {  	s0 =	sadd.s32 @!p0 $0x100000, s1;
	[bflag:$0x2] =	sbarrier.arrive $0xFFFF  }
0x43: {  	[sflag:s0] =	ssyncadd.tile.s32 @!p0 $0x1;
	_ =	shalt  }
.Lfunc_end2:
_tile_overlayer_lowered:
.L_overlay_start_2:
0x44: {  	(tag) =	ssettag $0x2  }
0x45: {  	s0 =	rddreg [dreg:$0x0];
	s2 =	stileid.u32  }
0x46: {  	s1 =	rddreg [dreg:$0x1];
	p0 =	sne.s32 s2, $0x0  }
0x47: {  	s3 =	rddreg [dreg:$0x2];
	[bflag:$0x3] =	sbarrier.arrive $0xFFFF;
	s2 =	simm.s32 @!p0 $0x1C01  }
0x48: {  	[timem:s3], [sflag:s2] =	dma.local @!p0 [hbm:s0], s1  }
0x49: {  	s0 =	simm.s32 @!p0 $0x1  }
0x4a: {  	_ =	swait.ge @!p0 [sflag:s0], s1  }
0x4b: {  	s1 =	ssub.s32 @!p0 $0x0, s1;
	[sflag:s0] =	ssyncset.done @!p0 $0x0  }
0x4c: {  	[sflag:s0] =	ssyncadd.s32 @!p0 s1  }
0x4d: {  	[bflag:$0x3] =	sbarrier.arrive $0xFFFF  }
0x4e: {  	_ =	shalt  }

// kernel: gather_offload_async_start.2
scs
__scs_entry_jumppad:
0x0: {  	(pc) =	sbr.rel $0x88, $3  }
0x1: {  	(tag) =	ssettag $0x0;
	lr =	simm.s32 $0x1  }
0x2: {  	[smem:$0x3F98] =	sst lr;
	_ =	strace $0xD0000000  }
0x3: {  	_ = 	snop  }
0x4: {  	_ = 	snop  }
0x5: {  	_ = 	snop  }
0x6: {  	_ = 	snop  }
0x7: {  	_ = 	snop  }
__scs_overlays_trampoline_lowered:
0x8: {  	[smem:$0x3FA7] =	sst s0  }
0x9: {  	[smem:$0x3FA8] =	sst s1  }
0xa: {  	[smem:$0x3FA9] =	sst s2  }
0xb: {  	[smem:$0x3FAA] =	sst s3  }
0xc: {  	[smem:$0x3FAB] =	sst s4  }
0xd: {  	[smem:$0x3FAC] =	sst s5  }
0xe: {  	[smem:$0x3FAD] =	sst s6  }
0xf: {  	[smem:$0x3FAE] =	sst s7  }
0x10: {  	[smem:$0x3FAF] =	sst s8  }
0x11: {  	[smem:$0x3FB0] =	sst s9;
	s0 =	simm.s32 @!p0 $0x0  }
0x12: {  	s1 =	sld [smem:$0x3F96];
	s0 =	simm.s32 @p0 $0x1  }
0x13: {  	[smem:$0x3FB1] =	sst s0;
	s0 =	simm.s32 @!p1 $0x0  }
0x14: {  	s2 =	sld [smem:$0x3F95];
	s0 =	simm.s32 @p1 $0x1  }
0x15: {  	[smem:$0x3FB2] =	sst s0;
	s0 =	simm.s32 @!p2 $0x0  }
0x16: {  	s3 =	sld [smem:$0x3FDB];
	s0 =	simm.s32 @p2 $0x1  }
0x17: {  	s4 =	simm.s32 $0x1BF5;
	[smem:$0x3FB4] =	sst s0  }
0x18: {  	s0 =	sld [smem:$0x3F97];
	_ =	swait.ge [sflag:s4], $0x0  }
0x19: {  	s7 =	sld [smem:$0x3F98]  }
0x1a: {  	s8 =	sadd.s32 $0xFFFFE003, lr  }
0x1b: {  	s9 =	sadd.s32 $0xFFFFFEF7, lr;
	s5 =	simm.s32 $0xFFFFFFFF;
	p2 =	slt.u32 s8, $0xFFFFF086  }
0x1c: {  	p1 =	slt.u32 s9, $0xF7A;
	s5 =	simm.s32 @!p2 $0x0  }
0x1d: {  	s5 =	simm.s32 @p1 $0x1;
	p0 =	seq.s32 s7, s2  }
0x1e: {  	s7 =	smul.u32 @!p0 $0xF7A, s2;
	p2 =	seq.s32 @!p0 s5, $0x0  }
0x1f: {  	s9 =	smul.u32 $0xF7A, s1;
	s8 =	simm.s32 @!p0 $0x1BF5;
	p2 =	por !p2, p0  }
0x20: {  	[sflag:s8] =	ssyncset.s32 @!p0 $0xFFFFF086;
	s6 =	sadd.s32 @!p0 s3, s7;
	s7 =	simm.s32 @!p0 $0x108  }
0x21: {  	s3 =	sadd.s32 s3, s9;
	s6 =	sadd.s32 @!p0 $0x88, s6;
	s7 =	simm.s32 @p2 $0x1082  }
0x22: {  	[simem:s7], [sflag:s8] =	dma.local @!p0 [hbm:s6], $0xF7A  }
0x23: {  	s9 =	sor.u32 $0xD0000000, s2;
	s6 =	simm.s32 $0x108;
	_ =	swait.ge @!p0 [sflag:s8], $0x0  }
0x24: {  	s3 =	sadd.s32 $0x88, s3;
	s6 =	simm.s32 @!p1 $0x1082;
	[sflag:s4] =	ssyncset.s32 $0xFFFFF086  }
0x25: {  	[simem:s6], [sflag:s4] =	dma.local [hbm:s3], $0xF7A  }
0x26: {  	[smem:$0x3F98] =	sst s1;
	(tag) =	ssettag s2;
	_ =	strace s9  }
0x27: {  	s1 =	sld [smem:$0x3FA8]  }
0x28: {  	s2 =	sld [smem:$0x3FA9]  }
0x29: {  	s4 =	sld [smem:$0x3FAB]  }
0x2a: {  	p0 =	seq.s32 s5, $0x0;
	s5 =	sld [smem:$0x3FAC]  }
0x2b: {  	s6 =	sld [smem:$0x3FAD]  }
0x2c: {  	s7 =	sld [smem:$0x3FAE]  }
0x2d: {  	s3 =	simm.s32 $0x108;
	s8 =	sld [smem:$0x3FAF]  }
0x2e: {  	s3 =	simm.s32 @!p0 $0x1082;
	s9 =	sld [smem:$0x3FB0]  }
0x2f: {  	lr =	sadd.s32 s0, s3;
	s0 =	sld [smem:$0x3FA7]  }
0x30: {  	s3 =	sld [smem:$0x3FAA]  }
0x31: {  	[smem:$0x3FB3] =	sst s10  }
0x32: {  	s10 =	sld [smem:$0x3FB1];
	_ =	sdelay $0x3  }
0x33: {  	p0 =	seq.s32 s10, $0x1;
	s10 =	sld [smem:$0x3FB3];
	_ =	sdelay $0x3  }
0x34: {  	[smem:$0x3FB3] =	sst s10  }
0x35: {  	s10 =	sld [smem:$0x3FB2];
	_ =	sdelay $0x3  }
0x36: {  	p1 =	seq.s32 s10, $0x1;
	s10 =	sld [smem:$0x3FB3];
	_ =	sdelay $0x3  }
0x37: {  	[smem:$0x3FB3] =	sst s10  }
0x38: {  	s10 =	sld [smem:$0x3FB4]  }
0x39: {  	_ = 	snop;
	(pc) =	sbr.ind lr, $3  }
0x3a: {  	_ = 	snop  }
0x3b: {  	_ = 	snop  }
0x3c: {  	p2 =	seq.s32 s10, $0x1;
	s10 =	sld [smem:$0x3FB3]  }
0x3d: {  	_ =	shalt  }
0x3e: {  	_ =	shalt  }
0x3f: {  	_ =	shalt  }
0x40: {  	_ =	shalt  }
0x41: {  	_ =	shalt  }
0x42: {  	_ =	shalt  }
0x43: {  	_ =	shalt  }
0x44: {  	_ =	shalt  }
0x45: {  	_ =	shalt  }
0x46: {  	_ =	shalt  }
0x47: {  	_ =	shalt  }
0x48: {  	_ =	shalt  }
0x49: {  	_ =	shalt  }
0x4a: {  	_ =	shalt  }
0x4b: {  	_ =	shalt  }
0x4c: {  	_ =	shalt  }
0x4d: {  	_ =	shalt  }
0x4e: {  	_ =	shalt  }
0x4f: {  	_ =	shalt  }
0x50: {  	_ =	shalt  }
0x51: {  	_ =	shalt  }
0x52: {  	_ =	shalt  }
0x53: {  	_ =	shalt  }
0x54: {  	_ =	shalt  }
0x55: {  	_ =	shalt  }
0x56: {  	_ =	shalt  }
0x57: {  	_ =	shalt  }
0x58: {  	_ =	shalt  }
0x59: {  	_ =	shalt  }
0x5a: {  	_ =	shalt  }
0x5b: {  	_ =	shalt  }
0x5c: {  	_ =	shalt  }
0x5d: {  	_ =	shalt  }
0x5e: {  	_ =	shalt  }
0x5f: {  	_ =	shalt  }
0x60: {  	_ =	shalt  }
0x61: {  	_ =	shalt  }
0x62: {  	_ =	shalt  }
0x63: {  	_ =	shalt  }
0x64: {  	_ =	shalt  }
0x65: {  	_ =	shalt  }
0x66: {  	_ =	shalt  }
0x67: {  	_ =	shalt  }
0x68: {  	_ =	shalt  }
0x69: {  	_ =	shalt  }
0x6a: {  	_ =	shalt  }
0x6b: {  	_ =	shalt  }
0x6c: {  	_ =	shalt  }
0x6d: {  	_ =	shalt  }
0x6e: {  	_ =	shalt  }
0x6f: {  	_ =	shalt  }
0x70: {  	_ =	shalt  }
0x71: {  	_ =	shalt  }
0x72: {  	_ =	shalt  }
0x73: {  	_ =	shalt  }
0x74: {  	_ =	shalt  }
0x75: {  	_ =	shalt  }
0x76: {  	_ =	shalt  }
0x77: {  	_ =	shalt  }
0x78: {  	_ =	shalt  }
0x79: {  	_ =	shalt  }
0x7a: {  	_ =	shalt  }
0x7b: {  	_ =	shalt  }
0x7c: {  	_ =	shalt  }
0x7d: {  	_ =	shalt  }
0x7e: {  	_ =	shalt  }
0x7f: {  	_ =	shalt  }
0x80: {  	_ =	shalt  }
0x81: {  	_ =	shalt  }
0x82: {  	_ =	shalt  }
0x83: {  	_ =	shalt  }
0x84: {  	_ =	shalt  }
0x85: {  	_ =	shalt  }
0x86: {  	_ =	shalt  }
0x87: {  	_ =	shalt  }
.Lfunc_end0:
.L_simem_size_0:
called_computation.3_lowered:
.L_overlay_start_0:
0x88: {  	s2 =	sld [smem:$0x3FD9]  }
0x89: {  	s3 =	sld [smem:$0x3FFE];
	_ =	sdelay $0x1  }
0x8a: {  	s1 =	srdreg.scid  }
0x8b: {  	s0 =	sand.u32 $0x1, s1  }
0x8c: {  	s17 =	sshll.u32 s0, $0xA;
	s2 =	sadd.s32 s3, s2  }
0x8d: {  	s2 =	sadd.s32 s2, s17  }
0x8e: {  	[smem:$0x3FBF] =	sst s2  }
0x8f: {  	_ = 	snop  }
0x90: {  	s2 =	sld [smem:$0x3FD0];
	(tm) =	ssettm $0x1  }
0x91: {  	s18 =	sld [smem:$0x3FFB];
	_ =	sdelay $0x3  }
0x92: {  	_ =	strace s18  }
0x93: {  	s3 =	sld [smem:$0x3FFC];
	_ =	sdelay $0x3  }
0x94: {  	_ =	strace s3  }
0x95: {  	s3 =	sld [smem:$0x3FFD];
	_ =	sdelay $0x3  }
0x96: {  	_ =	strace s3  }
0x97: {  	_ =	strace $0x8FFFFFFF  }
0x98: {  	s19 =	sld [smem:$0x3FDB];
	_ =	sdelay $0x1  }
0x99: {  	s4 =	simm.s32 $_scs_section_size  }
0x9a: {  	s5 =	simm.s32 $_size__tile_overlayer_lowered;
	s6 =	simm.s32 $_tile_overlayer_lowered  }
0x9b: {  	s22 =	simm.s32 $0x1BFF;
	s21 =	sshll.u32 s6, $0x1;
	s3 =	sadd.s32 s4, s19  }
0x9c: {  	s7 =	simm.s32 $0x0;
	s20 =	sshll.u32 s5, $0x1;
	s5 =	sadd.s32 s21, s3  }
0x9d: {  	[timem:s7], [sflag:s22] =	dma.local [hbm:s5], s20  }
0x9e: {  	_ =	swait.ge [sflag:s22], s20  }
0x9f: {  	s4 =	ssub.s32 $0x0, s20;
	[sflag:s22] =	ssyncset.done $0x0  }
0xa0: {  	[sflag:s22] =	ssyncadd.s32 s4;
	_ =	sdelay $0x1  }
0xa1: {  	s23 =	simm.s32 $0x1B8B  }
0xa2: {  	_ =	swait.ge [sflag:s23], $0x1  }
0xa3: {  	[sflag:s23] =	ssyncset.done $0x0  }
0xa4: {  	s25 =	simm.s32 $0x1B8E;
	s24 =	sld [smem:$0x3FFE];
	[sflag:s23] =	ssyncadd.s32 $0xFFFFFFFF  }
0xa5: {  	s26 =	simm.s32 $execute0_lowered;
	[smem:$0x3FD2] =	sst s25  }
0xa6: {  	s5 =	sshll.u32 s26, $0x1;
	_ =	strace $0x80000049;
	[dreg:$0x1] =	wrdreg $0xFFFFFFFF  }
0xa7: {  	s28 =	simm.s32 $_size_execute0_lowered;
	s3 =	sadd.s32 s3, s5;
	[dreg:$0x0] =	wrdreg $0x0  }
0xa8: {  	s5 =	sshll.u32 s28, $0x1;
	[dreg:$0x2] =	wrdreg s3  }
0xa9: {  	[dreg:$0x3] =	wrdreg s5  }
0xaa: {  	[dreg:$0x4] =	wrdreg $0xC0  }
0xab: {  	_ =	task [dreg:s7], $0x5FFFF  }
0xac: {  	[dreg:$0x1] =	wrdreg $0xFFFFFFFF  }
0xad: {  	[dreg:$0x0] =	wrdreg $0x60  }
0xae: {  	[dreg:$0x2] =	wrdreg s24  }
0xaf: {  	[dreg:$0x3] =	wrdreg s2  }
0xb0: {  	[dreg:$0x4] =	wrdreg $0x9  }
0xb1: {  	_ =	task.clear_ibuf [dreg:s7], $0x5FFFF;
	_ =	strace $0x90000049  }
0xb2: {  	s29 =	simm.s32 $0x9;
	_ =	strace $0x8000004B  }
0xb3: {  	_ =	swait.ge [sflag:s29], $0x1  }
0xb4: {  	[sflag:s29] =	ssyncadd.s32 $0xFFFFFFFF  }
0xb5: {  	_ =	strace $0x9000004B  }
0xb6: {  	_ =	sfence  }
0xb7: {  	s30 =	sld [smem:$0x0];
	_ =	sdelay $0x2  }
0xb8: {  	s31 =	sshll.u32 s1, $0xD;
	s1 =	sshrl.u32 s1, $0x2  }
0xb9: {  	s3 =	sand.u32 $0x4000, s31;
	s1 =	sadd.s32 s1, s30  }
0xba: {  	s0 =	sor.u32 s3, s0;
	s1 =	sshll.u32 s1, $0x11  }
0xbb: {  	s0 =	sor.u32 s1, s0  }
0xbc: {  	s0 =	sadd.s32 $0x8F2B, s0  }
0xbd: {  	[sflag:s0] =	ssyncadd.remote.s32 $0x1  }
0xbe: {  	_ =	sfence.sel $0xFFFF  }
0xbf: {  	[dreg:$0x0] =	wrdreg $0xFFFFFFFF;
	(pc) =	sbr.abs _section_cstart, $3  }
0xc0: {  	[dreg:$0x1] =	wrdreg $0xFFFFFFFF  }
0xc1: {  	_ =	task.clear_ibuf [dreg:s7], $0x2FFFF;
	_ =	strace $0x9FFFFFFF  }
0xc2: {  	(tm) =	ssettm $0x7FFFFFFF  }
0xc3: {  	_ =	shalt  }
tec
execute0_lowered:
.L_overlay_start_1:
0x0: {  	(tag) =	ssettag $0x1  }
0x1: {  	s8 =	rddreg [dreg:$0x0]  }
0x2: {  	s2 =	rddreg [dreg:$0x1]  }
0x3: {  	s0 =	rddreg [dreg:$0x2];
	s1 =	stileid.u32  }
0x4: {  	s3 =	srdreg.scid;
	_ =	strace $0x8000004A;
	s4 =	simm.s32 $0x1  }
0x5: {  	s7 =	simm.s32 $0x1;
	s9 =	simm.s32 $0x1;
	s10 =	simm.s32 $0x3  }
0x6: {  	s13 =	simm.s32 $0x0;
	s5 =	sand.u32 $0x1, s3;
	s6 =	sshll.u32 s1, $0x1  }
0x7: {  	s12 =	simm.s32 $0x0;
	s3 =	sadd.s32 $0x6E00, s8;
	s5 =	sor.u32 s6, s5  }
.Ltmp0:
0x8: {  	[sflag:s4] =	ssyncpa.u1 $0x0;
	p0 =	slt.u32 s5, $0x9;
	(pc) =	sbr.rel .LBB2_1-.Ltmp0, $4  }
0x9: {  	s6 =	simm.s32 $0x2;
	s7 =	simm.s32 @!p0 $0x0;
	p0 =	sne.s32 s5, $0x8  }
0xa: {  	[sflag:s6] =	ssyncpa.u1 $0x0;
	s5 =	smul.u32 $0x1F40, s5;
	s9 =	simm.s32 @!p0 $0x0  }
0xb: {  	s8 =	sadd.s32 $0x10C00, s8;
	[sflag:s10] =	ssyncpa.u1 $0x0;
	s7 =	sadd.s32 s9, s7  }
0xc: {  	vm0 =	vmmov $0xffff;
	s10 =	simm.s32 $0x0;
	s11 =	smov.u32 s5;
	s9 =	sadd.s32 $0x1, s7  }
.LBB2_4:
0xd: {  	v2 =	vnsel vm1, $0x0, v2  }
0xe: {  	vm1 =	vgt.s32 v0, $0x0;
	v2 =	vmin.u32 v2, $0x4E1FF  }
0xf: {  	v0 =	vnsel vm1, $0x0, v0  }
0x10: {  	v0 =	vmin.u32 v0, $0x4E1FF  }
0x11: {  	[tilespmem:s18], [sflag:$0x1] =	stream.indirect_vreg.gather [hbm4b:s3+s10], $0x1, v1, vm0, $0x4038;
	[tilespmem:$0x7D00] =	vst v63  }
0x12: {  	(ifvalue) =	ssetifvalue $0x7FFFFFFF  }
0x13: {  	[tilespmem:s15], [sflag:$0x1] =	stream.indirect_vreg.gather [hbm4b:s3+s10], $0x1, v2, vm0, $0x4038;
	[tilespmem:$0x7D00] =	vst v63  }
0x14: {  	s29 =	sadd.s32 $0x10, s15;
	(ifvalue) =	ssetifvalue $0x7FFFFFFF  }
0x15: {  	[tilespmem:s29], [sflag:$0x1] =	stream.indirect_vreg.gather [hbm4b:s3+s10], $0x1, v0, vm0, $0x4038;
	[tilespmem:$0x7D00] =	vst v63  }
0x16: {  	_ =	swait.ge [sflag:s4], $0x1F40  }
0x17: {  	s30 =	sshrl.u32 s13, $0x3;
	[sflag:s4] =	ssyncset.done $0x0  }
0x18: {  	s31 =	sand.u32 $0x7, s13;
	s15 =	sadd.s32 s2, s30;
	[sflag:s4] =	ssyncadd.s32 $0xFFFFE0C0  }
0x19: {  	[hbm4b:s15+s31] =	stream.linear.scatter [tilespmem:s14], [sflag:$0x3], $0x1F40, $0x38;
	[tilespmem:$0x7D00] =	vst v63  }
.LBB2_5:
0x1a: {  	s15 =	sadd.s32 $0x3E800, s11  }
0x1b: {  	p1 =	sgt.s32 s15, $0x4E1FF  }
0x1c: {  	s15 =	smov.u32 @p1 s5;
	p1 =	sne.s32 s12, s9  }
.Ltmp1:
0x1d: {  	p0 =	slt.u32 s12, $0x2;
	(pc) =	sbr.rel @!p1 .LBB2_6-.Ltmp1, $4  }
0x1e: {  	s14 =	simm.s32 @!p0 $0x3  }
0x1f: {  	_ =	swait.ge @!p0 [sflag:s14], $0x1F40  }
0x20: {  	s16 =	sadd.s32 $0x1, s12;
	s13 =	smov.u32 s11;
	[sflag:s14] =	ssyncset.done @!p0 $0x0  }
0x21: {  	s12 =	smov.u32 s16;
	s11 =	smov.u32 s15;
	[sflag:s14] =	ssyncadd.s32 @!p0 $0xFFFFE0C0  }
.LBB2_1:
0x22: {  	p0 =	sge.u32 s12, s7  }
0x23: {  	s14 =	sxor.u32 @!p0 $0x1, s12  }
0x24: {  	s14 =	smul.u32 @!p0 $0x7D00, s14  }
0x25: {  	s31 =	sadd.s32 $0xFFFFFFFF, s12;
	s15 =	sshrl.u32 @!p0 s11, $0x3  }
0x26: {  	s16 =	sand.u32 @!p0 $0x7, s11;
	s15 =	sadd.s32 @!p0 s8, s15;
	s14 =	sshra.s32 @!p0 s14, $0x2  }
0x27: {  	[tilespmem:s14], [sflag:$0x2] =	stream.linear.gather @!p0 [hbm4b:s15+s16], $0x1F40, $0x38;
	[tilespmem:$0x7D00] =	vst v63  }
0x28: {  	p0 =	sge.u32 s31, s7  }
.Ltmp2:
0x29: {  	_ = 	snop;
	(pc) =	sbr.rel @p0 .LBB2_5-.Ltmp2, $1  }
0x2a: {  	_ =	sdelay $0x3  }
0x2b: {  	s14 =	sand.u32 $0x1, s12  }
0x2c: {  	_ =	swait.ge [sflag:s6], $0x1F40;
	p0 =	seq.s32 s14, $0x1;
	s14 =	simm.s32 $0x1F40  }
0x2d: {  	[sflag:s6] =	ssyncset.done $0x0;
	s14 =	simm.s32 @!p0 $0x0  }
0x2e: {  	[sflag:s6] =	ssyncadd.s32 $0xFFFFE0C0;
	(ifvalue) =	ssetifvalue $0x7FFFFFFF;
	v0 =	vld.msk [tilespmem:s14+$0x0 ss:$0x1], $0xffff;
	_ =	sdelay $0x4  }
0x2f: {  	s15 =	sadd.s32 $0x10, s14;
	vm1 =	vgt.s32 v0, $0x0  }
0x30: {  	v2 =	vld.msk [tilespmem:s15+$0x0 ss:$0x1], $0xffff;
	v1 =	vnsel vm1, $0x0, v0  }
0x31: {  	v1 =	vmin.u32 v1, $0x4E1FF;
	_ =	sdelay $0x2  }
0x32: {  	s17 =	simm.s32 $0x20;
	s14 =	sadd.s32 $0x3E80, s14;
	s16 =	sadd.s32 $0x10, s15  }
0x33: {  	s15 =	sadd.s32 $0x10, s14;
	s18 =	smov.u32 s14;
	v0 =	vld.msk [tilespmem:s16+$0x0 ss:$0x1], $0xffff;
	vm1 =	vgt.s32 v2, $0x0;
	(ifvalue) =	ssetifvalue $0x7FFFFFFF  }
.LBB2_3:
0x34: {  	[tilespmem:s18], [sflag:$0x1] =	stream.indirect_vreg.gather [hbm4b:s3+s10], $0x1, v1, vm0, $0x4038;
	[tilespmem:$0x7D00] =	vst v63  }
0x35: {  	s17 =	sadd.s32 $0x10, s17  }
0x36: {  	v2 =	vnsel vm1, $0x0, v2;
	p0 =	slt.u32 s17, $0x1F30  }
.Ltmp3:
0x37: {  	s18 =	smov.u32 s15;
	v1 =	vmin.u32 v2, $0x4E1FF;
	(pc) =	sbr.rel @p0 .LBB2_3-.Ltmp3, $3  }
0x38: {  	_ =	sdelay $0x1  }
0x39: {  	s16 =	sadd.s32 $0x10, s16  }
0x3a: {  	vm1 =	vgt.s32 v0, $0x0;
	s15 =	sadd.s32 $0x10, s15;
	v2 =	vmov v0;
	(ifvalue) =	ssetifvalue $0x7FFFFFFF;
	v0 =	vld.msk [tilespmem:s16+$0x0 ss:$0x1], $0xffff  }
.Ltmp4:
0x3b: {  	_ = 	snop;
	(pc) =	sbr.rel .LBB2_4-.Ltmp4, $1  }
0x3c: {  	_ =	sdelay $0x3  }
.LBB2_6:
0x3d: {  	_ =	sfence.sel $0x180000  }
0x3e: {  	s2 =	simm.s32 $0x2;
	[bflag:$0x0] =	sbarrier.arrive $0xFFFF  }
0x3f: {  	s30 =	simm.s32 $0x3;
	[sflag:s2] =	ssyncpa.u1 $0x1  }
0x40: {  	s31 =	simm.s32 $0x1;
	[sflag:s30] =	ssyncpa.u1 $0x1  }
0x41: {  	[sflag:s31] =	ssyncpa.u1 $0x1  }
0x42: {  	p0 =	sne.s32 s1, $0x0;
	_ =	strace $0x9000004A  }
0x43: {  	s0 =	sadd.s32 @!p0 $0x100000, s0;
	[bflag:$0x2] =	sbarrier.arrive $0xFFFF  }
0x44: {  	[sflag:s0] =	ssyncadd.tile.s32 @!p0 $0x1;
	_ =	shalt  }
.Lfunc_end2:
_tile_overlayer_lowered:
.L_overlay_start_2:
0x45: {  	(tag) =	ssettag $0x2  }
0x46: {  	s0 =	rddreg [dreg:$0x0];
	s2 =	stileid.u32  }
0x47: {  	s1 =	rddreg [dreg:$0x1];
	p0 =	sne.s32 s2, $0x0  }
0x48: {  	s3 =	rddreg [dreg:$0x2];
	[bflag:$0x3] =	sbarrier.arrive $0xFFFF;
	s2 =	simm.s32 @!p0 $0x1C01  }
0x49: {  	[timem:s3], [sflag:s2] =	dma.local @!p0 [hbm:s0], s1  }
0x4a: {  	s0 =	simm.s32 @!p0 $0x1  }
0x4b: {  	_ =	swait.ge @!p0 [sflag:s0], s1  }
0x4c: {  	s1 =	ssub.s32 @!p0 $0x0, s1;
	[sflag:s0] =	ssyncset.done @!p0 $0x0  }
0x4d: {  	[sflag:s0] =	ssyncadd.s32 @!p0 s1  }
0x4e: {  	[bflag:$0x3] =	sbarrier.arrive $0xFFFF  }
0x4f: {  	_ =	shalt  }

// kernel: gather_offload_async_start.3
scs
__scs_entry_jumppad:
0x0: {  	(pc) =	sbr.rel $0x88, $3  }
0x1: {  	(tag) =	ssettag $0x0;
	lr =	simm.s32 $0x1  }
0x2: {  	[smem:$0x3F98] =	sst lr;
	_ =	strace $0xD0000000  }
0x3: {  	_ = 	snop  }
0x4: {  	_ = 	snop  }
0x5: {  	_ = 	snop  }
0x6: {  	_ = 	snop  }
0x7: {  	_ = 	snop  }
__scs_overlays_trampoline_lowered:
0x8: {  	[smem:$0x3FA7] =	sst s0  }
0x9: {  	[smem:$0x3FA8] =	sst s1  }
0xa: {  	[smem:$0x3FA9] =	sst s2  }
0xb: {  	[smem:$0x3FAA] =	sst s3  }
0xc: {  	[smem:$0x3FAB] =	sst s4  }
0xd: {  	[smem:$0x3FAC] =	sst s5  }
0xe: {  	[smem:$0x3FAD] =	sst s6  }
0xf: {  	[smem:$0x3FAE] =	sst s7  }
0x10: {  	[smem:$0x3FAF] =	sst s8  }
0x11: {  	[smem:$0x3FB0] =	sst s9;
	s0 =	simm.s32 @!p0 $0x0  }
0x12: {  	s1 =	sld [smem:$0x3F96];
	s0 =	simm.s32 @p0 $0x1  }
0x13: {  	[smem:$0x3FB1] =	sst s0;
	s0 =	simm.s32 @!p1 $0x0  }
0x14: {  	s2 =	sld [smem:$0x3F95];
	s0 =	simm.s32 @p1 $0x1  }
0x15: {  	[smem:$0x3FB2] =	sst s0;
	s0 =	simm.s32 @!p2 $0x0  }
0x16: {  	s3 =	sld [smem:$0x3FDB];
	s0 =	simm.s32 @p2 $0x1  }
0x17: {  	s4 =	simm.s32 $0x1BF5;
	[smem:$0x3FB4] =	sst s0  }
0x18: {  	s0 =	sld [smem:$0x3F97];
	_ =	swait.ge [sflag:s4], $0x0  }
0x19: {  	s7 =	sld [smem:$0x3F98]  }
0x1a: {  	s8 =	sadd.s32 $0xFFFFE003, lr  }
0x1b: {  	s9 =	sadd.s32 $0xFFFFFEF7, lr;
	s5 =	simm.s32 $0xFFFFFFFF;
	p2 =	slt.u32 s8, $0xFFFFF086  }
0x1c: {  	p1 =	slt.u32 s9, $0xF7A;
	s5 =	simm.s32 @!p2 $0x0  }
0x1d: {  	s5 =	simm.s32 @p1 $0x1;
	p0 =	seq.s32 s7, s2  }
0x1e: {  	s7 =	smul.u32 @!p0 $0xF7A, s2;
	p2 =	seq.s32 @!p0 s5, $0x0  }
0x1f: {  	s9 =	smul.u32 $0xF7A, s1;
	s8 =	simm.s32 @!p0 $0x1BF5;
	p2 =	por !p2, p0  }
0x20: {  	[sflag:s8] =	ssyncset.s32 @!p0 $0xFFFFF086;
	s6 =	sadd.s32 @!p0 s3, s7;
	s7 =	simm.s32 @!p0 $0x108  }
0x21: {  	s3 =	sadd.s32 s3, s9;
	s6 =	sadd.s32 @!p0 $0x88, s6;
	s7 =	simm.s32 @p2 $0x1082  }
0x22: {  	[simem:s7], [sflag:s8] =	dma.local @!p0 [hbm:s6], $0xF7A  }
0x23: {  	s9 =	sor.u32 $0xD0000000, s2;
	s6 =	simm.s32 $0x108;
	_ =	swait.ge @!p0 [sflag:s8], $0x0  }
0x24: {  	s3 =	sadd.s32 $0x88, s3;
	s6 =	simm.s32 @!p1 $0x1082;
	[sflag:s4] =	ssyncset.s32 $0xFFFFF086  }
0x25: {  	[simem:s6], [sflag:s4] =	dma.local [hbm:s3], $0xF7A  }
0x26: {  	[smem:$0x3F98] =	sst s1;
	(tag) =	ssettag s2;
	_ =	strace s9  }
0x27: {  	s1 =	sld [smem:$0x3FA8]  }
0x28: {  	s2 =	sld [smem:$0x3FA9]  }
0x29: {  	s4 =	sld [smem:$0x3FAB]  }
0x2a: {  	p0 =	seq.s32 s5, $0x0;
	s5 =	sld [smem:$0x3FAC]  }
0x2b: {  	s6 =	sld [smem:$0x3FAD]  }
0x2c: {  	s7 =	sld [smem:$0x3FAE]  }
0x2d: {  	s3 =	simm.s32 $0x108;
	s8 =	sld [smem:$0x3FAF]  }
0x2e: {  	s3 =	simm.s32 @!p0 $0x1082;
	s9 =	sld [smem:$0x3FB0]  }
0x2f: {  	lr =	sadd.s32 s0, s3;
	s0 =	sld [smem:$0x3FA7]  }
0x30: {  	s3 =	sld [smem:$0x3FAA]  }
0x31: {  	[smem:$0x3FB3] =	sst s10  }
0x32: {  	s10 =	sld [smem:$0x3FB1];
	_ =	sdelay $0x3  }
0x33: {  	p0 =	seq.s32 s10, $0x1;
	s10 =	sld [smem:$0x3FB3];
	_ =	sdelay $0x3  }
0x34: {  	[smem:$0x3FB3] =	sst s10  }
0x35: {  	s10 =	sld [smem:$0x3FB2];
	_ =	sdelay $0x3  }
0x36: {  	p1 =	seq.s32 s10, $0x1;
	s10 =	sld [smem:$0x3FB3];
	_ =	sdelay $0x3  }
0x37: {  	[smem:$0x3FB3] =	sst s10  }
0x38: {  	s10 =	sld [smem:$0x3FB4]  }
0x39: {  	_ = 	snop;
	(pc) =	sbr.ind lr, $3  }
0x3a: {  	_ = 	snop  }
0x3b: {  	_ = 	snop  }
0x3c: {  	p2 =	seq.s32 s10, $0x1;
	s10 =	sld [smem:$0x3FB3]  }
0x3d: {  	_ =	shalt  }
0x3e: {  	_ =	shalt  }
0x3f: {  	_ =	shalt  }
0x40: {  	_ =	shalt  }
0x41: {  	_ =	shalt  }
0x42: {  	_ =	shalt  }
0x43: {  	_ =	shalt  }
0x44: {  	_ =	shalt  }
0x45: {  	_ =	shalt  }
0x46: {  	_ =	shalt  }
0x47: {  	_ =	shalt  }
0x48: {  	_ =	shalt  }
0x49: {  	_ =	shalt  }
0x4a: {  	_ =	shalt  }
0x4b: {  	_ =	shalt  }
0x4c: {  	_ =	shalt  }
0x4d: {  	_ =	shalt  }
0x4e: {  	_ =	shalt  }
0x4f: {  	_ =	shalt  }
0x50: {  	_ =	shalt  }
0x51: {  	_ =	shalt  }
0x52: {  	_ =	shalt  }
0x53: {  	_ =	shalt  }
0x54: {  	_ =	shalt  }
0x55: {  	_ =	shalt  }
0x56: {  	_ =	shalt  }
0x57: {  	_ =	shalt  }
0x58: {  	_ =	shalt  }
0x59: {  	_ =	shalt  }
0x5a: {  	_ =	shalt  }
0x5b: {  	_ =	shalt  }
0x5c: {  	_ =	shalt  }
0x5d: {  	_ =	shalt  }
0x5e: {  	_ =	shalt  }
0x5f: {  	_ =	shalt  }
0x60: {  	_ =	shalt  }
0x61: {  	_ =	shalt  }
0x62: {  	_ =	shalt  }
0x63: {  	_ =	shalt  }
0x64: {  	_ =	shalt  }
0x65: {  	_ =	shalt  }
0x66: {  	_ =	shalt  }
0x67: {  	_ =	shalt  }
0x68: {  	_ =	shalt  }
0x69: {  	_ =	shalt  }
0x6a: {  	_ =	shalt  }
0x6b: {  	_ =	shalt  }
0x6c: {  	_ =	shalt  }
0x6d: {  	_ =	shalt  }
0x6e: {  	_ =	shalt  }
0x6f: {  	_ =	shalt  }
0x70: {  	_ =	shalt  }
0x71: {  	_ =	shalt  }
0x72: {  	_ =	shalt  }
0x73: {  	_ =	shalt  }
0x74: {  	_ =	shalt  }
0x75: {  	_ =	shalt  }
0x76: {  	_ =	shalt  }
0x77: {  	_ =	shalt  }
0x78: {  	_ =	shalt  }
0x79: {  	_ =	shalt  }
0x7a: {  	_ =	shalt  }
0x7b: {  	_ =	shalt  }
0x7c: {  	_ =	shalt  }
0x7d: {  	_ =	shalt  }
0x7e: {  	_ =	shalt  }
0x7f: {  	_ =	shalt  }
0x80: {  	_ =	shalt  }
0x81: {  	_ =	shalt  }
0x82: {  	_ =	shalt  }
0x83: {  	_ =	shalt  }
0x84: {  	_ =	shalt  }
0x85: {  	_ =	shalt  }
0x86: {  	_ =	shalt  }
0x87: {  	_ =	shalt  }
.Lfunc_end0:
.L_simem_size_0:
called_computation.4_lowered:
.L_overlay_start_0:
0x88: {  	s2 =	sld [smem:$0x3FD9]  }
0x89: {  	s3 =	sld [smem:$0x3FFE];
	_ =	sdelay $0x1  }
0x8a: {  	s1 =	srdreg.scid  }
0x8b: {  	s0 =	sand.u32 $0x1, s1  }
0x8c: {  	s17 =	sshll.u32 s0, $0xA;
	s2 =	sadd.s32 s3, s2  }
0x8d: {  	s2 =	sadd.s32 s2, s17  }
0x8e: {  	[smem:$0x3FBF] =	sst s2  }
0x8f: {  	_ = 	snop  }
0x90: {  	s18 =	sld [smem:$0x3FD0];
	(tm) =	ssettm $0x1  }
0x91: {  	s19 =	sld [smem:$0x3FFB];
	_ =	sdelay $0x3  }
0x92: {  	_ =	strace s19  }
0x93: {  	s2 =	sld [smem:$0x3FFC];
	_ =	sdelay $0x3  }
0x94: {  	_ =	strace s2  }
0x95: {  	s2 =	sld [smem:$0x3FFD];
	_ =	sdelay $0x3  }
0x96: {  	_ =	strace s2  }
0x97: {  	_ =	strace $0x8FFFFFFF  }
0x98: {  	s20 =	sld [smem:$0x3FDB];
	_ =	sdelay $0x1  }
0x99: {  	s4 =	simm.s32 $_scs_section_size  }
0x9a: {  	s5 =	simm.s32 $_size__tile_overlayer_lowered;
	s6 =	simm.s32 $_tile_overlayer_lowered  }
0x9b: {  	s7 =	simm.s32 $0x1BFF;
	s21 =	sshll.u32 s6, $0x1;
	s4 =	sadd.s32 s4, s20  }
0x9c: {  	s22 =	simm.s32 $0x0;
	s5 =	sshll.u32 s5, $0x1;
	s6 =	sadd.s32 s21, s4  }
0x9d: {  	[timem:s22], [sflag:s7] =	dma.local [hbm:s6], s5  }
0x9e: {  	_ =	swait.ge [sflag:s7], s5  }
0x9f: {  	s5 =	ssub.s32 $0x0, s5;
	[sflag:s7] =	ssyncset.done $0x0  }
0xa0: {  	[sflag:s7] =	ssyncadd.s32 s5;
	_ =	sdelay $0x1  }
0xa1: {  	s23 =	simm.s32 $0x1B8B  }
0xa2: {  	_ =	swait.ge [sflag:s23], $0x1  }
0xa3: {  	[sflag:s23] =	ssyncset.done $0x0  }
0xa4: {  	[sflag:s23] =	ssyncadd.s32 $0xFFFFFFFF  }
0xa5: {  	s5 =	sld [smem:$0x0]  }
0xa6: {  	s6 =	sand.u32 $0xFFFFFFFE, s1  }
0xa7: {  	p0 =	sne.s32 s1, s6  }
0xa8: {  	s6 =	sshll.u32 @p0 s6, $0xE  }
0xa9: {  	s6 =	sadd.s32 @p0 $0x11B8D, s6;
	s7 =	sshll.u32 @p0 s5, $0x11  }
0xaa: {  	s6 =	sor.u32 @p0 s7, s6  }
0xab: {  	[sflag:s6] =	ssyncadd.remote.s32 @p0 $0x1;
	_ =	sdelay $0x1  }
0xac: {  	s6 =	simm.s32 @p0 $0x1B8D  }
0xad: {  	_ =	swait.eq @p0 [sflag:s6], $0x1  }
0xae: {  	[sflag:s6] =	ssyncadd.s32 @p0 $0xFFFFFFFF  }
0xaf: {  	s7 =	sshll.u32 @!p0 s1, $0xE  }
0xb0: {  	s7 =	sor.u32 @!p0 $0x4000, s7;
	s6 =	simm.s32 @!p0 $0x1B8D  }
0xb1: {  	s5 =	sshll.u32 @!p0 s5, $0x11;
	s7 =	sadd.s32 @!p0 $0x11B8D, s7;
	_ =	swait.eq @!p0 [sflag:s6], $0x1  }
0xb2: {  	s5 =	sor.u32 @!p0 s5, s7;
	[sflag:s6] =	ssyncadd.s32 @!p0 $0xFFFFFFFF  }
0xb3: {  	s25 =	simm.s32 $0x1B8E;
	s24 =	sld [smem:$0x3FFE];
	[sflag:s5] =	ssyncadd.remote.s32 @!p0 $0x1  }
0xb4: {  	s26 =	simm.s32 $execute0_lowered;
	[smem:$0x3FD2] =	sst s25  }
0xb5: {  	s6 =	sshll.u32 s26, $0x1;
	_ =	strace $0x8000004F;
	[dreg:$0x1] =	wrdreg $0xFFFFFFFF  }
0xb6: {  	s28 =	simm.s32 $_size_execute0_lowered;
	s4 =	sadd.s32 s4, s6;
	[dreg:$0x0] =	wrdreg $0x0  }
0xb7: {  	s6 =	sshll.u32 s28, $0x1;
	[dreg:$0x2] =	wrdreg s4  }
0xb8: {  	[dreg:$0x3] =	wrdreg s6  }
0xb9: {  	[dreg:$0x4] =	wrdreg $0xC0  }
0xba: {  	_ =	task [dreg:s22], $0x5FFFF  }
0xbb: {  	[dreg:$0x1] =	wrdreg $0xFFFFFFFF  }
0xbc: {  	[dreg:$0x0] =	wrdreg $0x60  }
0xbd: {  	[dreg:$0x2] =	wrdreg s18  }
0xbe: {  	[dreg:$0x3] =	wrdreg s24  }
0xbf: {  	[dreg:$0x4] =	wrdreg $0x9  }
0xc0: {  	_ =	task.clear_ibuf [dreg:s22], $0x5FFFF;
	_ =	strace $0x9000004F  }
0xc1: {  	s29 =	simm.s32 $0x9;
	_ =	strace $0x80000051  }
0xc2: {  	_ =	swait.ge [sflag:s29], $0x1  }
0xc3: {  	[sflag:s29] =	ssyncadd.s32 $0xFFFFFFFF  }
0xc4: {  	_ =	strace $0x90000051  }
0xc5: {  	_ =	sfence  }
0xc6: {  	s30 =	sld [smem:$0x0];
	_ =	sdelay $0x2  }
0xc7: {  	s31 =	sshll.u32 s1, $0xD;
	s1 =	sshrl.u32 s1, $0x2  }
0xc8: {  	s4 =	sand.u32 $0x4000, s31;
	s1 =	sadd.s32 s1, s30  }
0xc9: {  	s0 =	sor.u32 s4, s0;
	s1 =	sshll.u32 s1, $0x11  }
0xca: {  	s0 =	sor.u32 s1, s0  }
0xcb: {  	s0 =	sadd.s32 $0x8F2B, s0  }
0xcc: {  	[sflag:s0] =	ssyncadd.remote.s32 $0x1  }
0xcd: {  	_ =	sfence.sel $0xFFFF  }
0xce: {  	[dreg:$0x0] =	wrdreg $0xFFFFFFFF;
	(pc) =	sbr.abs _section_cstart, $3  }
0xcf: {  	[dreg:$0x1] =	wrdreg $0xFFFFFFFF  }
0xd0: {  	_ =	task.clear_ibuf [dreg:s22], $0x2FFFF;
	_ =	strace $0x9FFFFFFF  }
0xd1: {  	(tm) =	ssettm $0x7FFFFFFF  }
tec
execute0_lowered:
.L_overlay_start_1:
0x0: {  	(tag) =	ssettag $0x1  }
0x1: {  	s1 =	srdreg.scid;
	s2 =	rddreg [dreg:$0x0]  }
0x2: {  	s0 =	stileid.u32;
	s5 =	rddreg [dreg:$0x1];
	s6 =	simm.s32 $0x1  }
0x3: {  	s9 =	simm.s32 $0x1;
	s10 =	simm.s32 $0x3;
	s1 =	sshll.u32 s1, $0xB  }
0x4: {  	s13 =	simm.s32 $0x0;
	s3 =	sshll.u32 s0, $0xC;
	s4 =	sand.u32 $0x800, s1  }
0x5: {  	s12 =	simm.s32 $0x0;
	s1 =	rddreg [dreg:$0x2];
	s3 =	sor.u32 s3, s4  }
0x6: {  	_ =	strace $0x80000050;
	s4 =	sadd.s32 $0x1E000, s5;
	s8 =	ssub.s32 $0x14000, s3  }
.Ltmp0:
0x7: {  	s5 =	sadd.s32 $0x9600, s5;
	s7 =	sand.u32 $0xF800, s8;
	(pc) =	sbr.rel .LBB2_1-.Ltmp0, $4  }
0x8: {  	[sflag:s6] =	ssyncpa.u1 $0x0;
	s11 =	smov.u32 s3;
	p0 =	sne.s32 s7, $0x0  }
0x9: {  	s8 =	sshrl.u32 s8, $0x10;
	s7 =	simm.s32 $0x2;
	s9 =	simm.s32 @!p0 $0x0  }
0xa: {  	[sflag:s7] =	ssyncpa.u1 $0x0;
	p0 =	por $0x0, $0x0;
	s8 =	sadd.s32 s9, s8  }
0xb: {  	vm0 =	vmmov $0xffff;
	[sflag:s10] =	ssyncpa.u1 $0x0;
	s10 =	simm.s32 $0x0;
	s9 =	sadd.s32 $0x1, s8  }
.LBB2_4:
0xc: {  	v2 =	vnsel vm1, $0x0, v2  }
0xd: {  	vm1 =	vgt.s32 v0, $0x0;
	v2 =	vmin.u32 v2, $0x4E1FF  }
0xe: {  	v0 =	vnsel vm1, $0x0, v0  }
0xf: {  	v0 =	vmin.u32 v0, $0x4E1FF  }
0x10: {  	[tilespmem:s15], [sflag:$0x1] =	stream.indirect_vreg.gather [hbm4b:s2+s10], $0x1, v1, vm0, $0x4038;
	[tilespmem:$0x2000] =	vst v63  }
0x11: {  	(ifvalue) =	ssetifvalue $0x7FFFFFFF  }
0x12: {  	[tilespmem:s16], [sflag:$0x1] =	stream.indirect_vreg.gather [hbm4b:s2+s10], $0x1, v2, vm0, $0x4038;
	[tilespmem:$0x2000] =	vst v63  }
0x13: {  	s29 =	sadd.s32 $0x10, s16;
	(ifvalue) =	ssetifvalue $0x7FFFFFFF  }
0x14: {  	[tilespmem:s29], [sflag:$0x1] =	stream.indirect_vreg.gather [hbm4b:s2+s10], $0x1, v0, vm0, $0x4038;
	[tilespmem:$0x2000] =	vst v63  }
0x15: {  	_ =	swait.ge [sflag:s6], $0x800  }
0x16: {  	s30 =	sshrl.u32 s13, $0x3;
	[sflag:s6] =	ssyncset.done $0x0  }
0x17: {  	s31 =	sand.u32 $0x7, s13;
	s15 =	sadd.s32 s5, s30;
	[sflag:s6] =	ssyncadd.s32 $0xFFFFF800  }
0x18: {  	[hbm4b:s15+s31] =	stream.linear.scatter [tilespmem:s14], [sflag:$0x3], $0x800, $0x38;
	[tilespmem:$0x2000] =	vst v63  }
.LBB2_5:
0x19: {  	s15 =	sadd.s32 $0x10000, s11  }
0x1a: {  	p2 =	sgt.s32 s15, $0x13FFF  }
0x1b: {  	s15 =	smov.u32 @p2 s3;
	p2 =	sne.s32 s12, s9  }
.Ltmp1:
0x1c: {  	p1 =	slt.u32 s12, $0x2;
	(pc) =	sbr.rel @!p2 .LBB2_6-.Ltmp1, $4  }
0x1d: {  	s14 =	simm.s32 @!p1 $0x3  }
0x1e: {  	s16 =	sadd.s32 $0x1, s12;
	_ =	swait.ge @!p1 [sflag:s14], $0x800  }
0x1f: {  	s13 =	smov.u32 s11;
	p0 =	por !p0, !p0;
	[sflag:s14] =	ssyncset.done @!p1 $0x0  }
0x20: {  	s12 =	smov.u32 s16;
	s11 =	smov.u32 s15;
	[sflag:s14] =	ssyncadd.s32 @!p1 $0xFFFFF800  }
.LBB2_1:
0x21: {  	p1 =	sge.u32 s12, s8  }
0x22: {  	s14 =	sxor.u32 @!p1 $0xFFFFFFFF, s12  }
0x23: {  	s31 =	sadd.s32 $0xFFFFFFFF, s12;
	s15 =	sshrl.u32 @!p1 s11, $0x3;
	s14 =	sshll.u32 @!p1 s14, $0xB  }
0x24: {  	s16 =	sand.u32 @!p1 $0x7, s11;
	s15 =	sadd.s32 @!p1 s4, s15;
	s14 =	sand.u32 @!p1 $0x800, s14  }
0x25: {  	[tilespmem:s14], [sflag:$0x2] =	stream.linear.gather @!p1 [hbm4b:s15+s16], $0x800, $0x38;
	[tilespmem:$0x2000] =	vst v63  }
0x26: {  	p1 =	sge.u32 s31, s8  }
.Ltmp2:
0x27: {  	_ = 	snop;
	(pc) =	sbr.rel @p1 .LBB2_5-.Ltmp2, $1  }
0x28: {  	_ =	sdelay $0x3  }
0x29: {  	s14 =	simm.s32 $0x1  }
0x2a: {  	_ =	swait.ge [sflag:s7], $0x800;
	s14 =	simm.s32 @!p0 $0x0  }
0x2b: {  	[sflag:s7] =	ssyncset.done $0x0;
	s14 =	sshll.u32 s14, $0xB  }
0x2c: {  	[sflag:s7] =	ssyncadd.s32 $0xFFFFF800;
	(ifvalue) =	ssetifvalue $0x7FFFFFFF;
	v0 =	vld.msk [tilespmem:s14+$0x0 ss:$0x1], $0xffff;
	_ =	sdelay $0x4  }
0x2d: {  	s15 =	sadd.s32 $0x10, s14;
	vm1 =	vgt.s32 v0, $0x0  }
0x2e: {  	v2 =	vld.msk [tilespmem:s15+$0x0 ss:$0x1], $0xffff;
	v1 =	vnsel vm1, $0x0, v0  }
0x2f: {  	v1 =	vmin.u32 v1, $0x4E1FF;
	_ =	sdelay $0x1  }
0x30: {  	s16 =	sshll.u32 s12, $0xB;
	s18 =	simm.s32 $0x20  }
0x31: {  	s16 =	sand.u32 $0x800, s16;
	s17 =	sadd.s32 $0x10, s15;
	s15 =	sor.u32 $0x1000, s14  }
0x32: {  	s14 =	sor.u32 $0x1000, s16;
	s16 =	sadd.s32 $0x10, s15;
	v0 =	vld.msk [tilespmem:s17+$0x0 ss:$0x1], $0xffff;
	vm1 =	vgt.s32 v2, $0x0;
	(ifvalue) =	ssetifvalue $0x7FFFFFFF  }
.LBB2_3:
0x33: {  	[tilespmem:s15], [sflag:$0x1] =	stream.indirect_vreg.gather [hbm4b:s2+s10], $0x1, v1, vm0, $0x4038;
	[tilespmem:$0x2000] =	vst v63  }
0x34: {  	s18 =	sadd.s32 $0x10, s18  }
0x35: {  	v2 =	vnsel vm1, $0x0, v2;
	p1 =	slt.u32 s18, $0x7F0  }
.Ltmp3:
0x36: {  	s15 =	smov.u32 s16;
	v1 =	vmin.u32 v2, $0x4E1FF;
	(pc) =	sbr.rel @p1 .LBB2_3-.Ltmp3, $3  }
0x37: {  	_ =	sdelay $0x1  }
0x38: {  	s17 =	sadd.s32 $0x10, s17  }
0x39: {  	vm1 =	vgt.s32 v0, $0x0;
	s16 =	sadd.s32 $0x10, s16;
	v2 =	vmov v0;
	(ifvalue) =	ssetifvalue $0x7FFFFFFF;
	v0 =	vld.msk [tilespmem:s17+$0x0 ss:$0x1], $0xffff  }
.Ltmp4:
0x3a: {  	_ = 	snop;
	(pc) =	sbr.rel .LBB2_4-.Ltmp4, $1  }
0x3b: {  	_ =	sdelay $0x3  }
.LBB2_6:
0x3c: {  	_ =	sfence.sel $0x180000  }
0x3d: {  	s2 =	simm.s32 $0x2;
	[bflag:$0x0] =	sbarrier.arrive $0xFFFF  }
0x3e: {  	s30 =	simm.s32 $0x3;
	[sflag:s2] =	ssyncpa.u1 $0x1  }
0x3f: {  	s31 =	simm.s32 $0x1;
	[sflag:s30] =	ssyncpa.u1 $0x1  }
0x40: {  	[sflag:s31] =	ssyncpa.u1 $0x1  }
0x41: {  	p0 =	sne.s32 s0, $0x0;
	_ =	strace $0x90000050  }
0x42: {  	s0 =	sadd.s32 @!p0 $0x100000, s1;
	[bflag:$0x2] =	sbarrier.arrive $0xFFFF  }
0x43: {  	[sflag:s0] =	ssyncadd.tile.s32 @!p0 $0x1;
	_ =	shalt  }
.Lfunc_end2:
_tile_overlayer_lowered:
.L_overlay_start_2:
0x44: {  	(tag) =	ssettag $0x2  }
0x45: {  	s0 =	rddreg [dreg:$0x0];
	s2 =	stileid.u32  }
0x46: {  	s1 =	rddreg [dreg:$0x1];
	p0 =	sne.s32 s2, $0x0  }
0x47: {  	s3 =	rddreg [dreg:$0x2];
	[bflag:$0x3] =	sbarrier.arrive $0xFFFF;
	s2 =	simm.s32 @!p0 $0x1C01  }
0x48: {  	[timem:s3], [sflag:s2] =	dma.local @!p0 [hbm:s0], s1  }
0x49: {  	s0 =	simm.s32 @!p0 $0x1  }
0x4a: {  	_ =	swait.ge @!p0 [sflag:s0], s1  }
0x4b: {  	s1 =	ssub.s32 @!p0 $0x0, s1;
	[sflag:s0] =	ssyncset.done @!p0 $0x0  }
0x4c: {  	[sflag:s0] =	ssyncadd.s32 @!p0 s1  }
0x4d: {  	[bflag:$0x3] =	sbarrier.arrive $0xFFFF  }
0x4e: {  	_ =	shalt  }

// kernel: gather_offload_async_start.4
scs
__scs_entry_jumppad:
0x0: {  	(pc) =	sbr.rel $0x88, $3  }
0x1: {  	(tag) =	ssettag $0x0;
	lr =	simm.s32 $0x1  }
0x2: {  	[smem:$0x3F98] =	sst lr;
	_ =	strace $0xD0000000  }
0x3: {  	_ = 	snop  }
0x4: {  	_ = 	snop  }
0x5: {  	_ = 	snop  }
0x6: {  	_ = 	snop  }
0x7: {  	_ = 	snop  }
__scs_overlays_trampoline_lowered:
0x8: {  	[smem:$0x3FA7] =	sst s0  }
0x9: {  	[smem:$0x3FA8] =	sst s1  }
0xa: {  	[smem:$0x3FA9] =	sst s2  }
0xb: {  	[smem:$0x3FAA] =	sst s3  }
0xc: {  	[smem:$0x3FAB] =	sst s4  }
0xd: {  	[smem:$0x3FAC] =	sst s5  }
0xe: {  	[smem:$0x3FAD] =	sst s6  }
0xf: {  	[smem:$0x3FAE] =	sst s7  }
0x10: {  	[smem:$0x3FAF] =	sst s8  }
0x11: {  	[smem:$0x3FB0] =	sst s9;
	s0 =	simm.s32 @!p0 $0x0  }
0x12: {  	s1 =	sld [smem:$0x3F96];
	s0 =	simm.s32 @p0 $0x1  }
0x13: {  	[smem:$0x3FB1] =	sst s0;
	s0 =	simm.s32 @!p1 $0x0  }
0x14: {  	s2 =	sld [smem:$0x3F95];
	s0 =	simm.s32 @p1 $0x1  }
0x15: {  	[smem:$0x3FB2] =	sst s0;
	s0 =	simm.s32 @!p2 $0x0  }
0x16: {  	s3 =	sld [smem:$0x3FDB];
	s0 =	simm.s32 @p2 $0x1  }
0x17: {  	s4 =	simm.s32 $0x1BF5;
	[smem:$0x3FB4] =	sst s0  }
0x18: {  	s0 =	sld [smem:$0x3F97];
	_ =	swait.ge [sflag:s4], $0x0  }
0x19: {  	s7 =	sld [smem:$0x3F98]  }
0x1a: {  	s8 =	sadd.s32 $0xFFFFE003, lr  }
0x1b: {  	s9 =	sadd.s32 $0xFFFFFEF7, lr;
	s5 =	simm.s32 $0xFFFFFFFF;
	p2 =	slt.u32 s8, $0xFFFFF086  }
0x1c: {  	p1 =	slt.u32 s9, $0xF7A;
	s5 =	simm.s32 @!p2 $0x0  }
0x1d: {  	s5 =	simm.s32 @p1 $0x1;
	p0 =	seq.s32 s7, s2  }
0x1e: {  	s7 =	smul.u32 @!p0 $0xF7A, s2;
	p2 =	seq.s32 @!p0 s5, $0x0  }
0x1f: {  	s9 =	smul.u32 $0xF7A, s1;
	s8 =	simm.s32 @!p0 $0x1BF5;
	p2 =	por !p2, p0  }
0x20: {  	[sflag:s8] =	ssyncset.s32 @!p0 $0xFFFFF086;
	s6 =	sadd.s32 @!p0 s3, s7;
	s7 =	simm.s32 @!p0 $0x108  }
0x21: {  	s3 =	sadd.s32 s3, s9;
	s6 =	sadd.s32 @!p0 $0x88, s6;
	s7 =	simm.s32 @p2 $0x1082  }
0x22: {  	[simem:s7], [sflag:s8] =	dma.local @!p0 [hbm:s6], $0xF7A  }
0x23: {  	s9 =	sor.u32 $0xD0000000, s2;
	s6 =	simm.s32 $0x108;
	_ =	swait.ge @!p0 [sflag:s8], $0x0  }
0x24: {  	s3 =	sadd.s32 $0x88, s3;
	s6 =	simm.s32 @!p1 $0x1082;
	[sflag:s4] =	ssyncset.s32 $0xFFFFF086  }
0x25: {  	[simem:s6], [sflag:s4] =	dma.local [hbm:s3], $0xF7A  }
0x26: {  	[smem:$0x3F98] =	sst s1;
	(tag) =	ssettag s2;
	_ =	strace s9  }
0x27: {  	s1 =	sld [smem:$0x3FA8]  }
0x28: {  	s2 =	sld [smem:$0x3FA9]  }
0x29: {  	s4 =	sld [smem:$0x3FAB]  }
0x2a: {  	p0 =	seq.s32 s5, $0x0;
	s5 =	sld [smem:$0x3FAC]  }
0x2b: {  	s6 =	sld [smem:$0x3FAD]  }
0x2c: {  	s7 =	sld [smem:$0x3FAE]  }
0x2d: {  	s3 =	simm.s32 $0x108;
	s8 =	sld [smem:$0x3FAF]  }
0x2e: {  	s3 =	simm.s32 @!p0 $0x1082;
	s9 =	sld [smem:$0x3FB0]  }
0x2f: {  	lr =	sadd.s32 s0, s3;
	s0 =	sld [smem:$0x3FA7]  }
0x30: {  	s3 =	sld [smem:$0x3FAA]  }
0x31: {  	[smem:$0x3FB3] =	sst s10  }
0x32: {  	s10 =	sld [smem:$0x3FB1];
	_ =	sdelay $0x3  }
0x33: {  	p0 =	seq.s32 s10, $0x1;
	s10 =	sld [smem:$0x3FB3];
	_ =	sdelay $0x3  }
0x34: {  	[smem:$0x3FB3] =	sst s10  }
0x35: {  	s10 =	sld [smem:$0x3FB2];
	_ =	sdelay $0x3  }
0x36: {  	p1 =	seq.s32 s10, $0x1;
	s10 =	sld [smem:$0x3FB3];
	_ =	sdelay $0x3  }
0x37: {  	[smem:$0x3FB3] =	sst s10  }
0x38: {  	s10 =	sld [smem:$0x3FB4]  }
0x39: {  	_ = 	snop;
	(pc) =	sbr.ind lr, $3  }
0x3a: {  	_ = 	snop  }
0x3b: {  	_ = 	snop  }
0x3c: {  	p2 =	seq.s32 s10, $0x1;
	s10 =	sld [smem:$0x3FB3]  }
0x3d: {  	_ =	shalt  }
0x3e: {  	_ =	shalt  }
0x3f: {  	_ =	shalt  }
0x40: {  	_ =	shalt  }
0x41: {  	_ =	shalt  }
0x42: {  	_ =	shalt  }
0x43: {  	_ =	shalt  }
0x44: {  	_ =	shalt  }
0x45: {  	_ =	shalt  }
0x46: {  	_ =	shalt  }
0x47: {  	_ =	shalt  }
0x48: {  	_ =	shalt  }
0x49: {  	_ =	shalt  }
0x4a: {  	_ =	shalt  }
0x4b: {  	_ =	shalt  }
0x4c: {  	_ =	shalt  }
0x4d: {  	_ =	shalt  }
0x4e: {  	_ =	shalt  }
0x4f: {  	_ =	shalt  }
0x50: {  	_ =	shalt  }
0x51: {  	_ =	shalt  }
0x52: {  	_ =	shalt  }
0x53: {  	_ =	shalt  }
0x54: {  	_ =	shalt  }
0x55: {  	_ =	shalt  }
0x56: {  	_ =	shalt  }
0x57: {  	_ =	shalt  }
0x58: {  	_ =	shalt  }
0x59: {  	_ =	shalt  }
0x5a: {  	_ =	shalt  }
0x5b: {  	_ =	shalt  }
0x5c: {  	_ =	shalt  }
0x5d: {  	_ =	shalt  }
0x5e: {  	_ =	shalt  }
0x5f: {  	_ =	shalt  }
0x60: {  	_ =	shalt  }
0x61: {  	_ =	shalt  }
0x62: {  	_ =	shalt  }
0x63: {  	_ =	shalt  }
0x64: {  	_ =	shalt  }
0x65: {  	_ =	shalt  }
0x66: {  	_ =	shalt  }
0x67: {  	_ =	shalt  }
0x68: {  	_ =	shalt  }
0x69: {  	_ =	shalt  }
0x6a: {  	_ =	shalt  }
0x6b: {  	_ =	shalt  }
0x6c: {  	_ =	shalt  }
0x6d: {  	_ =	shalt  }
0x6e: {  	_ =	shalt  }
0x6f: {  	_ =	shalt  }
0x70: {  	_ =	shalt  }
0x71: {  	_ =	shalt  }
0x72: {  	_ =	shalt  }
0x73: {  	_ =	shalt  }
0x74: {  	_ =	shalt  }
0x75: {  	_ =	shalt  }
0x76: {  	_ =	shalt  }
0x77: {  	_ =	shalt  }
0x78: {  	_ =	shalt  }
0x79: {  	_ =	shalt  }
0x7a: {  	_ =	shalt  }
0x7b: {  	_ =	shalt  }
0x7c: {  	_ =	shalt  }
0x7d: {  	_ =	shalt  }
0x7e: {  	_ =	shalt  }
0x7f: {  	_ =	shalt  }
0x80: {  	_ =	shalt  }
0x81: {  	_ =	shalt  }
0x82: {  	_ =	shalt  }
0x83: {  	_ =	shalt  }
0x84: {  	_ =	shalt  }
0x85: {  	_ =	shalt  }
0x86: {  	_ =	shalt  }
0x87: {  	_ =	shalt  }
.Lfunc_end0:
.L_simem_size_0:
called_computation.5_lowered:
.L_overlay_start_0:
0x88: {  	s2 =	sld [smem:$0x3FD9]  }
0x89: {  	s3 =	sld [smem:$0x3FFE];
	_ =	sdelay $0x1  }
0x8a: {  	s1 =	srdreg.scid  }
0x8b: {  	s0 =	sand.u32 $0x1, s1  }
0x8c: {  	s17 =	sshll.u32 s0, $0xA;
	s2 =	sadd.s32 s3, s2  }
0x8d: {  	s2 =	sadd.s32 s2, s17  }
0x8e: {  	[smem:$0x3FBF] =	sst s2  }
0x8f: {  	_ = 	snop  }
0x90: {  	s2 =	sld [smem:$0x3FD0];
	(tm) =	ssettm $0x1  }
0x91: {  	s18 =	sld [smem:$0x3FFB];
	_ =	sdelay $0x3  }
0x92: {  	_ =	strace s18  }
0x93: {  	s3 =	sld [smem:$0x3FFC];
	_ =	sdelay $0x3  }
0x94: {  	_ =	strace s3  }
0x95: {  	s3 =	sld [smem:$0x3FFD];
	_ =	sdelay $0x3  }
0x96: {  	_ =	strace s3  }
0x97: {  	_ =	strace $0x8FFFFFFF  }
0x98: {  	s19 =	sld [smem:$0x3FDB];
	_ =	sdelay $0x1  }
0x99: {  	s4 =	simm.s32 $_scs_section_size  }
0x9a: {  	s5 =	simm.s32 $_size__tile_overlayer_lowered;
	s6 =	simm.s32 $_tile_overlayer_lowered  }
0x9b: {  	s22 =	simm.s32 $0x1BFF;
	s21 =	sshll.u32 s6, $0x1;
	s3 =	sadd.s32 s4, s19  }
0x9c: {  	s7 =	simm.s32 $0x0;
	s20 =	sshll.u32 s5, $0x1;
	s5 =	sadd.s32 s21, s3  }
0x9d: {  	[timem:s7], [sflag:s22] =	dma.local [hbm:s5], s20  }
0x9e: {  	_ =	swait.ge [sflag:s22], s20  }
0x9f: {  	s4 =	ssub.s32 $0x0, s20;
	[sflag:s22] =	ssyncset.done $0x0  }
0xa0: {  	[sflag:s22] =	ssyncadd.s32 s4;
	_ =	sdelay $0x1  }
0xa1: {  	s23 =	simm.s32 $0x1B8B  }
0xa2: {  	_ =	swait.ge [sflag:s23], $0x1  }
0xa3: {  	[sflag:s23] =	ssyncset.done $0x0  }
0xa4: {  	s25 =	simm.s32 $0x1B8E;
	s24 =	sld [smem:$0x3FFE];
	[sflag:s23] =	ssyncadd.s32 $0xFFFFFFFF  }
0xa5: {  	s26 =	simm.s32 $execute0_lowered;
	[smem:$0x3FD2] =	sst s25  }
0xa6: {  	s5 =	sshll.u32 s26, $0x1;
	_ =	strace $0x8000004C;
	[dreg:$0x1] =	wrdreg $0xFFFFFFFF  }
0xa7: {  	s28 =	simm.s32 $_size_execute0_lowered;
	s3 =	sadd.s32 s3, s5;
	[dreg:$0x0] =	wrdreg $0x0  }
0xa8: {  	s5 =	sshll.u32 s28, $0x1;
	[dreg:$0x2] =	wrdreg s3  }
0xa9: {  	[dreg:$0x3] =	wrdreg s5  }
0xaa: {  	[dreg:$0x4] =	wrdreg $0xC0  }
0xab: {  	_ =	task [dreg:s7], $0x5FFFF  }
0xac: {  	[dreg:$0x1] =	wrdreg $0xFFFFFFFF  }
0xad: {  	[dreg:$0x0] =	wrdreg $0x60  }
0xae: {  	[dreg:$0x2] =	wrdreg s2  }
0xaf: {  	[dreg:$0x3] =	wrdreg s24  }
0xb0: {  	[dreg:$0x4] =	wrdreg $0xA  }
0xb1: {  	_ =	task.clear_ibuf [dreg:s7], $0x5FFFF;
	_ =	strace $0x9000004C  }
0xb2: {  	s29 =	simm.s32 $0xA;
	_ =	strace $0x8000004E  }
0xb3: {  	_ =	swait.ge [sflag:s29], $0x1  }
0xb4: {  	[sflag:s29] =	ssyncadd.s32 $0xFFFFFFFF  }
0xb5: {  	_ =	strace $0x9000004E  }
0xb6: {  	_ =	sfence  }
0xb7: {  	s30 =	sld [smem:$0x0];
	_ =	sdelay $0x2  }
0xb8: {  	s31 =	sshll.u32 s1, $0xD;
	s1 =	sshrl.u32 s1, $0x2  }
0xb9: {  	s3 =	sand.u32 $0x4000, s31;
	s1 =	sadd.s32 s1, s30  }
0xba: {  	s0 =	sor.u32 s3, s0;
	s1 =	sshll.u32 s1, $0x11  }
0xbb: {  	s0 =	sor.u32 s1, s0  }
0xbc: {  	s0 =	sadd.s32 $0x8F2B, s0  }
0xbd: {  	[sflag:s0] =	ssyncadd.remote.s32 $0x1  }
0xbe: {  	_ =	sfence.sel $0xFFFF  }
0xbf: {  	[dreg:$0x0] =	wrdreg $0xFFFFFFFF;
	(pc) =	sbr.abs _section_cstart, $3  }
0xc0: {  	[dreg:$0x1] =	wrdreg $0xFFFFFFFF  }
0xc1: {  	_ =	task.clear_ibuf [dreg:s7], $0x2FFFF;
	_ =	strace $0x9FFFFFFF  }
0xc2: {  	(tm) =	ssettm $0x7FFFFFFF  }
0xc3: {  	_ =	shalt  }
tec
execute0_lowered:
.L_overlay_start_1:
0x0: {  	(tag) =	ssettag $0x1  }
0x1: {  	s1 =	srdreg.scid;
	s2 =	rddreg [dreg:$0x0]  }
0x2: {  	s0 =	stileid.u32;
	s5 =	rddreg [dreg:$0x1];
	s6 =	simm.s32 $0x1  }
0x3: {  	s9 =	simm.s32 $0x1;
	s10 =	simm.s32 $0x3;
	s1 =	sshll.u32 s1, $0xB  }
0x4: {  	s13 =	simm.s32 $0x0;
	s3 =	sshll.u32 s0, $0xC;
	s4 =	sand.u32 $0x800, s1  }
0x5: {  	s12 =	simm.s32 $0x0;
	s1 =	rddreg [dreg:$0x2];
	s3 =	sor.u32 s3, s4  }
0x6: {  	_ =	strace $0x8000004D;
	s4 =	sadd.s32 $0x1B800, s5;
	s8 =	ssub.s32 $0x14000, s3  }
.Ltmp0:
0x7: {  	s5 =	sadd.s32 $0x6E00, s5;
	s7 =	sand.u32 $0xF800, s8;
	(pc) =	sbr.rel .LBB2_1-.Ltmp0, $4  }
0x8: {  	[sflag:s6] =	ssyncpa.u1 $0x0;
	s11 =	smov.u32 s3;
	p0 =	sne.s32 s7, $0x0  }
0x9: {  	s8 =	sshrl.u32 s8, $0x10;
	s7 =	simm.s32 $0x2;
	s9 =	simm.s32 @!p0 $0x0  }
0xa: {  	[sflag:s7] =	ssyncpa.u1 $0x0;
	p0 =	por $0x0, $0x0;
	s8 =	sadd.s32 s9, s8  }
0xb: {  	vm0 =	vmmov $0xffff;
	[sflag:s10] =	ssyncpa.u1 $0x0;
	s10 =	simm.s32 $0x0;
	s9 =	sadd.s32 $0x1, s8  }
.LBB2_4:
0xc: {  	v2 =	vnsel vm1, $0x0, v2  }
0xd: {  	vm1 =	vgt.s32 v0, $0x0;
	v2 =	vmin.u32 v2, $0x4E1FF  }
0xe: {  	v0 =	vnsel vm1, $0x0, v0  }
0xf: {  	v0 =	vmin.u32 v0, $0x4E1FF  }
0x10: {  	[tilespmem:s15], [sflag:$0x1] =	stream.indirect_vreg.gather [hbm4b:s2+s10], $0x1, v1, vm0, $0x4038;
	[tilespmem:$0x2000] =	vst v63  }
0x11: {  	(ifvalue) =	ssetifvalue $0x7FFFFFFF  }
0x12: {  	[tilespmem:s16], [sflag:$0x1] =	stream.indirect_vreg.gather [hbm4b:s2+s10], $0x1, v2, vm0, $0x4038;
	[tilespmem:$0x2000] =	vst v63  }
0x13: {  	s29 =	sadd.s32 $0x10, s16;
	(ifvalue) =	ssetifvalue $0x7FFFFFFF  }
0x14: {  	[tilespmem:s29], [sflag:$0x1] =	stream.indirect_vreg.gather [hbm4b:s2+s10], $0x1, v0, vm0, $0x4038;
	[tilespmem:$0x2000] =	vst v63  }
0x15: {  	_ =	swait.ge [sflag:s6], $0x800  }
0x16: {  	s30 =	sshrl.u32 s13, $0x3;
	[sflag:s6] =	ssyncset.done $0x0  }
0x17: {  	s31 =	sand.u32 $0x7, s13;
	s15 =	sadd.s32 s5, s30;
	[sflag:s6] =	ssyncadd.s32 $0xFFFFF800  }
0x18: {  	[hbm4b:s15+s31] =	stream.linear.scatter [tilespmem:s14], [sflag:$0x3], $0x800, $0x38;
	[tilespmem:$0x2000] =	vst v63  }
.LBB2_5:
0x19: {  	s15 =	sadd.s32 $0x10000, s11  }
0x1a: {  	p2 =	sgt.s32 s15, $0x13FFF  }
0x1b: {  	s15 =	smov.u32 @p2 s3;
	p2 =	sne.s32 s12, s9  }
.Ltmp1:
0x1c: {  	p1 =	slt.u32 s12, $0x2;
	(pc) =	sbr.rel @!p2 .LBB2_6-.Ltmp1, $4  }
0x1d: {  	s14 =	simm.s32 @!p1 $0x3  }
0x1e: {  	s16 =	sadd.s32 $0x1, s12;
	_ =	swait.ge @!p1 [sflag:s14], $0x800  }
0x1f: {  	s13 =	smov.u32 s11;
	p0 =	por !p0, !p0;
	[sflag:s14] =	ssyncset.done @!p1 $0x0  }
0x20: {  	s12 =	smov.u32 s16;
	s11 =	smov.u32 s15;
	[sflag:s14] =	ssyncadd.s32 @!p1 $0xFFFFF800  }
.LBB2_1:
0x21: {  	p1 =	sge.u32 s12, s8  }
0x22: {  	s14 =	sxor.u32 @!p1 $0xFFFFFFFF, s12  }
0x23: {  	s31 =	sadd.s32 $0xFFFFFFFF, s12;
	s15 =	sshrl.u32 @!p1 s11, $0x3;
	s14 =	sshll.u32 @!p1 s14, $0xB  }
0x24: {  	s16 =	sand.u32 @!p1 $0x7, s11;
	s15 =	sadd.s32 @!p1 s4, s15;
	s14 =	sand.u32 @!p1 $0x800, s14  }
0x25: {  	[tilespmem:s14], [sflag:$0x2] =	stream.linear.gather @!p1 [hbm4b:s15+s16], $0x800, $0x38;
	[tilespmem:$0x2000] =	vst v63  }
0x26: {  	p1 =	sge.u32 s31, s8  }
.Ltmp2:
0x27: {  	_ = 	snop;
	(pc) =	sbr.rel @p1 .LBB2_5-.Ltmp2, $1  }
0x28: {  	_ =	sdelay $0x3  }
0x29: {  	s14 =	simm.s32 $0x1  }
0x2a: {  	_ =	swait.ge [sflag:s7], $0x800;
	s14 =	simm.s32 @!p0 $0x0  }
0x2b: {  	[sflag:s7] =	ssyncset.done $0x0;
	s14 =	sshll.u32 s14, $0xB  }
0x2c: {  	[sflag:s7] =	ssyncadd.s32 $0xFFFFF800;
	(ifvalue) =	ssetifvalue $0x7FFFFFFF;
	v0 =	vld.msk [tilespmem:s14+$0x0 ss:$0x1], $0xffff;
	_ =	sdelay $0x4  }
0x2d: {  	s15 =	sadd.s32 $0x10, s14;
	vm1 =	vgt.s32 v0, $0x0  }
0x2e: {  	v2 =	vld.msk [tilespmem:s15+$0x0 ss:$0x1], $0xffff;
	v1 =	vnsel vm1, $0x0, v0  }
0x2f: {  	v1 =	vmin.u32 v1, $0x4E1FF;
	_ =	sdelay $0x1  }
0x30: {  	s16 =	sshll.u32 s12, $0xB;
	s18 =	simm.s32 $0x20  }
0x31: {  	s16 =	sand.u32 $0x800, s16;
	s17 =	sadd.s32 $0x10, s15;
	s15 =	sor.u32 $0x1000, s14  }
0x32: {  	s14 =	sor.u32 $0x1000, s16;
	s16 =	sadd.s32 $0x10, s15;
	v0 =	vld.msk [tilespmem:s17+$0x0 ss:$0x1], $0xffff;
	vm1 =	vgt.s32 v2, $0x0;
	(ifvalue) =	ssetifvalue $0x7FFFFFFF  }
.LBB2_3:
0x33: {  	[tilespmem:s15], [sflag:$0x1] =	stream.indirect_vreg.gather [hbm4b:s2+s10], $0x1, v1, vm0, $0x4038;
	[tilespmem:$0x2000] =	vst v63  }
0x34: {  	s18 =	sadd.s32 $0x10, s18  }
0x35: {  	v2 =	vnsel vm1, $0x0, v2;
	p1 =	slt.u32 s18, $0x7F0  }
.Ltmp3:
0x36: {  	s15 =	smov.u32 s16;
	v1 =	vmin.u32 v2, $0x4E1FF;
	(pc) =	sbr.rel @p1 .LBB2_3-.Ltmp3, $3  }
0x37: {  	_ =	sdelay $0x1  }
0x38: {  	s17 =	sadd.s32 $0x10, s17  }
0x39: {  	vm1 =	vgt.s32 v0, $0x0;
	s16 =	sadd.s32 $0x10, s16;
	v2 =	vmov v0;
	(ifvalue) =	ssetifvalue $0x7FFFFFFF;
	v0 =	vld.msk [tilespmem:s17+$0x0 ss:$0x1], $0xffff  }
.Ltmp4:
0x3a: {  	_ = 	snop;
	(pc) =	sbr.rel .LBB2_4-.Ltmp4, $1  }
0x3b: {  	_ =	sdelay $0x3  }
.LBB2_6:
0x3c: {  	_ =	sfence.sel $0x180000  }
0x3d: {  	s2 =	simm.s32 $0x2;
	[bflag:$0x0] =	sbarrier.arrive $0xFFFF  }
0x3e: {  	s30 =	simm.s32 $0x3;
	[sflag:s2] =	ssyncpa.u1 $0x1  }
0x3f: {  	s31 =	simm.s32 $0x1;
	[sflag:s30] =	ssyncpa.u1 $0x1  }
0x40: {  	[sflag:s31] =	ssyncpa.u1 $0x1  }
0x41: {  	p0 =	sne.s32 s0, $0x0;
	_ =	strace $0x9000004D  }
0x42: {  	s0 =	sadd.s32 @!p0 $0x100000, s1;
	[bflag:$0x2] =	sbarrier.arrive $0xFFFF  }
0x43: {  	[sflag:s0] =	ssyncadd.tile.s32 @!p0 $0x1;
	_ =	shalt  }
.Lfunc_end2:
_tile_overlayer_lowered:
.L_overlay_start_2:
0x44: {  	(tag) =	ssettag $0x2  }
0x45: {  	s0 =	rddreg [dreg:$0x0];
	s2 =	stileid.u32  }
0x46: {  	s1 =	rddreg [dreg:$0x1];
	p0 =	sne.s32 s2, $0x0  }
0x47: {  	s3 =	rddreg [dreg:$0x2];
	[bflag:$0x3] =	sbarrier.arrive $0xFFFF;
	s2 =	simm.s32 @!p0 $0x1C01  }
0x48: {  	[timem:s3], [sflag:s2] =	dma.local @!p0 [hbm:s0], s1  }
0x49: {  	s0 =	simm.s32 @!p0 $0x1  }
0x4a: {  	_ =	swait.ge @!p0 [sflag:s0], s1  }
0x4b: {  	s1 =	ssub.s32 @!p0 $0x0, s1;
	[sflag:s0] =	ssyncset.done @!p0 $0x0  }
0x4c: {  	[sflag:s0] =	ssyncadd.s32 @!p0 s1  }
0x4d: {  	[bflag:$0x3] =	sbarrier.arrive $0xFFFF  }
0x4e: {  	_ =	shalt  }

// kernel: gather_offload_async_start
scs
__scs_entry_jumppad:
0x0: {  	(pc) =	sbr.rel $0x88, $3  }
0x1: {  	(tag) =	ssettag $0x0;
	lr =	simm.s32 $0x1  }
0x2: {  	[smem:$0x3F98] =	sst lr;
	_ =	strace $0xD0000000  }
0x3: {  	_ = 	snop  }
0x4: {  	_ = 	snop  }
0x5: {  	_ = 	snop  }
0x6: {  	_ = 	snop  }
0x7: {  	_ = 	snop  }
__scs_overlays_trampoline_lowered:
0x8: {  	[smem:$0x3FA7] =	sst s0  }
0x9: {  	[smem:$0x3FA8] =	sst s1  }
0xa: {  	[smem:$0x3FA9] =	sst s2  }
0xb: {  	[smem:$0x3FAA] =	sst s3  }
0xc: {  	[smem:$0x3FAB] =	sst s4  }
0xd: {  	[smem:$0x3FAC] =	sst s5  }
0xe: {  	[smem:$0x3FAD] =	sst s6  }
0xf: {  	[smem:$0x3FAE] =	sst s7  }
0x10: {  	[smem:$0x3FAF] =	sst s8  }
0x11: {  	[smem:$0x3FB0] =	sst s9;
	s0 =	simm.s32 @!p0 $0x0  }
0x12: {  	s1 =	sld [smem:$0x3F96];
	s0 =	simm.s32 @p0 $0x1  }
0x13: {  	[smem:$0x3FB1] =	sst s0;
	s0 =	simm.s32 @!p1 $0x0  }
0x14: {  	s2 =	sld [smem:$0x3F95];
	s0 =	simm.s32 @p1 $0x1  }
0x15: {  	[smem:$0x3FB2] =	sst s0;
	s0 =	simm.s32 @!p2 $0x0  }
0x16: {  	s3 =	sld [smem:$0x3FDB];
	s0 =	simm.s32 @p2 $0x1  }
0x17: {  	s4 =	simm.s32 $0x1BF5;
	[smem:$0x3FB4] =	sst s0  }
0x18: {  	s0 =	sld [smem:$0x3F97];
	_ =	swait.ge [sflag:s4], $0x0  }
0x19: {  	s7 =	sld [smem:$0x3F98]  }
0x1a: {  	s8 =	sadd.s32 $0xFFFFE003, lr  }
0x1b: {  	s9 =	sadd.s32 $0xFFFFFEF7, lr;
	s5 =	simm.s32 $0xFFFFFFFF;
	p2 =	slt.u32 s8, $0xFFFFF086  }
0x1c: {  	p1 =	slt.u32 s9, $0xF7A;
	s5 =	simm.s32 @!p2 $0x0  }
0x1d: {  	s5 =	simm.s32 @p1 $0x1;
	p0 =	seq.s32 s7, s2  }
0x1e: {  	s7 =	smul.u32 @!p0 $0xF7A, s2;
	p2 =	seq.s32 @!p0 s5, $0x0  }
0x1f: {  	s9 =	smul.u32 $0xF7A, s1;
	s8 =	simm.s32 @!p0 $0x1BF5;
	p2 =	por !p2, p0  }
0x20: {  	[sflag:s8] =	ssyncset.s32 @!p0 $0xFFFFF086;
	s6 =	sadd.s32 @!p0 s3, s7;
	s7 =	simm.s32 @!p0 $0x108  }
0x21: {  	s3 =	sadd.s32 s3, s9;
	s6 =	sadd.s32 @!p0 $0x88, s6;
	s7 =	simm.s32 @p2 $0x1082  }
0x22: {  	[simem:s7], [sflag:s8] =	dma.local @!p0 [hbm:s6], $0xF7A  }
0x23: {  	s9 =	sor.u32 $0xD0000000, s2;
	s6 =	simm.s32 $0x108;
	_ =	swait.ge @!p0 [sflag:s8], $0x0  }
0x24: {  	s3 =	sadd.s32 $0x88, s3;
	s6 =	simm.s32 @!p1 $0x1082;
	[sflag:s4] =	ssyncset.s32 $0xFFFFF086  }
0x25: {  	[simem:s6], [sflag:s4] =	dma.local [hbm:s3], $0xF7A  }
0x26: {  	[smem:$0x3F98] =	sst s1;
	(tag) =	ssettag s2;
	_ =	strace s9  }
0x27: {  	s1 =	sld [smem:$0x3FA8]  }
0x28: {  	s2 =	sld [smem:$0x3FA9]  }
0x29: {  	s4 =	sld [smem:$0x3FAB]  }
0x2a: {  	p0 =	seq.s32 s5, $0x0;
	s5 =	sld [smem:$0x3FAC]  }
0x2b: {  	s6 =	sld [smem:$0x3FAD]  }
0x2c: {  	s7 =	sld [smem:$0x3FAE]  }
0x2d: {  	s3 =	simm.s32 $0x108;
	s8 =	sld [smem:$0x3FAF]  }
0x2e: {  	s3 =	simm.s32 @!p0 $0x1082;
	s9 =	sld [smem:$0x3FB0]  }
0x2f: {  	lr =	sadd.s32 s0, s3;
	s0 =	sld [smem:$0x3FA7]  }
0x30: {  	s3 =	sld [smem:$0x3FAA]  }
0x31: {  	[smem:$0x3FB3] =	sst s10  }
0x32: {  	s10 =	sld [smem:$0x3FB1];
	_ =	sdelay $0x3  }
0x33: {  	p0 =	seq.s32 s10, $0x1;
	s10 =	sld [smem:$0x3FB3];
	_ =	sdelay $0x3  }
0x34: {  	[smem:$0x3FB3] =	sst s10  }
0x35: {  	s10 =	sld [smem:$0x3FB2];
	_ =	sdelay $0x3  }
0x36: {  	p1 =	seq.s32 s10, $0x1;
	s10 =	sld [smem:$0x3FB3];
	_ =	sdelay $0x3  }
0x37: {  	[smem:$0x3FB3] =	sst s10  }
0x38: {  	s10 =	sld [smem:$0x3FB4]  }
0x39: {  	_ = 	snop;
	(pc) =	sbr.ind lr, $3  }
0x3a: {  	_ = 	snop  }
0x3b: {  	_ = 	snop  }
0x3c: {  	p2 =	seq.s32 s10, $0x1;
	s10 =	sld [smem:$0x3FB3]  }
0x3d: {  	_ =	shalt  }
0x3e: {  	_ =	shalt  }
0x3f: {  	_ =	shalt  }
0x40: {  	_ =	shalt  }
0x41: {  	_ =	shalt  }
0x42: {  	_ =	shalt  }
0x43: {  	_ =	shalt  }
0x44: {  	_ =	shalt  }
0x45: {  	_ =	shalt  }
0x46: {  	_ =	shalt  }
0x47: {  	_ =	shalt  }
0x48: {  	_ =	shalt  }
0x49: {  	_ =	shalt  }
0x4a: {  	_ =	shalt  }
0x4b: {  	_ =	shalt  }
0x4c: {  	_ =	shalt  }
0x4d: {  	_ =	shalt  }
0x4e: {  	_ =	shalt  }
0x4f: {  	_ =	shalt  }
0x50: {  	_ =	shalt  }
0x51: {  	_ =	shalt  }
0x52: {  	_ =	shalt  }
0x53: {  	_ =	shalt  }
0x54: {  	_ =	shalt  }
0x55: {  	_ =	shalt  }
0x56: {  	_ =	shalt  }
0x57: {  	_ =	shalt  }
0x58: {  	_ =	shalt  }
0x59: {  	_ =	shalt  }
0x5a: {  	_ =	shalt  }
0x5b: {  	_ =	shalt  }
0x5c: {  	_ =	shalt  }
0x5d: {  	_ =	shalt  }
0x5e: {  	_ =	shalt  }
0x5f: {  	_ =	shalt  }
0x60: {  	_ =	shalt  }
0x61: {  	_ =	shalt  }
0x62: {  	_ =	shalt  }
0x63: {  	_ =	shalt  }
0x64: {  	_ =	shalt  }
0x65: {  	_ =	shalt  }
0x66: {  	_ =	shalt  }
0x67: {  	_ =	shalt  }
0x68: {  	_ =	shalt  }
0x69: {  	_ =	shalt  }
0x6a: {  	_ =	shalt  }
0x6b: {  	_ =	shalt  }
0x6c: {  	_ =	shalt  }
0x6d: {  	_ =	shalt  }
0x6e: {  	_ =	shalt  }
0x6f: {  	_ =	shalt  }
0x70: {  	_ =	shalt  }
0x71: {  	_ =	shalt  }
0x72: {  	_ =	shalt  }
0x73: {  	_ =	shalt  }
0x74: {  	_ =	shalt  }
0x75: {  	_ =	shalt  }
0x76: {  	_ =	shalt  }
0x77: {  	_ =	shalt  }
0x78: {  	_ =	shalt  }
0x79: {  	_ =	shalt  }
0x7a: {  	_ =	shalt  }
0x7b: {  	_ =	shalt  }
0x7c: {  	_ =	shalt  }
0x7d: {  	_ =	shalt  }
0x7e: {  	_ =	shalt  }
0x7f: {  	_ =	shalt  }
0x80: {  	_ =	shalt  }
0x81: {  	_ =	shalt  }
0x82: {  	_ =	shalt  }
0x83: {  	_ =	shalt  }
0x84: {  	_ =	shalt  }
0x85: {  	_ =	shalt  }
0x86: {  	_ =	shalt  }
0x87: {  	_ =	shalt  }
.Lfunc_end0:
.L_simem_size_0:
called_computation.1_lowered:
.L_overlay_start_0:
0x88: {  	s2 =	sld [smem:$0x3FD9]  }
0x89: {  	s3 =	sld [smem:$0x3FFE];
	_ =	sdelay $0x1  }
0x8a: {  	s1 =	srdreg.scid  }
0x8b: {  	s0 =	sand.u32 $0x1, s1  }
0x8c: {  	s17 =	sshll.u32 s0, $0xA;
	s2 =	sadd.s32 s3, s2  }
0x8d: {  	s2 =	sadd.s32 s2, s17  }
0x8e: {  	[smem:$0x3FBF] =	sst s2  }
0x8f: {  	_ = 	snop  }
0x90: {  	s2 =	sld [smem:$0x3FD0];
	(tm) =	ssettm $0x1  }
0x91: {  	s18 =	sld [smem:$0x3FFB];
	_ =	sdelay $0x3  }
0x92: {  	_ =	strace s18  }
0x93: {  	s3 =	sld [smem:$0x3FFC];
	_ =	sdelay $0x3  }
0x94: {  	_ =	strace s3  }
0x95: {  	s3 =	sld [smem:$0x3FFD];
	_ =	sdelay $0x3  }
0x96: {  	_ =	strace s3  }
0x97: {  	_ =	strace $0x8FFFFFFF  }
0x98: {  	s19 =	sld [smem:$0x3FDB];
	_ =	sdelay $0x1  }
0x99: {  	s4 =	simm.s32 $_scs_section_size  }
0x9a: {  	s5 =	simm.s32 $_size__tile_overlayer_lowered;
	s6 =	simm.s32 $_tile_overlayer_lowered  }
0x9b: {  	s22 =	simm.s32 $0x1BFF;
	s21 =	sshll.u32 s6, $0x1;
	s3 =	sadd.s32 s4, s19  }
0x9c: {  	s7 =	simm.s32 $0x0;
	s20 =	sshll.u32 s5, $0x1;
	s5 =	sadd.s32 s21, s3  }
0x9d: {  	[timem:s7], [sflag:s22] =	dma.local [hbm:s5], s20  }
0x9e: {  	_ =	swait.ge [sflag:s22], s20  }
0x9f: {  	s4 =	ssub.s32 $0x0, s20;
	[sflag:s22] =	ssyncset.done $0x0  }
0xa0: {  	[sflag:s22] =	ssyncadd.s32 s4;
	_ =	sdelay $0x1  }
0xa1: {  	s23 =	simm.s32 $0x1B8B  }
0xa2: {  	_ =	swait.ge [sflag:s23], $0x1  }
0xa3: {  	[sflag:s23] =	ssyncset.done $0x0  }
0xa4: {  	s25 =	simm.s32 $0x1B8E;
	s24 =	sld [smem:$0x3FFE];
	[sflag:s23] =	ssyncadd.s32 $0xFFFFFFFF  }
0xa5: {  	s26 =	simm.s32 $execute0_lowered;
	[smem:$0x3FD2] =	sst s25  }
0xa6: {  	s5 =	sshll.u32 s26, $0x1;
	_ =	strace $0x80000058;
	[dreg:$0x1] =	wrdreg $0xFFFFFFFF  }
0xa7: {  	s28 =	simm.s32 $_size_execute0_lowered;
	s3 =	sadd.s32 s3, s5;
	[dreg:$0x0] =	wrdreg $0x0  }
0xa8: {  	s5 =	sshll.u32 s28, $0x1;
	[dreg:$0x2] =	wrdreg s3  }
0xa9: {  	[dreg:$0x3] =	wrdreg s5  }
0xaa: {  	[dreg:$0x4] =	wrdreg $0xC0  }
0xab: {  	_ =	task [dreg:s7], $0x5FFFF  }
0xac: {  	[dreg:$0x1] =	wrdreg $0xFFFFFFFF  }
0xad: {  	[dreg:$0x0] =	wrdreg $0x60  }
0xae: {  	[dreg:$0x2] =	wrdreg s2  }
0xaf: {  	[dreg:$0x3] =	wrdreg s24  }
0xb0: {  	[dreg:$0x4] =	wrdreg $0xA  }
0xb1: {  	_ =	task.clear_ibuf [dreg:s7], $0x5FFFF;
	_ =	strace $0x90000058  }
0xb2: {  	s29 =	simm.s32 $0xA;
	_ =	strace $0x8000005A  }
0xb3: {  	_ =	swait.ge [sflag:s29], $0x1  }
0xb4: {  	[sflag:s29] =	ssyncadd.s32 $0xFFFFFFFF  }
0xb5: {  	_ =	strace $0x9000005A  }
0xb6: {  	_ =	sfence  }
0xb7: {  	s30 =	sld [smem:$0x0];
	_ =	sdelay $0x2  }
0xb8: {  	s31 =	sshll.u32 s1, $0xD;
	s1 =	sshrl.u32 s1, $0x2  }
0xb9: {  	s3 =	sand.u32 $0x4000, s31;
	s1 =	sadd.s32 s1, s30  }
0xba: {  	s0 =	sor.u32 s3, s0;
	s1 =	sshll.u32 s1, $0x11  }
0xbb: {  	s0 =	sor.u32 s1, s0  }
0xbc: {  	s0 =	sadd.s32 $0x8F2B, s0  }
0xbd: {  	[sflag:s0] =	ssyncadd.remote.s32 $0x1  }
0xbe: {  	_ =	sfence.sel $0xFFFF  }
0xbf: {  	[dreg:$0x0] =	wrdreg $0xFFFFFFFF;
	(pc) =	sbr.abs _section_cstart, $3  }
0xc0: {  	[dreg:$0x1] =	wrdreg $0xFFFFFFFF  }
0xc1: {  	_ =	task.clear_ibuf [dreg:s7], $0x2FFFF;
	_ =	strace $0x9FFFFFFF  }
0xc2: {  	(tm) =	ssettm $0x7FFFFFFF  }
0xc3: {  	_ =	shalt  }
tec
execute0_lowered:
.L_overlay_start_1:
0x0: {  	(tag) =	ssettag $0x1  }
0x1: {  	s1 =	srdreg.scid;
	s2 =	rddreg [dreg:$0x0]  }
0x2: {  	s0 =	stileid.u32;
	s5 =	rddreg [dreg:$0x1];
	s6 =	simm.s32 $0x1  }
0x3: {  	s9 =	simm.s32 $0x1;
	s10 =	simm.s32 $0x3;
	s1 =	sshll.u32 s1, $0xB  }
0x4: {  	s13 =	simm.s32 $0x0;
	s3 =	sshll.u32 s0, $0xC;
	s4 =	sand.u32 $0x800, s1  }
0x5: {  	s12 =	simm.s32 $0x0;
	s1 =	rddreg [dreg:$0x2];
	s3 =	sor.u32 s3, s4  }
0x6: {  	_ =	strace $0x80000059;
	s4 =	sadd.s32 $0x6E00, s5;
	s8 =	ssub.s32 $0x14000, s3  }
.Ltmp0:
0x7: {  	s5 =	sadd.s32 $0xBE00, s5;
	s7 =	sand.u32 $0xF800, s8;
	(pc) =	sbr.rel .LBB2_1-.Ltmp0, $4  }
0x8: {  	[sflag:s6] =	ssyncpa.u1 $0x0;
	s11 =	smov.u32 s3;
	p0 =	sne.s32 s7, $0x0  }
0x9: {  	s8 =	sshrl.u32 s8, $0x10;
	s7 =	simm.s32 $0x2;
	s9 =	simm.s32 @!p0 $0x0  }
0xa: {  	[sflag:s7] =	ssyncpa.u1 $0x0;
	p0 =	por $0x0, $0x0;
	s8 =	sadd.s32 s9, s8  }
0xb: {  	vm0 =	vmmov $0xffff;
	[sflag:s10] =	ssyncpa.u1 $0x0;
	s10 =	simm.s32 $0x0;
	s9 =	sadd.s32 $0x1, s8  }
.LBB2_4:
0xc: {  	v2 =	vnsel vm1, $0x0, v2  }
0xd: {  	vm1 =	vgt.s32 v0, $0x0;
	v2 =	vmin.u32 v2, $0x4E1FF  }
0xe: {  	v0 =	vnsel vm1, $0x0, v0  }
0xf: {  	v0 =	vmin.u32 v0, $0x4E1FF  }
0x10: {  	[tilespmem:s15], [sflag:$0x1] =	stream.indirect_vreg.gather [hbm4b:s2+s10], $0x1, v1, vm0, $0x4038;
	[tilespmem:$0x2000] =	vst v63  }
0x11: {  	(ifvalue) =	ssetifvalue $0x7FFFFFFF  }
0x12: {  	[tilespmem:s16], [sflag:$0x1] =	stream.indirect_vreg.gather [hbm4b:s2+s10], $0x1, v2, vm0, $0x4038;
	[tilespmem:$0x2000] =	vst v63  }
0x13: {  	s29 =	sadd.s32 $0x10, s16;
	(ifvalue) =	ssetifvalue $0x7FFFFFFF  }
0x14: {  	[tilespmem:s29], [sflag:$0x1] =	stream.indirect_vreg.gather [hbm4b:s2+s10], $0x1, v0, vm0, $0x4038;
	[tilespmem:$0x2000] =	vst v63  }
0x15: {  	_ =	swait.ge [sflag:s6], $0x800  }
0x16: {  	s30 =	sshrl.u32 s13, $0x3;
	[sflag:s6] =	ssyncset.done $0x0  }
0x17: {  	s31 =	sand.u32 $0x7, s13;
	s15 =	sadd.s32 s5, s30;
	[sflag:s6] =	ssyncadd.s32 $0xFFFFF800  }
0x18: {  	[hbm4b:s15+s31] =	stream.linear.scatter [tilespmem:s14], [sflag:$0x3], $0x800, $0x38;
	[tilespmem:$0x2000] =	vst v63  }
.LBB2_5:
0x19: {  	s15 =	sadd.s32 $0x10000, s11  }
0x1a: {  	p2 =	sgt.s32 s15, $0x13FFF  }
0x1b: {  	s15 =	smov.u32 @p2 s3;
	p2 =	sne.s32 s12, s9  }
.Ltmp1:
0x1c: {  	p1 =	slt.u32 s12, $0x2;
	(pc) =	sbr.rel @!p2 .LBB2_6-.Ltmp1, $4  }
0x1d: {  	s14 =	simm.s32 @!p1 $0x3  }
0x1e: {  	s16 =	sadd.s32 $0x1, s12;
	_ =	swait.ge @!p1 [sflag:s14], $0x800  }
0x1f: {  	s13 =	smov.u32 s11;
	p0 =	por !p0, !p0;
	[sflag:s14] =	ssyncset.done @!p1 $0x0  }
0x20: {  	s12 =	smov.u32 s16;
	s11 =	smov.u32 s15;
	[sflag:s14] =	ssyncadd.s32 @!p1 $0xFFFFF800  }
.LBB2_1:
0x21: {  	p1 =	sge.u32 s12, s8  }
0x22: {  	s14 =	sxor.u32 @!p1 $0xFFFFFFFF, s12  }
0x23: {  	s31 =	sadd.s32 $0xFFFFFFFF, s12;
	s15 =	sshrl.u32 @!p1 s11, $0x3;
	s14 =	sshll.u32 @!p1 s14, $0xB  }
0x24: {  	s16 =	sand.u32 @!p1 $0x7, s11;
	s15 =	sadd.s32 @!p1 s4, s15;
	s14 =	sand.u32 @!p1 $0x800, s14  }
0x25: {  	[tilespmem:s14], [sflag:$0x2] =	stream.linear.gather @!p1 [hbm4b:s15+s16], $0x800, $0x38;
	[tilespmem:$0x2000] =	vst v63  }
0x26: {  	p1 =	sge.u32 s31, s8  }
.Ltmp2:
0x27: {  	_ = 	snop;
	(pc) =	sbr.rel @p1 .LBB2_5-.Ltmp2, $1  }
0x28: {  	_ =	sdelay $0x3  }
0x29: {  	s14 =	simm.s32 $0x1  }
0x2a: {  	_ =	swait.ge [sflag:s7], $0x800;
	s14 =	simm.s32 @!p0 $0x0  }
0x2b: {  	[sflag:s7] =	ssyncset.done $0x0;
	s14 =	sshll.u32 s14, $0xB  }
0x2c: {  	[sflag:s7] =	ssyncadd.s32 $0xFFFFF800;
	(ifvalue) =	ssetifvalue $0x7FFFFFFF;
	v0 =	vld.msk [tilespmem:s14+$0x0 ss:$0x1], $0xffff;
	_ =	sdelay $0x4  }
0x2d: {  	s15 =	sadd.s32 $0x10, s14;
	vm1 =	vgt.s32 v0, $0x0  }
0x2e: {  	v2 =	vld.msk [tilespmem:s15+$0x0 ss:$0x1], $0xffff;
	v1 =	vnsel vm1, $0x0, v0  }
0x2f: {  	v1 =	vmin.u32 v1, $0x4E1FF;
	_ =	sdelay $0x1  }
0x30: {  	s16 =	sshll.u32 s12, $0xB;
	s18 =	simm.s32 $0x20  }
0x31: {  	s16 =	sand.u32 $0x800, s16;
	s17 =	sadd.s32 $0x10, s15;
	s15 =	sor.u32 $0x1000, s14  }
0x32: {  	s14 =	sor.u32 $0x1000, s16;
	s16 =	sadd.s32 $0x10, s15;
	v0 =	vld.msk [tilespmem:s17+$0x0 ss:$0x1], $0xffff;
	vm1 =	vgt.s32 v2, $0x0;
	(ifvalue) =	ssetifvalue $0x7FFFFFFF  }
.LBB2_3:
0x33: {  	[tilespmem:s15], [sflag:$0x1] =	stream.indirect_vreg.gather [hbm4b:s2+s10], $0x1, v1, vm0, $0x4038;
	[tilespmem:$0x2000] =	vst v63  }
0x34: {  	s18 =	sadd.s32 $0x10, s18  }
0x35: {  	v2 =	vnsel vm1, $0x0, v2;
	p1 =	slt.u32 s18, $0x7F0  }
.Ltmp3:
0x36: {  	s15 =	smov.u32 s16;
	v1 =	vmin.u32 v2, $0x4E1FF;
	(pc) =	sbr.rel @p1 .LBB2_3-.Ltmp3, $3  }
0x37: {  	_ =	sdelay $0x1  }
0x38: {  	s17 =	sadd.s32 $0x10, s17  }
0x39: {  	vm1 =	vgt.s32 v0, $0x0;
	s16 =	sadd.s32 $0x10, s16;
	v2 =	vmov v0;
	(ifvalue) =	ssetifvalue $0x7FFFFFFF;
	v0 =	vld.msk [tilespmem:s17+$0x0 ss:$0x1], $0xffff  }
.Ltmp4:
0x3a: {  	_ = 	snop;
	(pc) =	sbr.rel .LBB2_4-.Ltmp4, $1  }
0x3b: {  	_ =	sdelay $0x3  }
.LBB2_6:
0x3c: {  	_ =	sfence.sel $0x180000  }
0x3d: {  	s2 =	simm.s32 $0x2;
	[bflag:$0x0] =	sbarrier.arrive $0xFFFF  }
0x3e: {  	s30 =	simm.s32 $0x3;
	[sflag:s2] =	ssyncpa.u1 $0x1  }
0x3f: {  	s31 =	simm.s32 $0x1;
	[sflag:s30] =	ssyncpa.u1 $0x1  }
0x40: {  	[sflag:s31] =	ssyncpa.u1 $0x1  }
0x41: {  	p0 =	sne.s32 s0, $0x0;
	_ =	strace $0x90000059  }
0x42: {  	s0 =	sadd.s32 @!p0 $0x100000, s1;
	[bflag:$0x2] =	sbarrier.arrive $0xFFFF  }
0x43: {  	[sflag:s0] =	ssyncadd.tile.s32 @!p0 $0x1;
	_ =	shalt  }
.Lfunc_end2:
_tile_overlayer_lowered:
.L_overlay_start_2:
0x44: {  	(tag) =	ssettag $0x2  }
0x45: {  	s0 =	rddreg [dreg:$0x0];
	s2 =	stileid.u32  }
0x46: {  	s1 =	rddreg [dreg:$0x1];
	p0 =	sne.s32 s2, $0x0  }
0x47: {  	s3 =	rddreg [dreg:$0x2];
	[bflag:$0x3] =	sbarrier.arrive $0xFFFF;
	s2 =	simm.s32 @!p0 $0x1C01  }
0x48: {  	[timem:s3], [sflag:s2] =	dma.local @!p0 [hbm:s0], s1  }
0x49: {  	s0 =	simm.s32 @!p0 $0x1  }
0x4a: {  	_ =	swait.ge @!p0 [sflag:s0], s1  }
0x4b: {  	s1 =	ssub.s32 @!p0 $0x0, s1;
	[sflag:s0] =	ssyncset.done @!p0 $0x0  }
0x4c: {  	[sflag:s0] =	ssyncadd.s32 @!p0 s1  }
0x4d: {  	[bflag:$0x3] =	sbarrier.arrive $0xFFFF  }
0x4e: {  	_ =	shalt  }

// kernel: kernel.10.cloned.1.call-start
scs
__scs_entry_jumppad:
0x0: {  	(pc) =	sbr.rel $0x88, $3  }
0x1: {  	(tag) =	ssettag $0x0;
	lr =	simm.s32 $0x1  }
0x2: {  	[smem:$0x3F98] =	sst lr;
	_ =	strace $0xD0000000  }
0x3: {  	_ = 	snop  }
0x4: {  	_ = 	snop  }
0x5: {  	_ = 	snop  }
0x6: {  	_ = 	snop  }
0x7: {  	_ = 	snop  }
__scs_overlays_trampoline_lowered:
0x8: {  	[smem:$0x3FA7] =	sst s0  }
0x9: {  	[smem:$0x3FA8] =	sst s1  }
0xa: {  	[smem:$0x3FA9] =	sst s2  }
0xb: {  	[smem:$0x3FAA] =	sst s3  }
0xc: {  	[smem:$0x3FAB] =	sst s4  }
0xd: {  	[smem:$0x3FAC] =	sst s5  }
0xe: {  	[smem:$0x3FAD] =	sst s6  }
0xf: {  	[smem:$0x3FAE] =	sst s7  }
0x10: {  	[smem:$0x3FAF] =	sst s8  }
0x11: {  	[smem:$0x3FB0] =	sst s9;
	s0 =	simm.s32 @!p0 $0x0  }
0x12: {  	s1 =	sld [smem:$0x3F96];
	s0 =	simm.s32 @p0 $0x1  }
0x13: {  	[smem:$0x3FB1] =	sst s0;
	s0 =	simm.s32 @!p1 $0x0  }
0x14: {  	s2 =	sld [smem:$0x3F95];
	s0 =	simm.s32 @p1 $0x1  }
0x15: {  	[smem:$0x3FB2] =	sst s0;
	s0 =	simm.s32 @!p2 $0x0  }
0x16: {  	s3 =	sld [smem:$0x3FDB];
	s0 =	simm.s32 @p2 $0x1  }
0x17: {  	s4 =	simm.s32 $0x1BF5;
	[smem:$0x3FB4] =	sst s0  }
0x18: {  	s0 =	sld [smem:$0x3F97];
	_ =	swait.ge [sflag:s4], $0x0  }
0x19: {  	s7 =	sld [smem:$0x3F98]  }
0x1a: {  	s8 =	sadd.s32 $0xFFFFE003, lr  }
0x1b: {  	s9 =	sadd.s32 $0xFFFFFEF7, lr;
	s5 =	simm.s32 $0xFFFFFFFF;
	p2 =	slt.u32 s8, $0xFFFFF086  }
0x1c: {  	p1 =	slt.u32 s9, $0xF7A;
	s5 =	simm.s32 @!p2 $0x0  }
0x1d: {  	s5 =	simm.s32 @p1 $0x1;
	p0 =	seq.s32 s7, s2  }
0x1e: {  	s7 =	smul.u32 @!p0 $0xF7A, s2;
	p2 =	seq.s32 @!p0 s5, $0x0  }
0x1f: {  	s9 =	smul.u32 $0xF7A, s1;
	s8 =	simm.s32 @!p0 $0x1BF5;
	p2 =	por !p2, p0  }
0x20: {  	[sflag:s8] =	ssyncset.s32 @!p0 $0xFFFFF086;
	s6 =	sadd.s32 @!p0 s3, s7;
	s7 =	simm.s32 @!p0 $0x108  }
0x21: {  	s3 =	sadd.s32 s3, s9;
	s6 =	sadd.s32 @!p0 $0x88, s6;
	s7 =	simm.s32 @p2 $0x1082  }
0x22: {  	[simem:s7], [sflag:s8] =	dma.local @!p0 [hbm:s6], $0xF7A  }
0x23: {  	s9 =	sor.u32 $0xD0000000, s2;
	s6 =	simm.s32 $0x108;
	_ =	swait.ge @!p0 [sflag:s8], $0x0  }
0x24: {  	s3 =	sadd.s32 $0x88, s3;
	s6 =	simm.s32 @!p1 $0x1082;
	[sflag:s4] =	ssyncset.s32 $0xFFFFF086  }
0x25: {  	[simem:s6], [sflag:s4] =	dma.local [hbm:s3], $0xF7A  }
0x26: {  	[smem:$0x3F98] =	sst s1;
	(tag) =	ssettag s2;
	_ =	strace s9  }
0x27: {  	s1 =	sld [smem:$0x3FA8]  }
0x28: {  	s2 =	sld [smem:$0x3FA9]  }
0x29: {  	s4 =	sld [smem:$0x3FAB]  }
0x2a: {  	p0 =	seq.s32 s5, $0x0;
	s5 =	sld [smem:$0x3FAC]  }
0x2b: {  	s6 =	sld [smem:$0x3FAD]  }
0x2c: {  	s7 =	sld [smem:$0x3FAE]  }
0x2d: {  	s3 =	simm.s32 $0x108;
	s8 =	sld [smem:$0x3FAF]  }
0x2e: {  	s3 =	simm.s32 @!p0 $0x1082;
	s9 =	sld [smem:$0x3FB0]  }
0x2f: {  	lr =	sadd.s32 s0, s3;
	s0 =	sld [smem:$0x3FA7]  }
0x30: {  	s3 =	sld [smem:$0x3FAA]  }
0x31: {  	[smem:$0x3FB3] =	sst s10  }
0x32: {  	s10 =	sld [smem:$0x3FB1];
	_ =	sdelay $0x3  }
0x33: {  	p0 =	seq.s32 s10, $0x1;
	s10 =	sld [smem:$0x3FB3];
	_ =	sdelay $0x3  }
0x34: {  	[smem:$0x3FB3] =	sst s10  }
0x35: {  	s10 =	sld [smem:$0x3FB2];
	_ =	sdelay $0x3  }
0x36: {  	p1 =	seq.s32 s10, $0x1;
	s10 =	sld [smem:$0x3FB3];
	_ =	sdelay $0x3  }
0x37: {  	[smem:$0x3FB3] =	sst s10  }
0x38: {  	s10 =	sld [smem:$0x3FB4]  }
0x39: {  	_ = 	snop;
	(pc) =	sbr.ind lr, $3  }
0x3a: {  	_ = 	snop  }
0x3b: {  	_ = 	snop  }
0x3c: {  	p2 =	seq.s32 s10, $0x1;
	s10 =	sld [smem:$0x3FB3]  }
0x3d: {  	_ =	shalt  }
0x3e: {  	_ =	shalt  }
0x3f: {  	_ =	shalt  }
0x40: {  	_ =	shalt  }
0x41: {  	_ =	shalt  }
0x42: {  	_ =	shalt  }
0x43: {  	_ =	shalt  }
0x44: {  	_ =	shalt  }
0x45: {  	_ =	shalt  }
0x46: {  	_ =	shalt  }
0x47: {  	_ =	shalt  }
0x48: {  	_ =	shalt  }
0x49: {  	_ =	shalt  }
0x4a: {  	_ =	shalt  }
0x4b: {  	_ =	shalt  }
0x4c: {  	_ =	shalt  }
0x4d: {  	_ =	shalt  }
0x4e: {  	_ =	shalt  }
0x4f: {  	_ =	shalt  }
0x50: {  	_ =	shalt  }
0x51: {  	_ =	shalt  }
0x52: {  	_ =	shalt  }
0x53: {  	_ =	shalt  }
0x54: {  	_ =	shalt  }
0x55: {  	_ =	shalt  }
0x56: {  	_ =	shalt  }
0x57: {  	_ =	shalt  }
0x58: {  	_ =	shalt  }
0x59: {  	_ =	shalt  }
0x5a: {  	_ =	shalt  }
0x5b: {  	_ =	shalt  }
0x5c: {  	_ =	shalt  }
0x5d: {  	_ =	shalt  }
0x5e: {  	_ =	shalt  }
0x5f: {  	_ =	shalt  }
0x60: {  	_ =	shalt  }
0x61: {  	_ =	shalt  }
0x62: {  	_ =	shalt  }
0x63: {  	_ =	shalt  }
0x64: {  	_ =	shalt  }
0x65: {  	_ =	shalt  }
0x66: {  	_ =	shalt  }
0x67: {  	_ =	shalt  }
0x68: {  	_ =	shalt  }
0x69: {  	_ =	shalt  }
0x6a: {  	_ =	shalt  }
0x6b: {  	_ =	shalt  }
0x6c: {  	_ =	shalt  }
0x6d: {  	_ =	shalt  }
0x6e: {  	_ =	shalt  }
0x6f: {  	_ =	shalt  }
0x70: {  	_ =	shalt  }
0x71: {  	_ =	shalt  }
0x72: {  	_ =	shalt  }
0x73: {  	_ =	shalt  }
0x74: {  	_ =	shalt  }
0x75: {  	_ =	shalt  }
0x76: {  	_ =	shalt  }
0x77: {  	_ =	shalt  }
0x78: {  	_ =	shalt  }
0x79: {  	_ =	shalt  }
0x7a: {  	_ =	shalt  }
0x7b: {  	_ =	shalt  }
0x7c: {  	_ =	shalt  }
0x7d: {  	_ =	shalt  }
0x7e: {  	_ =	shalt  }
0x7f: {  	_ =	shalt  }
0x80: {  	_ =	shalt  }
0x81: {  	_ =	shalt  }
0x82: {  	_ =	shalt  }
0x83: {  	_ =	shalt  }
0x84: {  	_ =	shalt  }
0x85: {  	_ =	shalt  }
0x86: {  	_ =	shalt  }
0x87: {  	_ =	shalt  }
.Lfunc_end0:
.L_simem_size_0:
called_computation.9_lowered:
.L_overlay_start_0:
0x88: {  	s2 =	sld [smem:$0x3FD9]  }
0x89: {  	s3 =	sld [smem:$0x3FFE];
	_ =	sdelay $0x1  }
0x8a: {  	s1 =	srdreg.scid  }
0x8b: {  	s0 =	sand.u32 $0x1, s1  }
0x8c: {  	s17 =	sshll.u32 s0, $0xA;
	s2 =	sadd.s32 s3, s2  }
0x8d: {  	s2 =	sadd.s32 s2, s17  }
0x8e: {  	[smem:$0x3FBF] =	sst s2  }
0x8f: {  	_ = 	snop  }
0x90: {  	s18 =	sld [smem:$0x3FC9];
	(tm) =	ssettm $0x1  }
0x91: {  	s19 =	sld [smem:$0x3FFB];
	_ =	sdelay $0x3  }
0x92: {  	_ =	strace s19  }
0x93: {  	s2 =	sld [smem:$0x3FFC];
	_ =	sdelay $0x3  }
0x94: {  	_ =	strace s2  }
0x95: {  	s2 =	sld [smem:$0x3FFD];
	_ =	sdelay $0x3  }
0x96: {  	_ =	strace s2  }
0x97: {  	_ =	strace $0x8FFFFFFF  }
0x98: {  	s20 =	sld [smem:$0x3FDB];
	_ =	sdelay $0x1  }
0x99: {  	s4 =	simm.s32 $_scs_section_size  }
0x9a: {  	s5 =	simm.s32 $_size__tile_overlayer_lowered;
	s6 =	simm.s32 $_tile_overlayer_lowered  }
0x9b: {  	s7 =	simm.s32 $0x1BFF;
	s21 =	sshll.u32 s6, $0x1;
	s4 =	sadd.s32 s4, s20  }
0x9c: {  	s22 =	simm.s32 $0x0;
	s5 =	sshll.u32 s5, $0x1;
	s6 =	sadd.s32 s21, s4  }
0x9d: {  	[timem:s22], [sflag:s7] =	dma.local [hbm:s6], s5  }
0x9e: {  	_ =	swait.ge [sflag:s7], s5  }
0x9f: {  	s5 =	ssub.s32 $0x0, s5;
	[sflag:s7] =	ssyncset.done $0x0  }
0xa0: {  	[sflag:s7] =	ssyncadd.s32 s5;
	_ =	sdelay $0x1  }
0xa1: {  	s23 =	simm.s32 $0x1B8B  }
0xa2: {  	_ =	swait.ge [sflag:s23], $0x1  }
0xa3: {  	[sflag:s23] =	ssyncset.done $0x0  }
0xa4: {  	[sflag:s23] =	ssyncadd.s32 $0xFFFFFFFF  }
0xa5: {  	s5 =	sld [smem:$0x0]  }
0xa6: {  	s6 =	sand.u32 $0xFFFFFFFE, s1  }
0xa7: {  	p0 =	sne.s32 s1, s6  }
0xa8: {  	s6 =	sshll.u32 @p0 s6, $0xE  }
0xa9: {  	s6 =	sadd.s32 @p0 $0x11B8D, s6;
	s7 =	sshll.u32 @p0 s5, $0x11  }
0xaa: {  	s6 =	sor.u32 @p0 s7, s6  }
0xab: {  	[sflag:s6] =	ssyncadd.remote.s32 @p0 $0x1;
	_ =	sdelay $0x1  }
0xac: {  	s6 =	simm.s32 @p0 $0x1B8D  }
0xad: {  	_ =	swait.eq @p0 [sflag:s6], $0x1  }
0xae: {  	[sflag:s6] =	ssyncadd.s32 @p0 $0xFFFFFFFF  }
0xaf: {  	s7 =	sshll.u32 @!p0 s1, $0xE  }
0xb0: {  	s7 =	sor.u32 @!p0 $0x4000, s7;
	s6 =	simm.s32 @!p0 $0x1B8D  }
0xb1: {  	s5 =	sshll.u32 @!p0 s5, $0x11;
	s7 =	sadd.s32 @!p0 $0x11B8D, s7;
	_ =	swait.eq @!p0 [sflag:s6], $0x1  }
0xb2: {  	s5 =	sor.u32 @!p0 s5, s7;
	[sflag:s6] =	ssyncadd.s32 @!p0 $0xFFFFFFFF  }
0xb3: {  	s25 =	simm.s32 $0x1B8E;
	s24 =	sld [smem:$0x3FFE];
	[sflag:s5] =	ssyncadd.remote.s32 @!p0 $0x1  }
0xb4: {  	s26 =	simm.s32 $execute0_lowered;
	[smem:$0x3FD2] =	sst s25  }
0xb5: {  	s6 =	sshll.u32 s26, $0x1;
	_ =	strace $0x80000052;
	[dreg:$0x1] =	wrdreg $0xFFFFFFFF  }
0xb6: {  	s28 =	simm.s32 $_size_execute0_lowered;
	s4 =	sadd.s32 s4, s6;
	[dreg:$0x0] =	wrdreg $0x0  }
0xb7: {  	s6 =	sshll.u32 s28, $0x1;
	[dreg:$0x2] =	wrdreg s4  }
0xb8: {  	[dreg:$0x3] =	wrdreg s6  }
0xb9: {  	[dreg:$0x4] =	wrdreg $0xC0  }
0xba: {  	_ =	task [dreg:s22], $0x5FFFF  }
0xbb: {  	[dreg:$0x1] =	wrdreg $0xFFFFFFFF  }
0xbc: {  	[dreg:$0x0] =	wrdreg $0x60  }
0xbd: {  	[dreg:$0x2] =	wrdreg s18  }
0xbe: {  	[dreg:$0x3] =	wrdreg s24  }
0xbf: {  	[dreg:$0x4] =	wrdreg $0xA  }
0xc0: {  	_ =	task.clear_ibuf [dreg:s22], $0x5FFFF;
	_ =	strace $0x90000052  }
0xc1: {  	s29 =	simm.s32 $0xA;
	_ =	strace $0x80000054  }
0xc2: {  	_ =	swait.ge [sflag:s29], $0x1  }
0xc3: {  	[sflag:s29] =	ssyncadd.s32 $0xFFFFFFFF  }
0xc4: {  	_ =	strace $0x90000054  }
0xc5: {  	_ =	sfence  }
0xc6: {  	s30 =	sld [smem:$0x0];
	_ =	sdelay $0x2  }
0xc7: {  	s31 =	sshll.u32 s1, $0xD;
	s1 =	sshrl.u32 s1, $0x2  }
0xc8: {  	s4 =	sand.u32 $0x4000, s31;
	s1 =	sadd.s32 s1, s30  }
0xc9: {  	s0 =	sor.u32 s4, s0;
	s1 =	sshll.u32 s1, $0x11  }
0xca: {  	s0 =	sor.u32 s1, s0  }
0xcb: {  	s0 =	sadd.s32 $0x8F2B, s0  }
0xcc: {  	[sflag:s0] =	ssyncadd.remote.s32 $0x1  }
0xcd: {  	_ =	sfence.sel $0xFFFF  }
0xce: {  	[dreg:$0x0] =	wrdreg $0xFFFFFFFF;
	(pc) =	sbr.abs _section_cstart, $3  }
0xcf: {  	[dreg:$0x1] =	wrdreg $0xFFFFFFFF  }
0xd0: {  	_ =	task.clear_ibuf [dreg:s22], $0x2FFFF;
	_ =	strace $0x9FFFFFFF  }
0xd1: {  	(tm) =	ssettm $0x7FFFFFFF  }
tec
execute0_lowered:
.L_overlay_start_1:
0x0: {  	(tag) =	ssettag $0x1  }
0x1: {  	s2 =	rddreg [dreg:$0x0]  }
0x2: {  	s1 =	srdreg.scid;
	s0 =	stileid.u32  }
0x3: {  	s4 =	rddreg [dreg:$0x1];
	s3 =	simm.s32 $0x0;
	s15 =	simm.s32 $0x4100  }
0x4: {  	s16 =	simm.s32 $0x1;
	s17 =	simm.s32 $0x2;
	s18 =	simm.s32 $0x0  }
0x5: {  	s9 =	sand.u32 $0x1, s1;
	s1 =	rddreg [dreg:$0x2];
	s12 =	smul.u32 $0x1400, s0  }
0x6: {  	s5 =	sshll.u32 s0, $0x1;
	[smem:$0x7FF] =	sst s3;
	s14 =	smul.u32 $0x14000, s0  }
0x7: {  	s11 =	sadd.s32 $0x6E00, s4;
	s5 =	sor.u32 s9, s5;
	s13 =	smul.u32 $0xA00, s9  }
0x8: {  	s10 =	sadd.s32 $0x20800, s4;
	s6 =	ssub.s32 $0x2, s9;
	s7 =	smul.u32 $0xA00, s5  }
0x9: {  	_ =	strace $0x80000053;
	s9 =	smul.u32 $0xA000, s9;
	s28 =	sshrl.u32 s6, $0x1  }
0xa: {  	s5 =	ssub.s32 s6, s28;
	s12 =	sadd.s32 s13, s12;
	s29 =	sshrl.u32 s7, $0x3  }
0xb: {  	s5 =	smax.u32 s5, $0x1;
	s8 =	sadd.s32 $0x980, s7;
	s7 =	sshll.u32 s7, $0x4  }
0xc: {  	s13 =	sor.u32 $0x80, s12;
	s12 =	sor.u32 $0x100, s12;
	s4 =	sadd.s32 s11, s29  }
0xd: {  	s30 =	sshrl.u32 s8, $0x3;
	s7 =	sadd.s32 s10, s7;
	s8 =	sshll.u32 s8, $0x4  }
0xe: {  	s31 =	sshrl.u32 s13, $0x3;
	s12 =	sshrl.u32 s12, $0x3;
	s13 =	simm.s32 $0x80  }
0xf: {  	s6 =	sadd.s32 s11, s30;
	s8 =	sadd.s32 s10, s8;
	s10 =	sadd.s32 s14, s10  }
0x10: {  	s7 =	sadd.s32 $0x9000, s7;
	s14 =	simm.s32 $0x100;
	s9 =	sadd.s32 s9, s10  }
0x11: {  	s10 =	sadd.s32 s31, s11;
	s11 =	sadd.s32 s12, s11;
	s12 =	simm.s32 $0x3  }
.LBB2_1:
0x12: {  	[tilespmem:s3], [sflag:$0x3] =	stream.linear.gather [hbm4b:s4+s3], $0x80, $0x38;
	[tilespmem:$0x8100] =	vst v63  }
0x13: {  	_ =	swait.ge [sflag:s12], $0x80  }
0x14: {  	[sflag:s12] =	ssyncset.done $0x0  }
0x15: {  	[sflag:s12] =	ssyncadd.s32 $0xFFFFFF80  }
0x16: {  	[tilespmem:s14], [sflag:$0x1] =	stream.indirect.gather [hbm4b:s2+s13], $0x80, s3, s13, $0xb8;
	[tilespmem:$0x8100] =	vst v63  }
0x17: {  	s19 =	sadd.s32 $0x0, s10  }
0x18: {  	[tilespmem:s13], [sflag:$0x3] =	stream.linear.gather [hbm4b:s19+s3], $0x80, $0x38;
	[tilespmem:$0x8100] =	vst v63  }
0x19: {  	_ =	swait.ge [sflag:s12], $0x80  }
0x1a: {  	[sflag:s12] =	ssyncset.done $0x0  }
0x1b: {  	[sflag:s12] =	ssyncadd.s32 $0xFFFFFF80  }
0x1c: {  	[tilespmem:s15], [sflag:$0x2] =	stream.indirect.gather [hbm4b:s2+s13], $0x80, s13, s13, $0xb8;
	[tilespmem:$0x8100] =	vst v63  }
0x1d: {  	_ =	swait.ge [sflag:s16], $0x4000  }
0x1e: {  	[sflag:s16] =	ssyncset.done $0x0  }
0x1f: {  	[sflag:s16] =	ssyncadd.s32 $0xFFFFC000  }
0x20: {  	[hbm4b:s9+s3] =	stream.linear.scatter [tilespmem:s14], [sflag:$0x3], $0x4000, $0x38;
	[tilespmem:$0x8100] =	vst v63  }
0x21: {  	_ =	swait.ge [sflag:s12], $0x4000  }
0x22: {  	[sflag:s12] =	ssyncset.done $0x0  }
0x23: {  	s30 =	sadd.s32 $0x0, s11;
	[sflag:s12] =	ssyncadd.s32 $0xFFFFC000  }
0x24: {  	[tilespmem:s3], [sflag:$0x3] =	stream.linear.gather [hbm4b:s30+s3], $0x80, $0x38;
	[tilespmem:$0x8100] =	vst v63  }
0x25: {  	_ =	swait.ge [sflag:s12], $0x80  }
0x26: {  	[sflag:s12] =	ssyncset.done $0x0  }
0x27: {  	[sflag:s12] =	ssyncadd.s32 $0xFFFFFF80  }
0x28: {  	[tilespmem:s14], [sflag:$0x1] =	stream.indirect.gather [hbm4b:s2+s13], $0x80, s3, s13, $0xb8;
	[tilespmem:$0x8100] =	vst v63  }
0x29: {  	_ =	swait.ge [sflag:s17], $0x4000  }
0x2a: {  	[sflag:s17] =	ssyncset.done $0x0  }
0x2b: {  	s31 =	sadd.s32 $0x800, s9;
	[sflag:s17] =	ssyncadd.s32 $0xFFFFC000  }
0x2c: {  	[hbm4b:s31+s3] =	stream.linear.scatter [tilespmem:s15], [sflag:$0x3], $0x4000, $0x38;
	[tilespmem:$0x8100] =	vst v63  }
0x2d: {  	s20 =	simm.s32 $0x20;
	_ =	swait.ge [sflag:s12], $0x4000  }
0x2e: {  	s21 =	simm.s32 $0x40;
	s19 =	sadd.s32 $0x1000, s9;
	[sflag:s12] =	ssyncset.done $0x0  }
.LBB2_2:
0x2f: {  	s22 =	sadd.s32 s20, s10  }
0x30: {  	[sflag:s12] =	ssyncadd.s32 $0xFFFFC000;
	s23 =	smov.u32 s21;
	s24 =	sadd.s32 $0x20, s21  }
0x31: {  	[tilespmem:s13], [sflag:$0x3] =	stream.linear.gather [hbm4b:s22+s3], $0x80, $0x38;
	[tilespmem:$0x8100] =	vst v63  }
0x32: {  	p0 =	sne.s32 s21, $0x100;
	_ =	swait.ge [sflag:s12], $0x80  }
0x33: {  	[sflag:s12] =	ssyncset.done $0x0  }
0x34: {  	[sflag:s12] =	ssyncadd.s32 $0xFFFFFF80  }
0x35: {  	[tilespmem:s15], [sflag:$0x2] =	stream.indirect.gather [hbm4b:s2+s13], $0x80, s13, s13, $0xb8;
	[tilespmem:$0x8100] =	vst v63  }
0x36: {  	_ =	swait.ge [sflag:s16], $0x4000  }
0x37: {  	[sflag:s16] =	ssyncset.done $0x0  }
0x38: {  	[sflag:s16] =	ssyncadd.s32 $0xFFFFC000  }
0x39: {  	[hbm4b:s19+s3] =	stream.linear.scatter [tilespmem:s14], [sflag:$0x3], $0x4000, $0x38;
	[tilespmem:$0x8100] =	vst v63  }
0x3a: {  	_ =	swait.ge [sflag:s12], $0x4000  }
0x3b: {  	[sflag:s12] =	ssyncset.done $0x0  }
0x3c: {  	s21 =	sadd.s32 s20, s11;
	s20 =	smov.u32 s23;
	[sflag:s12] =	ssyncadd.s32 $0xFFFFC000  }
0x3d: {  	[tilespmem:s3], [sflag:$0x3] =	stream.linear.gather [hbm4b:s21+s3], $0x80, $0x38;
	[tilespmem:$0x8100] =	vst v63  }
0x3e: {  	_ =	swait.ge [sflag:s12], $0x80  }
0x3f: {  	[sflag:s12] =	ssyncset.done $0x0  }
0x40: {  	[sflag:s12] =	ssyncadd.s32 $0xFFFFFF80  }
0x41: {  	[tilespmem:s14], [sflag:$0x1] =	stream.indirect.gather [hbm4b:s2+s13], $0x80, s3, s13, $0xb8;
	[tilespmem:$0x8100] =	vst v63  }
0x42: {  	_ =	swait.ge [sflag:s17], $0x4000  }
.Ltmp0:
0x43: {  	[sflag:s17] =	ssyncset.done $0x0;
	(pc) =	sbr.rel @p0 .LBB2_2-.Ltmp0, $4  }
0x44: {  	s21 =	sadd.s32 $0x800, s19;
	[sflag:s17] =	ssyncadd.s32 $0xFFFFC000  }
0x45: {  	[hbm4b:s21+s3] =	stream.linear.scatter [tilespmem:s15], [sflag:$0x3], $0x4000, $0x38;
	[tilespmem:$0x8100] =	vst v63  }
0x46: {  	_ =	swait.ge [sflag:s12], $0x4000  }
0x47: {  	s19 =	sadd.s32 $0x1000, s19;
	s21 =	smov.u32 s24;
	[sflag:s12] =	ssyncset.done $0x0  }
0x48: {  	s21 =	sadd.s32 s20, s10;
	[sflag:s12] =	ssyncadd.s32 $0xFFFFC000  }
0x49: {  	[tilespmem:s13], [sflag:$0x3] =	stream.linear.gather [hbm4b:s21+s3], $0x80, $0x38;
	[tilespmem:$0x8100] =	vst v63  }
0x4a: {  	_ =	swait.ge [sflag:s12], $0x80  }
0x4b: {  	[sflag:s12] =	ssyncset.done $0x0  }
0x4c: {  	[sflag:s12] =	ssyncadd.s32 $0xFFFFFF80  }
0x4d: {  	[tilespmem:s15], [sflag:$0x2] =	stream.indirect.gather [hbm4b:s2+s13], $0x80, s13, s13, $0xb8;
	[tilespmem:$0x8100] =	vst v63  }
0x4e: {  	_ =	swait.ge [sflag:s16], $0x4000  }
0x4f: {  	[sflag:s16] =	ssyncset.done $0x0  }
0x50: {  	[sflag:s16] =	ssyncadd.s32 $0xFFFFC000  }
0x51: {  	[hbm4b:s19+s3] =	stream.linear.scatter [tilespmem:s14], [sflag:$0x3], $0x4000, $0x38;
	[tilespmem:$0x8100] =	vst v63  }
0x52: {  	_ =	swait.ge [sflag:s12], $0x4000  }
0x53: {  	[sflag:s12] =	ssyncset.done $0x0  }
0x54: {  	s30 =	sadd.s32 s20, s11;
	[sflag:s12] =	ssyncadd.s32 $0xFFFFC000  }
0x55: {  	[tilespmem:s3], [sflag:$0x3] =	stream.linear.gather [hbm4b:s30+s3], $0x80, $0x38;
	[tilespmem:$0x8100] =	vst v63  }
0x56: {  	_ =	swait.ge [sflag:s12], $0x80  }
0x57: {  	[sflag:s12] =	ssyncset.done $0x0  }
0x58: {  	[sflag:s12] =	ssyncadd.s32 $0xFFFFFF80  }
0x59: {  	[tilespmem:s14], [sflag:$0x1] =	stream.indirect.gather [hbm4b:s2+s13], $0x80, s3, s13, $0xb8;
	[tilespmem:$0x8100] =	vst v63  }
0x5a: {  	_ =	swait.ge [sflag:s17], $0x4000  }
0x5b: {  	[sflag:s17] =	ssyncset.done $0x0  }
0x5c: {  	s31 =	sadd.s32 $0x800, s19;
	[sflag:s17] =	ssyncadd.s32 $0xFFFFC000  }
0x5d: {  	[hbm4b:s31+s3] =	stream.linear.scatter [tilespmem:s15], [sflag:$0x3], $0x4000, $0x38;
	[tilespmem:$0x8100] =	vst v63  }
0x5e: {  	_ =	swait.ge [sflag:s12], $0x4000  }
0x5f: {  	[sflag:s12] =	ssyncset.done $0x0  }
0x60: {  	[sflag:s12] =	ssyncadd.s32 $0xFFFFC000  }
0x61: {  	[tilespmem:s13], [sflag:$0x3] =	stream.linear.gather [hbm4b:s6+s3], $0x80, $0x38;
	[tilespmem:$0x8100] =	vst v63  }
0x62: {  	_ =	swait.ge [sflag:s12], $0x80  }
0x63: {  	[sflag:s12] =	ssyncset.done $0x0  }
0x64: {  	[sflag:s12] =	ssyncadd.s32 $0xFFFFFF80  }
0x65: {  	[tilespmem:s15], [sflag:$0x2] =	stream.indirect.gather [hbm4b:s2+s13], $0x80, s13, s13, $0xb8;
	[tilespmem:$0x8100] =	vst v63  }
0x66: {  	_ =	swait.ge [sflag:s16], $0x4000  }
0x67: {  	[sflag:s16] =	ssyncset.done $0x0  }
0x68: {  	[sflag:s16] =	ssyncadd.s32 $0xFFFFC000  }
0x69: {  	[hbm4b:s7+s3] =	stream.linear.scatter [tilespmem:s14], [sflag:$0x3], $0x4000, $0x38;
	[tilespmem:$0x8100] =	vst v63  }
0x6a: {  	_ =	swait.ge [sflag:s12], $0x4000  }
0x6b: {  	[sflag:s12] =	ssyncset.done $0x0  }
0x6c: {  	[sflag:s12] =	ssyncadd.s32 $0xFFFFC000  }
0x6d: {  	s18 =	sadd.s32 $0x1, s18;
	_ =	swait.ge [sflag:s17], $0x4000  }
0x6e: {  	p0 =	sne.s32 s18, s5;
	[sflag:s17] =	ssyncset.done $0x0  }
.Ltmp1:
0x6f: {  	[sflag:s17] =	ssyncadd.s32 $0xFFFFC000;
	(pc) =	sbr.rel @p0 .LBB2_1-.Ltmp1, $4  }
0x70: {  	[hbm4b:s8+s3] =	stream.linear.scatter [tilespmem:s15], [sflag:$0x3], $0x4000, $0x38;
	[tilespmem:$0x8100] =	vst v63  }
0x71: {  	_ =	swait.ge [sflag:s12], $0x4000  }
0x72: {  	[sflag:s12] =	ssyncset.done $0x0  }
0x73: {  	[sflag:s12] =	ssyncadd.s32 $0xFFFFC000  }
0x74: {  	_ =	sfence.sel $0x180000  }
0x75: {  	[bflag:$0x0] =	sbarrier.arrive $0xFFFF  }
0x76: {  	p0 =	sne.s32 s0, $0x0;
	_ =	strace $0x90000053  }
0x77: {  	s0 =	sadd.s32 @!p0 $0x100000, s1;
	[bflag:$0x2] =	sbarrier.arrive $0xFFFF  }
0x78: {  	[sflag:s0] =	ssyncadd.tile.s32 @!p0 $0x1;
	_ =	shalt  }
.Lfunc_end2:
_tile_overlayer_lowered:
.L_overlay_start_2:
0x79: {  	(tag) =	ssettag $0x2  }
0x7a: {  	s0 =	rddreg [dreg:$0x0];
	s2 =	stileid.u32  }
0x7b: {  	s1 =	rddreg [dreg:$0x1];
	p0 =	sne.s32 s2, $0x0  }
0x7c: {  	s3 =	rddreg [dreg:$0x2];
	[bflag:$0x3] =	sbarrier.arrive $0xFFFF;
	s2 =	simm.s32 @!p0 $0x1C03  }
0x7d: {  	[timem:s3], [sflag:s2] =	dma.local @!p0 [hbm:s0], s1  }
0x7e: {  	s0 =	simm.s32 @!p0 $0x3  }
0x7f: {  	_ =	swait.ge @!p0 [sflag:s0], s1  }
0x80: {  	s1 =	ssub.s32 @!p0 $0x0, s1;
	[sflag:s0] =	ssyncset.done @!p0 $0x0  }
0x81: {  	[sflag:s0] =	ssyncadd.s32 @!p0 s1  }
0x82: {  	[bflag:$0x3] =	sbarrier.arrive $0xFFFF  }
0x83: {  	_ =	shalt  }

// kernel: kernel.7.cloned.1.call-start
scs
__scs_entry_jumppad:
0x0: {  	(pc) =	sbr.rel $0x88, $3  }
0x1: {  	(tag) =	ssettag $0x0;
	lr =	simm.s32 $0x1  }
0x2: {  	[smem:$0x3F98] =	sst lr;
	_ =	strace $0xD0000000  }
0x3: {  	_ = 	snop  }
0x4: {  	_ = 	snop  }
0x5: {  	_ = 	snop  }
0x6: {  	_ = 	snop  }
0x7: {  	_ = 	snop  }
__scs_overlays_trampoline_lowered:
0x8: {  	[smem:$0x3FA7] =	sst s0  }
0x9: {  	[smem:$0x3FA8] =	sst s1  }
0xa: {  	[smem:$0x3FA9] =	sst s2  }
0xb: {  	[smem:$0x3FAA] =	sst s3  }
0xc: {  	[smem:$0x3FAB] =	sst s4  }
0xd: {  	[smem:$0x3FAC] =	sst s5  }
0xe: {  	[smem:$0x3FAD] =	sst s6  }
0xf: {  	[smem:$0x3FAE] =	sst s7  }
0x10: {  	[smem:$0x3FAF] =	sst s8  }
0x11: {  	[smem:$0x3FB0] =	sst s9;
	s0 =	simm.s32 @!p0 $0x0  }
0x12: {  	s1 =	sld [smem:$0x3F96];
	s0 =	simm.s32 @p0 $0x1  }
0x13: {  	[smem:$0x3FB1] =	sst s0;
	s0 =	simm.s32 @!p1 $0x0  }
0x14: {  	s2 =	sld [smem:$0x3F95];
	s0 =	simm.s32 @p1 $0x1  }
0x15: {  	[smem:$0x3FB2] =	sst s0;
	s0 =	simm.s32 @!p2 $0x0  }
0x16: {  	s3 =	sld [smem:$0x3FDB];
	s0 =	simm.s32 @p2 $0x1  }
0x17: {  	s4 =	simm.s32 $0x1BF5;
	[smem:$0x3FB4] =	sst s0  }
0x18: {  	s0 =	sld [smem:$0x3F97];
	_ =	swait.ge [sflag:s4], $0x0  }
0x19: {  	s7 =	sld [smem:$0x3F98]  }
0x1a: {  	s8 =	sadd.s32 $0xFFFFE003, lr  }
0x1b: {  	s9 =	sadd.s32 $0xFFFFFEF7, lr;
	s5 =	simm.s32 $0xFFFFFFFF;
	p2 =	slt.u32 s8, $0xFFFFF086  }
0x1c: {  	p1 =	slt.u32 s9, $0xF7A;
	s5 =	simm.s32 @!p2 $0x0  }
0x1d: {  	s5 =	simm.s32 @p1 $0x1;
	p0 =	seq.s32 s7, s2  }
0x1e: {  	s7 =	smul.u32 @!p0 $0xF7A, s2;
	p2 =	seq.s32 @!p0 s5, $0x0  }
0x1f: {  	s9 =	smul.u32 $0xF7A, s1;
	s8 =	simm.s32 @!p0 $0x1BF5;
	p2 =	por !p2, p0  }
0x20: {  	[sflag:s8] =	ssyncset.s32 @!p0 $0xFFFFF086;
	s6 =	sadd.s32 @!p0 s3, s7;
	s7 =	simm.s32 @!p0 $0x108  }
0x21: {  	s3 =	sadd.s32 s3, s9;
	s6 =	sadd.s32 @!p0 $0x88, s6;
	s7 =	simm.s32 @p2 $0x1082  }
0x22: {  	[simem:s7], [sflag:s8] =	dma.local @!p0 [hbm:s6], $0xF7A  }
0x23: {  	s9 =	sor.u32 $0xD0000000, s2;
	s6 =	simm.s32 $0x108;
	_ =	swait.ge @!p0 [sflag:s8], $0x0  }
0x24: {  	s3 =	sadd.s32 $0x88, s3;
	s6 =	simm.s32 @!p1 $0x1082;
	[sflag:s4] =	ssyncset.s32 $0xFFFFF086  }
0x25: {  	[simem:s6], [sflag:s4] =	dma.local [hbm:s3], $0xF7A  }
0x26: {  	[smem:$0x3F98] =	sst s1;
	(tag) =	ssettag s2;
	_ =	strace s9  }
0x27: {  	s1 =	sld [smem:$0x3FA8]  }
0x28: {  	s2 =	sld [smem:$0x3FA9]  }
0x29: {  	s4 =	sld [smem:$0x3FAB]  }
0x2a: {  	p0 =	seq.s32 s5, $0x0;
	s5 =	sld [smem:$0x3FAC]  }
0x2b: {  	s6 =	sld [smem:$0x3FAD]  }
0x2c: {  	s7 =	sld [smem:$0x3FAE]  }
0x2d: {  	s3 =	simm.s32 $0x108;
	s8 =	sld [smem:$0x3FAF]  }
0x2e: {  	s3 =	simm.s32 @!p0 $0x1082;
	s9 =	sld [smem:$0x3FB0]  }
0x2f: {  	lr =	sadd.s32 s0, s3;
	s0 =	sld [smem:$0x3FA7]  }
0x30: {  	s3 =	sld [smem:$0x3FAA]  }
0x31: {  	[smem:$0x3FB3] =	sst s10  }
0x32: {  	s10 =	sld [smem:$0x3FB1];
	_ =	sdelay $0x3  }
0x33: {  	p0 =	seq.s32 s10, $0x1;
	s10 =	sld [smem:$0x3FB3];
	_ =	sdelay $0x3  }
0x34: {  	[smem:$0x3FB3] =	sst s10  }
0x35: {  	s10 =	sld [smem:$0x3FB2];
	_ =	sdelay $0x3  }
0x36: {  	p1 =	seq.s32 s10, $0x1;
	s10 =	sld [smem:$0x3FB3];
	_ =	sdelay $0x3  }
0x37: {  	[smem:$0x3FB3] =	sst s10  }
0x38: {  	s10 =	sld [smem:$0x3FB4]  }
0x39: {  	_ = 	snop;
	(pc) =	sbr.ind lr, $3  }
0x3a: {  	_ = 	snop  }
0x3b: {  	_ = 	snop  }
0x3c: {  	p2 =	seq.s32 s10, $0x1;
	s10 =	sld [smem:$0x3FB3]  }
0x3d: {  	_ =	shalt  }
0x3e: {  	_ =	shalt  }
0x3f: {  	_ =	shalt  }
0x40: {  	_ =	shalt  }
0x41: {  	_ =	shalt  }
0x42: {  	_ =	shalt  }
0x43: {  	_ =	shalt  }
0x44: {  	_ =	shalt  }
0x45: {  	_ =	shalt  }
0x46: {  	_ =	shalt  }
0x47: {  	_ =	shalt  }
0x48: {  	_ =	shalt  }
0x49: {  	_ =	shalt  }
0x4a: {  	_ =	shalt  }
0x4b: {  	_ =	shalt  }
0x4c: {  	_ =	shalt  }
0x4d: {  	_ =	shalt  }
0x4e: {  	_ =	shalt  }
0x4f: {  	_ =	shalt  }
0x50: {  	_ =	shalt  }
0x51: {  	_ =	shalt  }
0x52: {  	_ =	shalt  }
0x53: {  	_ =	shalt  }
0x54: {  	_ =	shalt  }
0x55: {  	_ =	shalt  }
0x56: {  	_ =	shalt  }
0x57: {  	_ =	shalt  }
0x58: {  	_ =	shalt  }
0x59: {  	_ =	shalt  }
0x5a: {  	_ =	shalt  }
0x5b: {  	_ =	shalt  }
0x5c: {  	_ =	shalt  }
0x5d: {  	_ =	shalt  }
0x5e: {  	_ =	shalt  }
0x5f: {  	_ =	shalt  }
0x60: {  	_ =	shalt  }
0x61: {  	_ =	shalt  }
0x62: {  	_ =	shalt  }
0x63: {  	_ =	shalt  }
0x64: {  	_ =	shalt  }
0x65: {  	_ =	shalt  }
0x66: {  	_ =	shalt  }
0x67: {  	_ =	shalt  }
0x68: {  	_ =	shalt  }
0x69: {  	_ =	shalt  }
0x6a: {  	_ =	shalt  }
0x6b: {  	_ =	shalt  }
0x6c: {  	_ =	shalt  }
0x6d: {  	_ =	shalt  }
0x6e: {  	_ =	shalt  }
0x6f: {  	_ =	shalt  }
0x70: {  	_ =	shalt  }
0x71: {  	_ =	shalt  }
0x72: {  	_ =	shalt  }
0x73: {  	_ =	shalt  }
0x74: {  	_ =	shalt  }
0x75: {  	_ =	shalt  }
0x76: {  	_ =	shalt  }
0x77: {  	_ =	shalt  }
0x78: {  	_ =	shalt  }
0x79: {  	_ =	shalt  }
0x7a: {  	_ =	shalt  }
0x7b: {  	_ =	shalt  }
0x7c: {  	_ =	shalt  }
0x7d: {  	_ =	shalt  }
0x7e: {  	_ =	shalt  }
0x7f: {  	_ =	shalt  }
0x80: {  	_ =	shalt  }
0x81: {  	_ =	shalt  }
0x82: {  	_ =	shalt  }
0x83: {  	_ =	shalt  }
0x84: {  	_ =	shalt  }
0x85: {  	_ =	shalt  }
0x86: {  	_ =	shalt  }
0x87: {  	_ =	shalt  }
.Lfunc_end0:
.L_simem_size_0:
called_computation.8_lowered:
.L_overlay_start_0:
0x88: {  	s2 =	sld [smem:$0x3FD9]  }
0x89: {  	s3 =	sld [smem:$0x3FFE];
	_ =	sdelay $0x1  }
0x8a: {  	s1 =	srdreg.scid  }
0x8b: {  	s0 =	sand.u32 $0x1, s1  }
0x8c: {  	s17 =	sshll.u32 s0, $0xA;
	s2 =	sadd.s32 s3, s2  }
0x8d: {  	s2 =	sadd.s32 s2, s17  }
0x8e: {  	[smem:$0x3FBF] =	sst s2  }
0x8f: {  	_ = 	snop  }
0x90: {  	s18 =	sld [smem:$0x3FC9];
	(tm) =	ssettm $0x1  }
0x91: {  	s19 =	sld [smem:$0x3FFB];
	_ =	sdelay $0x3  }
0x92: {  	_ =	strace s19  }
0x93: {  	s2 =	sld [smem:$0x3FFC];
	_ =	sdelay $0x3  }
0x94: {  	_ =	strace s2  }
0x95: {  	s2 =	sld [smem:$0x3FFD];
	_ =	sdelay $0x3  }
0x96: {  	_ =	strace s2  }
0x97: {  	_ =	strace $0x8FFFFFFF  }
0x98: {  	s20 =	sld [smem:$0x3FDB];
	_ =	sdelay $0x1  }
0x99: {  	s4 =	simm.s32 $_scs_section_size  }
0x9a: {  	s5 =	simm.s32 $_size__tile_overlayer_lowered;
	s6 =	simm.s32 $_tile_overlayer_lowered  }
0x9b: {  	s7 =	simm.s32 $0x1BFF;
	s21 =	sshll.u32 s6, $0x1;
	s4 =	sadd.s32 s4, s20  }
0x9c: {  	s22 =	simm.s32 $0x0;
	s5 =	sshll.u32 s5, $0x1;
	s6 =	sadd.s32 s21, s4  }
0x9d: {  	[timem:s22], [sflag:s7] =	dma.local [hbm:s6], s5  }
0x9e: {  	_ =	swait.ge [sflag:s7], s5  }
0x9f: {  	s5 =	ssub.s32 $0x0, s5;
	[sflag:s7] =	ssyncset.done $0x0  }
0xa0: {  	[sflag:s7] =	ssyncadd.s32 s5;
	_ =	sdelay $0x1  }
0xa1: {  	s23 =	simm.s32 $0x1B8B  }
0xa2: {  	_ =	swait.ge [sflag:s23], $0x1  }
0xa3: {  	[sflag:s23] =	ssyncset.done $0x0  }
0xa4: {  	[sflag:s23] =	ssyncadd.s32 $0xFFFFFFFF  }
0xa5: {  	s5 =	sld [smem:$0x0]  }
0xa6: {  	s6 =	sand.u32 $0xFFFFFFFE, s1  }
0xa7: {  	p0 =	sne.s32 s1, s6  }
0xa8: {  	s6 =	sshll.u32 @p0 s6, $0xE  }
0xa9: {  	s6 =	sadd.s32 @p0 $0x11B8D, s6;
	s7 =	sshll.u32 @p0 s5, $0x11  }
0xaa: {  	s6 =	sor.u32 @p0 s7, s6  }
0xab: {  	[sflag:s6] =	ssyncadd.remote.s32 @p0 $0x1;
	_ =	sdelay $0x1  }
0xac: {  	s6 =	simm.s32 @p0 $0x1B8D  }
0xad: {  	_ =	swait.eq @p0 [sflag:s6], $0x1  }
0xae: {  	[sflag:s6] =	ssyncadd.s32 @p0 $0xFFFFFFFF  }
0xaf: {  	s7 =	sshll.u32 @!p0 s1, $0xE  }
0xb0: {  	s7 =	sor.u32 @!p0 $0x4000, s7;
	s6 =	simm.s32 @!p0 $0x1B8D  }
0xb1: {  	s5 =	sshll.u32 @!p0 s5, $0x11;
	s7 =	sadd.s32 @!p0 $0x11B8D, s7;
	_ =	swait.eq @!p0 [sflag:s6], $0x1  }
0xb2: {  	s5 =	sor.u32 @!p0 s5, s7;
	[sflag:s6] =	ssyncadd.s32 @!p0 $0xFFFFFFFF  }
0xb3: {  	s25 =	simm.s32 $0x1B8E;
	s24 =	sld [smem:$0x3FFE];
	[sflag:s5] =	ssyncadd.remote.s32 @!p0 $0x1  }
0xb4: {  	s26 =	simm.s32 $execute0_lowered;
	[smem:$0x3FD2] =	sst s25  }
0xb5: {  	s6 =	sshll.u32 s26, $0x1;
	_ =	strace $0x80000055;
	[dreg:$0x1] =	wrdreg $0xFFFFFFFF  }
0xb6: {  	s28 =	simm.s32 $_size_execute0_lowered;
	s4 =	sadd.s32 s4, s6;
	[dreg:$0x0] =	wrdreg $0x0  }
0xb7: {  	s6 =	sshll.u32 s28, $0x1;
	[dreg:$0x2] =	wrdreg s4  }
0xb8: {  	[dreg:$0x3] =	wrdreg s6  }
0xb9: {  	[dreg:$0x4] =	wrdreg $0xC0  }
0xba: {  	_ =	task [dreg:s22], $0x5FFFF  }
0xbb: {  	[dreg:$0x1] =	wrdreg $0xFFFFFFFF  }
0xbc: {  	[dreg:$0x0] =	wrdreg $0x60  }
0xbd: {  	[dreg:$0x2] =	wrdreg s18  }
0xbe: {  	[dreg:$0x3] =	wrdreg s24  }
0xbf: {  	[dreg:$0x4] =	wrdreg $0x9  }
0xc0: {  	_ =	task.clear_ibuf [dreg:s22], $0x5FFFF;
	_ =	strace $0x90000055  }
0xc1: {  	s29 =	simm.s32 $0x9;
	_ =	strace $0x80000057  }
0xc2: {  	_ =	swait.ge [sflag:s29], $0x1  }
0xc3: {  	[sflag:s29] =	ssyncadd.s32 $0xFFFFFFFF  }
0xc4: {  	_ =	strace $0x90000057  }
0xc5: {  	_ =	sfence  }
0xc6: {  	s30 =	sld [smem:$0x0];
	_ =	sdelay $0x2  }
0xc7: {  	s31 =	sshll.u32 s1, $0xD;
	s1 =	sshrl.u32 s1, $0x2  }
0xc8: {  	s4 =	sand.u32 $0x4000, s31;
	s1 =	sadd.s32 s1, s30  }
0xc9: {  	s0 =	sor.u32 s4, s0;
	s1 =	sshll.u32 s1, $0x11  }
0xca: {  	s0 =	sor.u32 s1, s0  }
0xcb: {  	s0 =	sadd.s32 $0x8F2B, s0  }
0xcc: {  	[sflag:s0] =	ssyncadd.remote.s32 $0x1  }
0xcd: {  	_ =	sfence.sel $0xFFFF  }
0xce: {  	[dreg:$0x0] =	wrdreg $0xFFFFFFFF;
	(pc) =	sbr.abs _section_cstart, $3  }
0xcf: {  	[dreg:$0x1] =	wrdreg $0xFFFFFFFF  }
0xd0: {  	_ =	task.clear_ibuf [dreg:s22], $0x2FFFF;
	_ =	strace $0x9FFFFFFF  }
0xd1: {  	(tm) =	ssettm $0x7FFFFFFF  }
tec
execute0_lowered:
.L_overlay_start_1:
0x0: {  	(tag) =	ssettag $0x1  }
0x1: {  	s2 =	rddreg [dreg:$0x0]  }
0x2: {  	s1 =	srdreg.scid;
	s0 =	stileid.u32  }
0x3: {  	s4 =	rddreg [dreg:$0x1];
	s3 =	simm.s32 $0x0;
	s15 =	simm.s32 $0x4100  }
0x4: {  	s16 =	simm.s32 $0x1;
	s17 =	simm.s32 $0x2;
	s18 =	simm.s32 $0x0  }
0x5: {  	s9 =	sand.u32 $0x1, s1;
	s1 =	rddreg [dreg:$0x2];
	s12 =	smul.u32 $0x1400, s0  }
0x6: {  	s5 =	sshll.u32 s0, $0x1;
	[smem:$0x7FF] =	sst s3;
	s14 =	smul.u32 $0x14000, s0  }
0x7: {  	s11 =	sadd.s32 $0x9600, s4;
	s5 =	sor.u32 s9, s5;
	s13 =	smul.u32 $0xA00, s9  }
0x8: {  	s10 =	sadd.s32 $0x160800, s4;
	s6 =	ssub.s32 $0x2, s9;
	s7 =	smul.u32 $0xA00, s5  }
0x9: {  	_ =	strace $0x80000056;
	s9 =	smul.u32 $0xA000, s9;
	s28 =	sshrl.u32 s6, $0x1  }
0xa: {  	s5 =	ssub.s32 s6, s28;
	s12 =	sadd.s32 s13, s12;
	s29 =	sshrl.u32 s7, $0x3  }
0xb: {  	s5 =	smax.u32 s5, $0x1;
	s8 =	sadd.s32 $0x980, s7;
	s7 =	sshll.u32 s7, $0x4  }
0xc: {  	s13 =	sor.u32 $0x80, s12;
	s12 =	sor.u32 $0x100, s12;
	s4 =	sadd.s32 s11, s29  }
0xd: {  	s30 =	sshrl.u32 s8, $0x3;
	s7 =	sadd.s32 s10, s7;
	s8 =	sshll.u32 s8, $0x4  }
0xe: {  	s31 =	sshrl.u32 s13, $0x3;
	s12 =	sshrl.u32 s12, $0x3;
	s13 =	simm.s32 $0x80  }
0xf: {  	s6 =	sadd.s32 s11, s30;
	s8 =	sadd.s32 s10, s8;
	s10 =	sadd.s32 s14, s10  }
0x10: {  	s7 =	sadd.s32 $0x9000, s7;
	s14 =	simm.s32 $0x100;
	s9 =	sadd.s32 s9, s10  }
0x11: {  	s10 =	sadd.s32 s31, s11;
	s11 =	sadd.s32 s12, s11;
	s12 =	simm.s32 $0x3  }
.LBB2_1:
0x12: {  	[tilespmem:s3], [sflag:$0x3] =	stream.linear.gather [hbm4b:s4+s3], $0x80, $0x38;
	[tilespmem:$0x8100] =	vst v63  }
0x13: {  	_ =	swait.ge [sflag:s12], $0x80  }
0x14: {  	[sflag:s12] =	ssyncset.done $0x0  }
0x15: {  	[sflag:s12] =	ssyncadd.s32 $0xFFFFFF80  }
0x16: {  	[tilespmem:s14], [sflag:$0x1] =	stream.indirect.gather [hbm4b:s2+s13], $0x80, s3, s13, $0xb8;
	[tilespmem:$0x8100] =	vst v63  }
0x17: {  	s19 =	sadd.s32 $0x0, s10  }
0x18: {  	[tilespmem:s13], [sflag:$0x3] =	stream.linear.gather [hbm4b:s19+s3], $0x80, $0x38;
	[tilespmem:$0x8100] =	vst v63  }
0x19: {  	_ =	swait.ge [sflag:s12], $0x80  }
0x1a: {  	[sflag:s12] =	ssyncset.done $0x0  }
0x1b: {  	[sflag:s12] =	ssyncadd.s32 $0xFFFFFF80  }
0x1c: {  	[tilespmem:s15], [sflag:$0x2] =	stream.indirect.gather [hbm4b:s2+s13], $0x80, s13, s13, $0xb8;
	[tilespmem:$0x8100] =	vst v63  }
0x1d: {  	_ =	swait.ge [sflag:s16], $0x4000  }
0x1e: {  	[sflag:s16] =	ssyncset.done $0x0  }
0x1f: {  	[sflag:s16] =	ssyncadd.s32 $0xFFFFC000  }
0x20: {  	[hbm4b:s9+s3] =	stream.linear.scatter [tilespmem:s14], [sflag:$0x3], $0x4000, $0x38;
	[tilespmem:$0x8100] =	vst v63  }
0x21: {  	_ =	swait.ge [sflag:s12], $0x4000  }
0x22: {  	[sflag:s12] =	ssyncset.done $0x0  }
0x23: {  	s30 =	sadd.s32 $0x0, s11;
	[sflag:s12] =	ssyncadd.s32 $0xFFFFC000  }
0x24: {  	[tilespmem:s3], [sflag:$0x3] =	stream.linear.gather [hbm4b:s30+s3], $0x80, $0x38;
	[tilespmem:$0x8100] =	vst v63  }
0x25: {  	_ =	swait.ge [sflag:s12], $0x80  }
0x26: {  	[sflag:s12] =	ssyncset.done $0x0  }
0x27: {  	[sflag:s12] =	ssyncadd.s32 $0xFFFFFF80  }
0x28: {  	[tilespmem:s14], [sflag:$0x1] =	stream.indirect.gather [hbm4b:s2+s13], $0x80, s3, s13, $0xb8;
	[tilespmem:$0x8100] =	vst v63  }
0x29: {  	_ =	swait.ge [sflag:s17], $0x4000  }
0x2a: {  	[sflag:s17] =	ssyncset.done $0x0  }
0x2b: {  	s31 =	sadd.s32 $0x800, s9;
	[sflag:s17] =	ssyncadd.s32 $0xFFFFC000  }
0x2c: {  	[hbm4b:s31+s3] =	stream.linear.scatter [tilespmem:s15], [sflag:$0x3], $0x4000, $0x38;
	[tilespmem:$0x8100] =	vst v63  }
0x2d: {  	s20 =	simm.s32 $0x20;
	_ =	swait.ge [sflag:s12], $0x4000  }
0x2e: {  	s21 =	simm.s32 $0x40;
	s19 =	sadd.s32 $0x1000, s9;
	[sflag:s12] =	ssyncset.done $0x0  }
.LBB2_2:
0x2f: {  	s22 =	sadd.s32 s20, s10  }
0x30: {  	[sflag:s12] =	ssyncadd.s32 $0xFFFFC000;
	s23 =	smov.u32 s21;
	s24 =	sadd.s32 $0x20, s21  }
0x31: {  	[tilespmem:s13], [sflag:$0x3] =	stream.linear.gather [hbm4b:s22+s3], $0x80, $0x38;
	[tilespmem:$0x8100] =	vst v63  }
0x32: {  	p0 =	sne.s32 s21, $0x100;
	_ =	swait.ge [sflag:s12], $0x80  }
0x33: {  	[sflag:s12] =	ssyncset.done $0x0  }
0x34: {  	[sflag:s12] =	ssyncadd.s32 $0xFFFFFF80  }
0x35: {  	[tilespmem:s15], [sflag:$0x2] =	stream.indirect.gather [hbm4b:s2+s13], $0x80, s13, s13, $0xb8;
	[tilespmem:$0x8100] =	vst v63  }
0x36: {  	_ =	swait.ge [sflag:s16], $0x4000  }
0x37: {  	[sflag:s16] =	ssyncset.done $0x0  }
0x38: {  	[sflag:s16] =	ssyncadd.s32 $0xFFFFC000  }
0x39: {  	[hbm4b:s19+s3] =	stream.linear.scatter [tilespmem:s14], [sflag:$0x3], $0x4000, $0x38;
	[tilespmem:$0x8100] =	vst v63  }
0x3a: {  	_ =	swait.ge [sflag:s12], $0x4000  }
0x3b: {  	[sflag:s12] =	ssyncset.done $0x0  }
0x3c: {  	s21 =	sadd.s32 s20, s11;
	s20 =	smov.u32 s23;
	[sflag:s12] =	ssyncadd.s32 $0xFFFFC000  }
0x3d: {  	[tilespmem:s3], [sflag:$0x3] =	stream.linear.gather [hbm4b:s21+s3], $0x80, $0x38;
	[tilespmem:$0x8100] =	vst v63  }
0x3e: {  	_ =	swait.ge [sflag:s12], $0x80  }
0x3f: {  	[sflag:s12] =	ssyncset.done $0x0  }
0x40: {  	[sflag:s12] =	ssyncadd.s32 $0xFFFFFF80  }
0x41: {  	[tilespmem:s14], [sflag:$0x1] =	stream.indirect.gather [hbm4b:s2+s13], $0x80, s3, s13, $0xb8;
	[tilespmem:$0x8100] =	vst v63  }
0x42: {  	_ =	swait.ge [sflag:s17], $0x4000  }
.Ltmp0:
0x43: {  	[sflag:s17] =	ssyncset.done $0x0;
	(pc) =	sbr.rel @p0 .LBB2_2-.Ltmp0, $4  }
0x44: {  	s21 =	sadd.s32 $0x800, s19;
	[sflag:s17] =	ssyncadd.s32 $0xFFFFC000  }
0x45: {  	[hbm4b:s21+s3] =	stream.linear.scatter [tilespmem:s15], [sflag:$0x3], $0x4000, $0x38;
	[tilespmem:$0x8100] =	vst v63  }
0x46: {  	_ =	swait.ge [sflag:s12], $0x4000  }
0x47: {  	s19 =	sadd.s32 $0x1000, s19;
	s21 =	smov.u32 s24;
	[sflag:s12] =	ssyncset.done $0x0  }
0x48: {  	s21 =	sadd.s32 s20, s10;
	[sflag:s12] =	ssyncadd.s32 $0xFFFFC000  }
0x49: {  	[tilespmem:s13], [sflag:$0x3] =	stream.linear.gather [hbm4b:s21+s3], $0x80, $0x38;
	[tilespmem:$0x8100] =	vst v63  }
0x4a: {  	_ =	swait.ge [sflag:s12], $0x80  }
0x4b: {  	[sflag:s12] =	ssyncset.done $0x0  }
0x4c: {  	[sflag:s12] =	ssyncadd.s32 $0xFFFFFF80  }
0x4d: {  	[tilespmem:s15], [sflag:$0x2] =	stream.indirect.gather [hbm4b:s2+s13], $0x80, s13, s13, $0xb8;
	[tilespmem:$0x8100] =	vst v63  }
0x4e: {  	_ =	swait.ge [sflag:s16], $0x4000  }
0x4f: {  	[sflag:s16] =	ssyncset.done $0x0  }
0x50: {  	[sflag:s16] =	ssyncadd.s32 $0xFFFFC000  }
0x51: {  	[hbm4b:s19+s3] =	stream.linear.scatter [tilespmem:s14], [sflag:$0x3], $0x4000, $0x38;
	[tilespmem:$0x8100] =	vst v63  }
0x52: {  	_ =	swait.ge [sflag:s12], $0x4000  }
0x53: {  	[sflag:s12] =	ssyncset.done $0x0  }
0x54: {  	s30 =	sadd.s32 s20, s11;
	[sflag:s12] =	ssyncadd.s32 $0xFFFFC000  }
0x55: {  	[tilespmem:s3], [sflag:$0x3] =	stream.linear.gather [hbm4b:s30+s3], $0x80, $0x38;
	[tilespmem:$0x8100] =	vst v63  }
0x56: {  	_ =	swait.ge [sflag:s12], $0x80  }
0x57: {  	[sflag:s12] =	ssyncset.done $0x0  }
0x58: {  	[sflag:s12] =	ssyncadd.s32 $0xFFFFFF80  }
0x59: {  	[tilespmem:s14], [sflag:$0x1] =	stream.indirect.gather [hbm4b:s2+s13], $0x80, s3, s13, $0xb8;
	[tilespmem:$0x8100] =	vst v63  }
0x5a: {  	_ =	swait.ge [sflag:s17], $0x4000  }
0x5b: {  	[sflag:s17] =	ssyncset.done $0x0  }
0x5c: {  	s31 =	sadd.s32 $0x800, s19;
	[sflag:s17] =	ssyncadd.s32 $0xFFFFC000  }
0x5d: {  	[hbm4b:s31+s3] =	stream.linear.scatter [tilespmem:s15], [sflag:$0x3], $0x4000, $0x38;
	[tilespmem:$0x8100] =	vst v63  }
0x5e: {  	_ =	swait.ge [sflag:s12], $0x4000  }
0x5f: {  	[sflag:s12] =	ssyncset.done $0x0  }
0x60: {  	[sflag:s12] =	ssyncadd.s32 $0xFFFFC000  }
0x61: {  	[tilespmem:s13], [sflag:$0x3] =	stream.linear.gather [hbm4b:s6+s3], $0x80, $0x38;
	[tilespmem:$0x8100] =	vst v63  }
0x62: {  	_ =	swait.ge [sflag:s12], $0x80  }
0x63: {  	[sflag:s12] =	ssyncset.done $0x0  }
0x64: {  	[sflag:s12] =	ssyncadd.s32 $0xFFFFFF80  }
0x65: {  	[tilespmem:s15], [sflag:$0x2] =	stream.indirect.gather [hbm4b:s2+s13], $0x80, s13, s13, $0xb8;
	[tilespmem:$0x8100] =	vst v63  }
0x66: {  	_ =	swait.ge [sflag:s16], $0x4000  }
0x67: {  	[sflag:s16] =	ssyncset.done $0x0  }
0x68: {  	[sflag:s16] =	ssyncadd.s32 $0xFFFFC000  }
0x69: {  	[hbm4b:s7+s3] =	stream.linear.scatter [tilespmem:s14], [sflag:$0x3], $0x4000, $0x38;
	[tilespmem:$0x8100] =	vst v63  }
0x6a: {  	_ =	swait.ge [sflag:s12], $0x4000  }
0x6b: {  	[sflag:s12] =	ssyncset.done $0x0  }
0x6c: {  	[sflag:s12] =	ssyncadd.s32 $0xFFFFC000  }
0x6d: {  	s18 =	sadd.s32 $0x1, s18;
	_ =	swait.ge [sflag:s17], $0x4000  }
0x6e: {  	p0 =	sne.s32 s18, s5;
	[sflag:s17] =	ssyncset.done $0x0  }
.Ltmp1:
0x6f: {  	[sflag:s17] =	ssyncadd.s32 $0xFFFFC000;
	(pc) =	sbr.rel @p0 .LBB2_1-.Ltmp1, $4  }
0x70: {  	[hbm4b:s8+s3] =	stream.linear.scatter [tilespmem:s15], [sflag:$0x3], $0x4000, $0x38;
	[tilespmem:$0x8100] =	vst v63  }
0x71: {  	_ =	swait.ge [sflag:s12], $0x4000  }
0x72: {  	[sflag:s12] =	ssyncset.done $0x0  }
0x73: {  	[sflag:s12] =	ssyncadd.s32 $0xFFFFC000  }
0x74: {  	_ =	sfence.sel $0x180000  }
0x75: {  	[bflag:$0x0] =	sbarrier.arrive $0xFFFF  }
0x76: {  	p0 =	sne.s32 s0, $0x0;
	_ =	strace $0x90000056  }
0x77: {  	s0 =	sadd.s32 @!p0 $0x100000, s1;
	[bflag:$0x2] =	sbarrier.arrive $0xFFFF  }
0x78: {  	[sflag:s0] =	ssyncadd.tile.s32 @!p0 $0x1;
	_ =	shalt  }
.Lfunc_end2:
_tile_overlayer_lowered:
.L_overlay_start_2:
0x79: {  	(tag) =	ssettag $0x2  }
0x7a: {  	s0 =	rddreg [dreg:$0x0];
	s2 =	stileid.u32  }
0x7b: {  	s1 =	rddreg [dreg:$0x1];
	p0 =	sne.s32 s2, $0x0  }
0x7c: {  	s3 =	rddreg [dreg:$0x2];
	[bflag:$0x3] =	sbarrier.arrive $0xFFFF;
	s2 =	simm.s32 @!p0 $0x1C03  }
0x7d: {  	[timem:s3], [sflag:s2] =	dma.local @!p0 [hbm:s0], s1  }
0x7e: {  	s0 =	simm.s32 @!p0 $0x3  }
0x7f: {  	_ =	swait.ge @!p0 [sflag:s0], s1  }
0x80: {  	s1 =	ssub.s32 @!p0 $0x0, s1;
	[sflag:s0] =	ssyncset.done @!p0 $0x0  }
0x81: {  	[sflag:s0] =	ssyncadd.s32 @!p0 s1  }
0x82: {  	[bflag:$0x3] =	sbarrier.arrive $0xFFFF  }
0x83: {  	_ =	shalt  }

// kernel: scatter_offload_async_start
scs
__scs_entry_jumppad:
0x0: {  	(pc) =	sbr.rel $0x88, $3  }
0x1: {  	(tag) =	ssettag $0x0;
	lr =	simm.s32 $0x1  }
0x2: {  	[smem:$0x3F98] =	sst lr;
	_ =	strace $0xD0000000  }
0x3: {  	_ = 	snop  }
0x4: {  	_ = 	snop  }
0x5: {  	_ = 	snop  }
0x6: {  	_ = 	snop  }
0x7: {  	_ = 	snop  }
__scs_overlays_trampoline_lowered:
0x8: {  	[smem:$0x3FA7] =	sst s0  }
0x9: {  	[smem:$0x3FA8] =	sst s1  }
0xa: {  	[smem:$0x3FA9] =	sst s2  }
0xb: {  	[smem:$0x3FAA] =	sst s3  }
0xc: {  	[smem:$0x3FAB] =	sst s4  }
0xd: {  	[smem:$0x3FAC] =	sst s5  }
0xe: {  	[smem:$0x3FAD] =	sst s6  }
0xf: {  	[smem:$0x3FAE] =	sst s7  }
0x10: {  	[smem:$0x3FAF] =	sst s8  }
0x11: {  	[smem:$0x3FB0] =	sst s9;
	s0 =	simm.s32 @!p0 $0x0  }
0x12: {  	s1 =	sld [smem:$0x3F96];
	s0 =	simm.s32 @p0 $0x1  }
0x13: {  	[smem:$0x3FB1] =	sst s0;
	s0 =	simm.s32 @!p1 $0x0  }
0x14: {  	s2 =	sld [smem:$0x3F95];
	s0 =	simm.s32 @p1 $0x1  }
0x15: {  	[smem:$0x3FB2] =	sst s0;
	s0 =	simm.s32 @!p2 $0x0  }
0x16: {  	s3 =	sld [smem:$0x3FDB];
	s0 =	simm.s32 @p2 $0x1  }
0x17: {  	s4 =	simm.s32 $0x1BF5;
	[smem:$0x3FB4] =	sst s0  }
0x18: {  	s0 =	sld [smem:$0x3F97];
	_ =	swait.ge [sflag:s4], $0x0  }
0x19: {  	s7 =	sld [smem:$0x3F98]  }
0x1a: {  	s8 =	sadd.s32 $0xFFFFE003, lr  }
0x1b: {  	s9 =	sadd.s32 $0xFFFFFEF7, lr;
	s5 =	simm.s32 $0xFFFFFFFF;
	p2 =	slt.u32 s8, $0xFFFFF086  }
0x1c: {  	p1 =	slt.u32 s9, $0xF7A;
	s5 =	simm.s32 @!p2 $0x0  }
0x1d: {  	s5 =	simm.s32 @p1 $0x1;
	p0 =	seq.s32 s7, s2  }
0x1e: {  	s7 =	smul.u32 @!p0 $0xF7A, s2;
	p2 =	seq.s32 @!p0 s5, $0x0  }
0x1f: {  	s9 =	smul.u32 $0xF7A, s1;
	s8 =	simm.s32 @!p0 $0x1BF5;
	p2 =	por !p2, p0  }
0x20: {  	[sflag:s8] =	ssyncset.s32 @!p0 $0xFFFFF086;
	s6 =	sadd.s32 @!p0 s3, s7;
	s7 =	simm.s32 @!p0 $0x108  }
0x21: {  	s3 =	sadd.s32 s3, s9;
	s6 =	sadd.s32 @!p0 $0x88, s6;
	s7 =	simm.s32 @p2 $0x1082  }
0x22: {  	[simem:s7], [sflag:s8] =	dma.local @!p0 [hbm:s6], $0xF7A  }
0x23: {  	s9 =	sor.u32 $0xD0000000, s2;
	s6 =	simm.s32 $0x108;
	_ =	swait.ge @!p0 [sflag:s8], $0x0  }
0x24: {  	s3 =	sadd.s32 $0x88, s3;
	s6 =	simm.s32 @!p1 $0x1082;
	[sflag:s4] =	ssyncset.s32 $0xFFFFF086  }
0x25: {  	[simem:s6], [sflag:s4] =	dma.local [hbm:s3], $0xF7A  }
0x26: {  	[smem:$0x3F98] =	sst s1;
	(tag) =	ssettag s2;
	_ =	strace s9  }
0x27: {  	s1 =	sld [smem:$0x3FA8]  }
0x28: {  	s2 =	sld [smem:$0x3FA9]  }
0x29: {  	s4 =	sld [smem:$0x3FAB]  }
0x2a: {  	p0 =	seq.s32 s5, $0x0;
	s5 =	sld [smem:$0x3FAC]  }
0x2b: {  	s6 =	sld [smem:$0x3FAD]  }
0x2c: {  	s7 =	sld [smem:$0x3FAE]  }
0x2d: {  	s3 =	simm.s32 $0x108;
	s8 =	sld [smem:$0x3FAF]  }
0x2e: {  	s3 =	simm.s32 @!p0 $0x1082;
	s9 =	sld [smem:$0x3FB0]  }
0x2f: {  	lr =	sadd.s32 s0, s3;
	s0 =	sld [smem:$0x3FA7]  }
0x30: {  	s3 =	sld [smem:$0x3FAA]  }
0x31: {  	[smem:$0x3FB3] =	sst s10  }
0x32: {  	s10 =	sld [smem:$0x3FB1];
	_ =	sdelay $0x3  }
0x33: {  	p0 =	seq.s32 s10, $0x1;
	s10 =	sld [smem:$0x3FB3];
	_ =	sdelay $0x3  }
0x34: {  	[smem:$0x3FB3] =	sst s10  }
0x35: {  	s10 =	sld [smem:$0x3FB2];
	_ =	sdelay $0x3  }
0x36: {  	p1 =	seq.s32 s10, $0x1;
	s10 =	sld [smem:$0x3FB3];
	_ =	sdelay $0x3  }
0x37: {  	[smem:$0x3FB3] =	sst s10  }
0x38: {  	s10 =	sld [smem:$0x3FB4]  }
0x39: {  	_ = 	snop;
	(pc) =	sbr.ind lr, $3  }
0x3a: {  	_ = 	snop  }
0x3b: {  	_ = 	snop  }
0x3c: {  	p2 =	seq.s32 s10, $0x1;
	s10 =	sld [smem:$0x3FB3]  }
0x3d: {  	_ =	shalt  }
0x3e: {  	_ =	shalt  }
0x3f: {  	_ =	shalt  }
0x40: {  	_ =	shalt  }
0x41: {  	_ =	shalt  }
0x42: {  	_ =	shalt  }
0x43: {  	_ =	shalt  }
0x44: {  	_ =	shalt  }
0x45: {  	_ =	shalt  }
0x46: {  	_ =	shalt  }
0x47: {  	_ =	shalt  }
0x48: {  	_ =	shalt  }
0x49: {  	_ =	shalt  }
0x4a: {  	_ =	shalt  }
0x4b: {  	_ =	shalt  }
0x4c: {  	_ =	shalt  }
0x4d: {  	_ =	shalt  }
0x4e: {  	_ =	shalt  }
0x4f: {  	_ =	shalt  }
0x50: {  	_ =	shalt  }
0x51: {  	_ =	shalt  }
0x52: {  	_ =	shalt  }
0x53: {  	_ =	shalt  }
0x54: {  	_ =	shalt  }
0x55: {  	_ =	shalt  }
0x56: {  	_ =	shalt  }
0x57: {  	_ =	shalt  }
0x58: {  	_ =	shalt  }
0x59: {  	_ =	shalt  }
0x5a: {  	_ =	shalt  }
0x5b: {  	_ =	shalt  }
0x5c: {  	_ =	shalt  }
0x5d: {  	_ =	shalt  }
0x5e: {  	_ =	shalt  }
0x5f: {  	_ =	shalt  }
0x60: {  	_ =	shalt  }
0x61: {  	_ =	shalt  }
0x62: {  	_ =	shalt  }
0x63: {  	_ =	shalt  }
0x64: {  	_ =	shalt  }
0x65: {  	_ =	shalt  }
0x66: {  	_ =	shalt  }
0x67: {  	_ =	shalt  }
0x68: {  	_ =	shalt  }
0x69: {  	_ =	shalt  }
0x6a: {  	_ =	shalt  }
0x6b: {  	_ =	shalt  }
0x6c: {  	_ =	shalt  }
0x6d: {  	_ =	shalt  }
0x6e: {  	_ =	shalt  }
0x6f: {  	_ =	shalt  }
0x70: {  	_ =	shalt  }
0x71: {  	_ =	shalt  }
0x72: {  	_ =	shalt  }
0x73: {  	_ =	shalt  }
0x74: {  	_ =	shalt  }
0x75: {  	_ =	shalt  }
0x76: {  	_ =	shalt  }
0x77: {  	_ =	shalt  }
0x78: {  	_ =	shalt  }
0x79: {  	_ =	shalt  }
0x7a: {  	_ =	shalt  }
0x7b: {  	_ =	shalt  }
0x7c: {  	_ =	shalt  }
0x7d: {  	_ =	shalt  }
0x7e: {  	_ =	shalt  }
0x7f: {  	_ =	shalt  }
0x80: {  	_ =	shalt  }
0x81: {  	_ =	shalt  }
0x82: {  	_ =	shalt  }
0x83: {  	_ =	shalt  }
0x84: {  	_ =	shalt  }
0x85: {  	_ =	shalt  }
0x86: {  	_ =	shalt  }
0x87: {  	_ =	shalt  }
.Lfunc_end0:
.L_simem_size_0:
called_computation_lowered:
.L_overlay_start_0:
0x88: {  	s0 =	sld [smem:$0x3FD9]  }
0x89: {  	s1 =	sld [smem:$0x3FFE];
	_ =	sdelay $0x3  }
0x8a: {  	s0 =	sadd.s32 s1, s0  }
0x8b: {  	[smem:$0x3FBF] =	sst s0  }
0x8c: {  	_ = 	snop  }
0x8d: {  	s0 =	sld [smem:$0x3FD0];
	(tm) =	ssettm $0x1  }
0x8e: {  	s16 =	sld [smem:$0x3FFB];
	_ =	sdelay $0x3  }
0x8f: {  	_ =	strace s16  }
0x90: {  	s1 =	sld [smem:$0x3FFC];
	_ =	sdelay $0x3  }
0x91: {  	_ =	strace s1  }
0x92: {  	s1 =	sld [smem:$0x3FFD];
	_ =	sdelay $0x3  }
0x93: {  	_ =	strace s1  }
0x94: {  	_ =	strace $0x8FFFFFFF  }
0x95: {  	s17 =	sld [smem:$0x3FDB];
	_ =	sdelay $0x1  }
0x96: {  	s2 =	simm.s32 $_scs_section_size  }
0x97: {  	s3 =	simm.s32 $_size__tile_overlayer_lowered;
	s4 =	simm.s32 $_tile_overlayer_lowered  }
0x98: {  	s20 =	simm.s32 $0x1BFF;
	s19 =	sshll.u32 s4, $0x1;
	s1 =	sadd.s32 s2, s17  }
0x99: {  	s5 =	simm.s32 $0x0;
	s18 =	sshll.u32 s3, $0x1;
	s3 =	sadd.s32 s19, s1  }
0x9a: {  	[timem:s5], [sflag:s20] =	dma.local [hbm:s3], s18  }
0x9b: {  	_ =	swait.ge [sflag:s20], s18  }
0x9c: {  	s2 =	ssub.s32 $0x0, s18;
	[sflag:s20] =	ssyncset.done $0x0  }
0x9d: {  	[sflag:s20] =	ssyncadd.s32 s2;
	_ =	sdelay $0x1  }
0x9e: {  	s21 =	simm.s32 $0x1B8B  }
0x9f: {  	_ =	swait.ge [sflag:s21], $0x1  }
0xa0: {  	[sflag:s21] =	ssyncset.done $0x0  }
0xa1: {  	s23 =	simm.s32 $0x1B8E;
	s22 =	sld [smem:$0x3FFE];
	[sflag:s21] =	ssyncadd.s32 $0xFFFFFFFF  }
0xa2: {  	s24 =	simm.s32 $execute0_lowered;
	[smem:$0x3FD2] =	sst s23  }
0xa3: {  	s3 =	sshll.u32 s24, $0x1;
	_ =	strace $0x80000046;
	[dreg:$0x1] =	wrdreg $0xFFFFFFFF  }
0xa4: {  	s25 =	simm.s32 $_size_execute0_lowered;
	s1 =	sadd.s32 s1, s3;
	[dreg:$0x0] =	wrdreg $0x0  }
0xa5: {  	s3 =	sshll.u32 s25, $0x1;
	[dreg:$0x2] =	wrdreg s1  }
0xa6: {  	[dreg:$0x3] =	wrdreg s3  }
0xa7: {  	[dreg:$0x4] =	wrdreg $0xC0  }
0xa8: {  	_ =	task [dreg:s5], $0x5FFFF  }
0xa9: {  	[dreg:$0x1] =	wrdreg $0xFFFFFFFF  }
0xaa: {  	[dreg:$0x0] =	wrdreg $0x60  }
0xab: {  	[dreg:$0x2] =	wrdreg s22  }
0xac: {  	[dreg:$0x3] =	wrdreg s0  }
0xad: {  	[dreg:$0x4] =	wrdreg $0x9  }
0xae: {  	_ =	task.clear_ibuf [dreg:s5], $0x5FFFF;
	_ =	strace $0x90000046  }
0xaf: {  	s26 =	simm.s32 $0x9;
	_ =	strace $0x80000048  }
0xb0: {  	_ =	swait.ge [sflag:s26], $0x1  }
0xb1: {  	[sflag:s26] =	ssyncadd.s32 $0xFFFFFFFF  }
0xb2: {  	_ =	strace $0x90000048  }
0xb3: {  	_ =	sfence  }
0xb4: {  	s28 =	sld [smem:$0x0];
	_ =	sdelay $0x1  }
0xb5: {  	s29 =	srdreg.scid  }
0xb6: {  	s30 =	sshll.u32 s29, $0xD;
	s31 =	sshrl.u32 s29, $0x2  }
0xb7: {  	s2 =	sand.u32 $0x4000, s30;
	s1 =	sand.u32 $0x1, s29;
	s0 =	sadd.s32 s31, s28  }
0xb8: {  	s1 =	sor.u32 s2, s1;
	s0 =	sshll.u32 s0, $0x11  }
0xb9: {  	s0 =	sor.u32 s0, s1  }
0xba: {  	s0 =	sadd.s32 $0x8F2B, s0  }
0xbb: {  	[sflag:s0] =	ssyncadd.remote.s32 $0x1  }
0xbc: {  	_ =	sfence.sel $0xFFFF  }
0xbd: {  	[dreg:$0x0] =	wrdreg $0xFFFFFFFF;
	(pc) =	sbr.abs _section_cstart, $3  }
0xbe: {  	[dreg:$0x1] =	wrdreg $0xFFFFFFFF  }
0xbf: {  	_ =	task.clear_ibuf [dreg:s5], $0x2FFFF;
	_ =	strace $0x9FFFFFFF  }
0xc0: {  	(tm) =	ssettm $0x7FFFFFFF  }
0xc1: {  	_ =	shalt  }
tec
execute0_lowered:
.L_overlay_start_1:
0x0: {  	(tag) =	ssettag $0x1  }
0x1: {  	s7 =	rddreg [dreg:$0x0]  }
0x2: {  	s2 =	rddreg [dreg:$0x1]  }
0x3: {  	s0 =	rddreg [dreg:$0x2];
	_ =	strace $0x80000047  }
0x4: {  	s4 =	stileid.u32;
	s5 =	simm.s32 $0x3E;
	s1 =	sadd.s32 $0x1AA00, s7  }
0x5: {  	p0 =	sne.s32 s4, $0x0;
	[sflag:s5] =	ssyncpa.u1 $0x0;
	s29 =	smin.u32 s4, $0x8  }
0x6: {  	s30 =	sshll.u32 s4, $0x1;
	s3 =	simm.s32 @!p0 $0x1C3E;
	s6 =	simm.s32 @!p0 $0x0  }
0x7: {  	[spmem:s6], [sflag:s3] =	dma.local @!p0 [hbm:s1], $0x500  }
0x8: {  	s3 =	sadd.s32 s29, s30  }
0x9: {  	p1 =	slt.u32 s4, $0x8;
	s4 =	simm.s32 $0x5DC0;
	s3 =	smul.u32 $0x1F40, s3  }
0xa: {  	s4 =	simm.s32 @!p1 $0x3E80  }
0xb: {  	s4 =	sadd.s32 s4, s3  }
0xc: {  	s4 =	smin.u32 s4, $0x4E200  }
0xd: {  	s8 =	ssub.s32 s4, s3  }
0xe: {  	p1 =	sgt.s32 s8, $0x0  }
0xf: {  	s8 =	simm.s32 @!p1 $0x0  }
0x10: {  	s6 =	simm.s32 @!p0 $0x3E;
	s31 =	smulhi.u32 $0x10624DD3, s8  }
0x11: {  	_ =	swait.ge @!p0 [sflag:s6], $0x500  }
0x12: {  	[sflag:s6] =	ssyncset.done @!p0 $0x0;
	s9 =	sshrl.u32 s31, $0x9  }
0x13: {  	s11 =	simm.s32 $0x0;
	[sflag:s6] =	ssyncadd.s32 @!p0 $0xFFFFFB00;
	s10 =	smul.u32 $0x1F40, s9  }
.Ltmp0:
0x14: {  	s7 =	sadd.s32 $0x1B000, s7;
	[bflag:$0x0] =	sbarrier.arrive $0xFFFF;
	(pc) =	sbr.rel .LBB2_1-.Ltmp0, $4  }
0x15: {  	s6 =	simm.s32 $0x2;
	[sflag:s5] =	ssyncpa.u1 $0x1;
	s5 =	simm.s32 $0x1  }
0x16: {  	[sflag:s5] =	ssyncpa.u1 $0x0;
	p1 =	sne.s32 s8, s10;
	s8 =	simm.s32 $0x1  }
0x17: {  	(ifvalue) =	ssetifvalue $0x2800;
	[sflag:s6] =	ssyncpa.u1 $0x0;
	s8 =	simm.s32 @!p1 $0x0  }
0x18: {  	vm0 =	vmmov $0xffff;
	s10 =	smov.u32 s3;
	s8 =	sadd.s32 s8, s9;
	s9 =	simm.s32 $0x0  }
.LBB2_5:
0x19: {  	p2 =	sne.s32 s11, s8  }
.Ltmp1:
0x1a: {  	_ = 	snop;
	(pc) =	sbr.rel @!p2 .LBB2_6-.Ltmp1, $4  }
0x1b: {  	_ = 	snop  }
0x1c: {  	s12 =	sadd.s32 $0x1F40, s10  }
0x1d: {  	s10 =	smov.u32 s3;
	s13 =	sadd.s32 $0x1, s11;
	p1 =	slt.s32 s12, s4  }
0x1e: {  	s11 =	smov.u32 s13;
	s10 =	smov.u32 @p1 s12  }
.LBB2_1:
0x1f: {  	p1 =	sge.u32 s11, s8  }
0x20: {  	s12 =	sxor.u32 @!p1 $0xFFFFFFFF, s11  }
0x21: {  	s12 =	sand.u32 @!p1 $0x1, s12  }
0x22: {  	s12 =	smul.u32 @!p1 $0x1F40, s12  }
0x23: {  	s13 =	sshrl.u32 @!p1 s10, $0x3  }
0x24: {  	s16 =	sand.u32 @!p1 $0x7, s10;
	s14 =	sadd.s32 @!p1 s2, s13;
	s15 =	sadd.s32 @!p1 $0x280, s12  }
0x25: {  	[tilespmem:s15], [sflag:$0x2] =	stream.linear.gather @!p1 [hbm4b:s14+s16], $0x1F40, $0x38;
	[tilespmem:$0x7F80] =	vst v63  }
0x26: {  	s13 =	sadd.s32 @!p1 s7, s13;
	s12 =	sadd.s32 @!p1 $0x4100, s12  }
0x27: {  	[tilespmem:s12], [sflag:$0x2] =	stream.linear.gather @!p1 [hbm4b:s13+s16], $0x1F40, $0x38;
	[tilespmem:$0x7F80] =	vst v63  }
0x28: {  	p1 =	seq.s32 s11, $0x0  }
.Ltmp2:
0x29: {  	_ = 	snop;
	(pc) =	sbr.rel @p1 .LBB2_5-.Ltmp2, $1  }
0x2a: {  	_ =	sdelay $0x3  }
0x2b: {  	s12 =	sand.u32 $0x1, s11  }
0x2c: {  	_ =	swait.ge [sflag:s6], $0x3E80;
	p1 =	seq.s32 s12, $0x1;
	s12 =	simm.s32 $0x1F40  }
0x2d: {  	[sflag:s6] =	ssyncset.done $0x0;
	s12 =	simm.s32 @!p1 $0x0  }
0x2e: {  	[sflag:s6] =	ssyncadd.s32 $0xFFFFC180;
	s14 =	sadd.s32 $0x280, s12  }
0x2f: {  	v0 =	vld.msk [tilespmem:s14+$0x0 ss:$0x1], $0xffff;
	_ =	sdelay $0x4  }
0x30: {  	v0 =	vmin.u32 v0, $0x2800;
	_ =	sdelay $0x3  }
0x31: {  	s13 =	simm.s32 $0x0;
	s12 =	sadd.s32 $0x4100, s12;
	s14 =	sadd.s32 $0x10, s14  }
0x32: {  	[spmem:s9] =	stream.indirect_vreg.scatter.add.s32 [tilespmem:s12], [sflag:$0x1], $0x1, v0, vm0, $0x4038;
	[tilespmem:$0x7F80] =	vst v63  }
.LBB2_3:
0x33: {  	v0 =	vld.msk [tilespmem:s14+$0x0 ss:$0x1], $0xffff;
	s13 =	sadd.s32 $0x10, s13  }
0x34: {  	p1 =	slt.u32 s13, $0x1F30;
	_ =	sdelay $0x4  }
0x35: {  	v0 =	vmin.u32 v0, $0x2800  }
.Ltmp3:
0x36: {  	(pc) =	sbr.rel @p1 .LBB2_3-.Ltmp3, $3  }
0x37: {  	_ =	sdelay $0x1  }
0x38: {  	s14 =	sadd.s32 $0x10, s14;
	s12 =	sadd.s32 $0x10, s12  }
0x39: {  	[spmem:s9] =	stream.indirect_vreg.scatter.add.s32 [tilespmem:s12], [sflag:$0x1], $0x1, v0, vm0, $0x4038;
	[tilespmem:$0x7F80] =	vst v63  }
.Ltmp4:
0x3a: {  	(pc) =	sbr.rel .LBB2_5-.Ltmp4, $4  }
0x3b: {  	_ = 	snop  }
0x3c: {  	_ =	swait.ge [sflag:s5], $0x1F40  }
0x3d: {  	[sflag:s5] =	ssyncset.done $0x0  }
0x3e: {  	[sflag:s5] =	ssyncadd.s32 $0xFFFFE0C0  }
.LBB2_6:
0x3f: {  	_ =	sfence.sel $0x180000  }
0x40: {  	s2 =	simm.s32 $0x2;
	[bflag:$0x0] =	sbarrier.arrive $0xFFFF  }
0x41: {  	s30 =	simm.s32 $0x1;
	[sflag:s2] =	ssyncpa.u1 $0x1  }
0x42: {  	[sflag:s30] =	ssyncpa.u1 $0x1  }
0x43: {  	_ =	sfence.stream.spmem  }
0x44: {  	s31 =	simm.s32 $0x3D;
	[bflag:$0x0] =	sbarrier.arrive $0xFFFF  }
0x45: {  	s2 =	simm.s32 @p0 $0x3D;
	[sflag:s31] =	ssyncpa.u1 $0x0  }
0x46: {  	[sflag:s2] =	ssyncpa.u1 @p0 $0x1  }
0x47: {  	[bflag:$0x0] =	sbarrier.arrive @p0 $0xFFFF  }
0x48: {  	_ =	strace @p0 $0x90000047  }
0x49: {  	s3 =	simm.s32 @!p0 $0x1C3D;
	s2 =	simm.s32 @!p0 $0x0;
	[bflag:$0x2] =	sbarrier.arrive @p0 $0xFFFF  }
0x4a: {  	[hbm:s1], [sflag:s3] =	dma.local @!p0 [spmem:s2], $0x500  }
0x4b: {  	s1 =	simm.s32 @!p0 $0x3D  }
0x4c: {  	_ =	swait.ge @!p0 [sflag:s1], $0x500  }
0x4d: {  	[sflag:s1] =	ssyncset.done @!p0 $0x0  }
0x4e: {  	[sflag:s1] =	ssyncadd.s32 @!p0 $0xFFFFFB00  }
0x4f: {  	[sflag:s1] =	ssyncpa.u1 @!p0 $0x1  }
0x50: {  	[bflag:$0x0] =	sbarrier.arrive @!p0 $0xFFFF  }
0x51: {  	_ =	strace @!p0 $0x90000047  }
0x52: {  	s0 =	sadd.s32 @!p0 $0x100000, s0;
	[bflag:$0x2] =	sbarrier.arrive @!p0 $0xFFFF  }
0x53: {  	[sflag:s0] =	ssyncadd.tile.s32 @!p0 $0x1;
	_ =	shalt  }
.Lfunc_end2:
_tile_overlayer_lowered:
.L_overlay_start_2:
0x54: {  	(tag) =	ssettag $0x2  }
0x55: {  	s0 =	rddreg [dreg:$0x0];
	s2 =	stileid.u32  }
0x56: {  	s1 =	rddreg [dreg:$0x1];
	p0 =	sne.s32 s2, $0x0  }
0x57: {  	s3 =	rddreg [dreg:$0x2];
	[bflag:$0x3] =	sbarrier.arrive $0xFFFF;
	s2 =	simm.s32 @!p0 $0x1C01  }
0x58: {  	[timem:s3], [sflag:s2] =	dma.local @!p0 [hbm:s0], s1  }
0x59: {  	s0 =	simm.s32 @!p0 $0x1  }
0x5a: {  	_ =	swait.ge @!p0 [sflag:s0], s1  }
0x5b: {  	s1 =	ssub.s32 @!p0 $0x0, s1;
	[sflag:s0] =	ssyncset.done @!p0 $0x0  }
0x5c: {  	[sflag:s0] =	ssyncadd.s32 @!p0 s1  }
0x5d: {  	[bflag:$0x3] =	sbarrier.arrive $0xFFFF  }
0x5e: {  	_ =	shalt  }

</sc_bundles>
